<compile_context>
chip_gen: v7x
topology: tpu7x:2x2x1
jax: 0.10.2.dev20260603
libtpu: 0.0.44.dev20260713+nightly
codegen_flags: <defaults>
</compile_context>

<pallas_src>
import functools

import jax
import jax.numpy as jnp
from jax import lax
from jax.experimental import pallas as pl
from jax.experimental.pallas import tpu as pltpu
from jax.experimental.pallas import tpu_sc as plsc

NENTITY = 1000000
NRELATION = 1000
EDIM = 64
RDIM = 128
B = 1024
NEG = 256

NC = 2
NS = 16
NW = NC * NS

NTAIL = B * (NEG + 1)
TPW = NTAIL // NW
CH = 128
NFULL = TPW // CH
REM = TPW - NFULL * CH
NCHUNK = NFULL + 1
NBUF = 4
SPW = B // NW


def _body(ent, rel, orel, tidx, hidx, ridx, tail, head, relv, orelv,
          idx_v, hidx_v, ridx_v, hbuf, rbuf, obuf, gsem, wsem, ssem, vsem,
          *bufs):
    wid = lax.axis_index("s") * NC + lax.axis_index("c")
    tbase = wid * TPW
    sbase = wid * SPW

    pltpu.sync_copy(tidx.at[pl.ds(tbase, TPW)], idx_v)
    pltpu.sync_copy(hidx.at[pl.ds(sbase, SPW)], hidx_v)
    pltpu.sync_copy(ridx.at[pl.ds(sbase, SPW)], ridx_v)

    g_h = pltpu.async_copy(ent.at[hidx_v], hbuf, ssem)
    g_r = pltpu.async_copy(rel.at[ridx_v], rbuf, ssem)
    g_o = pltpu.async_copy(orel.at[ridx_v], obuf, ssem)

    def chunk_src(c):
        n = CH if c < NFULL else REM
        return ent.at[idx_v.at[pl.ds(c * CH, n)]], n

    gd = [None] * NCHUNK
    wd = [None] * NCHUNK
    for c in range(NCHUNK):
        b = c % NBUF
        if c >= NBUF:
            wd[c - NBUF].wait()
        src, n = chunk_src(c)
        gd[c] = pltpu.async_copy(src, bufs[b].at[pl.ds(0, n)], gsem)
        if c >= NBUF - 1:
            cc = c - (NBUF - 1)
            nn = CH if cc < NFULL else REM
            gd[cc].wait()
            wd[cc] = pltpu.async_copy(
                bufs[cc % NBUF].at[pl.ds(0, nn)],
                tail.at[pl.ds(tbase + cc * CH, nn)], wsem)
    for cc in range(max(0, NCHUNK - (NBUF - 1)), NCHUNK):
        nn = CH if cc < NFULL else REM
        gd[cc].wait()
        wd[cc] = pltpu.async_copy(
            bufs[cc % NBUF].at[pl.ds(0, nn)],
            tail.at[pl.ds(tbase + cc * CH, nn)], wsem)

    g_h.wait()
    g_r.wait()
    g_o.wait()
    w_h = pltpu.async_copy(hbuf, head.at[pl.ds(sbase, SPW)], vsem)
    w_r = pltpu.async_copy(rbuf, relv.at[pl.ds(sbase, SPW)], vsem)
    w_o = pltpu.async_copy(obuf, orelv.at[pl.ds(sbase, SPW)], vsem)

    for cc in range(max(0, NCHUNK - NBUF), NCHUNK):
        wd[cc].wait()
    w_h.wait()
    w_r.wait()
    w_o.wait()


@jax.jit
def _gather_all(ent, rel, orel, tidx, hidx, ridx):
    mesh = plsc.VectorSubcoreMesh(
        core_axis_name="c", subcore_axis_name="s",
        num_cores=NC, num_subcores=NS)
    f = pl.kernel(
        _body,
        out_type=[
            jax.ShapeDtypeStruct((NTAIL, EDIM), jnp.float32),
            jax.ShapeDtypeStruct((B, EDIM), jnp.float32),
            jax.ShapeDtypeStruct((B, RDIM), jnp.float32),
            jax.ShapeDtypeStruct((B, EDIM), jnp.float32),
        ],
        mesh=mesh,
        compiler_params=pltpu.CompilerParams(use_tc_tiling_on_sc=False),
        scratch_types=[
            pltpu.VMEM((TPW,), jnp.int32),
            pltpu.VMEM((SPW,), jnp.int32),
            pltpu.VMEM((SPW,), jnp.int32),
            pltpu.VMEM((SPW, EDIM), jnp.float32),
            pltpu.VMEM((SPW, RDIM), jnp.float32),
            pltpu.VMEM((SPW, EDIM), jnp.float32),
            pltpu.SemaphoreType.DMA,
            pltpu.SemaphoreType.DMA,
            pltpu.SemaphoreType.DMA,
            pltpu.SemaphoreType.DMA,
        ] + [pltpu.VMEM((CH, EDIM), jnp.float32) for _ in range(NBUF)],
    )
    return f(ent, rel, orel, tidx, hidx, ridx)


def _as128(x):
    n, d = x.shape
    y = jax.lax.optimization_barrier(x.reshape(n // 2, 2 * d))
    return y.reshape(n, d)


def kernel(positive, negative, entity_embedding, relation_embedding,
           origin_relation_embedding):
    positive = positive.astype(jnp.int32)
    negative = negative.astype(jnp.int32)
    tidx = jnp.concatenate([positive[:, 2:3], negative], axis=1).reshape(-1)
    hidx = positive[:, 0]
    ridx = positive[:, 1]
    tail, head, relv, orelv = _gather_all(
        _as128(entity_embedding), relation_embedding,
        _as128(origin_relation_embedding), tidx, hidx, ridx)
    tail = jax.lax.optimization_barrier(
        tail.reshape(NTAIL // 2, 2 * EDIM)).reshape(B, NEG + 1, EDIM)
    head = jax.lax.optimization_barrier(
        head.reshape(B // 2, 2 * EDIM)).reshape(B, EDIM)
    orelv = jax.lax.optimization_barrier(
        orelv.reshape(B // 2, 2 * EDIM)).reshape(B, EDIM)
    return (head[:, None, :],
            relv[:, None, :],
            tail,
            orelv[:, None, :])

# --- scband reference (transcript-rebuilt; emitter-appended) ---
"""Pipeline reference for scband-kdmanager-reverse-70806830842417 (READ-ONLY COPY).

The authoritative reference and input builder live on the scoring server;
editing this copy changes nothing except your own understanding.
"""

import jax, jax.numpy as jnp
import numpy as np

NENTITY = 1000000
NRELATION = 1000
EDIM = 64
RDIM = 128  # target_dim * relation_mul = 64 * 2
B = 1024
NEG = 256


def setup_inputs(seed: int = 0) -> dict:
    key = jax.random.key(seed)
    k1, k2, k3, k4, k5 = jax.random.split(key, 5)
    positive = jax.random.randint(k1, (B, 3), 0, NRELATION)
    negative = jax.random.randint(k2, (B, NEG), 0, NENTITY)
    entity_embedding = jax.random.normal(k3, (NENTITY, EDIM), dtype=jnp.float32) * 0.02
    # xavier_uniform for trainable relation embedding
    a = float(np.sqrt(6.0 / (NRELATION + RDIM)))
    relation_embedding = jax.random.uniform(k4, (NRELATION, RDIM), minval=-a, maxval=a, dtype=jnp.float32)
    origin_relation_embedding = jax.random.normal(k5, (NRELATION, EDIM), dtype=jnp.float32) * 0.02
    return {
        "positive": positive,
        "negative": negative,
        "entity_embedding": entity_embedding,
        "relation_embedding": relation_embedding,
        "origin_relation_embedding": origin_relation_embedding,
    }


def reference(positive, negative, entity_embedding, relation_embedding, origin_relation_embedding):
    batch_size, negative_sample_size = negative.shape
    # EntityEmbeddingExtract
    neg_tail = jnp.take(entity_embedding, negative.reshape(-1), axis=0).reshape(
        batch_size, negative_sample_size, -1
    )
    pos_tail = jnp.take(entity_embedding, positive[:, 2], axis=0)[:, None, :]
    tail = jnp.concatenate([pos_tail, neg_tail], axis=1)
    head = jnp.take(entity_embedding, positive[:, 0], axis=0)[:, None, :]
    # RelationEmbeddingExtract
    relation = jnp.take(relation_embedding, positive[:, 1], axis=0)[:, None, :]
    origin_relation = jnp.take(origin_relation_embedding, positive[:, 1], axis=0)[:, None, :]
    return (head, relation, tail, origin_relation)

if __name__ == "__main__":
    import jax
    _d = setup_inputs()
    print(jax.jit(kernel)(*tuple(_d.values())))

</pallas_src>

<mosaic_0001>
#map = affine_map<(d0, d1) -> (0, 0)>
#map1 = affine_map<(d0, d1) -> (0)>
module attributes {stable_mosaic.version = 14 : i64} {
  func.func @_body(%arg0: i32, %arg1: i32, %arg2: memref<1000000x64xf32, #tpu.memory_space<hbm>>, %arg3: memref<1000x128xf32, #tpu.memory_space<hbm>>, %arg4: memref<1000x64xf32, #tpu.memory_space<hbm>>, %arg5: memref<263168xi32, #tpu.memory_space<hbm>>, %arg6: memref<1024xi32, #tpu.memory_space<hbm>>, %arg7: memref<1024xi32, #tpu.memory_space<hbm>>, %arg8: memref<263168x64xf32, #tpu.memory_space<hbm>>, %arg9: memref<1024x64xf32, #tpu.memory_space<hbm>>, %arg10: memref<1024x128xf32, #tpu.memory_space<hbm>>, %arg11: memref<1024x64xf32, #tpu.memory_space<hbm>>, %arg12: memref<8224xi32, #tpu.memory_space<vmem>>, %arg13: memref<32xi32, #tpu.memory_space<vmem>>, %arg14: memref<32xi32, #tpu.memory_space<vmem>>, %arg15: memref<32x64xf32, #tpu.memory_space<vmem>>, %arg16: memref<32x128xf32, #tpu.memory_space<vmem>>, %arg17: memref<32x64xf32, #tpu.memory_space<vmem>>, %arg18: memref<!tpu.dma_semaphore, #tpu.memory_space<semaphore_mem>>, %arg19: memref<!tpu.dma_semaphore, #tpu.memory_space<semaphore_mem>>, %arg20: memref<!tpu.dma_semaphore, #tpu.memory_space<semaphore_mem>>, %arg21: memref<!tpu.dma_semaphore, #tpu.memory_space<semaphore_mem>>, %arg22: memref<128x64xf32, #tpu.memory_space<vmem>>, %arg23: memref<128x64xf32, #tpu.memory_space<vmem>>, %arg24: memref<128x64xf32, #tpu.memory_space<vmem>>, %arg25: memref<128x64xf32, #tpu.memory_space<vmem>>) attributes {dimension_semantics = [#tpu.dimension_semantics<core_parallel>, #tpu.dimension_semantics<subcore_parallel>], iteration_bounds = array<i64: 2, 16>, scalar_prefetch = 0 : i64, scratch_operands = 14 : i64, tpu.core_type = #tpu.core_type<sc_vector_subcore>, window_params = [{transform_indices = #map}, {transform_indices = #map}, {transform_indices = #map}, {transform_indices = #map1}, {transform_indices = #map1}, {transform_indices = #map1}, {transform_indices = #map}, {transform_indices = #map}, {transform_indices = #map}, {transform_indices = #map}]} {
    %mul3A = arith.constant 2 : i32
    %mul3A_0 = arith.muli %arg1, %mul3A : i32
    %add3A = arith.addi %mul3A_0, %arg0 : i32
    %mul3A_1 = arith.constant 8224 : i32
    %mul3A_2 = arith.muli %add3A, %mul3A_1 : i32
    %mul3A_3 = arith.constant 32 : i32
    %mul3A_4 = arith.muli %add3A, %mul3A_3 : i32
    "tpu.region"() ({
      %run_scoped3A = tpu.sem_alloc : memref<!tpu.dma_semaphore, #tpu.memory_space<semaphore_mem>>
      %dma_start3A_2515 = tpu.memref_slice %arg5[%mul3A_2] : memref<263168xi32, #tpu.memory_space<hbm>> -> memref<8224xi32, #tpu.memory_space<hbm>>
      %dma_start3A_2516 = tpu.memref_slice %arg5[%mul3A_2] : memref<263168xi32, #tpu.memory_space<hbm>> -> memref<8224xi32, #tpu.memory_space<hbm>>
      tpu.enqueue_dma source(%dma_start3A_2516 : memref<8224xi32, #tpu.memory_space<hbm>>) target(%arg12 : memref<8224xi32, #tpu.memory_space<vmem>>) target_semaphore(%run_scoped3A : memref<!tpu.dma_semaphore, #tpu.memory_space<semaphore_mem>>)
      %dma_wait3A_2517 = tpu.memref_slice %arg5[%mul3A_2] : memref<263168xi32, #tpu.memory_space<hbm>> -> memref<8224xi32, #tpu.memory_space<hbm>>
      %dma_wait3A_2518 = tpu.memref_slice %arg5[%mul3A_2] : memref<263168xi32, #tpu.memory_space<hbm>> -> memref<8224xi32, #tpu.memory_space<hbm>>
      tpu.wait_dma2 semaphore(%run_scoped3A : memref<!tpu.dma_semaphore, #tpu.memory_space<semaphore_mem>>) src(%dma_wait3A_2518 : memref<8224xi32, #tpu.memory_space<hbm>>) dst(%arg12 : memref<8224xi32, #tpu.memory_space<vmem>>)
      tpu.yield
    }) : () -> ()
    "tpu.region"() ({
      %run_scoped3A = tpu.sem_alloc : memref<!tpu.dma_semaphore, #tpu.memory_space<semaphore_mem>>
      %dma_start3A_2515 = tpu.memref_slice %arg6[%mul3A_4] : memref<1024xi32, #tpu.memory_space<hbm>> -> memref<32xi32, #tpu.memory_space<hbm>>
      %dma_start3A_2516 = tpu.memref_slice %arg6[%mul3A_4] : memref<1024xi32, #tpu.memory_space<hbm>> -> memref<32xi32, #tpu.memory_space<hbm>>
      tpu.enqueue_dma source(%dma_start3A_2516 : memref<32xi32, #tpu.memory_space<hbm>>) target(%arg13 : memref<32xi32, #tpu.memory_space<vmem>>) target_semaphore(%run_scoped3A : memref<!tpu.dma_semaphore, #tpu.memory_space<semaphore_mem>>)
      %dma_wait3A_2517 = tpu.memref_slice %arg6[%mul3A_4] : memref<1024xi32, #tpu.memory_space<hbm>> -> memref<32xi32, #tpu.memory_space<hbm>>
      %dma_wait3A_2518 = tpu.memref_slice %arg6[%mul3A_4] : memref<1024xi32, #tpu.memory_space<hbm>> -> memref<32xi32, #tpu.memory_space<hbm>>
      tpu.wait_dma2 semaphore(%run_scoped3A : memref<!tpu.dma_semaphore, #tpu.memory_space<semaphore_mem>>) src(%dma_wait3A_2518 : memref<32xi32, #tpu.memory_space<hbm>>) dst(%arg13 : memref<32xi32, #tpu.memory_space<vmem>>)
      tpu.yield
    }) : () -> ()
    "tpu.region"() ({
      %run_scoped3A = tpu.sem_alloc : memref<!tpu.dma_semaphore, #tpu.memory_space<semaphore_mem>>
      %dma_start3A_2515 = tpu.memref_slice %arg7[%mul3A_4] : memref<1024xi32, #tpu.memory_space<hbm>> -> memref<32xi32, #tpu.memory_space<hbm>>
      %dma_start3A_2516 = tpu.memref_slice %arg7[%mul3A_4] : memref<1024xi32, #tpu.memory_space<hbm>> -> memref<32xi32, #tpu.memory_space<hbm>>
      tpu.enqueue_dma source(%dma_start3A_2516 : memref<32xi32, #tpu.memory_space<hbm>>) target(%arg14 : memref<32xi32, #tpu.memory_space<vmem>>) target_semaphore(%run_scoped3A : memref<!tpu.dma_semaphore, #tpu.memory_space<semaphore_mem>>)
      %dma_wait3A_2517 = tpu.memref_slice %arg7[%mul3A_4] : memref<1024xi32, #tpu.memory_space<hbm>> -> memref<32xi32, #tpu.memory_space<hbm>>
      %dma_wait3A_2518 = tpu.memref_slice %arg7[%mul3A_4] : memref<1024xi32, #tpu.memory_space<hbm>> -> memref<32xi32, #tpu.memory_space<hbm>>
      tpu.wait_dma2 semaphore(%run_scoped3A : memref<!tpu.dma_semaphore, #tpu.memory_space<semaphore_mem>>) src(%dma_wait3A_2518 : memref<32xi32, #tpu.memory_space<hbm>>) dst(%arg14 : memref<32xi32, #tpu.memory_space<vmem>>)
      tpu.yield
    }) : () -> ()
    %dma_start3A = arith.constant 0 : i32
    %dma_start3A_5 = arith.constant 0 : i32
    %dma_start3A_6 = tpu.memref_slice %arg2[%dma_start3A, %dma_start3A_5] : memref<1000000x64xf32, #tpu.memory_space<hbm>> -> memref<1000000x64xf32, #tpu.memory_space<hbm>>
    tpu.enqueue_indirect_dma source(%dma_start3A_6 : memref<1000000x64xf32, #tpu.memory_space<hbm>>) target(%arg15 : memref<32x64xf32, #tpu.memory_space<vmem>>) offsets(%arg13 : memref<32xi32, #tpu.memory_space<vmem>>) semaphore(%arg20 : memref<!tpu.dma_semaphore, #tpu.memory_space<semaphore_mem>>)
    %dma_start3A_7 = arith.constant 0 : i32
    %dma_start3A_8 = arith.constant 0 : i32
    %dma_start3A_9 = tpu.memref_slice %arg3[%dma_start3A_7, %dma_start3A_8] : memref<1000x128xf32, #tpu.memory_space<hbm>> -> memref<1000x128xf32, #tpu.memory_space<hbm>>
    tpu.enqueue_indirect_dma source(%dma_start3A_9 : memref<1000x128xf32, #tpu.memory_space<hbm>>) target(%arg16 : memref<32x128xf32, #tpu.memory_space<vmem>>) offsets(%arg14 : memref<32xi32, #tpu.memory_space<vmem>>) semaphore(%arg20 : memref<!tpu.dma_semaphore, #tpu.memory_space<semaphore_mem>>)
    %dma_start3A_10 = arith.constant 0 : i32
    %dma_start3A_11 = arith.constant 0 : i32
    %dma_start3A_12 = tpu.memref_slice %arg4[%dma_start3A_10, %dma_start3A_11] : memref<1000x64xf32, #tpu.memory_space<hbm>> -> memref<1000x64xf32, #tpu.memory_space<hbm>>
    tpu.enqueue_indirect_dma source(%dma_start3A_12 : memref<1000x64xf32, #tpu.memory_space<hbm>>) target(%arg17 : memref<32x64xf32, #tpu.memory_space<vmem>>) offsets(%arg14 : memref<32xi32, #tpu.memory_space<vmem>>) semaphore(%arg20 : memref<!tpu.dma_semaphore, #tpu.memory_space<semaphore_mem>>)
    %dma_start3A_13 = arith.constant 0 : i32
    %dma_start3A_14 = arith.constant 0 : i32
    %dma_start3A_15 = tpu.memref_slice %arg22[%dma_start3A_13, %dma_start3A_14] : memref<128x64xf32, #tpu.memory_space<vmem>> -> memref<128x64xf32, #tpu.memory_space<vmem>>
    %dma_start3A_16 = arith.constant 0 : i32
    %dma_start3A_17 = tpu.memref_slice %arg12[%dma_start3A_16] : memref<8224xi32, #tpu.memory_space<vmem>> -> memref<128xi32, #tpu.memory_space<vmem>>
    %dma_start3A_18 = arith.constant 0 : i32
    %dma_start3A_19 = arith.constant 0 : i32
    %dma_start3A_20 = tpu.memref_slice %arg2[%dma_start3A_18, %dma_start3A_19] : memref<1000000x64xf32, #tpu.memory_space<hbm>> -> memref<1000000x64xf32, #tpu.memory_space<hbm>>
    tpu.enqueue_indirect_dma source(%dma_start3A_20 : memref<1000000x64xf32, #tpu.memory_space<hbm>>) target(%dma_start3A_15 : memref<128x64xf32, #tpu.memory_space<vmem>>) offsets(%dma_start3A_17 : memref<128xi32, #tpu.memory_space<vmem>>) semaphore(%arg18 : memref<!tpu.dma_semaphore, #tpu.memory_space<semaphore_mem>>)
    %dma_start3A_21 = arith.constant 0 : i32
    %dma_start3A_22 = arith.constant 0 : i32
    %dma_start3A_23 = tpu.memref_slice %arg23[%dma_start3A_21, %dma_start3A_22] : memref<128x64xf32, #tpu.memory_space<vmem>> -> memref<128x64xf32, #tpu.memory_space<vmem>>
    %dma_start3A_24 = arith.constant 128 : i32
    %dma_start3A_25 = tpu.memref_slice %arg12[%dma_start3A_24] : memref<8224xi32, #tpu.memory_space<vmem>> -> memref<128xi32, #tpu.memory_space<vmem>>
    %dma_start3A_26 = arith.constant 0 : i32
    %dma_start3A_27 = arith.constant 0 : i32
    %dma_start3A_28 = tpu.memref_slice %arg2[%dma_start3A_26, %dma_start3A_27] : memref<1000000x64xf32, #tpu.memory_space<hbm>> -> memref<1000000x64xf32, #tpu.memory_space<hbm>>
    tpu.enqueue_indirect_dma source(%dma_start3A_28 : memref<1000000x64xf32, #tpu.memory_space<hbm>>) target(%dma_start3A_23 : memref<128x64xf32, #tpu.memory_space<vmem>>) offsets(%dma_start3A_25 : memref<128xi32, #tpu.memory_space<vmem>>) semaphore(%arg18 : memref<!tpu.dma_semaphore, #tpu.memory_space<semaphore_mem>>)
    %dma_start3A_29 = arith.constant 0 : i32
    %dma_start3A_30 = arith.constant 0 : i32
    %dma_start3A_31 = tpu.memref_slice %arg24[%dma_start3A_29, %dma_start3A_30] : memref<128x64xf32, #tpu.memory_space<vmem>> -> memref<128x64xf32, #tpu.memory_space<vmem>>
    %dma_start3A_32 = arith.constant 256 : i32
    %dma_start3A_33 = tpu.memref_slice %arg12[%dma_start3A_32] : memref<8224xi32, #tpu.memory_space<vmem>> -> memref<128xi32, #tpu.memory_space<vmem>>
    %dma_start3A_34 = arith.constant 0 : i32
    %dma_start3A_35 = arith.constant 0 : i32
    %dma_start3A_36 = tpu.memref_slice %arg2[%dma_start3A_34, %dma_start3A_35] : memref<1000000x64xf32, #tpu.memory_space<hbm>> -> memref<1000000x64xf32, #tpu.memory_space<hbm>>
    tpu.enqueue_indirect_dma source(%dma_start3A_36 : memref<1000000x64xf32, #tpu.memory_space<hbm>>) target(%dma_start3A_31 : memref<128x64xf32, #tpu.memory_space<vmem>>) offsets(%dma_start3A_33 : memref<128xi32, #tpu.memory_space<vmem>>) semaphore(%arg18 : memref<!tpu.dma_semaphore, #tpu.memory_space<semaphore_mem>>)
    %dma_start3A_37 = arith.constant 0 : i32
    %dma_start3A_38 = arith.constant 0 : i32
    %dma_start3A_39 = tpu.memref_slice %arg25[%dma_start3A_37, %dma_start3A_38] : memref<128x64xf32, #tpu.memory_space<vmem>> -> memref<128x64xf32, #tpu.memory_space<vmem>>
    %dma_start3A_40 = arith.constant 384 : i32
    %dma_start3A_41 = tpu.memref_slice %arg12[%dma_start3A_40] : memref<8224xi32, #tpu.memory_space<vmem>> -> memref<128xi32, #tpu.memory_space<vmem>>
    %dma_start3A_42 = arith.constant 0 : i32
    %dma_start3A_43 = arith.constant 0 : i32
    %dma_start3A_44 = tpu.memref_slice %arg2[%dma_start3A_42, %dma_start3A_43] : memref<1000000x64xf32, #tpu.memory_space<hbm>> -> memref<1000000x64xf32, #tpu.memory_space<hbm>>
    tpu.enqueue_indirect_dma source(%dma_start3A_44 : memref<1000000x64xf32, #tpu.memory_space<hbm>>) target(%dma_start3A_39 : memref<128x64xf32, #tpu.memory_space<vmem>>) offsets(%dma_start3A_41 : memref<128xi32, #tpu.memory_space<vmem>>) semaphore(%arg18 : memref<!tpu.dma_semaphore, #tpu.memory_space<semaphore_mem>>)
    %dma_wait3A = arith.constant 0 : i32
    %dma_wait3A_45 = arith.constant 0 : i32
    %dma_wait3A_46 = tpu.memref_slice %arg22[%dma_wait3A, %dma_wait3A_45] : memref<128x64xf32, #tpu.memory_space<vmem>> -> memref<128x64xf32, #tpu.memory_space<vmem>>
    %dma_wait3A_47 = arith.constant 0 : i32
    %dma_wait3A_48 = tpu.memref_slice %arg12[%dma_wait3A_47] : memref<8224xi32, #tpu.memory_space<vmem>> -> memref<128xi32, #tpu.memory_space<vmem>>
    %dma_wait3A_49 = arith.constant 0 : i32
    %dma_wait3A_50 = arith.constant 0 : i32
    %dma_wait3A_51 = tpu.memref_slice %arg2[%dma_wait3A_49, %dma_wait3A_50] : memref<1000000x64xf32, #tpu.memory_space<hbm>> -> memref<1000000x64xf32, #tpu.memory_space<hbm>>
    tpu.wait_indirect_dma semaphore(%arg18 : memref<!tpu.dma_semaphore, #tpu.memory_space<semaphore_mem>>) src(%dma_wait3A_51 : memref<1000000x64xf32, #tpu.memory_space<hbm>>) dst(%dma_wait3A_46 : memref<128x64xf32, #tpu.memory_space<vmem>>)
    %add3A_52 = arith.constant 0 : i32
    %add3A_53 = arith.addi %mul3A_2, %add3A_52 : i32
    %dma_start3A_54 = arith.constant 0 : i32
    %dma_start3A_55 = arith.constant 0 : i32
    %dma_start3A_56 = tpu.memref_slice %arg22[%dma_start3A_54, %dma_start3A_55] : memref<128x64xf32, #tpu.memory_space<vmem>> -> memref<128x64xf32, #tpu.memory_space<vmem>>
    %dma_start3A_57 = arith.constant 0 : i32
    %dma_start3A_58 = tpu.memref_slice %arg8[%add3A_53, %dma_start3A_57] : memref<263168x64xf32, #tpu.memory_space<hbm>> -> memref<128x64xf32, #tpu.memory_space<hbm>>
    %dma_start3A_59 = arith.constant 0 : i32
    %dma_start3A_60 = tpu.memref_slice %arg8[%add3A_53, %dma_start3A_59] : memref<263168x64xf32, #tpu.memory_space<hbm>> -> memref<128x64xf32, #tpu.memory_space<hbm>>
    %dma_start3A_61 = arith.constant 0 : i32
    %dma_start3A_62 = arith.constant 0 : i32
    %dma_start3A_63 = tpu.memref_slice %arg22[%dma_start3A_61, %dma_start3A_62] : memref<128x64xf32, #tpu.memory_space<vmem>> -> memref<128x64xf32, #tpu.memory_space<vmem>>
    tpu.enqueue_dma source(%dma_start3A_63 : memref<128x64xf32, #tpu.memory_space<vmem>>) target(%dma_start3A_60 : memref<128x64xf32, #tpu.memory_space<hbm>>) target_semaphore(%arg19 : memref<!tpu.dma_semaphore, #tpu.memory_space<semaphore_mem>>)
    %dma_wait3A_64 = arith.constant 0 : i32
    %dma_wait3A_65 = arith.constant 0 : i32
    %dma_wait3A_66 = tpu.memref_slice %arg22[%dma_wait3A_64, %dma_wait3A_65] : memref<128x64xf32, #tpu.memory_space<vmem>> -> memref<128x64xf32, #tpu.memory_space<vmem>>
    %dma_wait3A_67 = arith.constant 0 : i32
    %dma_wait3A_68 = tpu.memref_slice %arg8[%add3A_53, %dma_wait3A_67] : memref<263168x64xf32, #tpu.memory_space<hbm>> -> memref<128x64xf32, #tpu.memory_space<hbm>>
    %dma_wait3A_69 = arith.constant 0 : i32
    %dma_wait3A_70 = tpu.memref_slice %arg8[%add3A_53, %dma_wait3A_69] : memref<263168x64xf32, #tpu.memory_space<hbm>> -> memref<128x64xf32, #tpu.memory_space<hbm>>
    %dma_wait3A_71 = arith.constant 0 : i32
    %dma_wait3A_72 = arith.constant 0 : i32
    %dma_wait3A_73 = tpu.memref_slice %arg22[%dma_wait3A_71, %dma_wait3A_72] : memref<128x64xf32, #tpu.memory_space<vmem>> -> memref<128x64xf32, #tpu.memory_space<vmem>>
    tpu.wait_dma2 semaphore(%arg19 : memref<!tpu.dma_semaphore, #tpu.memory_space<semaphore_mem>>) src(%dma_wait3A_73 : memref<128x64xf32, #tpu.memory_space<vmem>>) dst(%dma_wait3A_70 : memref<128x64xf32, #tpu.memory_space<hbm>>)
    %dma_start3A_74 = arith.constant 0 : i32
    %dma_start3A_75 = arith.constant 0 : i32
    %dma_start3A_76 = tpu.memref_slice %arg22[%dma_start3A_74, %dma_start3A_75] : memref<128x64xf32, #tpu.memory_space<vmem>> -> memref<128x64xf32, #tpu.memory_space<vmem>>
    %dma_start3A_77 = arith.constant 512 : i32
    %dma_start3A_78 = tpu.memref_slice %arg12[%dma_start3A_77] : memref<8224xi32, #tpu.memory_space<vmem>> -> memref<128xi32, #tpu.memory_space<vmem>>
    %dma_start3A_79 = arith.constant 0 : i32
    %dma_start3A_80 = arith.constant 0 : i32
    %dma_start3A_81 = tpu.memref_slice %arg2[%dma_start3A_79, %dma_start3A_80] : memref<1000000x64xf32, #tpu.memory_space<hbm>> -> memref<1000000x64xf32, #tpu.memory_space<hbm>>
    tpu.enqueue_indirect_dma source(%dma_start3A_81 : memref<1000000x64xf32, #tpu.memory_space<hbm>>) target(%dma_start3A_76 : memref<128x64xf32, #tpu.memory_space<vmem>>) offsets(%dma_start3A_78 : memref<128xi32, #tpu.memory_space<vmem>>) semaphore(%arg18 : memref<!tpu.dma_semaphore, #tpu.memory_space<semaphore_mem>>)
    %dma_wait3A_82 = arith.constant 0 : i32
    %dma_wait3A_83 = arith.constant 0 : i32
    %dma_wait3A_84 = tpu.memref_slice %arg23[%dma_wait3A_82, %dma_wait3A_83] : memref<128x64xf32, #tpu.memory_space<vmem>> -> memref<128x64xf32, #tpu.memory_space<vmem>>
    %dma_wait3A_85 = arith.constant 128 : i32
    %dma_wait3A_86 = tpu.memref_slice %arg12[%dma_wait3A_85] : memref<8224xi32, #tpu.memory_space<vmem>> -> memref<128xi32, #tpu.memory_space<vmem>>
    %dma_wait3A_87 = arith.constant 0 : i32
    %dma_wait3A_88 = arith.constant 0 : i32
    %dma_wait3A_89 = tpu.memref_slice %arg2[%dma_wait3A_87, %dma_wait3A_88] : memref<1000000x64xf32, #tpu.memory_space<hbm>> -> memref<1000000x64xf32, #tpu.memory_space<hbm>>
    tpu.wait_indirect_dma semaphore(%arg18 : memref<!tpu.dma_semaphore, #tpu.memory_space<semaphore_mem>>) src(%dma_wait3A_89 : memref<1000000x64xf32, #tpu.memory_space<hbm>>) dst(%dma_wait3A_84 : memref<128x64xf32, #tpu.memory_space<vmem>>)
    %add3A_90 = arith.constant 128 : i32
    %add3A_91 = arith.addi %mul3A_2, %add3A_90 : i32
    %dma_start3A_92 = arith.constant 0 : i32
    %dma_start3A_93 = arith.constant 0 : i32
    %dma_start3A_94 = tpu.memref_slice %arg23[%dma_start3A_92, %dma_start3A_93] : memref<128x64xf32, #tpu.memory_space<vmem>> -> memref<128x64xf32, #tpu.memory_space<vmem>>
    %dma_start3A_95 = arith.constant 0 : i32
    %dma_start3A_96 = tpu.memref_slice %arg8[%add3A_91, %dma_start3A_95] : memref<263168x64xf32, #tpu.memory_space<hbm>> -> memref<128x64xf32, #tpu.memory_space<hbm>>
    %dma_start3A_97 = arith.constant 0 : i32
    %dma_start3A_98 = tpu.memref_slice %arg8[%add3A_91, %dma_start3A_97] : memref<263168x64xf32, #tpu.memory_space<hbm>> -> memref<128x64xf32, #tpu.memory_space<hbm>>
    %dma_start3A_99 = arith.constant 0 : i32
    %dma_start3A_100 = arith.constant 0 : i32
    %dma_start3A_101 = tpu.memref_slice %arg23[%dma_start3A_99, %dma_start3A_100] : memref<128x64xf32, #tpu.memory_space<vmem>> -> memref<128x64xf32, #tpu.memory_space<vmem>>
    tpu.enqueue_dma source(%dma_start3A_101 : memref<128x64xf32, #tpu.memory_space<vmem>>) target(%dma_start3A_98 : memref<128x64xf32, #tpu.memory_space<hbm>>) target_semaphore(%arg19 : memref<!tpu.dma_semaphore, #tpu.memory_space<semaphore_mem>>)
    %dma_wait3A_102 = arith.constant 0 : i32
    %dma_wait3A_103 = arith.constant 0 : i32
    %dma_wait3A_104 = tpu.memref_slice %arg23[%dma_wait3A_102, %dma_wait3A_103] : memref<128x64xf32, #tpu.memory_space<vmem>> -> memref<128x64xf32, #tpu.memory_space<vmem>>
    %dma_wait3A_105 = arith.constant 0 : i32
    %dma_wait3A_106 = tpu.memref_slice %arg8[%add3A_91, %dma_wait3A_105] : memref<263168x64xf32, #tpu.memory_space<hbm>> -> memref<128x64xf32, #tpu.memory_space<hbm>>
    %dma_wait3A_107 = arith.constant 0 : i32
    %dma_wait3A_108 = tpu.memref_slice %arg8[%add3A_91, %dma_wait3A_107] : memref<263168x64xf32, #tpu.memory_space<hbm>> -> memref<128x64xf32, #tpu.memory_space<hbm>>
    %dma_wait3A_109 = arith.constant 0 : i32
    %dma_wait3A_110 = arith.constant 0 : i32
    %dma_wait3A_111 = tpu.memref_slice %arg23[%dma_wait3A_109, %dma_wait3A_110] : memref<128x64xf32, #tpu.memory_space<vmem>> -> memref<128x64xf32, #tpu.memory_space<vmem>>
    tpu.wait_dma2 semaphore(%arg19 : memref<!tpu.dma_semaphore, #tpu.memory_space<semaphore_mem>>) src(%dma_wait3A_111 : memref<128x64xf32, #tpu.memory_space<vmem>>) dst(%dma_wait3A_108 : memref<128x64xf32, #tpu.memory_space<hbm>>)
    %dma_start3A_112 = arith.constant 0 : i32
    %dma_start3A_113 = arith.constant 0 : i32
    %dma_start3A_114 = tpu.memref_slice %arg23[%dma_start3A_112, %dma_start3A_113] : memref<128x64xf32, #tpu.memory_space<vmem>> -> memref<128x64xf32, #tpu.memory_space<vmem>>
    %dma_start3A_115 = arith.constant 640 : i32
    %dma_start3A_116 = tpu.memref_slice %arg12[%dma_start3A_115] : memref<8224xi32, #tpu.memory_space<vmem>> -> memref<128xi32, #tpu.memory_space<vmem>>
    %dma_start3A_117 = arith.constant 0 : i32
    %dma_start3A_118 = arith.constant 0 : i32
    %dma_start3A_119 = tpu.memref_slice %arg2[%dma_start3A_117, %dma_start3A_118] : memref<1000000x64xf32, #tpu.memory_space<hbm>> -> memref<1000000x64xf32, #tpu.memory_space<hbm>>
    tpu.enqueue_indirect_dma source(%dma_start3A_119 : memref<1000000x64xf32, #tpu.memory_space<hbm>>) target(%dma_start3A_114 : memref<128x64xf32, #tpu.memory_space<vmem>>) offsets(%dma_start3A_116 : memref<128xi32, #tpu.memory_space<vmem>>) semaphore(%arg18 : memref<!tpu.dma_semaphore, #tpu.memory_space<semaphore_mem>>)
    %dma_wait3A_120 = arith.constant 0 : i32
    %dma_wait3A_121 = arith.constant 0 : i32
    %dma_wait3A_122 = tpu.memref_slice %arg24[%dma_wait3A_120, %dma_wait3A_121] : memref<128x64xf32, #tpu.memory_space<vmem>> -> memref<128x64xf32, #tpu.memory_space<vmem>>
    %dma_wait3A_123 = arith.constant 256 : i32
    %dma_wait3A_124 = tpu.memref_slice %arg12[%dma_wait3A_123] : memref<8224xi32, #tpu.memory_space<vmem>> -> memref<128xi32, #tpu.memory_space<vmem>>
    %dma_wait3A_125 = arith.constant 0 : i32
    %dma_wait3A_126 = arith.constant 0 : i32
    %dma_wait3A_127 = tpu.memref_slice %arg2[%dma_wait3A_125, %dma_wait3A_126] : memref<1000000x64xf32, #tpu.memory_space<hbm>> -> memref<1000000x64xf32, #tpu.memory_space<hbm>>
    tpu.wait_indirect_dma semaphore(%arg18 : memref<!tpu.dma_semaphore, #tpu.memory_space<semaphore_mem>>) src(%dma_wait3A_127 : memref<1000000x64xf32, #tpu.memory_space<hbm>>) dst(%dma_wait3A_122 : memref<128x64xf32, #tpu.memory_space<vmem>>)
    %add3A_128 = arith.constant 256 : i32
    %add3A_129 = arith.addi %mul3A_2, %add3A_128 : i32
    %dma_start3A_130 = arith.constant 0 : i32
    %dma_start3A_131 = arith.constant 0 : i32
    %dma_start3A_132 = tpu.memref_slice %arg24[%dma_start3A_130, %dma_start3A_131] : memref<128x64xf32, #tpu.memory_space<vmem>> -> memref<128x64xf32, #tpu.memory_space<vmem>>
    %dma_start3A_133 = arith.constant 0 : i32
    %dma_start3A_134 = tpu.memref_slice %arg8[%add3A_129, %dma_start3A_133] : memref<263168x64xf32, #tpu.memory_space<hbm>> -> memref<128x64xf32, #tpu.memory_space<hbm>>
    %dma_start3A_135 = arith.constant 0 : i32
    %dma_start3A_136 = tpu.memref_slice %arg8[%add3A_129, %dma_start3A_135] : memref<263168x64xf32, #tpu.memory_space<hbm>> -> memref<128x64xf32, #tpu.memory_space<hbm>>
    %dma_start3A_137 = arith.constant 0 : i32
    %dma_start3A_138 = arith.constant 0 : i32
    %dma_start3A_139 = tpu.memref_slice %arg24[%dma_start3A_137, %dma_start3A_138] : memref<128x64xf32, #tpu.memory_space<vmem>> -> memref<128x64xf32, #tpu.memory_space<vmem>>
    tpu.enqueue_dma source(%dma_start3A_139 : memref<128x64xf32, #tpu.memory_space<vmem>>) target(%dma_start3A_136 : memref<128x64xf32, #tpu.memory_space<hbm>>) target_semaphore(%arg19 : memref<!tpu.dma_semaphore, #tpu.memory_space<semaphore_mem>>)
    %dma_wait3A_140 = arith.constant 0 : i32
    %dma_wait3A_141 = arith.constant 0 : i32
    %dma_wait3A_142 = tpu.memref_slice %arg24[%dma_wait3A_140, %dma_wait3A_141] : memref<128x64xf32, #tpu.memory_space<vmem>> -> memref<128x64xf32, #tpu.memory_space<vmem>>
    %dma_wait3A_143 = arith.constant 0 : i32
    %dma_wait3A_144 = tpu.memref_slice %arg8[%add3A_129, %dma_wait3A_143] : memref<263168x64xf32, #tpu.memory_space<hbm>> -> memref<128x64xf32, #tpu.memory_space<hbm>>
    %dma_wait3A_145 = arith.constant 0 : i32
    %dma_wait3A_146 = tpu.memref_slice %arg8[%add3A_129, %dma_wait3A_145] : memref<263168x64xf32, #tpu.memory_space<hbm>> -> memref<128x64xf32, #tpu.memory_space<hbm>>
    %dma_wait3A_147 = arith.constant 0 : i32
    %dma_wait3A_148 = arith.constant 0 : i32
    %dma_wait3A_149 = tpu.memref_slice %arg24[%dma_wait3A_147, %dma_wait3A_148] : memref<128x64xf32, #tpu.memory_space<vmem>> -> memref<128x64xf32, #tpu.memory_space<vmem>>
    tpu.wait_dma2 semaphore(%arg19 : memref<!tpu.dma_semaphore, #tpu.memory_space<semaphore_mem>>) src(%dma_wait3A_149 : memref<128x64xf32, #tpu.memory_space<vmem>>) dst(%dma_wait3A_146 : memref<128x64xf32, #tpu.memory_space<hbm>>)
    %dma_start3A_150 = arith.constant 0 : i32
    %dma_start3A_151 = arith.constant 0 : i32
    %dma_start3A_152 = tpu.memref_slice %arg24[%dma_start3A_150, %dma_start3A_151] : memref<128x64xf32, #tpu.memory_space<vmem>> -> memref<128x64xf32, #tpu.memory_space<vmem>>
    %dma_start3A_153 = arith.constant 768 : i32
    %dma_start3A_154 = tpu.memref_slice %arg12[%dma_start3A_153] : memref<8224xi32, #tpu.memory_space<vmem>> -> memref<128xi32, #tpu.memory_space<vmem>>
    %dma_start3A_155 = arith.constant 0 : i32
    %dma_start3A_156 = arith.constant 0 : i32
    %dma_start3A_157 = tpu.memref_slice %arg2[%dma_start3A_155, %dma_start3A_156] : memref<1000000x64xf32, #tpu.memory_space<hbm>> -> memref<1000000x64xf32, #tpu.memory_space<hbm>>
    tpu.enqueue_indirect_dma source(%dma_start3A_157 : memref<1000000x64xf32, #tpu.memory_space<hbm>>) target(%dma_start3A_152 : memref<128x64xf32, #tpu.memory_space<vmem>>) offsets(%dma_start3A_154 : memref<128xi32, #tpu.memory_space<vmem>>) semaphore(%arg18 : memref<!tpu.dma_semaphore, #tpu.memory_space<semaphore_mem>>)
    %dma_wait3A_158 = arith.constant 0 : i32
    %dma_wait3A_159 = arith.constant 0 : i32
    %dma_wait3A_160 = tpu.memref_slice %arg25[%dma_wait3A_158, %dma_wait3A_159] : memref<128x64xf32, #tpu.memory_space<vmem>> -> memref<128x64xf32, #tpu.memory_space<vmem>>
    %dma_wait3A_161 = arith.constant 384 : i32
    %dma_wait3A_162 = tpu.memref_slice %arg12[%dma_wait3A_161] : memref<8224xi32, #tpu.memory_space<vmem>> -> memref<128xi32, #tpu.memory_space<vmem>>
    %dma_wait3A_163 = arith.constant 0 : i32
    %dma_wait3A_164 = arith.constant 0 : i32
    %dma_wait3A_165 = tpu.memref_slice %arg2[%dma_wait3A_163, %dma_wait3A_164] : memref<1000000x64xf32, #tpu.memory_space<hbm>> -> memref<1000000x64xf32, #tpu.memory_space<hbm>>
    tpu.wait_indirect_dma semaphore(%arg18 : memref<!tpu.dma_semaphore, #tpu.memory_space<semaphore_mem>>) src(%dma_wait3A_165 : memref<1000000x64xf32, #tpu.memory_space<hbm>>) dst(%dma_wait3A_160 : memref<128x64xf32, #tpu.memory_space<vmem>>)
    %add3A_166 = arith.constant 384 : i32
    %add3A_167 = arith.addi %mul3A_2, %add3A_166 : i32
    %dma_start3A_168 = arith.constant 0 : i32
    %dma_start3A_169 = arith.constant 0 : i32
    %dma_start3A_170 = tpu.memref_slice %arg25[%dma_start3A_168, %dma_start3A_169] : memref<128x64xf32, #tpu.memory_space<vmem>> -> memref<128x64xf32, #tpu.memory_space<vmem>>
    %dma_start3A_171 = arith.constant 0 : i32
    %dma_start3A_172 = tpu.memref_slice %arg8[%add3A_167, %dma_start3A_171] : memref<263168x64xf32, #tpu.memory_space<hbm>> -> memref<128x64xf32, #tpu.memory_space<hbm>>
    %dma_start3A_173 = arith.constant 0 : i32
    %dma_start3A_174 = tpu.memref_slice %arg8[%add3A_167, %dma_start3A_173] : memref<263168x64xf32, #tpu.memory_space<hbm>> -> memref<128x64xf32, #tpu.memory_space<hbm>>
    %dma_start3A_175 = arith.constant 0 : i32
    %dma_start3A_176 = arith.constant 0 : i32
    %dma_start3A_177 = tpu.memref_slice %arg25[%dma_start3A_175, %dma_start3A_176] : memref<128x64xf32, #tpu.memory_space<vmem>> -> memref<128x64xf32, #tpu.memory_space<vmem>>
    tpu.enqueue_dma source(%dma_start3A_177 : memref<128x64xf32, #tpu.memory_space<vmem>>) target(%dma_start3A_174 : memref<128x64xf32, #tpu.memory_space<hbm>>) target_semaphore(%arg19 : memref<!tpu.dma_semaphore, #tpu.memory_space<semaphore_mem>>)
    %dma_wait3A_178 = arith.constant 0 : i32
    %dma_wait3A_179 = arith.constant 0 : i32
    %dma_wait3A_180 = tpu.memref_slice %arg25[%dma_wait3A_178, %dma_wait3A_179] : memref<128x64xf32, #tpu.memory_space<vmem>> -> memref<128x64xf32, #tpu.memory_space<vmem>>
    %dma_wait3A_181 = arith.constant 0 : i32
    %dma_wait3A_182 = tpu.memref_slice %arg8[%add3A_167, %dma_wait3A_181] : memref<263168x64xf32, #tpu.memory_space<hbm>> -> memref<128x64xf32, #tpu.memory_space<hbm>>
    %dma_wait3A_183 = arith.constant 0 : i32
    %dma_wait3A_184 = tpu.memref_slice %arg8[%add3A_167, %dma_wait3A_183] : memref<263168x64xf32, #tpu.memory_space<hbm>> -> memref<128x64xf32, #tpu.memory_space<hbm>>
    %dma_wait3A_185 = arith.constant 0 : i32
    %dma_wait3A_186 = arith.constant 0 : i32
    %dma_wait3A_187 = tpu.memref_slice %arg25[%dma_wait3A_185, %dma_wait3A_186] : memref<128x64xf32, #tpu.memory_space<vmem>> -> memref<128x64xf32, #tpu.memory_space<vmem>>
    tpu.wait_dma2 semaphore(%arg19 : memref<!tpu.dma_semaphore, #tpu.memory_space<semaphore_mem>>) src(%dma_wait3A_187 : memref<128x64xf32, #tpu.memory_space<vmem>>) dst(%dma_wait3A_184 : memref<128x64xf32, #tpu.memory_space<hbm>>)
    %dma_start3A_188 = arith.constant 0 : i32
    %dma_start3A_189 = arith.constant 0 : i32
    %dma_start3A_190 = tpu.memref_slice %arg25[%dma_start3A_188, %dma_start3A_189] : memref<128x64xf32, #tpu.memory_space<vmem>> -> memref<128x64xf32, #tpu.memory_space<vmem>>
    %dma_start3A_191 = arith.constant 896 : i32
    %dma_start3A_192 = tpu.memref_slice %arg12[%dma_start3A_191] : memref<8224xi32, #tpu.memory_space<vmem>> -> memref<128xi32, #tpu.memory_space<vmem>>
    %dma_start3A_193 = arith.constant 0 : i32
    %dma_start3A_194 = arith.constant 0 : i32
    %dma_start3A_195 = tpu.memref_slice %arg2[%dma_start3A_193, %dma_start3A_194] : memref<1000000x64xf32, #tpu.memory_space<hbm>> -> memref<1000000x64xf32, #tpu.memory_space<hbm>>
    tpu.enqueue_indirect_dma source(%dma_start3A_195 : memref<1000000x64xf32, #tpu.memory_space<hbm>>) target(%dma_start3A_190 : memref<128x64xf32, #tpu.memory_space<vmem>>) offsets(%dma_start3A_192 : memref<128xi32, #tpu.memory_space<vmem>>) semaphore(%arg18 : memref<!tpu.dma_semaphore, #tpu.memory_space<semaphore_mem>>)
    %dma_wait3A_196 = arith.constant 0 : i32
    %dma_wait3A_197 = arith.constant 0 : i32
    %dma_wait3A_198 = tpu.memref_slice %arg22[%dma_wait3A_196, %dma_wait3A_197] : memref<128x64xf32, #tpu.memory_space<vmem>> -> memref<128x64xf32, #tpu.memory_space<vmem>>
    %dma_wait3A_199 = arith.constant 512 : i32
    %dma_wait3A_200 = tpu.memref_slice %arg12[%dma_wait3A_199] : memref<8224xi32, #tpu.memory_space<vmem>> -> memref<128xi32, #tpu.memory_space<vmem>>
    %dma_wait3A_201 = arith.constant 0 : i32
    %dma_wait3A_202 = arith.constant 0 : i32
    %dma_wait3A_203 = tpu.memref_slice %arg2[%dma_wait3A_201, %dma_wait3A_202] : memref<1000000x64xf32, #tpu.memory_space<hbm>> -> memref<1000000x64xf32, #tpu.memory_space<hbm>>
    tpu.wait_indirect_dma semaphore(%arg18 : memref<!tpu.dma_semaphore, #tpu.memory_space<semaphore_mem>>) src(%dma_wait3A_203 : memref<1000000x64xf32, #tpu.memory_space<hbm>>) dst(%dma_wait3A_198 : memref<128x64xf32, #tpu.memory_space<vmem>>)
    %add3A_204 = arith.constant 512 : i32
    %add3A_205 = arith.addi %mul3A_2, %add3A_204 : i32
    %dma_start3A_206 = arith.constant 0 : i32
    %dma_start3A_207 = arith.constant 0 : i32
    %dma_start3A_208 = tpu.memref_slice %arg22[%dma_start3A_206, %dma_start3A_207] : memref<128x64xf32, #tpu.memory_space<vmem>> -> memref<128x64xf32, #tpu.memory_space<vmem>>
    %dma_start3A_209 = arith.constant 0 : i32
    %dma_start3A_210 = tpu.memref_slice %arg8[%add3A_205, %dma_start3A_209] : memref<263168x64xf32, #tpu.memory_space<hbm>> -> memref<128x64xf32, #tpu.memory_space<hbm>>
    %dma_start3A_211 = arith.constant 0 : i32
    %dma_start3A_212 = tpu.memref_slice %arg8[%add3A_205, %dma_start3A_211] : memref<263168x64xf32, #tpu.memory_space<hbm>> -> memref<128x64xf32, #tpu.memory_space<hbm>>
    %dma_start3A_213 = arith.constant 0 : i32
    %dma_start3A_214 = arith.constant 0 : i32
    %dma_start3A_215 = tpu.memref_slice %arg22[%dma_start3A_213, %dma_start3A_214] : memref<128x64xf32, #tpu.memory_space<vmem>> -> memref<128x64xf32, #tpu.memory_space<vmem>>
    tpu.enqueue_dma source(%dma_start3A_215 : memref<128x64xf32, #tpu.memory_space<vmem>>) target(%dma_start3A_212 : memref<128x64xf32, #tpu.memory_space<hbm>>) target_semaphore(%arg19 : memref<!tpu.dma_semaphore, #tpu.memory_space<semaphore_mem>>)
    %dma_wait3A_216 = arith.constant 0 : i32
    %dma_wait3A_217 = arith.constant 0 : i32
    %dma_wait3A_218 = tpu.memref_slice %arg22[%dma_wait3A_216, %dma_wait3A_217] : memref<128x64xf32, #tpu.memory_space<vmem>> -> memref<128x64xf32, #tpu.memory_space<vmem>>
    %dma_wait3A_219 = arith.constant 0 : i32
    %dma_wait3A_220 = tpu.memref_slice %arg8[%add3A_205, %dma_wait3A_219] : memref<263168x64xf32, #tpu.memory_space<hbm>> -> memref<128x64xf32, #tpu.memory_space<hbm>>
    %dma_wait3A_221 = arith.constant 0 : i32
    %dma_wait3A_222 = tpu.memref_slice %arg8[%add3A_205, %dma_wait3A_221] : memref<263168x64xf32, #tpu.memory_space<hbm>> -> memref<128x64xf32, #tpu.memory_space<hbm>>
    %dma_wait3A_223 = arith.constant 0 : i32
    %dma_wait3A_224 = arith.constant 0 : i32
    %dma_wait3A_225 = tpu.memref_slice %arg22[%dma_wait3A_223, %dma_wait3A_224] : memref<128x64xf32, #tpu.memory_space<vmem>> -> memref<128x64xf32, #tpu.memory_space<vmem>>
    tpu.wait_dma2 semaphore(%arg19 : memref<!tpu.dma_semaphore, #tpu.memory_space<semaphore_mem>>) src(%dma_wait3A_225 : memref<128x64xf32, #tpu.memory_space<vmem>>) dst(%dma_wait3A_222 : memref<128x64xf32, #tpu.memory_space<hbm>>)
    %dma_start3A_226 = arith.constant 0 : i32
    %dma_start3A_227 = arith.constant 0 : i32
    %dma_start3A_228 = tpu.memref_slice %arg22[%dma_start3A_226, %dma_start3A_227] : memref<128x64xf32, #tpu.memory_space<vmem>> -> memref<128x64xf32, #tpu.memory_space<vmem>>
    %dma_start3A_229 = arith.constant 1024 : i32
    %dma_start3A_230 = tpu.memref_slice %arg12[%dma_start3A_229] : memref<8224xi32, #tpu.memory_space<vmem>> -> memref<128xi32, #tpu.memory_space<vmem>>
    %dma_start3A_231 = arith.constant 0 : i32
    %dma_start3A_232 = arith.constant 0 : i32
    %dma_start3A_233 = tpu.memref_slice %arg2[%dma_start3A_231, %dma_start3A_232] : memref<1000000x64xf32, #tpu.memory_space<hbm>> -> memref<1000000x64xf32, #tpu.memory_space<hbm>>
    tpu.enqueue_indirect_dma source(%dma_start3A_233 : memref<1000000x64xf32, #tpu.memory_space<hbm>>) target(%dma_start3A_228 : memref<128x64xf32, #tpu.memory_space<vmem>>) offsets(%dma_start3A_230 : memref<128xi32, #tpu.memory_space<vmem>>) semaphore(%arg18 : memref<!tpu.dma_semaphore, #tpu.memory_space<semaphore_mem>>)
    %dma_wait3A_234 = arith.constant 0 : i32
    %dma_wait3A_235 = arith.constant 0 : i32
    %dma_wait3A_236 = tpu.memref_slice %arg23[%dma_wait3A_234, %dma_wait3A_235] : memref<128x64xf32, #tpu.memory_space<vmem>> -> memref<128x64xf32, #tpu.memory_space<vmem>>
    %dma_wait3A_237 = arith.constant 640 : i32
    %dma_wait3A_238 = tpu.memref_slice %arg12[%dma_wait3A_237] : memref<8224xi32, #tpu.memory_space<vmem>> -> memref<128xi32, #tpu.memory_space<vmem>>
    %dma_wait3A_239 = arith.constant 0 : i32
    %dma_wait3A_240 = arith.constant 0 : i32
    %dma_wait3A_241 = tpu.memref_slice %arg2[%dma_wait3A_239, %dma_wait3A_240] : memref<1000000x64xf32, #tpu.memory_space<hbm>> -> memref<1000000x64xf32, #tpu.memory_space<hbm>>
    tpu.wait_indirect_dma semaphore(%arg18 : memref<!tpu.dma_semaphore, #tpu.memory_space<semaphore_mem>>) src(%dma_wait3A_241 : memref<1000000x64xf32, #tpu.memory_space<hbm>>) dst(%dma_wait3A_236 : memref<128x64xf32, #tpu.memory_space<vmem>>)
    %add3A_242 = arith.constant 640 : i32
    %add3A_243 = arith.addi %mul3A_2, %add3A_242 : i32
    %dma_start3A_244 = arith.constant 0 : i32
    %dma_start3A_245 = arith.constant 0 : i32
    %dma_start3A_246 = tpu.memref_slice %arg23[%dma_start3A_244, %dma_start3A_245] : memref<128x64xf32, #tpu.memory_space<vmem>> -> memref<128x64xf32, #tpu.memory_space<vmem>>
    %dma_start3A_247 = arith.constant 0 : i32
    %dma_start3A_248 = tpu.memref_slice %arg8[%add3A_243, %dma_start3A_247] : memref<263168x64xf32, #tpu.memory_space<hbm>> -> memref<128x64xf32, #tpu.memory_space<hbm>>
    %dma_start3A_249 = arith.constant 0 : i32
    %dma_start3A_250 = tpu.memref_slice %arg8[%add3A_243, %dma_start3A_249] : memref<263168x64xf32, #tpu.memory_space<hbm>> -> memref<128x64xf32, #tpu.memory_space<hbm>>
    %dma_start3A_251 = arith.constant 0 : i32
    %dma_start3A_252 = arith.constant 0 : i32
    %dma_start3A_253 = tpu.memref_slice %arg23[%dma_start3A_251, %dma_start3A_252] : memref<128x64xf32, #tpu.memory_space<vmem>> -> memref<128x64xf32, #tpu.memory_space<vmem>>
    tpu.enqueue_dma source(%dma_start3A_253 : memref<128x64xf32, #tpu.memory_space<vmem>>) target(%dma_start3A_250 : memref<128x64xf32, #tpu.memory_space<hbm>>) target_semaphore(%arg19 : memref<!tpu.dma_semaphore, #tpu.memory_space<semaphore_mem>>)
    %dma_wait3A_254 = arith.constant 0 : i32
    %dma_wait3A_255 = arith.constant 0 : i32
    %dma_wait3A_256 = tpu.memref_slice %arg23[%dma_wait3A_254, %dma_wait3A_255] : memref<128x64xf32, #tpu.memory_space<vmem>> -> memref<128x64xf32, #tpu.memory_space<vmem>>
    %dma_wait3A_257 = arith.constant 0 : i32
    %dma_wait3A_258 = tpu.memref_slice %arg8[%add3A_243, %dma_wait3A_257] : memref<263168x64xf32, #tpu.memory_space<hbm>> -> memref<128x64xf32, #tpu.memory_space<hbm>>
    %dma_wait3A_259 = arith.constant 0 : i32
    %dma_wait3A_260 = tpu.memref_slice %arg8[%add3A_243, %dma_wait3A_259] : memref<263168x64xf32, #tpu.memory_space<hbm>> -> memref<128x64xf32, #tpu.memory_space<hbm>>
    %dma_wait3A_261 = arith.constant 0 : i32
    %dma_wait3A_262 = arith.constant 0 : i32
    %dma_wait3A_263 = tpu.memref_slice %arg23[%dma_wait3A_261, %dma_wait3A_262] : memref<128x64xf32, #tpu.memory_space<vmem>> -> memref<128x64xf32, #tpu.memory_space<vmem>>
    tpu.wait_dma2 semaphore(%arg19 : memref<!tpu.dma_semaphore, #tpu.memory_space<semaphore_mem>>) src(%dma_wait3A_263 : memref<128x64xf32, #tpu.memory_space<vmem>>) dst(%dma_wait3A_260 : memref<128x64xf32, #tpu.memory_space<hbm>>)
    %dma_start3A_264 = arith.constant 0 : i32
    %dma_start3A_265 = arith.constant 0 : i32
    %dma_start3A_266 = tpu.memref_slice %arg23[%dma_start3A_264, %dma_start3A_265] : memref<128x64xf32, #tpu.memory_space<vmem>> -> memref<128x64xf32, #tpu.memory_space<vmem>>
    %dma_start3A_267 = arith.constant 1152 : i32
    %dma_start3A_268 = tpu.memref_slice %arg12[%dma_start3A_267] : memref<8224xi32, #tpu.memory_space<vmem>> -> memref<128xi32, #tpu.memory_space<vmem>>
    %dma_start3A_269 = arith.constant 0 : i32
    %dma_start3A_270 = arith.constant 0 : i32
    %dma_start3A_271 = tpu.memref_slice %arg2[%dma_start3A_269, %dma_start3A_270] : memref<1000000x64xf32, #tpu.memory_space<hbm>> -> memref<1000000x64xf32, #tpu.memory_space<hbm>>
    tpu.enqueue_indirect_dma source(%dma_start3A_271 : memref<1000000x64xf32, #tpu.memory_space<hbm>>) target(%dma_start3A_266 : memref<128x64xf32, #tpu.memory_space<vmem>>) offsets(%dma_start3A_268 : memref<128xi32, #tpu.memory_space<vmem>>) semaphore(%arg18 : memref<!tpu.dma_semaphore, #tpu.memory_space<semaphore_mem>>)
    %dma_wait3A_272 = arith.constant 0 : i32
    %dma_wait3A_273 = arith.constant 0 : i32
    %dma_wait3A_274 = tpu.memref_slice %arg24[%dma_wait3A_272, %dma_wait3A_273] : memref<128x64xf32, #tpu.memory_space<vmem>> -> memref<128x64xf32, #tpu.memory_space<vmem>>
    %dma_wait3A_275 = arith.constant 768 : i32
    %dma_wait3A_276 = tpu.memref_slice %arg12[%dma_wait3A_275] : memref<8224xi32, #tpu.memory_space<vmem>> -> memref<128xi32, #tpu.memory_space<vmem>>
    %dma_wait3A_277 = arith.constant 0 : i32
    %dma_wait3A_278 = arith.constant 0 : i32
    %dma_wait3A_279 = tpu.memref_slice %arg2[%dma_wait3A_277, %dma_wait3A_278] : memref<1000000x64xf32, #tpu.memory_space<hbm>> -> memref<1000000x64xf32, #tpu.memory_space<hbm>>
    tpu.wait_indirect_dma semaphore(%arg18 : memref<!tpu.dma_semaphore, #tpu.memory_space<semaphore_mem>>) src(%dma_wait3A_279 : memref<1000000x64xf32, #tpu.memory_space<hbm>>) dst(%dma_wait3A_274 : memref<128x64xf32, #tpu.memory_space<vmem>>)
    %add3A_280 = arith.constant 768 : i32
    %add3A_281 = arith.addi %mul3A_2, %add3A_280 : i32
    %dma_start3A_282 = arith.constant 0 : i32
    %dma_start3A_283 = arith.constant 0 : i32
    %dma_start3A_284 = tpu.memref_slice %arg24[%dma_start3A_282, %dma_start3A_283] : memref<128x64xf32, #tpu.memory_space<vmem>> -> memref<128x64xf32, #tpu.memory_space<vmem>>
    %dma_start3A_285 = arith.constant 0 : i32
    %dma_start3A_286 = tpu.memref_slice %arg8[%add3A_281, %dma_start3A_285] : memref<263168x64xf32, #tpu.memory_space<hbm>> -> memref<128x64xf32, #tpu.memory_space<hbm>>
    %dma_start3A_287 = arith.constant 0 : i32
    %dma_start3A_288 = tpu.memref_slice %arg8[%add3A_281, %dma_start3A_287] : memref<263168x64xf32, #tpu.memory_space<hbm>> -> memref<128x64xf32, #tpu.memory_space<hbm>>
    %dma_start3A_289 = arith.constant 0 : i32
    %dma_start3A_290 = arith.constant 0 : i32
    %dma_start3A_291 = tpu.memref_slice %arg24[%dma_start3A_289, %dma_start3A_290] : memref<128x64xf32, #tpu.memory_space<vmem>> -> memref<128x64xf32, #tpu.memory_space<vmem>>
    tpu.enqueue_dma source(%dma_start3A_291 : memref<128x64xf32, #tpu.memory_space<vmem>>) target(%dma_start3A_288 : memref<128x64xf32, #tpu.memory_space<hbm>>) target_semaphore(%arg19 : memref<!tpu.dma_semaphore, #tpu.memory_space<semaphore_mem>>)
    %dma_wait3A_292 = arith.constant 0 : i32
    %dma_wait3A_293 = arith.constant 0 : i32
    %dma_wait3A_294 = tpu.memref_slice %arg24[%dma_wait3A_292, %dma_wait3A_293] : memref<128x64xf32, #tpu.memory_space<vmem>> -> memref<128x64xf32, #tpu.memory_space<vmem>>
    %dma_wait3A_295 = arith.constant 0 : i32
    %dma_wait3A_296 = tpu.memref_slice %arg8[%add3A_281, %dma_wait3A_295] : memref<263168x64xf32, #tpu.memory_space<hbm>> -> memref<128x64xf32, #tpu.memory_space<hbm>>
    %dma_wait3A_297 = arith.constant 0 : i32
    %dma_wait3A_298 = tpu.memref_slice %arg8[%add3A_281, %dma_wait3A_297] : memref<263168x64xf32, #tpu.memory_space<hbm>> -> memref<128x64xf32, #tpu.memory_space<hbm>>
    %dma_wait3A_299 = arith.constant 0 : i32
    %dma_wait3A_300 = arith.constant 0 : i32
    %dma_wait3A_301 = tpu.memref_slice %arg24[%dma_wait3A_299, %dma_wait3A_300] : memref<128x64xf32, #tpu.memory_space<vmem>> -> memref<128x64xf32, #tpu.memory_space<vmem>>
    tpu.wait_dma2 semaphore(%arg19 : memref<!tpu.dma_semaphore, #tpu.memory_space<semaphore_mem>>) src(%dma_wait3A_301 : memref<128x64xf32, #tpu.memory_space<vmem>>) dst(%dma_wait3A_298 : memref<128x64xf32, #tpu.memory_space<hbm>>)
    %dma_start3A_302 = arith.constant 0 : i32
    %dma_start3A_303 = arith.constant 0 : i32
    %dma_start3A_304 = tpu.memref_slice %arg24[%dma_start3A_302, %dma_start3A_303] : memref<128x64xf32, #tpu.memory_space<vmem>> -> memref<128x64xf32, #tpu.memory_space<vmem>>
    %dma_start3A_305 = arith.constant 1280 : i32
    %dma_start3A_306 = tpu.memref_slice %arg12[%dma_start3A_305] : memref<8224xi32, #tpu.memory_space<vmem>> -> memref<128xi32, #tpu.memory_space<vmem>>
    %dma_start3A_307 = arith.constant 0 : i32
    %dma_start3A_308 = arith.constant 0 : i32
    %dma_start3A_309 = tpu.memref_slice %arg2[%dma_start3A_307, %dma_start3A_308] : memref<1000000x64xf32, #tpu.memory_space<hbm>> -> memref<1000000x64xf32, #tpu.memory_space<hbm>>
    tpu.enqueue_indirect_dma source(%dma_start3A_309 : memref<1000000x64xf32, #tpu.memory_space<hbm>>) target(%dma_start3A_304 : memref<128x64xf32, #tpu.memory_space<vmem>>) offsets(%dma_start3A_306 : memref<128xi32, #tpu.memory_space<vmem>>) semaphore(%arg18 : memref<!tpu.dma_semaphore, #tpu.memory_space<semaphore_mem>>)
    %dma_wait3A_310 = arith.constant 0 : i32
    %dma_wait3A_311 = arith.constant 0 : i32
    %dma_wait3A_312 = tpu.memref_slice %arg25[%dma_wait3A_310, %dma_wait3A_311] : memref<128x64xf32, #tpu.memory_space<vmem>> -> memref<128x64xf32, #tpu.memory_space<vmem>>
    %dma_wait3A_313 = arith.constant 896 : i32
    %dma_wait3A_314 = tpu.memref_slice %arg12[%dma_wait3A_313] : memref<8224xi32, #tpu.memory_space<vmem>> -> memref<128xi32, #tpu.memory_space<vmem>>
    %dma_wait3A_315 = arith.constant 0 : i32
    %dma_wait3A_316 = arith.constant 0 : i32
    %dma_wait3A_317 = tpu.memref_slice %arg2[%dma_wait3A_315, %dma_wait3A_316] : memref<1000000x64xf32, #tpu.memory_space<hbm>> -> memref<1000000x64xf32, #tpu.memory_space<hbm>>
    tpu.wait_indirect_dma semaphore(%arg18 : memref<!tpu.dma_semaphore, #tpu.memory_space<semaphore_mem>>) src(%dma_wait3A_317 : memref<1000000x64xf32, #tpu.memory_space<hbm>>) dst(%dma_wait3A_312 : memref<128x64xf32, #tpu.memory_space<vmem>>)
    %add3A_318 = arith.constant 896 : i32
    %add3A_319 = arith.addi %mul3A_2, %add3A_318 : i32
    %dma_start3A_320 = arith.constant 0 : i32
    %dma_start3A_321 = arith.constant 0 : i32
    %dma_start3A_322 = tpu.memref_slice %arg25[%dma_start3A_320, %dma_start3A_321] : memref<128x64xf32, #tpu.memory_space<vmem>> -> memref<128x64xf32, #tpu.memory_space<vmem>>
    %dma_start3A_323 = arith.constant 0 : i32
    %dma_start3A_324 = tpu.memref_slice %arg8[%add3A_319, %dma_start3A_323] : memref<263168x64xf32, #tpu.memory_space<hbm>> -> memref<128x64xf32, #tpu.memory_space<hbm>>
    %dma_start3A_325 = arith.constant 0 : i32
    %dma_start3A_326 = tpu.memref_slice %arg8[%add3A_319, %dma_start3A_325] : memref<263168x64xf32, #tpu.memory_space<hbm>> -> memref<128x64xf32, #tpu.memory_space<hbm>>
    %dma_start3A_327 = arith.constant 0 : i32
    %dma_start3A_328 = arith.constant 0 : i32
    %dma_start3A_329 = tpu.memref_slice %arg25[%dma_start3A_327, %dma_start3A_328] : memref<128x64xf32, #tpu.memory_space<vmem>> -> memref<128x64xf32, #tpu.memory_space<vmem>>
    tpu.enqueue_dma source(%dma_start3A_329 : memref<128x64xf32, #tpu.memory_space<vmem>>) target(%dma_start3A_326 : memref<128x64xf32, #tpu.memory_space<hbm>>) target_semaphore(%arg19 : memref<!tpu.dma_semaphore, #tpu.memory_space<semaphore_mem>>)
    %dma_wait3A_330 = arith.constant 0 : i32
    %dma_wait3A_331 = arith.constant 0 : i32
    %dma_wait3A_332 = tpu.memref_slice %arg25[%dma_wait3A_330, %dma_wait3A_331] : memref<128x64xf32, #tpu.memory_space<vmem>> -> memref<128x64xf32, #tpu.memory_space<vmem>>
    %dma_wait3A_333 = arith.constant 0 : i32
    %dma_wait3A_334 = tpu.memref_slice %arg8[%add3A_319, %dma_wait3A_333] : memref<263168x64xf32, #tpu.memory_space<hbm>> -> memref<128x64xf32, #tpu.memory_space<hbm>>
    %dma_wait3A_335 = arith.constant 0 : i32
    %dma_wait3A_336 = tpu.memref_slice %arg8[%add3A_319, %dma_wait3A_335] : memref<263168x64xf32, #tpu.memory_space<hbm>> -> memref<128x64xf32, #tpu.memory_space<hbm>>
    %dma_wait3A_337 = arith.constant 0 : i32
    %dma_wait3A_338 = arith.constant 0 : i32
    %dma_wait3A_339 = tpu.memref_slice %arg25[%dma_wait3A_337, %dma_wait3A_338] : memref<128x64xf32, #tpu.memory_space<vmem>> -> memref<128x64xf32, #tpu.memory_space<vmem>>
    tpu.wait_dma2 semaphore(%arg19 : memref<!tpu.dma_semaphore, #tpu.memory_space<semaphore_mem>>) src(%dma_wait3A_339 : memref<128x64xf32, #tpu.memory_space<vmem>>) dst(%dma_wait3A_336 : memref<128x64xf32, #tpu.memory_space<hbm>>)
    %dma_start3A_340 = arith.constant 0 : i32
    %dma_start3A_341 = arith.constant 0 : i32
    %dma_start3A_342 = tpu.memref_slice %arg25[%dma_start3A_340, %dma_start3A_341] : memref<128x64xf32, #tpu.memory_space<vmem>> -> memref<128x64xf32, #tpu.memory_space<vmem>>
    %dma_start3A_343 = arith.constant 1408 : i32
    %dma_start3A_344 = tpu.memref_slice %arg12[%dma_start3A_343] : memref<8224xi32, #tpu.memory_space<vmem>> -> memref<128xi32, #tpu.memory_space<vmem>>
    %dma_start3A_345 = arith.constant 0 : i32
    %dma_start3A_346 = arith.constant 0 : i32
    %dma_start3A_347 = tpu.memref_slice %arg2[%dma_start3A_345, %dma_start3A_346] : memref<1000000x64xf32, #tpu.memory_space<hbm>> -> memref<1000000x64xf32, #tpu.memory_space<hbm>>
    tpu.enqueue_indirect_dma source(%dma_start3A_347 : memref<1000000x64xf32, #tpu.memory_space<hbm>>) target(%dma_start3A_342 : memref<128x64xf32, #tpu.memory_space<vmem>>) offsets(%dma_start3A_344 : memref<128xi32, #tpu.memory_space<vmem>>) semaphore(%arg18 : memref<!tpu.dma_semaphore, #tpu.memory_space<semaphore_mem>>)
    %dma_wait3A_348 = arith.constant 0 : i32
    %dma_wait3A_349 = arith.constant 0 : i32
    %dma_wait3A_350 = tpu.memref_slice %arg22[%dma_wait3A_348, %dma_wait3A_349] : memref<128x64xf32, #tpu.memory_space<vmem>> -> memref<128x64xf32, #tpu.memory_space<vmem>>
    %dma_wait3A_351 = arith.constant 1024 : i32
    %dma_wait3A_352 = tpu.memref_slice %arg12[%dma_wait3A_351] : memref<8224xi32, #tpu.memory_space<vmem>> -> memref<128xi32, #tpu.memory_space<vmem>>
    %dma_wait3A_353 = arith.constant 0 : i32
    %dma_wait3A_354 = arith.constant 0 : i32
    %dma_wait3A_355 = tpu.memref_slice %arg2[%dma_wait3A_353, %dma_wait3A_354] : memref<1000000x64xf32, #tpu.memory_space<hbm>> -> memref<1000000x64xf32, #tpu.memory_space<hbm>>
    tpu.wait_indirect_dma semaphore(%arg18 : memref<!tpu.dma_semaphore, #tpu.memory_space<semaphore_mem>>) src(%dma_wait3A_355 : memref<1000000x64xf32, #tpu.memory_space<hbm>>) dst(%dma_wait3A_350 : memref<128x64xf32, #tpu.memory_space<vmem>>)
    %add3A_356 = arith.constant 1024 : i32
    %add3A_357 = arith.addi %mul3A_2, %add3A_356 : i32
    %dma_start3A_358 = arith.constant 0 : i32
    %dma_start3A_359 = arith.constant 0 : i32
    %dma_start3A_360 = tpu.memref_slice %arg22[%dma_start3A_358, %dma_start3A_359] : memref<128x64xf32, #tpu.memory_space<vmem>> -> memref<128x64xf32, #tpu.memory_space<vmem>>
    %dma_start3A_361 = arith.constant 0 : i32
    %dma_start3A_362 = tpu.memref_slice %arg8[%add3A_357, %dma_start3A_361] : memref<263168x64xf32, #tpu.memory_space<hbm>> -> memref<128x64xf32, #tpu.memory_space<hbm>>
    %dma_start3A_363 = arith.constant 0 : i32
    %dma_start3A_364 = tpu.memref_slice %arg8[%add3A_357, %dma_start3A_363] : memref<263168x64xf32, #tpu.memory_space<hbm>> -> memref<128x64xf32, #tpu.memory_space<hbm>>
    %dma_start3A_365 = arith.constant 0 : i32
    %dma_start3A_366 = arith.constant 0 : i32
    %dma_start3A_367 = tpu.memref_slice %arg22[%dma_start3A_365, %dma_start3A_366] : memref<128x64xf32, #tpu.memory_space<vmem>> -> memref<128x64xf32, #tpu.memory_space<vmem>>
    tpu.enqueue_dma source(%dma_start3A_367 : memref<128x64xf32, #tpu.memory_space<vmem>>) target(%dma_start3A_364 : memref<128x64xf32, #tpu.memory_space<hbm>>) target_semaphore(%arg19 : memref<!tpu.dma_semaphore, #tpu.memory_space<semaphore_mem>>)
    %dma_wait3A_368 = arith.constant 0 : i32
    %dma_wait3A_369 = arith.constant 0 : i32
    %dma_wait3A_370 = tpu.memref_slice %arg22[%dma_wait3A_368, %dma_wait3A_369] : memref<128x64xf32, #tpu.memory_space<vmem>> -> memref<128x64xf32, #tpu.memory_space<vmem>>
    %dma_wait3A_371 = arith.constant 0 : i32
    %dma_wait3A_372 = tpu.memref_slice %arg8[%add3A_357, %dma_wait3A_371] : memref<263168x64xf32, #tpu.memory_space<hbm>> -> memref<128x64xf32, #tpu.memory_space<hbm>>
    %dma_wait3A_373 = arith.constant 0 : i32
    %dma_wait3A_374 = tpu.memref_slice %arg8[%add3A_357, %dma_wait3A_373] : memref<263168x64xf32, #tpu.memory_space<hbm>> -> memref<128x64xf32, #tpu.memory_space<hbm>>
    %dma_wait3A_375 = arith.constant 0 : i32
    %dma_wait3A_376 = arith.constant 0 : i32
    %dma_wait3A_377 = tpu.memref_slice %arg22[%dma_wait3A_375, %dma_wait3A_376] : memref<128x64xf32, #tpu.memory_space<vmem>> -> memref<128x64xf32, #tpu.memory_space<vmem>>
    tpu.wait_dma2 semaphore(%arg19 : memref<!tpu.dma_semaphore, #tpu.memory_space<semaphore_mem>>) src(%dma_wait3A_377 : memref<128x64xf32, #tpu.memory_space<vmem>>) dst(%dma_wait3A_374 : memref<128x64xf32, #tpu.memory_space<hbm>>)
    %dma_start3A_378 = arith.constant 0 : i32
    %dma_start3A_379 = arith.constant 0 : i32
    %dma_start3A_380 = tpu.memref_slice %arg22[%dma_start3A_378, %dma_start3A_379] : memref<128x64xf32, #tpu.memory_space<vmem>> -> memref<128x64xf32, #tpu.memory_space<vmem>>
    %dma_start3A_381 = arith.constant 1536 : i32
    %dma_start3A_382 = tpu.memref_slice %arg12[%dma_start3A_381] : memref<8224xi32, #tpu.memory_space<vmem>> -> memref<128xi32, #tpu.memory_space<vmem>>
    %dma_start3A_383 = arith.constant 0 : i32
    %dma_start3A_384 = arith.constant 0 : i32
    %dma_start3A_385 = tpu.memref_slice %arg2[%dma_start3A_383, %dma_start3A_384] : memref<1000000x64xf32, #tpu.memory_space<hbm>> -> memref<1000000x64xf32, #tpu.memory_space<hbm>>
    tpu.enqueue_indirect_dma source(%dma_start3A_385 : memref<1000000x64xf32, #tpu.memory_space<hbm>>) target(%dma_start3A_380 : memref<128x64xf32, #tpu.memory_space<vmem>>) offsets(%dma_start3A_382 : memref<128xi32, #tpu.memory_space<vmem>>) semaphore(%arg18 : memref<!tpu.dma_semaphore, #tpu.memory_space<semaphore_mem>>)
    %dma_wait3A_386 = arith.constant 0 : i32
    %dma_wait3A_387 = arith.constant 0 : i32
    %dma_wait3A_388 = tpu.memref_slice %arg23[%dma_wait3A_386, %dma_wait3A_387] : memref<128x64xf32, #tpu.memory_space<vmem>> -> memref<128x64xf32, #tpu.memory_space<vmem>>
    %dma_wait3A_389 = arith.constant 1152 : i32
    %dma_wait3A_390 = tpu.memref_slice %arg12[%dma_wait3A_389] : memref<8224xi32, #tpu.memory_space<vmem>> -> memref<128xi32, #tpu.memory_space<vmem>>
    %dma_wait3A_391 = arith.constant 0 : i32
    %dma_wait3A_392 = arith.constant 0 : i32
    %dma_wait3A_393 = tpu.memref_slice %arg2[%dma_wait3A_391, %dma_wait3A_392] : memref<1000000x64xf32, #tpu.memory_space<hbm>> -> memref<1000000x64xf32, #tpu.memory_space<hbm>>
    tpu.wait_indirect_dma semaphore(%arg18 : memref<!tpu.dma_semaphore, #tpu.memory_space<semaphore_mem>>) src(%dma_wait3A_393 : memref<1000000x64xf32, #tpu.memory_space<hbm>>) dst(%dma_wait3A_388 : memref<128x64xf32, #tpu.memory_space<vmem>>)
    %add3A_394 = arith.constant 1152 : i32
    %add3A_395 = arith.addi %mul3A_2, %add3A_394 : i32
    %dma_start3A_396 = arith.constant 0 : i32
    %dma_start3A_397 = arith.constant 0 : i32
    %dma_start3A_398 = tpu.memref_slice %arg23[%dma_start3A_396, %dma_start3A_397] : memref<128x64xf32, #tpu.memory_space<vmem>> -> memref<128x64xf32, #tpu.memory_space<vmem>>
    %dma_start3A_399 = arith.constant 0 : i32
    %dma_start3A_400 = tpu.memref_slice %arg8[%add3A_395, %dma_start3A_399] : memref<263168x64xf32, #tpu.memory_space<hbm>> -> memref<128x64xf32, #tpu.memory_space<hbm>>
    %dma_start3A_401 = arith.constant 0 : i32
    %dma_start3A_402 = tpu.memref_slice %arg8[%add3A_395, %dma_start3A_401] : memref<263168x64xf32, #tpu.memory_space<hbm>> -> memref<128x64xf32, #tpu.memory_space<hbm>>
    %dma_start3A_403 = arith.constant 0 : i32
    %dma_start3A_404 = arith.constant 0 : i32
    %dma_start3A_405 = tpu.memref_slice %arg23[%dma_start3A_403, %dma_start3A_404] : memref<128x64xf32, #tpu.memory_space<vmem>> -> memref<128x64xf32, #tpu.memory_space<vmem>>
    tpu.enqueue_dma source(%dma_start3A_405 : memref<128x64xf32, #tpu.memory_space<vmem>>) target(%dma_start3A_402 : memref<128x64xf32, #tpu.memory_space<hbm>>) target_semaphore(%arg19 : memref<!tpu.dma_semaphore, #tpu.memory_space<semaphore_mem>>)
    %dma_wait3A_406 = arith.constant 0 : i32
    %dma_wait3A_407 = arith.constant 0 : i32
    %dma_wait3A_408 = tpu.memref_slice %arg23[%dma_wait3A_406, %dma_wait3A_407] : memref<128x64xf32, #tpu.memory_space<vmem>> -> memref<128x64xf32, #tpu.memory_space<vmem>>
    %dma_wait3A_409 = arith.constant 0 : i32
    %dma_wait3A_410 = tpu.memref_slice %arg8[%add3A_395, %dma_wait3A_409] : memref<263168x64xf32, #tpu.memory_space<hbm>> -> memref<128x64xf32, #tpu.memory_space<hbm>>
    %dma_wait3A_411 = arith.constant 0 : i32
    %dma_wait3A_412 = tpu.memref_slice %arg8[%add3A_395, %dma_wait3A_411] : memref<263168x64xf32, #tpu.memory_space<hbm>> -> memref<128x64xf32, #tpu.memory_space<hbm>>
    %dma_wait3A_413 = arith.constant 0 : i32
    %dma_wait3A_414 = arith.constant 0 : i32
    %dma_wait3A_415 = tpu.memref_slice %arg23[%dma_wait3A_413, %dma_wait3A_414] : memref<128x64xf32, #tpu.memory_space<vmem>> -> memref<128x64xf32, #tpu.memory_space<vmem>>
    tpu.wait_dma2 semaphore(%arg19 : memref<!tpu.dma_semaphore, #tpu.memory_space<semaphore_mem>>) src(%dma_wait3A_415 : memref<128x64xf32, #tpu.memory_space<vmem>>) dst(%dma_wait3A_412 : memref<128x64xf32, #tpu.memory_space<hbm>>)
    %dma_start3A_416 = arith.constant 0 : i32
    %dma_start3A_417 = arith.constant 0 : i32
    %dma_start3A_418 = tpu.memref_slice %arg23[%dma_start3A_416, %dma_start3A_417] : memref<128x64xf32, #tpu.memory_space<vmem>> -> memref<128x64xf32, #tpu.memory_space<vmem>>
    %dma_start3A_419 = arith.constant 1664 : i32
    %dma_start3A_420 = tpu.memref_slice %arg12[%dma_start3A_419] : memref<8224xi32, #tpu.memory_space<vmem>> -> memref<128xi32, #tpu.memory_space<vmem>>
    %dma_start3A_421 = arith.constant 0 : i32
    %dma_start3A_422 = arith.constant 0 : i32
    %dma_start3A_423 = tpu.memref_slice %arg2[%dma_start3A_421, %dma_start3A_422] : memref<1000000x64xf32, #tpu.memory_space<hbm>> -> memref<1000000x64xf32, #tpu.memory_space<hbm>>
    tpu.enqueue_indirect_dma source(%dma_start3A_423 : memref<1000000x64xf32, #tpu.memory_space<hbm>>) target(%dma_start3A_418 : memref<128x64xf32, #tpu.memory_space<vmem>>) offsets(%dma_start3A_420 : memref<128xi32, #tpu.memory_space<vmem>>) semaphore(%arg18 : memref<!tpu.dma_semaphore, #tpu.memory_space<semaphore_mem>>)
    %dma_wait3A_424 = arith.constant 0 : i32
    %dma_wait3A_425 = arith.constant 0 : i32
    %dma_wait3A_426 = tpu.memref_slice %arg24[%dma_wait3A_424, %dma_wait3A_425] : memref<128x64xf32, #tpu.memory_space<vmem>> -> memref<128x64xf32, #tpu.memory_space<vmem>>
    %dma_wait3A_427 = arith.constant 1280 : i32
    %dma_wait3A_428 = tpu.memref_slice %arg12[%dma_wait3A_427] : memref<8224xi32, #tpu.memory_space<vmem>> -> memref<128xi32, #tpu.memory_space<vmem>>
    %dma_wait3A_429 = arith.constant 0 : i32
    %dma_wait3A_430 = arith.constant 0 : i32
    %dma_wait3A_431 = tpu.memref_slice %arg2[%dma_wait3A_429, %dma_wait3A_430] : memref<1000000x64xf32, #tpu.memory_space<hbm>> -> memref<1000000x64xf32, #tpu.memory_space<hbm>>
    tpu.wait_indirect_dma semaphore(%arg18 : memref<!tpu.dma_semaphore, #tpu.memory_space<semaphore_mem>>) src(%dma_wait3A_431 : memref<1000000x64xf32, #tpu.memory_space<hbm>>) dst(%dma_wait3A_426 : memref<128x64xf32, #tpu.memory_space<vmem>>)
    %add3A_432 = arith.constant 1280 : i32
    %add3A_433 = arith.addi %mul3A_2, %add3A_432 : i32
    %dma_start3A_434 = arith.constant 0 : i32
    %dma_start3A_435 = arith.constant 0 : i32
    %dma_start3A_436 = tpu.memref_slice %arg24[%dma_start3A_434, %dma_start3A_435] : memref<128x64xf32, #tpu.memory_space<vmem>> -> memref<128x64xf32, #tpu.memory_space<vmem>>
    %dma_start3A_437 = arith.constant 0 : i32
    %dma_start3A_438 = tpu.memref_slice %arg8[%add3A_433, %dma_start3A_437] : memref<263168x64xf32, #tpu.memory_space<hbm>> -> memref<128x64xf32, #tpu.memory_space<hbm>>
    %dma_start3A_439 = arith.constant 0 : i32
    %dma_start3A_440 = tpu.memref_slice %arg8[%add3A_433, %dma_start3A_439] : memref<263168x64xf32, #tpu.memory_space<hbm>> -> memref<128x64xf32, #tpu.memory_space<hbm>>
    %dma_start3A_441 = arith.constant 0 : i32
    %dma_start3A_442 = arith.constant 0 : i32
    %dma_start3A_443 = tpu.memref_slice %arg24[%dma_start3A_441, %dma_start3A_442] : memref<128x64xf32, #tpu.memory_space<vmem>> -> memref<128x64xf32, #tpu.memory_space<vmem>>
    tpu.enqueue_dma source(%dma_start3A_443 : memref<128x64xf32, #tpu.memory_space<vmem>>) target(%dma_start3A_440 : memref<128x64xf32, #tpu.memory_space<hbm>>) target_semaphore(%arg19 : memref<!tpu.dma_semaphore, #tpu.memory_space<semaphore_mem>>)
    %dma_wait3A_444 = arith.constant 0 : i32
    %dma_wait3A_445 = arith.constant 0 : i32
    %dma_wait3A_446 = tpu.memref_slice %arg24[%dma_wait3A_444, %dma_wait3A_445] : memref<128x64xf32, #tpu.memory_space<vmem>> -> memref<128x64xf32, #tpu.memory_space<vmem>>
    %dma_wait3A_447 = arith.constant 0 : i32
    %dma_wait3A_448 = tpu.memref_slice %arg8[%add3A_433, %dma_wait3A_447] : memref<263168x64xf32, #tpu.memory_space<hbm>> -> memref<128x64xf32, #tpu.memory_space<hbm>>
    %dma_wait3A_449 = arith.constant 0 : i32
    %dma_wait3A_450 = tpu.memref_slice %arg8[%add3A_433, %dma_wait3A_449] : memref<263168x64xf32, #tpu.memory_space<hbm>> -> memref<128x64xf32, #tpu.memory_space<hbm>>
    %dma_wait3A_451 = arith.constant 0 : i32
    %dma_wait3A_452 = arith.constant 0 : i32
    %dma_wait3A_453 = tpu.memref_slice %arg24[%dma_wait3A_451, %dma_wait3A_452] : memref<128x64xf32, #tpu.memory_space<vmem>> -> memref<128x64xf32, #tpu.memory_space<vmem>>
    tpu.wait_dma2 semaphore(%arg19 : memref<!tpu.dma_semaphore, #tpu.memory_space<semaphore_mem>>) src(%dma_wait3A_453 : memref<128x64xf32, #tpu.memory_space<vmem>>) dst(%dma_wait3A_450 : memref<128x64xf32, #tpu.memory_space<hbm>>)
    %dma_start3A_454 = arith.constant 0 : i32
    %dma_start3A_455 = arith.constant 0 : i32
    %dma_start3A_456 = tpu.memref_slice %arg24[%dma_start3A_454, %dma_start3A_455] : memref<128x64xf32, #tpu.memory_space<vmem>> -> memref<128x64xf32, #tpu.memory_space<vmem>>
    %dma_start3A_457 = arith.constant 1792 : i32
    %dma_start3A_458 = tpu.memref_slice %arg12[%dma_start3A_457] : memref<8224xi32, #tpu.memory_space<vmem>> -> memref<128xi32, #tpu.memory_space<vmem>>
    %dma_start3A_459 = arith.constant 0 : i32
    %dma_start3A_460 = arith.constant 0 : i32
    %dma_start3A_461 = tpu.memref_slice %arg2[%dma_start3A_459, %dma_start3A_460] : memref<1000000x64xf32, #tpu.memory_space<hbm>> -> memref<1000000x64xf32, #tpu.memory_space<hbm>>
    tpu.enqueue_indirect_dma source(%dma_start3A_461 : memref<1000000x64xf32, #tpu.memory_space<hbm>>) target(%dma_start3A_456 : memref<128x64xf32, #tpu.memory_space<vmem>>) offsets(%dma_start3A_458 : memref<128xi32, #tpu.memory_space<vmem>>) semaphore(%arg18 : memref<!tpu.dma_semaphore, #tpu.memory_space<semaphore_mem>>)
    %dma_wait3A_462 = arith.constant 0 : i32
    %dma_wait3A_463 = arith.constant 0 : i32
    %dma_wait3A_464 = tpu.memref_slice %arg25[%dma_wait3A_462, %dma_wait3A_463] : memref<128x64xf32, #tpu.memory_space<vmem>> -> memref<128x64xf32, #tpu.memory_space<vmem>>
    %dma_wait3A_465 = arith.constant 1408 : i32
    %dma_wait3A_466 = tpu.memref_slice %arg12[%dma_wait3A_465] : memref<8224xi32, #tpu.memory_space<vmem>> -> memref<128xi32, #tpu.memory_space<vmem>>
    %dma_wait3A_467 = arith.constant 0 : i32
    %dma_wait3A_468 = arith.constant 0 : i32
    %dma_wait3A_469 = tpu.memref_slice %arg2[%dma_wait3A_467, %dma_wait3A_468] : memref<1000000x64xf32, #tpu.memory_space<hbm>> -> memref<1000000x64xf32, #tpu.memory_space<hbm>>
    tpu.wait_indirect_dma semaphore(%arg18 : memref<!tpu.dma_semaphore, #tpu.memory_space<semaphore_mem>>) src(%dma_wait3A_469 : memref<1000000x64xf32, #tpu.memory_space<hbm>>) dst(%dma_wait3A_464 : memref<128x64xf32, #tpu.memory_space<vmem>>)
    %add3A_470 = arith.constant 1408 : i32
    %add3A_471 = arith.addi %mul3A_2, %add3A_470 : i32
    %dma_start3A_472 = arith.constant 0 : i32
    %dma_start3A_473 = arith.constant 0 : i32
    %dma_start3A_474 = tpu.memref_slice %arg25[%dma_start3A_472, %dma_start3A_473] : memref<128x64xf32, #tpu.memory_space<vmem>> -> memref<128x64xf32, #tpu.memory_space<vmem>>
    %dma_start3A_475 = arith.constant 0 : i32
    %dma_start3A_476 = tpu.memref_slice %arg8[%add3A_471, %dma_start3A_475] : memref<263168x64xf32, #tpu.memory_space<hbm>> -> memref<128x64xf32, #tpu.memory_space<hbm>>
    %dma_start3A_477 = arith.constant 0 : i32
    %dma_start3A_478 = tpu.memref_slice %arg8[%add3A_471, %dma_start3A_477] : memref<263168x64xf32, #tpu.memory_space<hbm>> -> memref<128x64xf32, #tpu.memory_space<hbm>>
    %dma_start3A_479 = arith.constant 0 : i32
    %dma_start3A_480 = arith.constant 0 : i32
    %dma_start3A_481 = tpu.memref_slice %arg25[%dma_start3A_479, %dma_start3A_480] : memref<128x64xf32, #tpu.memory_space<vmem>> -> memref<128x64xf32, #tpu.memory_space<vmem>>
    tpu.enqueue_dma source(%dma_start3A_481 : memref<128x64xf32, #tpu.memory_space<vmem>>) target(%dma_start3A_478 : memref<128x64xf32, #tpu.memory_space<hbm>>) target_semaphore(%arg19 : memref<!tpu.dma_semaphore, #tpu.memory_space<semaphore_mem>>)
    %dma_wait3A_482 = arith.constant 0 : i32
    %dma_wait3A_483 = arith.constant 0 : i32
    %dma_wait3A_484 = tpu.memref_slice %arg25[%dma_wait3A_482, %dma_wait3A_483] : memref<128x64xf32, #tpu.memory_space<vmem>> -> memref<128x64xf32, #tpu.memory_space<vmem>>
    %dma_wait3A_485 = arith.constant 0 : i32
    %dma_wait3A_486 = tpu.memref_slice %arg8[%add3A_471, %dma_wait3A_485] : memref<263168x64xf32, #tpu.memory_space<hbm>> -> memref<128x64xf32, #tpu.memory_space<hbm>>
    %dma_wait3A_487 = arith.constant 0 : i32
    %dma_wait3A_488 = tpu.memref_slice %arg8[%add3A_471, %dma_wait3A_487] : memref<263168x64xf32, #tpu.memory_space<hbm>> -> memref<128x64xf32, #tpu.memory_space<hbm>>
    %dma_wait3A_489 = arith.constant 0 : i32
    %dma_wait3A_490 = arith.constant 0 : i32
    %dma_wait3A_491 = tpu.memref_slice %arg25[%dma_wait3A_489, %dma_wait3A_490] : memref<128x64xf32, #tpu.memory_space<vmem>> -> memref<128x64xf32, #tpu.memory_space<vmem>>
    tpu.wait_dma2 semaphore(%arg19 : memref<!tpu.dma_semaphore, #tpu.memory_space<semaphore_mem>>) src(%dma_wait3A_491 : memref<128x64xf32, #tpu.memory_space<vmem>>) dst(%dma_wait3A_488 : memref<128x64xf32, #tpu.memory_space<hbm>>)
    %dma_start3A_492 = arith.constant 0 : i32
    %dma_start3A_493 = arith.constant 0 : i32
    %dma_start3A_494 = tpu.memref_slice %arg25[%dma_start3A_492, %dma_start3A_493] : memref<128x64xf32, #tpu.memory_space<vmem>> -> memref<128x64xf32, #tpu.memory_space<vmem>>
    %dma_start3A_495 = arith.constant 1920 : i32
    %dma_start3A_496 = tpu.memref_slice %arg12[%dma_start3A_495] : memref<8224xi32, #tpu.memory_space<vmem>> -> memref<128xi32, #tpu.memory_space<vmem>>
    %dma_start3A_497 = arith.constant 0 : i32
    %dma_start3A_498 = arith.constant 0 : i32
    %dma_start3A_499 = tpu.memref_slice %arg2[%dma_start3A_497, %dma_start3A_498] : memref<1000000x64xf32, #tpu.memory_space<hbm>> -> memref<1000000x64xf32, #tpu.memory_space<hbm>>
    tpu.enqueue_indirect_dma source(%dma_start3A_499 : memref<1000000x64xf32, #tpu.memory_space<hbm>>) target(%dma_start3A_494 : memref<128x64xf32, #tpu.memory_space<vmem>>) offsets(%dma_start3A_496 : memref<128xi32, #tpu.memory_space<vmem>>) semaphore(%arg18 : memref<!tpu.dma_semaphore, #tpu.memory_space<semaphore_mem>>)
    %dma_wait3A_500 = arith.constant 0 : i32
    %dma_wait3A_501 = arith.constant 0 : i32
    %dma_wait3A_502 = tpu.memref_slice %arg22[%dma_wait3A_500, %dma_wait3A_501] : memref<128x64xf32, #tpu.memory_space<vmem>> -> memref<128x64xf32, #tpu.memory_space<vmem>>
    %dma_wait3A_503 = arith.constant 1536 : i32
    %dma_wait3A_504 = tpu.memref_slice %arg12[%dma_wait3A_503] : memref<8224xi32, #tpu.memory_space<vmem>> -> memref<128xi32, #tpu.memory_space<vmem>>
    %dma_wait3A_505 = arith.constant 0 : i32
    %dma_wait3A_506 = arith.constant 0 : i32
    %dma_wait3A_507 = tpu.memref_slice %arg2[%dma_wait3A_505, %dma_wait3A_506] : memref<1000000x64xf32, #tpu.memory_space<hbm>> -> memref<1000000x64xf32, #tpu.memory_space<hbm>>
    tpu.wait_indirect_dma semaphore(%arg18 : memref<!tpu.dma_semaphore, #tpu.memory_space<semaphore_mem>>) src(%dma_wait3A_507 : memref<1000000x64xf32, #tpu.memory_space<hbm>>) dst(%dma_wait3A_502 : memref<128x64xf32, #tpu.memory_space<vmem>>)
    %add3A_508 = arith.constant 1536 : i32
    %add3A_509 = arith.addi %mul3A_2, %add3A_508 : i32
    %dma_start3A_510 = arith.constant 0 : i32
    %dma_start3A_511 = arith.constant 0 : i32
    %dma_start3A_512 = tpu.memref_slice %arg22[%dma_start3A_510, %dma_start3A_511] : memref<128x64xf32, #tpu.memory_space<vmem>> -> memref<128x64xf32, #tpu.memory_space<vmem>>
    %dma_start3A_513 = arith.constant 0 : i32
    %dma_start3A_514 = tpu.memref_slice %arg8[%add3A_509, %dma_start3A_513] : memref<263168x64xf32, #tpu.memory_space<hbm>> -> memref<128x64xf32, #tpu.memory_space<hbm>>
    %dma_start3A_515 = arith.constant 0 : i32
    %dma_start3A_516 = tpu.memref_slice %arg8[%add3A_509, %dma_start3A_515] : memref<263168x64xf32, #tpu.memory_space<hbm>> -> memref<128x64xf32, #tpu.memory_space<hbm>>
    %dma_start3A_517 = arith.constant 0 : i32
    %dma_start3A_518 = arith.constant 0 : i32
    %dma_start3A_519 = tpu.memref_slice %arg22[%dma_start3A_517, %dma_start3A_518] : memref<128x64xf32, #tpu.memory_space<vmem>> -> memref<128x64xf32, #tpu.memory_space<vmem>>
    tpu.enqueue_dma source(%dma_start3A_519 : memref<128x64xf32, #tpu.memory_space<vmem>>) target(%dma_start3A_516 : memref<128x64xf32, #tpu.memory_space<hbm>>) target_semaphore(%arg19 : memref<!tpu.dma_semaphore, #tpu.memory_space<semaphore_mem>>)
    %dma_wait3A_520 = arith.constant 0 : i32
    %dma_wait3A_521 = arith.constant 0 : i32
    %dma_wait3A_522 = tpu.memref_slice %arg22[%dma_wait3A_520, %dma_wait3A_521] : memref<128x64xf32, #tpu.memory_space<vmem>> -> memref<128x64xf32, #tpu.memory_space<vmem>>
    %dma_wait3A_523 = arith.constant 0 : i32
    %dma_wait3A_524 = tpu.memref_slice %arg8[%add3A_509, %dma_wait3A_523] : memref<263168x64xf32, #tpu.memory_space<hbm>> -> memref<128x64xf32, #tpu.memory_space<hbm>>
    %dma_wait3A_525 = arith.constant 0 : i32
    %dma_wait3A_526 = tpu.memref_slice %arg8[%add3A_509, %dma_wait3A_525] : memref<263168x64xf32, #tpu.memory_space<hbm>> -> memref<128x64xf32, #tpu.memory_space<hbm>>
    %dma_wait3A_527 = arith.constant 0 : i32
    %dma_wait3A_528 = arith.constant 0 : i32
    %dma_wait3A_529 = tpu.memref_slice %arg22[%dma_wait3A_527, %dma_wait3A_528] : memref<128x64xf32, #tpu.memory_space<vmem>> -> memref<128x64xf32, #tpu.memory_space<vmem>>
    tpu.wait_dma2 semaphore(%arg19 : memref<!tpu.dma_semaphore, #tpu.memory_space<semaphore_mem>>) src(%dma_wait3A_529 : memref<128x64xf32, #tpu.memory_space<vmem>>) dst(%dma_wait3A_526 : memref<128x64xf32, #tpu.memory_space<hbm>>)
    %dma_start3A_530 = arith.constant 0 : i32
    %dma_start3A_531 = arith.constant 0 : i32
    %dma_start3A_532 = tpu.memref_slice %arg22[%dma_start3A_530, %dma_start3A_531] : memref<128x64xf32, #tpu.memory_space<vmem>> -> memref<128x64xf32, #tpu.memory_space<vmem>>
    %dma_start3A_533 = arith.constant 2048 : i32
    %dma_start3A_534 = tpu.memref_slice %arg12[%dma_start3A_533] : memref<8224xi32, #tpu.memory_space<vmem>> -> memref<128xi32, #tpu.memory_space<vmem>>
    %dma_start3A_535 = arith.constant 0 : i32
    %dma_start3A_536 = arith.constant 0 : i32
    %dma_start3A_537 = tpu.memref_slice %arg2[%dma_start3A_535, %dma_start3A_536] : memref<1000000x64xf32, #tpu.memory_space<hbm>> -> memref<1000000x64xf32, #tpu.memory_space<hbm>>
    tpu.enqueue_indirect_dma source(%dma_start3A_537 : memref<1000000x64xf32, #tpu.memory_space<hbm>>) target(%dma_start3A_532 : memref<128x64xf32, #tpu.memory_space<vmem>>) offsets(%dma_start3A_534 : memref<128xi32, #tpu.memory_space<vmem>>) semaphore(%arg18 : memref<!tpu.dma_semaphore, #tpu.memory_space<semaphore_mem>>)
    %dma_wait3A_538 = arith.constant 0 : i32
    %dma_wait3A_539 = arith.constant 0 : i32
    %dma_wait3A_540 = tpu.memref_slice %arg23[%dma_wait3A_538, %dma_wait3A_539] : memref<128x64xf32, #tpu.memory_space<vmem>> -> memref<128x64xf32, #tpu.memory_space<vmem>>
    %dma_wait3A_541 = arith.constant 1664 : i32
    %dma_wait3A_542 = tpu.memref_slice %arg12[%dma_wait3A_541] : memref<8224xi32, #tpu.memory_space<vmem>> -> memref<128xi32, #tpu.memory_space<vmem>>
    %dma_wait3A_543 = arith.constant 0 : i32
    %dma_wait3A_544 = arith.constant 0 : i32
    %dma_wait3A_545 = tpu.memref_slice %arg2[%dma_wait3A_543, %dma_wait3A_544] : memref<1000000x64xf32, #tpu.memory_space<hbm>> -> memref<1000000x64xf32, #tpu.memory_space<hbm>>
    tpu.wait_indirect_dma semaphore(%arg18 : memref<!tpu.dma_semaphore, #tpu.memory_space<semaphore_mem>>) src(%dma_wait3A_545 : memref<1000000x64xf32, #tpu.memory_space<hbm>>) dst(%dma_wait3A_540 : memref<128x64xf32, #tpu.memory_space<vmem>>)
    %add3A_546 = arith.constant 1664 : i32
    %add3A_547 = arith.addi %mul3A_2, %add3A_546 : i32
    %dma_start3A_548 = arith.constant 0 : i32
    %dma_start3A_549 = arith.constant 0 : i32
    %dma_start3A_550 = tpu.memref_slice %arg23[%dma_start3A_548, %dma_start3A_549] : memref<128x64xf32, #tpu.memory_space<vmem>> -> memref<128x64xf32, #tpu.memory_space<vmem>>
    %dma_start3A_551 = arith.constant 0 : i32
    %dma_start3A_552 = tpu.memref_slice %arg8[%add3A_547, %dma_start3A_551] : memref<263168x64xf32, #tpu.memory_space<hbm>> -> memref<128x64xf32, #tpu.memory_space<hbm>>
    %dma_start3A_553 = arith.constant 0 : i32
    %dma_start3A_554 = tpu.memref_slice %arg8[%add3A_547, %dma_start3A_553] : memref<263168x64xf32, #tpu.memory_space<hbm>> -> memref<128x64xf32, #tpu.memory_space<hbm>>
    %dma_start3A_555 = arith.constant 0 : i32
    %dma_start3A_556 = arith.constant 0 : i32
    %dma_start3A_557 = tpu.memref_slice %arg23[%dma_start3A_555, %dma_start3A_556] : memref<128x64xf32, #tpu.memory_space<vmem>> -> memref<128x64xf32, #tpu.memory_space<vmem>>
    tpu.enqueue_dma source(%dma_start3A_557 : memref<128x64xf32, #tpu.memory_space<vmem>>) target(%dma_start3A_554 : memref<128x64xf32, #tpu.memory_space<hbm>>) target_semaphore(%arg19 : memref<!tpu.dma_semaphore, #tpu.memory_space<semaphore_mem>>)
    %dma_wait3A_558 = arith.constant 0 : i32
    %dma_wait3A_559 = arith.constant 0 : i32
    %dma_wait3A_560 = tpu.memref_slice %arg23[%dma_wait3A_558, %dma_wait3A_559] : memref<128x64xf32, #tpu.memory_space<vmem>> -> memref<128x64xf32, #tpu.memory_space<vmem>>
    %dma_wait3A_561 = arith.constant 0 : i32
    %dma_wait3A_562 = tpu.memref_slice %arg8[%add3A_547, %dma_wait3A_561] : memref<263168x64xf32, #tpu.memory_space<hbm>> -> memref<128x64xf32, #tpu.memory_space<hbm>>
    %dma_wait3A_563 = arith.constant 0 : i32
    %dma_wait3A_564 = tpu.memref_slice %arg8[%add3A_547, %dma_wait3A_563] : memref<263168x64xf32, #tpu.memory_space<hbm>> -> memref<128x64xf32, #tpu.memory_space<hbm>>
    %dma_wait3A_565 = arith.constant 0 : i32
    %dma_wait3A_566 = arith.constant 0 : i32
    %dma_wait3A_567 = tpu.memref_slice %arg23[%dma_wait3A_565, %dma_wait3A_566] : memref<128x64xf32, #tpu.memory_space<vmem>> -> memref<128x64xf32, #tpu.memory_space<vmem>>
    tpu.wait_dma2 semaphore(%arg19 : memref<!tpu.dma_semaphore, #tpu.memory_space<semaphore_mem>>) src(%dma_wait3A_567 : memref<128x64xf32, #tpu.memory_space<vmem>>) dst(%dma_wait3A_564 : memref<128x64xf32, #tpu.memory_space<hbm>>)
    %dma_start3A_568 = arith.constant 0 : i32
    %dma_start3A_569 = arith.constant 0 : i32
    %dma_start3A_570 = tpu.memref_slice %arg23[%dma_start3A_568, %dma_start3A_569] : memref<128x64xf32, #tpu.memory_space<vmem>> -> memref<128x64xf32, #tpu.memory_space<vmem>>
    %dma_start3A_571 = arith.constant 2176 : i32
    %dma_start3A_572 = tpu.memref_slice %arg12[%dma_start3A_571] : memref<8224xi32, #tpu.memory_space<vmem>> -> memref<128xi32, #tpu.memory_space<vmem>>
    %dma_start3A_573 = arith.constant 0 : i32
    %dma_start3A_574 = arith.constant 0 : i32
    %dma_start3A_575 = tpu.memref_slice %arg2[%dma_start3A_573, %dma_start3A_574] : memref<1000000x64xf32, #tpu.memory_space<hbm>> -> memref<1000000x64xf32, #tpu.memory_space<hbm>>
    tpu.enqueue_indirect_dma source(%dma_start3A_575 : memref<1000000x64xf32, #tpu.memory_space<hbm>>) target(%dma_start3A_570 : memref<128x64xf32, #tpu.memory_space<vmem>>) offsets(%dma_start3A_572 : memref<128xi32, #tpu.memory_space<vmem>>) semaphore(%arg18 : memref<!tpu.dma_semaphore, #tpu.memory_space<semaphore_mem>>)
    %dma_wait3A_576 = arith.constant 0 : i32
    %dma_wait3A_577 = arith.constant 0 : i32
    %dma_wait3A_578 = tpu.memref_slice %arg24[%dma_wait3A_576, %dma_wait3A_577] : memref<128x64xf32, #tpu.memory_space<vmem>> -> memref<128x64xf32, #tpu.memory_space<vmem>>
    %dma_wait3A_579 = arith.constant 1792 : i32
    %dma_wait3A_580 = tpu.memref_slice %arg12[%dma_wait3A_579] : memref<8224xi32, #tpu.memory_space<vmem>> -> memref<128xi32, #tpu.memory_space<vmem>>
    %dma_wait3A_581 = arith.constant 0 : i32
    %dma_wait3A_582 = arith.constant 0 : i32
    %dma_wait3A_583 = tpu.memref_slice %arg2[%dma_wait3A_581, %dma_wait3A_582] : memref<1000000x64xf32, #tpu.memory_space<hbm>> -> memref<1000000x64xf32, #tpu.memory_space<hbm>>
    tpu.wait_indirect_dma semaphore(%arg18 : memref<!tpu.dma_semaphore, #tpu.memory_space<semaphore_mem>>) src(%dma_wait3A_583 : memref<1000000x64xf32, #tpu.memory_space<hbm>>) dst(%dma_wait3A_578 : memref<128x64xf32, #tpu.memory_space<vmem>>)
    %add3A_584 = arith.constant 1792 : i32
    %add3A_585 = arith.addi %mul3A_2, %add3A_584 : i32
    %dma_start3A_586 = arith.constant 0 : i32
    %dma_start3A_587 = arith.constant 0 : i32
    %dma_start3A_588 = tpu.memref_slice %arg24[%dma_start3A_586, %dma_start3A_587] : memref<128x64xf32, #tpu.memory_space<vmem>> -> memref<128x64xf32, #tpu.memory_space<vmem>>
    %dma_start3A_589 = arith.constant 0 : i32
    %dma_start3A_590 = tpu.memref_slice %arg8[%add3A_585, %dma_start3A_589] : memref<263168x64xf32, #tpu.memory_space<hbm>> -> memref<128x64xf32, #tpu.memory_space<hbm>>
    %dma_start3A_591 = arith.constant 0 : i32
    %dma_start3A_592 = tpu.memref_slice %arg8[%add3A_585, %dma_start3A_591] : memref<263168x64xf32, #tpu.memory_space<hbm>> -> memref<128x64xf32, #tpu.memory_space<hbm>>
    %dma_start3A_593 = arith.constant 0 : i32
    %dma_start3A_594 = arith.constant 0 : i32
    %dma_start3A_595 = tpu.memref_slice %arg24[%dma_start3A_593, %dma_start3A_594] : memref<128x64xf32, #tpu.memory_space<vmem>> -> memref<128x64xf32, #tpu.memory_space<vmem>>
    tpu.enqueue_dma source(%dma_start3A_595 : memref<128x64xf32, #tpu.memory_space<vmem>>) target(%dma_start3A_592 : memref<128x64xf32, #tpu.memory_space<hbm>>) target_semaphore(%arg19 : memref<!tpu.dma_semaphore, #tpu.memory_space<semaphore_mem>>)
    %dma_wait3A_596 = arith.constant 0 : i32
    %dma_wait3A_597 = arith.constant 0 : i32
    %dma_wait3A_598 = tpu.memref_slice %arg24[%dma_wait3A_596, %dma_wait3A_597] : memref<128x64xf32, #tpu.memory_space<vmem>> -> memref<128x64xf32, #tpu.memory_space<vmem>>
    %dma_wait3A_599 = arith.constant 0 : i32
    %dma_wait3A_600 = tpu.memref_slice %arg8[%add3A_585, %dma_wait3A_599] : memref<263168x64xf32, #tpu.memory_space<hbm>> -> memref<128x64xf32, #tpu.memory_space<hbm>>
    %dma_wait3A_601 = arith.constant 0 : i32
    %dma_wait3A_602 = tpu.memref_slice %arg8[%add3A_585, %dma_wait3A_601] : memref<263168x64xf32, #tpu.memory_space<hbm>> -> memref<128x64xf32, #tpu.memory_space<hbm>>
    %dma_wait3A_603 = arith.constant 0 : i32
    %dma_wait3A_604 = arith.constant 0 : i32
    %dma_wait3A_605 = tpu.memref_slice %arg24[%dma_wait3A_603, %dma_wait3A_604] : memref<128x64xf32, #tpu.memory_space<vmem>> -> memref<128x64xf32, #tpu.memory_space<vmem>>
    tpu.wait_dma2 semaphore(%arg19 : memref<!tpu.dma_semaphore, #tpu.memory_space<semaphore_mem>>) src(%dma_wait3A_605 : memref<128x64xf32, #tpu.memory_space<vmem>>) dst(%dma_wait3A_602 : memref<128x64xf32, #tpu.memory_space<hbm>>)
    %dma_start3A_606 = arith.constant 0 : i32
    %dma_start3A_607 = arith.constant 0 : i32
    %dma_start3A_608 = tpu.memref_slice %arg24[%dma_start3A_606, %dma_start3A_607] : memref<128x64xf32, #tpu.memory_space<vmem>> -> memref<128x64xf32, #tpu.memory_space<vmem>>
    %dma_start3A_609 = arith.constant 2304 : i32
    %dma_start3A_610 = tpu.memref_slice %arg12[%dma_start3A_609] : memref<8224xi32, #tpu.memory_space<vmem>> -> memref<128xi32, #tpu.memory_space<vmem>>
    %dma_start3A_611 = arith.constant 0 : i32
    %dma_start3A_612 = arith.constant 0 : i32
    %dma_start3A_613 = tpu.memref_slice %arg2[%dma_start3A_611, %dma_start3A_612] : memref<1000000x64xf32, #tpu.memory_space<hbm>> -> memref<1000000x64xf32, #tpu.memory_space<hbm>>
    tpu.enqueue_indirect_dma source(%dma_start3A_613 : memref<1000000x64xf32, #tpu.memory_space<hbm>>) target(%dma_start3A_608 : memref<128x64xf32, #tpu.memory_space<vmem>>) offsets(%dma_start3A_610 : memref<128xi32, #tpu.memory_space<vmem>>) semaphore(%arg18 : memref<!tpu.dma_semaphore, #tpu.memory_space<semaphore_mem>>)
    %dma_wait3A_614 = arith.constant 0 : i32
    %dma_wait3A_615 = arith.constant 0 : i32
    %dma_wait3A_616 = tpu.memref_slice %arg25[%dma_wait3A_614, %dma_wait3A_615] : memref<128x64xf32, #tpu.memory_space<vmem>> -> memref<128x64xf32, #tpu.memory_space<vmem>>
    %dma_wait3A_617 = arith.constant 1920 : i32
    %dma_wait3A_618 = tpu.memref_slice %arg12[%dma_wait3A_617] : memref<8224xi32, #tpu.memory_space<vmem>> -> memref<128xi32, #tpu.memory_space<vmem>>
    %dma_wait3A_619 = arith.constant 0 : i32
    %dma_wait3A_620 = arith.constant 0 : i32
    %dma_wait3A_621 = tpu.memref_slice %arg2[%dma_wait3A_619, %dma_wait3A_620] : memref<1000000x64xf32, #tpu.memory_space<hbm>> -> memref<1000000x64xf32, #tpu.memory_space<hbm>>
    tpu.wait_indirect_dma semaphore(%arg18 : memref<!tpu.dma_semaphore, #tpu.memory_space<semaphore_mem>>) src(%dma_wait3A_621 : memref<1000000x64xf32, #tpu.memory_space<hbm>>) dst(%dma_wait3A_616 : memref<128x64xf32, #tpu.memory_space<vmem>>)
    %add3A_622 = arith.constant 1920 : i32
    %add3A_623 = arith.addi %mul3A_2, %add3A_622 : i32
    %dma_start3A_624 = arith.constant 0 : i32
    %dma_start3A_625 = arith.constant 0 : i32
    %dma_start3A_626 = tpu.memref_slice %arg25[%dma_start3A_624, %dma_start3A_625] : memref<128x64xf32, #tpu.memory_space<vmem>> -> memref<128x64xf32, #tpu.memory_space<vmem>>
    %dma_start3A_627 = arith.constant 0 : i32
    %dma_start3A_628 = tpu.memref_slice %arg8[%add3A_623, %dma_start3A_627] : memref<263168x64xf32, #tpu.memory_space<hbm>> -> memref<128x64xf32, #tpu.memory_space<hbm>>
    %dma_start3A_629 = arith.constant 0 : i32
    %dma_start3A_630 = tpu.memref_slice %arg8[%add3A_623, %dma_start3A_629] : memref<263168x64xf32, #tpu.memory_space<hbm>> -> memref<128x64xf32, #tpu.memory_space<hbm>>
    %dma_start3A_631 = arith.constant 0 : i32
    %dma_start3A_632 = arith.constant 0 : i32
    %dma_start3A_633 = tpu.memref_slice %arg25[%dma_start3A_631, %dma_start3A_632] : memref<128x64xf32, #tpu.memory_space<vmem>> -> memref<128x64xf32, #tpu.memory_space<vmem>>
    tpu.enqueue_dma source(%dma_start3A_633 : memref<128x64xf32, #tpu.memory_space<vmem>>) target(%dma_start3A_630 : memref<128x64xf32, #tpu.memory_space<hbm>>) target_semaphore(%arg19 : memref<!tpu.dma_semaphore, #tpu.memory_space<semaphore_mem>>)
    %dma_wait3A_634 = arith.constant 0 : i32
    %dma_wait3A_635 = arith.constant 0 : i32
    %dma_wait3A_636 = tpu.memref_slice %arg25[%dma_wait3A_634, %dma_wait3A_635] : memref<128x64xf32, #tpu.memory_space<vmem>> -> memref<128x64xf32, #tpu.memory_space<vmem>>
    %dma_wait3A_637 = arith.constant 0 : i32
    %dma_wait3A_638 = tpu.memref_slice %arg8[%add3A_623, %dma_wait3A_637] : memref<263168x64xf32, #tpu.memory_space<hbm>> -> memref<128x64xf32, #tpu.memory_space<hbm>>
    %dma_wait3A_639 = arith.constant 0 : i32
    %dma_wait3A_640 = tpu.memref_slice %arg8[%add3A_623, %dma_wait3A_639] : memref<263168x64xf32, #tpu.memory_space<hbm>> -> memref<128x64xf32, #tpu.memory_space<hbm>>
    %dma_wait3A_641 = arith.constant 0 : i32
    %dma_wait3A_642 = arith.constant 0 : i32
    %dma_wait3A_643 = tpu.memref_slice %arg25[%dma_wait3A_641, %dma_wait3A_642] : memref<128x64xf32, #tpu.memory_space<vmem>> -> memref<128x64xf32, #tpu.memory_space<vmem>>
    tpu.wait_dma2 semaphore(%arg19 : memref<!tpu.dma_semaphore, #tpu.memory_space<semaphore_mem>>) src(%dma_wait3A_643 : memref<128x64xf32, #tpu.memory_space<vmem>>) dst(%dma_wait3A_640 : memref<128x64xf32, #tpu.memory_space<hbm>>)
    %dma_start3A_644 = arith.constant 0 : i32
    %dma_start3A_645 = arith.constant 0 : i32
    %dma_start3A_646 = tpu.memref_slice %arg25[%dma_start3A_644, %dma_start3A_645] : memref<128x64xf32, #tpu.memory_space<vmem>> -> memref<128x64xf32, #tpu.memory_space<vmem>>
    %dma_start3A_647 = arith.constant 2432 : i32
    %dma_start3A_648 = tpu.memref_slice %arg12[%dma_start3A_647] : memref<8224xi32, #tpu.memory_space<vmem>> -> memref<128xi32, #tpu.memory_space<vmem>>
    %dma_start3A_649 = arith.constant 0 : i32
    %dma_start3A_650 = arith.constant 0 : i32
    %dma_start3A_651 = tpu.memref_slice %arg2[%dma_start3A_649, %dma_start3A_650] : memref<1000000x64xf32, #tpu.memory_space<hbm>> -> memref<1000000x64xf32, #tpu.memory_space<hbm>>
    tpu.enqueue_indirect_dma source(%dma_start3A_651 : memref<1000000x64xf32, #tpu.memory_space<hbm>>) target(%dma_start3A_646 : memref<128x64xf32, #tpu.memory_space<vmem>>) offsets(%dma_start3A_648 : memref<128xi32, #tpu.memory_space<vmem>>) semaphore(%arg18 : memref<!tpu.dma_semaphore, #tpu.memory_space<semaphore_mem>>)
    %dma_wait3A_652 = arith.constant 0 : i32
    %dma_wait3A_653 = arith.constant 0 : i32
    %dma_wait3A_654 = tpu.memref_slice %arg22[%dma_wait3A_652, %dma_wait3A_653] : memref<128x64xf32, #tpu.memory_space<vmem>> -> memref<128x64xf32, #tpu.memory_space<vmem>>
    %dma_wait3A_655 = arith.constant 2048 : i32
    %dma_wait3A_656 = tpu.memref_slice %arg12[%dma_wait3A_655] : memref<8224xi32, #tpu.memory_space<vmem>> -> memref<128xi32, #tpu.memory_space<vmem>>
    %dma_wait3A_657 = arith.constant 0 : i32
    %dma_wait3A_658 = arith.constant 0 : i32
    %dma_wait3A_659 = tpu.memref_slice %arg2[%dma_wait3A_657, %dma_wait3A_658] : memref<1000000x64xf32, #tpu.memory_space<hbm>> -> memref<1000000x64xf32, #tpu.memory_space<hbm>>
    tpu.wait_indirect_dma semaphore(%arg18 : memref<!tpu.dma_semaphore, #tpu.memory_space<semaphore_mem>>) src(%dma_wait3A_659 : memref<1000000x64xf32, #tpu.memory_space<hbm>>) dst(%dma_wait3A_654 : memref<128x64xf32, #tpu.memory_space<vmem>>)
    %add3A_660 = arith.constant 2048 : i32
    %add3A_661 = arith.addi %mul3A_2, %add3A_660 : i32
    %dma_start3A_662 = arith.constant 0 : i32
    %dma_start3A_663 = arith.constant 0 : i32
    %dma_start3A_664 = tpu.memref_slice %arg22[%dma_start3A_662, %dma_start3A_663] : memref<128x64xf32, #tpu.memory_space<vmem>> -> memref<128x64xf32, #tpu.memory_space<vmem>>
    %dma_start3A_665 = arith.constant 0 : i32
    %dma_start3A_666 = tpu.memref_slice %arg8[%add3A_661, %dma_start3A_665] : memref<263168x64xf32, #tpu.memory_space<hbm>> -> memref<128x64xf32, #tpu.memory_space<hbm>>
    %dma_start3A_667 = arith.constant 0 : i32
    %dma_start3A_668 = tpu.memref_slice %arg8[%add3A_661, %dma_start3A_667] : memref<263168x64xf32, #tpu.memory_space<hbm>> -> memref<128x64xf32, #tpu.memory_space<hbm>>
    %dma_start3A_669 = arith.constant 0 : i32
    %dma_start3A_670 = arith.constant 0 : i32
    %dma_start3A_671 = tpu.memref_slice %arg22[%dma_start3A_669, %dma_start3A_670] : memref<128x64xf32, #tpu.memory_space<vmem>> -> memref<128x64xf32, #tpu.memory_space<vmem>>
    tpu.enqueue_dma source(%dma_start3A_671 : memref<128x64xf32, #tpu.memory_space<vmem>>) target(%dma_start3A_668 : memref<128x64xf32, #tpu.memory_space<hbm>>) target_semaphore(%arg19 : memref<!tpu.dma_semaphore, #tpu.memory_space<semaphore_mem>>)
    %dma_wait3A_672 = arith.constant 0 : i32
    %dma_wait3A_673 = arith.constant 0 : i32
    %dma_wait3A_674 = tpu.memref_slice %arg22[%dma_wait3A_672, %dma_wait3A_673] : memref<128x64xf32, #tpu.memory_space<vmem>> -> memref<128x64xf32, #tpu.memory_space<vmem>>
    %dma_wait3A_675 = arith.constant 0 : i32
    %dma_wait3A_676 = tpu.memref_slice %arg8[%add3A_661, %dma_wait3A_675] : memref<263168x64xf32, #tpu.memory_space<hbm>> -> memref<128x64xf32, #tpu.memory_space<hbm>>
    %dma_wait3A_677 = arith.constant 0 : i32
    %dma_wait3A_678 = tpu.memref_slice %arg8[%add3A_661, %dma_wait3A_677] : memref<263168x64xf32, #tpu.memory_space<hbm>> -> memref<128x64xf32, #tpu.memory_space<hbm>>
    %dma_wait3A_679 = arith.constant 0 : i32
    %dma_wait3A_680 = arith.constant 0 : i32
    %dma_wait3A_681 = tpu.memref_slice %arg22[%dma_wait3A_679, %dma_wait3A_680] : memref<128x64xf32, #tpu.memory_space<vmem>> -> memref<128x64xf32, #tpu.memory_space<vmem>>
    tpu.wait_dma2 semaphore(%arg19 : memref<!tpu.dma_semaphore, #tpu.memory_space<semaphore_mem>>) src(%dma_wait3A_681 : memref<128x64xf32, #tpu.memory_space<vmem>>) dst(%dma_wait3A_678 : memref<128x64xf32, #tpu.memory_space<hbm>>)
    %dma_start3A_682 = arith.constant 0 : i32
    %dma_start3A_683 = arith.constant 0 : i32
    %dma_start3A_684 = tpu.memref_slice %arg22[%dma_start3A_682, %dma_start3A_683] : memref<128x64xf32, #tpu.memory_space<vmem>> -> memref<128x64xf32, #tpu.memory_space<vmem>>
    %dma_start3A_685 = arith.constant 2560 : i32
    %dma_start3A_686 = tpu.memref_slice %arg12[%dma_start3A_685] : memref<8224xi32, #tpu.memory_space<vmem>> -> memref<128xi32, #tpu.memory_space<vmem>>
    %dma_start3A_687 = arith.constant 0 : i32
    %dma_start3A_688 = arith.constant 0 : i32
    %dma_start3A_689 = tpu.memref_slice %arg2[%dma_start3A_687, %dma_start3A_688] : memref<1000000x64xf32, #tpu.memory_space<hbm>> -> memref<1000000x64xf32, #tpu.memory_space<hbm>>
    tpu.enqueue_indirect_dma source(%dma_start3A_689 : memref<1000000x64xf32, #tpu.memory_space<hbm>>) target(%dma_start3A_684 : memref<128x64xf32, #tpu.memory_space<vmem>>) offsets(%dma_start3A_686 : memref<128xi32, #tpu.memory_space<vmem>>) semaphore(%arg18 : memref<!tpu.dma_semaphore, #tpu.memory_space<semaphore_mem>>)
    %dma_wait3A_690 = arith.constant 0 : i32
    %dma_wait3A_691 = arith.constant 0 : i32
    %dma_wait3A_692 = tpu.memref_slice %arg23[%dma_wait3A_690, %dma_wait3A_691] : memref<128x64xf32, #tpu.memory_space<vmem>> -> memref<128x64xf32, #tpu.memory_space<vmem>>
    %dma_wait3A_693 = arith.constant 2176 : i32
    %dma_wait3A_694 = tpu.memref_slice %arg12[%dma_wait3A_693] : memref<8224xi32, #tpu.memory_space<vmem>> -> memref<128xi32, #tpu.memory_space<vmem>>
    %dma_wait3A_695 = arith.constant 0 : i32
    %dma_wait3A_696 = arith.constant 0 : i32
    %dma_wait3A_697 = tpu.memref_slice %arg2[%dma_wait3A_695, %dma_wait3A_696] : memref<1000000x64xf32, #tpu.memory_space<hbm>> -> memref<1000000x64xf32, #tpu.memory_space<hbm>>
    tpu.wait_indirect_dma semaphore(%arg18 : memref<!tpu.dma_semaphore, #tpu.memory_space<semaphore_mem>>) src(%dma_wait3A_697 : memref<1000000x64xf32, #tpu.memory_space<hbm>>) dst(%dma_wait3A_692 : memref<128x64xf32, #tpu.memory_space<vmem>>)
    %add3A_698 = arith.constant 2176 : i32
    %add3A_699 = arith.addi %mul3A_2, %add3A_698 : i32
    %dma_start3A_700 = arith.constant 0 : i32
    %dma_start3A_701 = arith.constant 0 : i32
    %dma_start3A_702 = tpu.memref_slice %arg23[%dma_start3A_700, %dma_start3A_701] : memref<128x64xf32, #tpu.memory_space<vmem>> -> memref<128x64xf32, #tpu.memory_space<vmem>>
    %dma_start3A_703 = arith.constant 0 : i32
    %dma_start3A_704 = tpu.memref_slice %arg8[%add3A_699, %dma_start3A_703] : memref<263168x64xf32, #tpu.memory_space<hbm>> -> memref<128x64xf32, #tpu.memory_space<hbm>>
    %dma_start3A_705 = arith.constant 0 : i32
    %dma_start3A_706 = tpu.memref_slice %arg8[%add3A_699, %dma_start3A_705] : memref<263168x64xf32, #tpu.memory_space<hbm>> -> memref<128x64xf32, #tpu.memory_space<hbm>>
    %dma_start3A_707 = arith.constant 0 : i32
    %dma_start3A_708 = arith.constant 0 : i32
    %dma_start3A_709 = tpu.memref_slice %arg23[%dma_start3A_707, %dma_start3A_708] : memref<128x64xf32, #tpu.memory_space<vmem>> -> memref<128x64xf32, #tpu.memory_space<vmem>>
    tpu.enqueue_dma source(%dma_start3A_709 : memref<128x64xf32, #tpu.memory_space<vmem>>) target(%dma_start3A_706 : memref<128x64xf32, #tpu.memory_space<hbm>>) target_semaphore(%arg19 : memref<!tpu.dma_semaphore, #tpu.memory_space<semaphore_mem>>)
    %dma_wait3A_710 = arith.constant 0 : i32
    %dma_wait3A_711 = arith.constant 0 : i32
    %dma_wait3A_712 = tpu.memref_slice %arg23[%dma_wait3A_710, %dma_wait3A_711] : memref<128x64xf32, #tpu.memory_space<vmem>> -> memref<128x64xf32, #tpu.memory_space<vmem>>
    %dma_wait3A_713 = arith.constant 0 : i32
    %dma_wait3A_714 = tpu.memref_slice %arg8[%add3A_699, %dma_wait3A_713] : memref<263168x64xf32, #tpu.memory_space<hbm>> -> memref<128x64xf32, #tpu.memory_space<hbm>>
    %dma_wait3A_715 = arith.constant 0 : i32
    %dma_wait3A_716 = tpu.memref_slice %arg8[%add3A_699, %dma_wait3A_715] : memref<263168x64xf32, #tpu.memory_space<hbm>> -> memref<128x64xf32, #tpu.memory_space<hbm>>
    %dma_wait3A_717 = arith.constant 0 : i32
    %dma_wait3A_718 = arith.constant 0 : i32
    %dma_wait3A_719 = tpu.memref_slice %arg23[%dma_wait3A_717, %dma_wait3A_718] : memref<128x64xf32, #tpu.memory_space<vmem>> -> memref<128x64xf32, #tpu.memory_space<vmem>>
    tpu.wait_dma2 semaphore(%arg19 : memref<!tpu.dma_semaphore, #tpu.memory_space<semaphore_mem>>) src(%dma_wait3A_719 : memref<128x64xf32, #tpu.memory_space<vmem>>) dst(%dma_wait3A_716 : memref<128x64xf32, #tpu.memory_space<hbm>>)
    %dma_start3A_720 = arith.constant 0 : i32
    %dma_start3A_721 = arith.constant 0 : i32
    %dma_start3A_722 = tpu.memref_slice %arg23[%dma_start3A_720, %dma_start3A_721] : memref<128x64xf32, #tpu.memory_space<vmem>> -> memref<128x64xf32, #tpu.memory_space<vmem>>
    %dma_start3A_723 = arith.constant 2688 : i32
    %dma_start3A_724 = tpu.memref_slice %arg12[%dma_start3A_723] : memref<8224xi32, #tpu.memory_space<vmem>> -> memref<128xi32, #tpu.memory_space<vmem>>
    %dma_start3A_725 = arith.constant 0 : i32
    %dma_start3A_726 = arith.constant 0 : i32
    %dma_start3A_727 = tpu.memref_slice %arg2[%dma_start3A_725, %dma_start3A_726] : memref<1000000x64xf32, #tpu.memory_space<hbm>> -> memref<1000000x64xf32, #tpu.memory_space<hbm>>
    tpu.enqueue_indirect_dma source(%dma_start3A_727 : memref<1000000x64xf32, #tpu.memory_space<hbm>>) target(%dma_start3A_722 : memref<128x64xf32, #tpu.memory_space<vmem>>) offsets(%dma_start3A_724 : memref<128xi32, #tpu.memory_space<vmem>>) semaphore(%arg18 : memref<!tpu.dma_semaphore, #tpu.memory_space<semaphore_mem>>)
    %dma_wait3A_728 = arith.constant 0 : i32
    %dma_wait3A_729 = arith.constant 0 : i32
    %dma_wait3A_730 = tpu.memref_slice %arg24[%dma_wait3A_728, %dma_wait3A_729] : memref<128x64xf32, #tpu.memory_space<vmem>> -> memref<128x64xf32, #tpu.memory_space<vmem>>
    %dma_wait3A_731 = arith.constant 2304 : i32
    %dma_wait3A_732 = tpu.memref_slice %arg12[%dma_wait3A_731] : memref<8224xi32, #tpu.memory_space<vmem>> -> memref<128xi32, #tpu.memory_space<vmem>>
    %dma_wait3A_733 = arith.constant 0 : i32
    %dma_wait3A_734 = arith.constant 0 : i32
    %dma_wait3A_735 = tpu.memref_slice %arg2[%dma_wait3A_733, %dma_wait3A_734] : memref<1000000x64xf32, #tpu.memory_space<hbm>> -> memref<1000000x64xf32, #tpu.memory_space<hbm>>
    tpu.wait_indirect_dma semaphore(%arg18 : memref<!tpu.dma_semaphore, #tpu.memory_space<semaphore_mem>>) src(%dma_wait3A_735 : memref<1000000x64xf32, #tpu.memory_space<hbm>>) dst(%dma_wait3A_730 : memref<128x64xf32, #tpu.memory_space<vmem>>)
    %add3A_736 = arith.constant 2304 : i32
    %add3A_737 = arith.addi %mul3A_2, %add3A_736 : i32
    %dma_start3A_738 = arith.constant 0 : i32
    %dma_start3A_739 = arith.constant 0 : i32
    %dma_start3A_740 = tpu.memref_slice %arg24[%dma_start3A_738, %dma_start3A_739] : memref<128x64xf32, #tpu.memory_space<vmem>> -> memref<128x64xf32, #tpu.memory_space<vmem>>
    %dma_start3A_741 = arith.constant 0 : i32
    %dma_start3A_742 = tpu.memref_slice %arg8[%add3A_737, %dma_start3A_741] : memref<263168x64xf32, #tpu.memory_space<hbm>> -> memref<128x64xf32, #tpu.memory_space<hbm>>
    %dma_start3A_743 = arith.constant 0 : i32
    %dma_start3A_744 = tpu.memref_slice %arg8[%add3A_737, %dma_start3A_743] : memref<263168x64xf32, #tpu.memory_space<hbm>> -> memref<128x64xf32, #tpu.memory_space<hbm>>
    %dma_start3A_745 = arith.constant 0 : i32
    %dma_start3A_746 = arith.constant 0 : i32
    %dma_start3A_747 = tpu.memref_slice %arg24[%dma_start3A_745, %dma_start3A_746] : memref<128x64xf32, #tpu.memory_space<vmem>> -> memref<128x64xf32, #tpu.memory_space<vmem>>
    tpu.enqueue_dma source(%dma_start3A_747 : memref<128x64xf32, #tpu.memory_space<vmem>>) target(%dma_start3A_744 : memref<128x64xf32, #tpu.memory_space<hbm>>) target_semaphore(%arg19 : memref<!tpu.dma_semaphore, #tpu.memory_space<semaphore_mem>>)
    %dma_wait3A_748 = arith.constant 0 : i32
    %dma_wait3A_749 = arith.constant 0 : i32
    %dma_wait3A_750 = tpu.memref_slice %arg24[%dma_wait3A_748, %dma_wait3A_749] : memref<128x64xf32, #tpu.memory_space<vmem>> -> memref<128x64xf32, #tpu.memory_space<vmem>>
    %dma_wait3A_751 = arith.constant 0 : i32
    %dma_wait3A_752 = tpu.memref_slice %arg8[%add3A_737, %dma_wait3A_751] : memref<263168x64xf32, #tpu.memory_space<hbm>> -> memref<128x64xf32, #tpu.memory_space<hbm>>
    %dma_wait3A_753 = arith.constant 0 : i32
    %dma_wait3A_754 = tpu.memref_slice %arg8[%add3A_737, %dma_wait3A_753] : memref<263168x64xf32, #tpu.memory_space<hbm>> -> memref<128x64xf32, #tpu.memory_space<hbm>>
    %dma_wait3A_755 = arith.constant 0 : i32
    %dma_wait3A_756 = arith.constant 0 : i32
    %dma_wait3A_757 = tpu.memref_slice %arg24[%dma_wait3A_755, %dma_wait3A_756] : memref<128x64xf32, #tpu.memory_space<vmem>> -> memref<128x64xf32, #tpu.memory_space<vmem>>
    tpu.wait_dma2 semaphore(%arg19 : memref<!tpu.dma_semaphore, #tpu.memory_space<semaphore_mem>>) src(%dma_wait3A_757 : memref<128x64xf32, #tpu.memory_space<vmem>>) dst(%dma_wait3A_754 : memref<128x64xf32, #tpu.memory_space<hbm>>)
    %dma_start3A_758 = arith.constant 0 : i32
    %dma_start3A_759 = arith.constant 0 : i32
    %dma_start3A_760 = tpu.memref_slice %arg24[%dma_start3A_758, %dma_start3A_759] : memref<128x64xf32, #tpu.memory_space<vmem>> -> memref<128x64xf32, #tpu.memory_space<vmem>>
    %dma_start3A_761 = arith.constant 2816 : i32
    %dma_start3A_762 = tpu.memref_slice %arg12[%dma_start3A_761] : memref<8224xi32, #tpu.memory_space<vmem>> -> memref<128xi32, #tpu.memory_space<vmem>>
    %dma_start3A_763 = arith.constant 0 : i32
    %dma_start3A_764 = arith.constant 0 : i32
    %dma_start3A_765 = tpu.memref_slice %arg2[%dma_start3A_763, %dma_start3A_764] : memref<1000000x64xf32, #tpu.memory_space<hbm>> -> memref<1000000x64xf32, #tpu.memory_space<hbm>>
    tpu.enqueue_indirect_dma source(%dma_start3A_765 : memref<1000000x64xf32, #tpu.memory_space<hbm>>) target(%dma_start3A_760 : memref<128x64xf32, #tpu.memory_space<vmem>>) offsets(%dma_start3A_762 : memref<128xi32, #tpu.memory_space<vmem>>) semaphore(%arg18 : memref<!tpu.dma_semaphore, #tpu.memory_space<semaphore_mem>>)
    %dma_wait3A_766 = arith.constant 0 : i32
    %dma_wait3A_767 = arith.constant 0 : i32
    %dma_wait3A_768 = tpu.memref_slice %arg25[%dma_wait3A_766, %dma_wait3A_767] : memref<128x64xf32, #tpu.memory_space<vmem>> -> memref<128x64xf32, #tpu.memory_space<vmem>>
    %dma_wait3A_769 = arith.constant 2432 : i32
    %dma_wait3A_770 = tpu.memref_slice %arg12[%dma_wait3A_769] : memref<8224xi32, #tpu.memory_space<vmem>> -> memref<128xi32, #tpu.memory_space<vmem>>
    %dma_wait3A_771 = arith.constant 0 : i32
    %dma_wait3A_772 = arith.constant 0 : i32
    %dma_wait3A_773 = tpu.memref_slice %arg2[%dma_wait3A_771, %dma_wait3A_772] : memref<1000000x64xf32, #tpu.memory_space<hbm>> -> memref<1000000x64xf32, #tpu.memory_space<hbm>>
    tpu.wait_indirect_dma semaphore(%arg18 : memref<!tpu.dma_semaphore, #tpu.memory_space<semaphore_mem>>) src(%dma_wait3A_773 : memref<1000000x64xf32, #tpu.memory_space<hbm>>) dst(%dma_wait3A_768 : memref<128x64xf32, #tpu.memory_space<vmem>>)
    %add3A_774 = arith.constant 2432 : i32
    %add3A_775 = arith.addi %mul3A_2, %add3A_774 : i32
    %dma_start3A_776 = arith.constant 0 : i32
    %dma_start3A_777 = arith.constant 0 : i32
    %dma_start3A_778 = tpu.memref_slice %arg25[%dma_start3A_776, %dma_start3A_777] : memref<128x64xf32, #tpu.memory_space<vmem>> -> memref<128x64xf32, #tpu.memory_space<vmem>>
    %dma_start3A_779 = arith.constant 0 : i32
    %dma_start3A_780 = tpu.memref_slice %arg8[%add3A_775, %dma_start3A_779] : memref<263168x64xf32, #tpu.memory_space<hbm>> -> memref<128x64xf32, #tpu.memory_space<hbm>>
    %dma_start3A_781 = arith.constant 0 : i32
    %dma_start3A_782 = tpu.memref_slice %arg8[%add3A_775, %dma_start3A_781] : memref<263168x64xf32, #tpu.memory_space<hbm>> -> memref<128x64xf32, #tpu.memory_space<hbm>>
    %dma_start3A_783 = arith.constant 0 : i32
    %dma_start3A_784 = arith.constant 0 : i32
    %dma_start3A_785 = tpu.memref_slice %arg25[%dma_start3A_783, %dma_start3A_784] : memref<128x64xf32, #tpu.memory_space<vmem>> -> memref<128x64xf32, #tpu.memory_space<vmem>>
    tpu.enqueue_dma source(%dma_start3A_785 : memref<128x64xf32, #tpu.memory_space<vmem>>) target(%dma_start3A_782 : memref<128x64xf32, #tpu.memory_space<hbm>>) target_semaphore(%arg19 : memref<!tpu.dma_semaphore, #tpu.memory_space<semaphore_mem>>)
    %dma_wait3A_786 = arith.constant 0 : i32
    %dma_wait3A_787 = arith.constant 0 : i32
    %dma_wait3A_788 = tpu.memref_slice %arg25[%dma_wait3A_786, %dma_wait3A_787] : memref<128x64xf32, #tpu.memory_space<vmem>> -> memref<128x64xf32, #tpu.memory_space<vmem>>
    %dma_wait3A_789 = arith.constant 0 : i32
    %dma_wait3A_790 = tpu.memref_slice %arg8[%add3A_775, %dma_wait3A_789] : memref<263168x64xf32, #tpu.memory_space<hbm>> -> memref<128x64xf32, #tpu.memory_space<hbm>>
    %dma_wait3A_791 = arith.constant 0 : i32
    %dma_wait3A_792 = tpu.memref_slice %arg8[%add3A_775, %dma_wait3A_791] : memref<263168x64xf32, #tpu.memory_space<hbm>> -> memref<128x64xf32, #tpu.memory_space<hbm>>
    %dma_wait3A_793 = arith.constant 0 : i32
    %dma_wait3A_794 = arith.constant 0 : i32
    %dma_wait3A_795 = tpu.memref_slice %arg25[%dma_wait3A_793, %dma_wait3A_794] : memref<128x64xf32, #tpu.memory_space<vmem>> -> memref<128x64xf32, #tpu.memory_space<vmem>>
    tpu.wait_dma2 semaphore(%arg19 : memref<!tpu.dma_semaphore, #tpu.memory_space<semaphore_mem>>) src(%dma_wait3A_795 : memref<128x64xf32, #tpu.memory_space<vmem>>) dst(%dma_wait3A_792 : memref<128x64xf32, #tpu.memory_space<hbm>>)
    %dma_start3A_796 = arith.constant 0 : i32
    %dma_start3A_797 = arith.constant 0 : i32
    %dma_start3A_798 = tpu.memref_slice %arg25[%dma_start3A_796, %dma_start3A_797] : memref<128x64xf32, #tpu.memory_space<vmem>> -> memref<128x64xf32, #tpu.memory_space<vmem>>
    %dma_start3A_799 = arith.constant 2944 : i32
    %dma_start3A_800 = tpu.memref_slice %arg12[%dma_start3A_799] : memref<8224xi32, #tpu.memory_space<vmem>> -> memref<128xi32, #tpu.memory_space<vmem>>
    %dma_start3A_801 = arith.constant 0 : i32
    %dma_start3A_802 = arith.constant 0 : i32
    %dma_start3A_803 = tpu.memref_slice %arg2[%dma_start3A_801, %dma_start3A_802] : memref<1000000x64xf32, #tpu.memory_space<hbm>> -> memref<1000000x64xf32, #tpu.memory_space<hbm>>
    tpu.enqueue_indirect_dma source(%dma_start3A_803 : memref<1000000x64xf32, #tpu.memory_space<hbm>>) target(%dma_start3A_798 : memref<128x64xf32, #tpu.memory_space<vmem>>) offsets(%dma_start3A_800 : memref<128xi32, #tpu.memory_space<vmem>>) semaphore(%arg18 : memref<!tpu.dma_semaphore, #tpu.memory_space<semaphore_mem>>)
    %dma_wait3A_804 = arith.constant 0 : i32
    %dma_wait3A_805 = arith.constant 0 : i32
    %dma_wait3A_806 = tpu.memref_slice %arg22[%dma_wait3A_804, %dma_wait3A_805] : memref<128x64xf32, #tpu.memory_space<vmem>> -> memref<128x64xf32, #tpu.memory_space<vmem>>
    %dma_wait3A_807 = arith.constant 2560 : i32
    %dma_wait3A_808 = tpu.memref_slice %arg12[%dma_wait3A_807] : memref<8224xi32, #tpu.memory_space<vmem>> -> memref<128xi32, #tpu.memory_space<vmem>>
    %dma_wait3A_809 = arith.constant 0 : i32
    %dma_wait3A_810 = arith.constant 0 : i32
    %dma_wait3A_811 = tpu.memref_slice %arg2[%dma_wait3A_809, %dma_wait3A_810] : memref<1000000x64xf32, #tpu.memory_space<hbm>> -> memref<1000000x64xf32, #tpu.memory_space<hbm>>
    tpu.wait_indirect_dma semaphore(%arg18 : memref<!tpu.dma_semaphore, #tpu.memory_space<semaphore_mem>>) src(%dma_wait3A_811 : memref<1000000x64xf32, #tpu.memory_space<hbm>>) dst(%dma_wait3A_806 : memref<128x64xf32, #tpu.memory_space<vmem>>)
    %add3A_812 = arith.constant 2560 : i32
    %add3A_813 = arith.addi %mul3A_2, %add3A_812 : i32
    %dma_start3A_814 = arith.constant 0 : i32
    %dma_start3A_815 = arith.constant 0 : i32
    %dma_start3A_816 = tpu.memref_slice %arg22[%dma_start3A_814, %dma_start3A_815] : memref<128x64xf32, #tpu.memory_space<vmem>> -> memref<128x64xf32, #tpu.memory_space<vmem>>
    %dma_start3A_817 = arith.constant 0 : i32
    %dma_start3A_818 = tpu.memref_slice %arg8[%add3A_813, %dma_start3A_817] : memref<263168x64xf32, #tpu.memory_space<hbm>> -> memref<128x64xf32, #tpu.memory_space<hbm>>
    %dma_start3A_819 = arith.constant 0 : i32
    %dma_start3A_820 = tpu.memref_slice %arg8[%add3A_813, %dma_start3A_819] : memref<263168x64xf32, #tpu.memory_space<hbm>> -> memref<128x64xf32, #tpu.memory_space<hbm>>
    %dma_start3A_821 = arith.constant 0 : i32
    %dma_start3A_822 = arith.constant 0 : i32
    %dma_start3A_823 = tpu.memref_slice %arg22[%dma_start3A_821, %dma_start3A_822] : memref<128x64xf32, #tpu.memory_space<vmem>> -> memref<128x64xf32, #tpu.memory_space<vmem>>
    tpu.enqueue_dma source(%dma_start3A_823 : memref<128x64xf32, #tpu.memory_space<vmem>>) target(%dma_start3A_820 : memref<128x64xf32, #tpu.memory_space<hbm>>) target_semaphore(%arg19 : memref<!tpu.dma_semaphore, #tpu.memory_space<semaphore_mem>>)
    %dma_wait3A_824 = arith.constant 0 : i32
    %dma_wait3A_825 = arith.constant 0 : i32
    %dma_wait3A_826 = tpu.memref_slice %arg22[%dma_wait3A_824, %dma_wait3A_825] : memref<128x64xf32, #tpu.memory_space<vmem>> -> memref<128x64xf32, #tpu.memory_space<vmem>>
    %dma_wait3A_827 = arith.constant 0 : i32
    %dma_wait3A_828 = tpu.memref_slice %arg8[%add3A_813, %dma_wait3A_827] : memref<263168x64xf32, #tpu.memory_space<hbm>> -> memref<128x64xf32, #tpu.memory_space<hbm>>
    %dma_wait3A_829 = arith.constant 0 : i32
    %dma_wait3A_830 = tpu.memref_slice %arg8[%add3A_813, %dma_wait3A_829] : memref<263168x64xf32, #tpu.memory_space<hbm>> -> memref<128x64xf32, #tpu.memory_space<hbm>>
    %dma_wait3A_831 = arith.constant 0 : i32
    %dma_wait3A_832 = arith.constant 0 : i32
    %dma_wait3A_833 = tpu.memref_slice %arg22[%dma_wait3A_831, %dma_wait3A_832] : memref<128x64xf32, #tpu.memory_space<vmem>> -> memref<128x64xf32, #tpu.memory_space<vmem>>
    tpu.wait_dma2 semaphore(%arg19 : memref<!tpu.dma_semaphore, #tpu.memory_space<semaphore_mem>>) src(%dma_wait3A_833 : memref<128x64xf32, #tpu.memory_space<vmem>>) dst(%dma_wait3A_830 : memref<128x64xf32, #tpu.memory_space<hbm>>)
    %dma_start3A_834 = arith.constant 0 : i32
    %dma_start3A_835 = arith.constant 0 : i32
    %dma_start3A_836 = tpu.memref_slice %arg22[%dma_start3A_834, %dma_start3A_835] : memref<128x64xf32, #tpu.memory_space<vmem>> -> memref<128x64xf32, #tpu.memory_space<vmem>>
    %dma_start3A_837 = arith.constant 3072 : i32
    %dma_start3A_838 = tpu.memref_slice %arg12[%dma_start3A_837] : memref<8224xi32, #tpu.memory_space<vmem>> -> memref<128xi32, #tpu.memory_space<vmem>>
    %dma_start3A_839 = arith.constant 0 : i32
    %dma_start3A_840 = arith.constant 0 : i32
    %dma_start3A_841 = tpu.memref_slice %arg2[%dma_start3A_839, %dma_start3A_840] : memref<1000000x64xf32, #tpu.memory_space<hbm>> -> memref<1000000x64xf32, #tpu.memory_space<hbm>>
    tpu.enqueue_indirect_dma source(%dma_start3A_841 : memref<1000000x64xf32, #tpu.memory_space<hbm>>) target(%dma_start3A_836 : memref<128x64xf32, #tpu.memory_space<vmem>>) offsets(%dma_start3A_838 : memref<128xi32, #tpu.memory_space<vmem>>) semaphore(%arg18 : memref<!tpu.dma_semaphore, #tpu.memory_space<semaphore_mem>>)
    %dma_wait3A_842 = arith.constant 0 : i32
    %dma_wait3A_843 = arith.constant 0 : i32
    %dma_wait3A_844 = tpu.memref_slice %arg23[%dma_wait3A_842, %dma_wait3A_843] : memref<128x64xf32, #tpu.memory_space<vmem>> -> memref<128x64xf32, #tpu.memory_space<vmem>>
    %dma_wait3A_845 = arith.constant 2688 : i32
    %dma_wait3A_846 = tpu.memref_slice %arg12[%dma_wait3A_845] : memref<8224xi32, #tpu.memory_space<vmem>> -> memref<128xi32, #tpu.memory_space<vmem>>
    %dma_wait3A_847 = arith.constant 0 : i32
    %dma_wait3A_848 = arith.constant 0 : i32
    %dma_wait3A_849 = tpu.memref_slice %arg2[%dma_wait3A_847, %dma_wait3A_848] : memref<1000000x64xf32, #tpu.memory_space<hbm>> -> memref<1000000x64xf32, #tpu.memory_space<hbm>>
    tpu.wait_indirect_dma semaphore(%arg18 : memref<!tpu.dma_semaphore, #tpu.memory_space<semaphore_mem>>) src(%dma_wait3A_849 : memref<1000000x64xf32, #tpu.memory_space<hbm>>) dst(%dma_wait3A_844 : memref<128x64xf32, #tpu.memory_space<vmem>>)
    %add3A_850 = arith.constant 2688 : i32
    %add3A_851 = arith.addi %mul3A_2, %add3A_850 : i32
    %dma_start3A_852 = arith.constant 0 : i32
    %dma_start3A_853 = arith.constant 0 : i32
    %dma_start3A_854 = tpu.memref_slice %arg23[%dma_start3A_852, %dma_start3A_853] : memref<128x64xf32, #tpu.memory_space<vmem>> -> memref<128x64xf32, #tpu.memory_space<vmem>>
    %dma_start3A_855 = arith.constant 0 : i32
    %dma_start3A_856 = tpu.memref_slice %arg8[%add3A_851, %dma_start3A_855] : memref<263168x64xf32, #tpu.memory_space<hbm>> -> memref<128x64xf32, #tpu.memory_space<hbm>>
    %dma_start3A_857 = arith.constant 0 : i32
    %dma_start3A_858 = tpu.memref_slice %arg8[%add3A_851, %dma_start3A_857] : memref<263168x64xf32, #tpu.memory_space<hbm>> -> memref<128x64xf32, #tpu.memory_space<hbm>>
    %dma_start3A_859 = arith.constant 0 : i32
    %dma_start3A_860 = arith.constant 0 : i32
    %dma_start3A_861 = tpu.memref_slice %arg23[%dma_start3A_859, %dma_start3A_860] : memref<128x64xf32, #tpu.memory_space<vmem>> -> memref<128x64xf32, #tpu.memory_space<vmem>>
    tpu.enqueue_dma source(%dma_start3A_861 : memref<128x64xf32, #tpu.memory_space<vmem>>) target(%dma_start3A_858 : memref<128x64xf32, #tpu.memory_space<hbm>>) target_semaphore(%arg19 : memref<!tpu.dma_semaphore, #tpu.memory_space<semaphore_mem>>)
    %dma_wait3A_862 = arith.constant 0 : i32
    %dma_wait3A_863 = arith.constant 0 : i32
    %dma_wait3A_864 = tpu.memref_slice %arg23[%dma_wait3A_862, %dma_wait3A_863] : memref<128x64xf32, #tpu.memory_space<vmem>> -> memref<128x64xf32, #tpu.memory_space<vmem>>
    %dma_wait3A_865 = arith.constant 0 : i32
    %dma_wait3A_866 = tpu.memref_slice %arg8[%add3A_851, %dma_wait3A_865] : memref<263168x64xf32, #tpu.memory_space<hbm>> -> memref<128x64xf32, #tpu.memory_space<hbm>>
    %dma_wait3A_867 = arith.constant 0 : i32
    %dma_wait3A_868 = tpu.memref_slice %arg8[%add3A_851, %dma_wait3A_867] : memref<263168x64xf32, #tpu.memory_space<hbm>> -> memref<128x64xf32, #tpu.memory_space<hbm>>
    %dma_wait3A_869 = arith.constant 0 : i32
    %dma_wait3A_870 = arith.constant 0 : i32
    %dma_wait3A_871 = tpu.memref_slice %arg23[%dma_wait3A_869, %dma_wait3A_870] : memref<128x64xf32, #tpu.memory_space<vmem>> -> memref<128x64xf32, #tpu.memory_space<vmem>>
    tpu.wait_dma2 semaphore(%arg19 : memref<!tpu.dma_semaphore, #tpu.memory_space<semaphore_mem>>) src(%dma_wait3A_871 : memref<128x64xf32, #tpu.memory_space<vmem>>) dst(%dma_wait3A_868 : memref<128x64xf32, #tpu.memory_space<hbm>>)
    %dma_start3A_872 = arith.constant 0 : i32
    %dma_start3A_873 = arith.constant 0 : i32
    %dma_start3A_874 = tpu.memref_slice %arg23[%dma_start3A_872, %dma_start3A_873] : memref<128x64xf32, #tpu.memory_space<vmem>> -> memref<128x64xf32, #tpu.memory_space<vmem>>
    %dma_start3A_875 = arith.constant 3200 : i32
    %dma_start3A_876 = tpu.memref_slice %arg12[%dma_start3A_875] : memref<8224xi32, #tpu.memory_space<vmem>> -> memref<128xi32, #tpu.memory_space<vmem>>
    %dma_start3A_877 = arith.constant 0 : i32
    %dma_start3A_878 = arith.constant 0 : i32
    %dma_start3A_879 = tpu.memref_slice %arg2[%dma_start3A_877, %dma_start3A_878] : memref<1000000x64xf32, #tpu.memory_space<hbm>> -> memref<1000000x64xf32, #tpu.memory_space<hbm>>
    tpu.enqueue_indirect_dma source(%dma_start3A_879 : memref<1000000x64xf32, #tpu.memory_space<hbm>>) target(%dma_start3A_874 : memref<128x64xf32, #tpu.memory_space<vmem>>) offsets(%dma_start3A_876 : memref<128xi32, #tpu.memory_space<vmem>>) semaphore(%arg18 : memref<!tpu.dma_semaphore, #tpu.memory_space<semaphore_mem>>)
    %dma_wait3A_880 = arith.constant 0 : i32
    %dma_wait3A_881 = arith.constant 0 : i32
    %dma_wait3A_882 = tpu.memref_slice %arg24[%dma_wait3A_880, %dma_wait3A_881] : memref<128x64xf32, #tpu.memory_space<vmem>> -> memref<128x64xf32, #tpu.memory_space<vmem>>
    %dma_wait3A_883 = arith.constant 2816 : i32
    %dma_wait3A_884 = tpu.memref_slice %arg12[%dma_wait3A_883] : memref<8224xi32, #tpu.memory_space<vmem>> -> memref<128xi32, #tpu.memory_space<vmem>>
    %dma_wait3A_885 = arith.constant 0 : i32
    %dma_wait3A_886 = arith.constant 0 : i32
    %dma_wait3A_887 = tpu.memref_slice %arg2[%dma_wait3A_885, %dma_wait3A_886] : memref<1000000x64xf32, #tpu.memory_space<hbm>> -> memref<1000000x64xf32, #tpu.memory_space<hbm>>
    tpu.wait_indirect_dma semaphore(%arg18 : memref<!tpu.dma_semaphore, #tpu.memory_space<semaphore_mem>>) src(%dma_wait3A_887 : memref<1000000x64xf32, #tpu.memory_space<hbm>>) dst(%dma_wait3A_882 : memref<128x64xf32, #tpu.memory_space<vmem>>)
    %add3A_888 = arith.constant 2816 : i32
    %add3A_889 = arith.addi %mul3A_2, %add3A_888 : i32
    %dma_start3A_890 = arith.constant 0 : i32
    %dma_start3A_891 = arith.constant 0 : i32
    %dma_start3A_892 = tpu.memref_slice %arg24[%dma_start3A_890, %dma_start3A_891] : memref<128x64xf32, #tpu.memory_space<vmem>> -> memref<128x64xf32, #tpu.memory_space<vmem>>
    %dma_start3A_893 = arith.constant 0 : i32
    %dma_start3A_894 = tpu.memref_slice %arg8[%add3A_889, %dma_start3A_893] : memref<263168x64xf32, #tpu.memory_space<hbm>> -> memref<128x64xf32, #tpu.memory_space<hbm>>
    %dma_start3A_895 = arith.constant 0 : i32
    %dma_start3A_896 = tpu.memref_slice %arg8[%add3A_889, %dma_start3A_895] : memref<263168x64xf32, #tpu.memory_space<hbm>> -> memref<128x64xf32, #tpu.memory_space<hbm>>
    %dma_start3A_897 = arith.constant 0 : i32
    %dma_start3A_898 = arith.constant 0 : i32
    %dma_start3A_899 = tpu.memref_slice %arg24[%dma_start3A_897, %dma_start3A_898] : memref<128x64xf32, #tpu.memory_space<vmem>> -> memref<128x64xf32, #tpu.memory_space<vmem>>
    tpu.enqueue_dma source(%dma_start3A_899 : memref<128x64xf32, #tpu.memory_space<vmem>>) target(%dma_start3A_896 : memref<128x64xf32, #tpu.memory_space<hbm>>) target_semaphore(%arg19 : memref<!tpu.dma_semaphore, #tpu.memory_space<semaphore_mem>>)
    %dma_wait3A_900 = arith.constant 0 : i32
    %dma_wait3A_901 = arith.constant 0 : i32
    %dma_wait3A_902 = tpu.memref_slice %arg24[%dma_wait3A_900, %dma_wait3A_901] : memref<128x64xf32, #tpu.memory_space<vmem>> -> memref<128x64xf32, #tpu.memory_space<vmem>>
    %dma_wait3A_903 = arith.constant 0 : i32
    %dma_wait3A_904 = tpu.memref_slice %arg8[%add3A_889, %dma_wait3A_903] : memref<263168x64xf32, #tpu.memory_space<hbm>> -> memref<128x64xf32, #tpu.memory_space<hbm>>
    %dma_wait3A_905 = arith.constant 0 : i32
    %dma_wait3A_906 = tpu.memref_slice %arg8[%add3A_889, %dma_wait3A_905] : memref<263168x64xf32, #tpu.memory_space<hbm>> -> memref<128x64xf32, #tpu.memory_space<hbm>>
    %dma_wait3A_907 = arith.constant 0 : i32
    %dma_wait3A_908 = arith.constant 0 : i32
    %dma_wait3A_909 = tpu.memref_slice %arg24[%dma_wait3A_907, %dma_wait3A_908] : memref<128x64xf32, #tpu.memory_space<vmem>> -> memref<128x64xf32, #tpu.memory_space<vmem>>
    tpu.wait_dma2 semaphore(%arg19 : memref<!tpu.dma_semaphore, #tpu.memory_space<semaphore_mem>>) src(%dma_wait3A_909 : memref<128x64xf32, #tpu.memory_space<vmem>>) dst(%dma_wait3A_906 : memref<128x64xf32, #tpu.memory_space<hbm>>)
    %dma_start3A_910 = arith.constant 0 : i32
    %dma_start3A_911 = arith.constant 0 : i32
    %dma_start3A_912 = tpu.memref_slice %arg24[%dma_start3A_910, %dma_start3A_911] : memref<128x64xf32, #tpu.memory_space<vmem>> -> memref<128x64xf32, #tpu.memory_space<vmem>>
    %dma_start3A_913 = arith.constant 3328 : i32
    %dma_start3A_914 = tpu.memref_slice %arg12[%dma_start3A_913] : memref<8224xi32, #tpu.memory_space<vmem>> -> memref<128xi32, #tpu.memory_space<vmem>>
    %dma_start3A_915 = arith.constant 0 : i32
    %dma_start3A_916 = arith.constant 0 : i32
    %dma_start3A_917 = tpu.memref_slice %arg2[%dma_start3A_915, %dma_start3A_916] : memref<1000000x64xf32, #tpu.memory_space<hbm>> -> memref<1000000x64xf32, #tpu.memory_space<hbm>>
    tpu.enqueue_indirect_dma source(%dma_start3A_917 : memref<1000000x64xf32, #tpu.memory_space<hbm>>) target(%dma_start3A_912 : memref<128x64xf32, #tpu.memory_space<vmem>>) offsets(%dma_start3A_914 : memref<128xi32, #tpu.memory_space<vmem>>) semaphore(%arg18 : memref<!tpu.dma_semaphore, #tpu.memory_space<semaphore_mem>>)
    %dma_wait3A_918 = arith.constant 0 : i32
    %dma_wait3A_919 = arith.constant 0 : i32
    %dma_wait3A_920 = tpu.memref_slice %arg25[%dma_wait3A_918, %dma_wait3A_919] : memref<128x64xf32, #tpu.memory_space<vmem>> -> memref<128x64xf32, #tpu.memory_space<vmem>>
    %dma_wait3A_921 = arith.constant 2944 : i32
    %dma_wait3A_922 = tpu.memref_slice %arg12[%dma_wait3A_921] : memref<8224xi32, #tpu.memory_space<vmem>> -> memref<128xi32, #tpu.memory_space<vmem>>
    %dma_wait3A_923 = arith.constant 0 : i32
    %dma_wait3A_924 = arith.constant 0 : i32
    %dma_wait3A_925 = tpu.memref_slice %arg2[%dma_wait3A_923, %dma_wait3A_924] : memref<1000000x64xf32, #tpu.memory_space<hbm>> -> memref<1000000x64xf32, #tpu.memory_space<hbm>>
    tpu.wait_indirect_dma semaphore(%arg18 : memref<!tpu.dma_semaphore, #tpu.memory_space<semaphore_mem>>) src(%dma_wait3A_925 : memref<1000000x64xf32, #tpu.memory_space<hbm>>) dst(%dma_wait3A_920 : memref<128x64xf32, #tpu.memory_space<vmem>>)
    %add3A_926 = arith.constant 2944 : i32
    %add3A_927 = arith.addi %mul3A_2, %add3A_926 : i32
    %dma_start3A_928 = arith.constant 0 : i32
    %dma_start3A_929 = arith.constant 0 : i32
    %dma_start3A_930 = tpu.memref_slice %arg25[%dma_start3A_928, %dma_start3A_929] : memref<128x64xf32, #tpu.memory_space<vmem>> -> memref<128x64xf32, #tpu.memory_space<vmem>>
    %dma_start3A_931 = arith.constant 0 : i32
    %dma_start3A_932 = tpu.memref_slice %arg8[%add3A_927, %dma_start3A_931] : memref<263168x64xf32, #tpu.memory_space<hbm>> -> memref<128x64xf32, #tpu.memory_space<hbm>>
    %dma_start3A_933 = arith.constant 0 : i32
    %dma_start3A_934 = tpu.memref_slice %arg8[%add3A_927, %dma_start3A_933] : memref<263168x64xf32, #tpu.memory_space<hbm>> -> memref<128x64xf32, #tpu.memory_space<hbm>>
    %dma_start3A_935 = arith.constant 0 : i32
    %dma_start3A_936 = arith.constant 0 : i32
    %dma_start3A_937 = tpu.memref_slice %arg25[%dma_start3A_935, %dma_start3A_936] : memref<128x64xf32, #tpu.memory_space<vmem>> -> memref<128x64xf32, #tpu.memory_space<vmem>>
    tpu.enqueue_dma source(%dma_start3A_937 : memref<128x64xf32, #tpu.memory_space<vmem>>) target(%dma_start3A_934 : memref<128x64xf32, #tpu.memory_space<hbm>>) target_semaphore(%arg19 : memref<!tpu.dma_semaphore, #tpu.memory_space<semaphore_mem>>)
    %dma_wait3A_938 = arith.constant 0 : i32
    %dma_wait3A_939 = arith.constant 0 : i32
    %dma_wait3A_940 = tpu.memref_slice %arg25[%dma_wait3A_938, %dma_wait3A_939] : memref<128x64xf32, #tpu.memory_space<vmem>> -> memref<128x64xf32, #tpu.memory_space<vmem>>
    %dma_wait3A_941 = arith.constant 0 : i32
    %dma_wait3A_942 = tpu.memref_slice %arg8[%add3A_927, %dma_wait3A_941] : memref<263168x64xf32, #tpu.memory_space<hbm>> -> memref<128x64xf32, #tpu.memory_space<hbm>>
    %dma_wait3A_943 = arith.constant 0 : i32
    %dma_wait3A_944 = tpu.memref_slice %arg8[%add3A_927, %dma_wait3A_943] : memref<263168x64xf32, #tpu.memory_space<hbm>> -> memref<128x64xf32, #tpu.memory_space<hbm>>
    %dma_wait3A_945 = arith.constant 0 : i32
    %dma_wait3A_946 = arith.constant 0 : i32
    %dma_wait3A_947 = tpu.memref_slice %arg25[%dma_wait3A_945, %dma_wait3A_946] : memref<128x64xf32, #tpu.memory_space<vmem>> -> memref<128x64xf32, #tpu.memory_space<vmem>>
    tpu.wait_dma2 semaphore(%arg19 : memref<!tpu.dma_semaphore, #tpu.memory_space<semaphore_mem>>) src(%dma_wait3A_947 : memref<128x64xf32, #tpu.memory_space<vmem>>) dst(%dma_wait3A_944 : memref<128x64xf32, #tpu.memory_space<hbm>>)
    %dma_start3A_948 = arith.constant 0 : i32
    %dma_start3A_949 = arith.constant 0 : i32
    %dma_start3A_950 = tpu.memref_slice %arg25[%dma_start3A_948, %dma_start3A_949] : memref<128x64xf32, #tpu.memory_space<vmem>> -> memref<128x64xf32, #tpu.memory_space<vmem>>
    %dma_start3A_951 = arith.constant 3456 : i32
    %dma_start3A_952 = tpu.memref_slice %arg12[%dma_start3A_951] : memref<8224xi32, #tpu.memory_space<vmem>> -> memref<128xi32, #tpu.memory_space<vmem>>
    %dma_start3A_953 = arith.constant 0 : i32
    %dma_start3A_954 = arith.constant 0 : i32
    %dma_start3A_955 = tpu.memref_slice %arg2[%dma_start3A_953, %dma_start3A_954] : memref<1000000x64xf32, #tpu.memory_space<hbm>> -> memref<1000000x64xf32, #tpu.memory_space<hbm>>
    tpu.enqueue_indirect_dma source(%dma_start3A_955 : memref<1000000x64xf32, #tpu.memory_space<hbm>>) target(%dma_start3A_950 : memref<128x64xf32, #tpu.memory_space<vmem>>) offsets(%dma_start3A_952 : memref<128xi32, #tpu.memory_space<vmem>>) semaphore(%arg18 : memref<!tpu.dma_semaphore, #tpu.memory_space<semaphore_mem>>)
    %dma_wait3A_956 = arith.constant 0 : i32
    %dma_wait3A_957 = arith.constant 0 : i32
    %dma_wait3A_958 = tpu.memref_slice %arg22[%dma_wait3A_956, %dma_wait3A_957] : memref<128x64xf32, #tpu.memory_space<vmem>> -> memref<128x64xf32, #tpu.memory_space<vmem>>
    %dma_wait3A_959 = arith.constant 3072 : i32
    %dma_wait3A_960 = tpu.memref_slice %arg12[%dma_wait3A_959] : memref<8224xi32, #tpu.memory_space<vmem>> -> memref<128xi32, #tpu.memory_space<vmem>>
    %dma_wait3A_961 = arith.constant 0 : i32
    %dma_wait3A_962 = arith.constant 0 : i32
    %dma_wait3A_963 = tpu.memref_slice %arg2[%dma_wait3A_961, %dma_wait3A_962] : memref<1000000x64xf32, #tpu.memory_space<hbm>> -> memref<1000000x64xf32, #tpu.memory_space<hbm>>
    tpu.wait_indirect_dma semaphore(%arg18 : memref<!tpu.dma_semaphore, #tpu.memory_space<semaphore_mem>>) src(%dma_wait3A_963 : memref<1000000x64xf32, #tpu.memory_space<hbm>>) dst(%dma_wait3A_958 : memref<128x64xf32, #tpu.memory_space<vmem>>)
    %add3A_964 = arith.constant 3072 : i32
    %add3A_965 = arith.addi %mul3A_2, %add3A_964 : i32
    %dma_start3A_966 = arith.constant 0 : i32
    %dma_start3A_967 = arith.constant 0 : i32
    %dma_start3A_968 = tpu.memref_slice %arg22[%dma_start3A_966, %dma_start3A_967] : memref<128x64xf32, #tpu.memory_space<vmem>> -> memref<128x64xf32, #tpu.memory_space<vmem>>
    %dma_start3A_969 = arith.constant 0 : i32
    %dma_start3A_970 = tpu.memref_slice %arg8[%add3A_965, %dma_start3A_969] : memref<263168x64xf32, #tpu.memory_space<hbm>> -> memref<128x64xf32, #tpu.memory_space<hbm>>
    %dma_start3A_971 = arith.constant 0 : i32
    %dma_start3A_972 = tpu.memref_slice %arg8[%add3A_965, %dma_start3A_971] : memref<263168x64xf32, #tpu.memory_space<hbm>> -> memref<128x64xf32, #tpu.memory_space<hbm>>
    %dma_start3A_973 = arith.constant 0 : i32
    %dma_start3A_974 = arith.constant 0 : i32
    %dma_start3A_975 = tpu.memref_slice %arg22[%dma_start3A_973, %dma_start3A_974] : memref<128x64xf32, #tpu.memory_space<vmem>> -> memref<128x64xf32, #tpu.memory_space<vmem>>
    tpu.enqueue_dma source(%dma_start3A_975 : memref<128x64xf32, #tpu.memory_space<vmem>>) target(%dma_start3A_972 : memref<128x64xf32, #tpu.memory_space<hbm>>) target_semaphore(%arg19 : memref<!tpu.dma_semaphore, #tpu.memory_space<semaphore_mem>>)
    %dma_wait3A_976 = arith.constant 0 : i32
    %dma_wait3A_977 = arith.constant 0 : i32
    %dma_wait3A_978 = tpu.memref_slice %arg22[%dma_wait3A_976, %dma_wait3A_977] : memref<128x64xf32, #tpu.memory_space<vmem>> -> memref<128x64xf32, #tpu.memory_space<vmem>>
    %dma_wait3A_979 = arith.constant 0 : i32
    %dma_wait3A_980 = tpu.memref_slice %arg8[%add3A_965, %dma_wait3A_979] : memref<263168x64xf32, #tpu.memory_space<hbm>> -> memref<128x64xf32, #tpu.memory_space<hbm>>
    %dma_wait3A_981 = arith.constant 0 : i32
    %dma_wait3A_982 = tpu.memref_slice %arg8[%add3A_965, %dma_wait3A_981] : memref<263168x64xf32, #tpu.memory_space<hbm>> -> memref<128x64xf32, #tpu.memory_space<hbm>>
    %dma_wait3A_983 = arith.constant 0 : i32
    %dma_wait3A_984 = arith.constant 0 : i32
    %dma_wait3A_985 = tpu.memref_slice %arg22[%dma_wait3A_983, %dma_wait3A_984] : memref<128x64xf32, #tpu.memory_space<vmem>> -> memref<128x64xf32, #tpu.memory_space<vmem>>
    tpu.wait_dma2 semaphore(%arg19 : memref<!tpu.dma_semaphore, #tpu.memory_space<semaphore_mem>>) src(%dma_wait3A_985 : memref<128x64xf32, #tpu.memory_space<vmem>>) dst(%dma_wait3A_982 : memref<128x64xf32, #tpu.memory_space<hbm>>)
    %dma_start3A_986 = arith.constant 0 : i32
    %dma_start3A_987 = arith.constant 0 : i32
    %dma_start3A_988 = tpu.memref_slice %arg22[%dma_start3A_986, %dma_start3A_987] : memref<128x64xf32, #tpu.memory_space<vmem>> -> memref<128x64xf32, #tpu.memory_space<vmem>>
    %dma_start3A_989 = arith.constant 3584 : i32
    %dma_start3A_990 = tpu.memref_slice %arg12[%dma_start3A_989] : memref<8224xi32, #tpu.memory_space<vmem>> -> memref<128xi32, #tpu.memory_space<vmem>>
    %dma_start3A_991 = arith.constant 0 : i32
    %dma_start3A_992 = arith.constant 0 : i32
    %dma_start3A_993 = tpu.memref_slice %arg2[%dma_start3A_991, %dma_start3A_992] : memref<1000000x64xf32, #tpu.memory_space<hbm>> -> memref<1000000x64xf32, #tpu.memory_space<hbm>>
    tpu.enqueue_indirect_dma source(%dma_start3A_993 : memref<1000000x64xf32, #tpu.memory_space<hbm>>) target(%dma_start3A_988 : memref<128x64xf32, #tpu.memory_space<vmem>>) offsets(%dma_start3A_990 : memref<128xi32, #tpu.memory_space<vmem>>) semaphore(%arg18 : memref<!tpu.dma_semaphore, #tpu.memory_space<semaphore_mem>>)
    %dma_wait3A_994 = arith.constant 0 : i32
    %dma_wait3A_995 = arith.constant 0 : i32
    %dma_wait3A_996 = tpu.memref_slice %arg23[%dma_wait3A_994, %dma_wait3A_995] : memref<128x64xf32, #tpu.memory_space<vmem>> -> memref<128x64xf32, #tpu.memory_space<vmem>>
    %dma_wait3A_997 = arith.constant 3200 : i32
    %dma_wait3A_998 = tpu.memref_slice %arg12[%dma_wait3A_997] : memref<8224xi32, #tpu.memory_space<vmem>> -> memref<128xi32, #tpu.memory_space<vmem>>
    %dma_wait3A_999 = arith.constant 0 : i32
    %dma_wait3A_1000 = arith.constant 0 : i32
    %dma_wait3A_1001 = tpu.memref_slice %arg2[%dma_wait3A_999, %dma_wait3A_1000] : memref<1000000x64xf32, #tpu.memory_space<hbm>> -> memref<1000000x64xf32, #tpu.memory_space<hbm>>
    tpu.wait_indirect_dma semaphore(%arg18 : memref<!tpu.dma_semaphore, #tpu.memory_space<semaphore_mem>>) src(%dma_wait3A_1001 : memref<1000000x64xf32, #tpu.memory_space<hbm>>) dst(%dma_wait3A_996 : memref<128x64xf32, #tpu.memory_space<vmem>>)
    %add3A_1002 = arith.constant 3200 : i32
    %add3A_1003 = arith.addi %mul3A_2, %add3A_1002 : i32
    %dma_start3A_1004 = arith.constant 0 : i32
    %dma_start3A_1005 = arith.constant 0 : i32
    %dma_start3A_1006 = tpu.memref_slice %arg23[%dma_start3A_1004, %dma_start3A_1005] : memref<128x64xf32, #tpu.memory_space<vmem>> -> memref<128x64xf32, #tpu.memory_space<vmem>>
    %dma_start3A_1007 = arith.constant 0 : i32
    %dma_start3A_1008 = tpu.memref_slice %arg8[%add3A_1003, %dma_start3A_1007] : memref<263168x64xf32, #tpu.memory_space<hbm>> -> memref<128x64xf32, #tpu.memory_space<hbm>>
    %dma_start3A_1009 = arith.constant 0 : i32
    %dma_start3A_1010 = tpu.memref_slice %arg8[%add3A_1003, %dma_start3A_1009] : memref<263168x64xf32, #tpu.memory_space<hbm>> -> memref<128x64xf32, #tpu.memory_space<hbm>>
    %dma_start3A_1011 = arith.constant 0 : i32
    %dma_start3A_1012 = arith.constant 0 : i32
    %dma_start3A_1013 = tpu.memref_slice %arg23[%dma_start3A_1011, %dma_start3A_1012] : memref<128x64xf32, #tpu.memory_space<vmem>> -> memref<128x64xf32, #tpu.memory_space<vmem>>
    tpu.enqueue_dma source(%dma_start3A_1013 : memref<128x64xf32, #tpu.memory_space<vmem>>) target(%dma_start3A_1010 : memref<128x64xf32, #tpu.memory_space<hbm>>) target_semaphore(%arg19 : memref<!tpu.dma_semaphore, #tpu.memory_space<semaphore_mem>>)
    %dma_wait3A_1014 = arith.constant 0 : i32
    %dma_wait3A_1015 = arith.constant 0 : i32
    %dma_wait3A_1016 = tpu.memref_slice %arg23[%dma_wait3A_1014, %dma_wait3A_1015] : memref<128x64xf32, #tpu.memory_space<vmem>> -> memref<128x64xf32, #tpu.memory_space<vmem>>
    %dma_wait3A_1017 = arith.constant 0 : i32
    %dma_wait3A_1018 = tpu.memref_slice %arg8[%add3A_1003, %dma_wait3A_1017] : memref<263168x64xf32, #tpu.memory_space<hbm>> -> memref<128x64xf32, #tpu.memory_space<hbm>>
    %dma_wait3A_1019 = arith.constant 0 : i32
    %dma_wait3A_1020 = tpu.memref_slice %arg8[%add3A_1003, %dma_wait3A_1019] : memref<263168x64xf32, #tpu.memory_space<hbm>> -> memref<128x64xf32, #tpu.memory_space<hbm>>
    %dma_wait3A_1021 = arith.constant 0 : i32
    %dma_wait3A_1022 = arith.constant 0 : i32
    %dma_wait3A_1023 = tpu.memref_slice %arg23[%dma_wait3A_1021, %dma_wait3A_1022] : memref<128x64xf32, #tpu.memory_space<vmem>> -> memref<128x64xf32, #tpu.memory_space<vmem>>
    tpu.wait_dma2 semaphore(%arg19 : memref<!tpu.dma_semaphore, #tpu.memory_space<semaphore_mem>>) src(%dma_wait3A_1023 : memref<128x64xf32, #tpu.memory_space<vmem>>) dst(%dma_wait3A_1020 : memref<128x64xf32, #tpu.memory_space<hbm>>)
    %dma_start3A_1024 = arith.constant 0 : i32
    %dma_start3A_1025 = arith.constant 0 : i32
    %dma_start3A_1026 = tpu.memref_slice %arg23[%dma_start3A_1024, %dma_start3A_1025] : memref<128x64xf32, #tpu.memory_space<vmem>> -> memref<128x64xf32, #tpu.memory_space<vmem>>
    %dma_start3A_1027 = arith.constant 3712 : i32
    %dma_start3A_1028 = tpu.memref_slice %arg12[%dma_start3A_1027] : memref<8224xi32, #tpu.memory_space<vmem>> -> memref<128xi32, #tpu.memory_space<vmem>>
    %dma_start3A_1029 = arith.constant 0 : i32
    %dma_start3A_1030 = arith.constant 0 : i32
    %dma_start3A_1031 = tpu.memref_slice %arg2[%dma_start3A_1029, %dma_start3A_1030] : memref<1000000x64xf32, #tpu.memory_space<hbm>> -> memref<1000000x64xf32, #tpu.memory_space<hbm>>
    tpu.enqueue_indirect_dma source(%dma_start3A_1031 : memref<1000000x64xf32, #tpu.memory_space<hbm>>) target(%dma_start3A_1026 : memref<128x64xf32, #tpu.memory_space<vmem>>) offsets(%dma_start3A_1028 : memref<128xi32, #tpu.memory_space<vmem>>) semaphore(%arg18 : memref<!tpu.dma_semaphore, #tpu.memory_space<semaphore_mem>>)
    %dma_wait3A_1032 = arith.constant 0 : i32
    %dma_wait3A_1033 = arith.constant 0 : i32
    %dma_wait3A_1034 = tpu.memref_slice %arg24[%dma_wait3A_1032, %dma_wait3A_1033] : memref<128x64xf32, #tpu.memory_space<vmem>> -> memref<128x64xf32, #tpu.memory_space<vmem>>
    %dma_wait3A_1035 = arith.constant 3328 : i32
    %dma_wait3A_1036 = tpu.memref_slice %arg12[%dma_wait3A_1035] : memref<8224xi32, #tpu.memory_space<vmem>> -> memref<128xi32, #tpu.memory_space<vmem>>
    %dma_wait3A_1037 = arith.constant 0 : i32
    %dma_wait3A_1038 = arith.constant 0 : i32
    %dma_wait3A_1039 = tpu.memref_slice %arg2[%dma_wait3A_1037, %dma_wait3A_1038] : memref<1000000x64xf32, #tpu.memory_space<hbm>> -> memref<1000000x64xf32, #tpu.memory_space<hbm>>
    tpu.wait_indirect_dma semaphore(%arg18 : memref<!tpu.dma_semaphore, #tpu.memory_space<semaphore_mem>>) src(%dma_wait3A_1039 : memref<1000000x64xf32, #tpu.memory_space<hbm>>) dst(%dma_wait3A_1034 : memref<128x64xf32, #tpu.memory_space<vmem>>)
    %add3A_1040 = arith.constant 3328 : i32
    %add3A_1041 = arith.addi %mul3A_2, %add3A_1040 : i32
    %dma_start3A_1042 = arith.constant 0 : i32
    %dma_start3A_1043 = arith.constant 0 : i32
    %dma_start3A_1044 = tpu.memref_slice %arg24[%dma_start3A_1042, %dma_start3A_1043] : memref<128x64xf32, #tpu.memory_space<vmem>> -> memref<128x64xf32, #tpu.memory_space<vmem>>
    %dma_start3A_1045 = arith.constant 0 : i32
    %dma_start3A_1046 = tpu.memref_slice %arg8[%add3A_1041, %dma_start3A_1045] : memref<263168x64xf32, #tpu.memory_space<hbm>> -> memref<128x64xf32, #tpu.memory_space<hbm>>
    %dma_start3A_1047 = arith.constant 0 : i32
    %dma_start3A_1048 = tpu.memref_slice %arg8[%add3A_1041, %dma_start3A_1047] : memref<263168x64xf32, #tpu.memory_space<hbm>> -> memref<128x64xf32, #tpu.memory_space<hbm>>
    %dma_start3A_1049 = arith.constant 0 : i32
    %dma_start3A_1050 = arith.constant 0 : i32
    %dma_start3A_1051 = tpu.memref_slice %arg24[%dma_start3A_1049, %dma_start3A_1050] : memref<128x64xf32, #tpu.memory_space<vmem>> -> memref<128x64xf32, #tpu.memory_space<vmem>>
    tpu.enqueue_dma source(%dma_start3A_1051 : memref<128x64xf32, #tpu.memory_space<vmem>>) target(%dma_start3A_1048 : memref<128x64xf32, #tpu.memory_space<hbm>>) target_semaphore(%arg19 : memref<!tpu.dma_semaphore, #tpu.memory_space<semaphore_mem>>)
    %dma_wait3A_1052 = arith.constant 0 : i32
    %dma_wait3A_1053 = arith.constant 0 : i32
    %dma_wait3A_1054 = tpu.memref_slice %arg24[%dma_wait3A_1052, %dma_wait3A_1053] : memref<128x64xf32, #tpu.memory_space<vmem>> -> memref<128x64xf32, #tpu.memory_space<vmem>>
    %dma_wait3A_1055 = arith.constant 0 : i32
    %dma_wait3A_1056 = tpu.memref_slice %arg8[%add3A_1041, %dma_wait3A_1055] : memref<263168x64xf32, #tpu.memory_space<hbm>> -> memref<128x64xf32, #tpu.memory_space<hbm>>
    %dma_wait3A_1057 = arith.constant 0 : i32
    %dma_wait3A_1058 = tpu.memref_slice %arg8[%add3A_1041, %dma_wait3A_1057] : memref<263168x64xf32, #tpu.memory_space<hbm>> -> memref<128x64xf32, #tpu.memory_space<hbm>>
    %dma_wait3A_1059 = arith.constant 0 : i32
    %dma_wait3A_1060 = arith.constant 0 : i32
    %dma_wait3A_1061 = tpu.memref_slice %arg24[%dma_wait3A_1059, %dma_wait3A_1060] : memref<128x64xf32, #tpu.memory_space<vmem>> -> memref<128x64xf32, #tpu.memory_space<vmem>>
    tpu.wait_dma2 semaphore(%arg19 : memref<!tpu.dma_semaphore, #tpu.memory_space<semaphore_mem>>) src(%dma_wait3A_1061 : memref<128x64xf32, #tpu.memory_space<vmem>>) dst(%dma_wait3A_1058 : memref<128x64xf32, #tpu.memory_space<hbm>>)
    %dma_start3A_1062 = arith.constant 0 : i32
    %dma_start3A_1063 = arith.constant 0 : i32
    %dma_start3A_1064 = tpu.memref_slice %arg24[%dma_start3A_1062, %dma_start3A_1063] : memref<128x64xf32, #tpu.memory_space<vmem>> -> memref<128x64xf32, #tpu.memory_space<vmem>>
    %dma_start3A_1065 = arith.constant 3840 : i32
    %dma_start3A_1066 = tpu.memref_slice %arg12[%dma_start3A_1065] : memref<8224xi32, #tpu.memory_space<vmem>> -> memref<128xi32, #tpu.memory_space<vmem>>
    %dma_start3A_1067 = arith.constant 0 : i32
    %dma_start3A_1068 = arith.constant 0 : i32
    %dma_start3A_1069 = tpu.memref_slice %arg2[%dma_start3A_1067, %dma_start3A_1068] : memref<1000000x64xf32, #tpu.memory_space<hbm>> -> memref<1000000x64xf32, #tpu.memory_space<hbm>>
    tpu.enqueue_indirect_dma source(%dma_start3A_1069 : memref<1000000x64xf32, #tpu.memory_space<hbm>>) target(%dma_start3A_1064 : memref<128x64xf32, #tpu.memory_space<vmem>>) offsets(%dma_start3A_1066 : memref<128xi32, #tpu.memory_space<vmem>>) semaphore(%arg18 : memref<!tpu.dma_semaphore, #tpu.memory_space<semaphore_mem>>)
    %dma_wait3A_1070 = arith.constant 0 : i32
    %dma_wait3A_1071 = arith.constant 0 : i32
    %dma_wait3A_1072 = tpu.memref_slice %arg25[%dma_wait3A_1070, %dma_wait3A_1071] : memref<128x64xf32, #tpu.memory_space<vmem>> -> memref<128x64xf32, #tpu.memory_space<vmem>>
    %dma_wait3A_1073 = arith.constant 3456 : i32
    %dma_wait3A_1074 = tpu.memref_slice %arg12[%dma_wait3A_1073] : memref<8224xi32, #tpu.memory_space<vmem>> -> memref<128xi32, #tpu.memory_space<vmem>>
    %dma_wait3A_1075 = arith.constant 0 : i32
    %dma_wait3A_1076 = arith.constant 0 : i32
    %dma_wait3A_1077 = tpu.memref_slice %arg2[%dma_wait3A_1075, %dma_wait3A_1076] : memref<1000000x64xf32, #tpu.memory_space<hbm>> -> memref<1000000x64xf32, #tpu.memory_space<hbm>>
    tpu.wait_indirect_dma semaphore(%arg18 : memref<!tpu.dma_semaphore, #tpu.memory_space<semaphore_mem>>) src(%dma_wait3A_1077 : memref<1000000x64xf32, #tpu.memory_space<hbm>>) dst(%dma_wait3A_1072 : memref<128x64xf32, #tpu.memory_space<vmem>>)
    %add3A_1078 = arith.constant 3456 : i32
    %add3A_1079 = arith.addi %mul3A_2, %add3A_1078 : i32
    %dma_start3A_1080 = arith.constant 0 : i32
    %dma_start3A_1081 = arith.constant 0 : i32
    %dma_start3A_1082 = tpu.memref_slice %arg25[%dma_start3A_1080, %dma_start3A_1081] : memref<128x64xf32, #tpu.memory_space<vmem>> -> memref<128x64xf32, #tpu.memory_space<vmem>>
    %dma_start3A_1083 = arith.constant 0 : i32
    %dma_start3A_1084 = tpu.memref_slice %arg8[%add3A_1079, %dma_start3A_1083] : memref<263168x64xf32, #tpu.memory_space<hbm>> -> memref<128x64xf32, #tpu.memory_space<hbm>>
    %dma_start3A_1085 = arith.constant 0 : i32
    %dma_start3A_1086 = tpu.memref_slice %arg8[%add3A_1079, %dma_start3A_1085] : memref<263168x64xf32, #tpu.memory_space<hbm>> -> memref<128x64xf32, #tpu.memory_space<hbm>>
    %dma_start3A_1087 = arith.constant 0 : i32
    %dma_start3A_1088 = arith.constant 0 : i32
    %dma_start3A_1089 = tpu.memref_slice %arg25[%dma_start3A_1087, %dma_start3A_1088] : memref<128x64xf32, #tpu.memory_space<vmem>> -> memref<128x64xf32, #tpu.memory_space<vmem>>
    tpu.enqueue_dma source(%dma_start3A_1089 : memref<128x64xf32, #tpu.memory_space<vmem>>) target(%dma_start3A_1086 : memref<128x64xf32, #tpu.memory_space<hbm>>) target_semaphore(%arg19 : memref<!tpu.dma_semaphore, #tpu.memory_space<semaphore_mem>>)
    %dma_wait3A_1090 = arith.constant 0 : i32
    %dma_wait3A_1091 = arith.constant 0 : i32
    %dma_wait3A_1092 = tpu.memref_slice %arg25[%dma_wait3A_1090, %dma_wait3A_1091] : memref<128x64xf32, #tpu.memory_space<vmem>> -> memref<128x64xf32, #tpu.memory_space<vmem>>
    %dma_wait3A_1093 = arith.constant 0 : i32
    %dma_wait3A_1094 = tpu.memref_slice %arg8[%add3A_1079, %dma_wait3A_1093] : memref<263168x64xf32, #tpu.memory_space<hbm>> -> memref<128x64xf32, #tpu.memory_space<hbm>>
    %dma_wait3A_1095 = arith.constant 0 : i32
    %dma_wait3A_1096 = tpu.memref_slice %arg8[%add3A_1079, %dma_wait3A_1095] : memref<263168x64xf32, #tpu.memory_space<hbm>> -> memref<128x64xf32, #tpu.memory_space<hbm>>
    %dma_wait3A_1097 = arith.constant 0 : i32
    %dma_wait3A_1098 = arith.constant 0 : i32
    %dma_wait3A_1099 = tpu.memref_slice %arg25[%dma_wait3A_1097, %dma_wait3A_1098] : memref<128x64xf32, #tpu.memory_space<vmem>> -> memref<128x64xf32, #tpu.memory_space<vmem>>
    tpu.wait_dma2 semaphore(%arg19 : memref<!tpu.dma_semaphore, #tpu.memory_space<semaphore_mem>>) src(%dma_wait3A_1099 : memref<128x64xf32, #tpu.memory_space<vmem>>) dst(%dma_wait3A_1096 : memref<128x64xf32, #tpu.memory_space<hbm>>)
    %dma_start3A_1100 = arith.constant 0 : i32
    %dma_start3A_1101 = arith.constant 0 : i32
    %dma_start3A_1102 = tpu.memref_slice %arg25[%dma_start3A_1100, %dma_start3A_1101] : memref<128x64xf32, #tpu.memory_space<vmem>> -> memref<128x64xf32, #tpu.memory_space<vmem>>
    %dma_start3A_1103 = arith.constant 3968 : i32
    %dma_start3A_1104 = tpu.memref_slice %arg12[%dma_start3A_1103] : memref<8224xi32, #tpu.memory_space<vmem>> -> memref<128xi32, #tpu.memory_space<vmem>>
    %dma_start3A_1105 = arith.constant 0 : i32
    %dma_start3A_1106 = arith.constant 0 : i32
    %dma_start3A_1107 = tpu.memref_slice %arg2[%dma_start3A_1105, %dma_start3A_1106] : memref<1000000x64xf32, #tpu.memory_space<hbm>> -> memref<1000000x64xf32, #tpu.memory_space<hbm>>
    tpu.enqueue_indirect_dma source(%dma_start3A_1107 : memref<1000000x64xf32, #tpu.memory_space<hbm>>) target(%dma_start3A_1102 : memref<128x64xf32, #tpu.memory_space<vmem>>) offsets(%dma_start3A_1104 : memref<128xi32, #tpu.memory_space<vmem>>) semaphore(%arg18 : memref<!tpu.dma_semaphore, #tpu.memory_space<semaphore_mem>>)
    %dma_wait3A_1108 = arith.constant 0 : i32
    %dma_wait3A_1109 = arith.constant 0 : i32
    %dma_wait3A_1110 = tpu.memref_slice %arg22[%dma_wait3A_1108, %dma_wait3A_1109] : memref<128x64xf32, #tpu.memory_space<vmem>> -> memref<128x64xf32, #tpu.memory_space<vmem>>
    %dma_wait3A_1111 = arith.constant 3584 : i32
    %dma_wait3A_1112 = tpu.memref_slice %arg12[%dma_wait3A_1111] : memref<8224xi32, #tpu.memory_space<vmem>> -> memref<128xi32, #tpu.memory_space<vmem>>
    %dma_wait3A_1113 = arith.constant 0 : i32
    %dma_wait3A_1114 = arith.constant 0 : i32
    %dma_wait3A_1115 = tpu.memref_slice %arg2[%dma_wait3A_1113, %dma_wait3A_1114] : memref<1000000x64xf32, #tpu.memory_space<hbm>> -> memref<1000000x64xf32, #tpu.memory_space<hbm>>
    tpu.wait_indirect_dma semaphore(%arg18 : memref<!tpu.dma_semaphore, #tpu.memory_space<semaphore_mem>>) src(%dma_wait3A_1115 : memref<1000000x64xf32, #tpu.memory_space<hbm>>) dst(%dma_wait3A_1110 : memref<128x64xf32, #tpu.memory_space<vmem>>)
    %add3A_1116 = arith.constant 3584 : i32
    %add3A_1117 = arith.addi %mul3A_2, %add3A_1116 : i32
    %dma_start3A_1118 = arith.constant 0 : i32
    %dma_start3A_1119 = arith.constant 0 : i32
    %dma_start3A_1120 = tpu.memref_slice %arg22[%dma_start3A_1118, %dma_start3A_1119] : memref<128x64xf32, #tpu.memory_space<vmem>> -> memref<128x64xf32, #tpu.memory_space<vmem>>
    %dma_start3A_1121 = arith.constant 0 : i32
    %dma_start3A_1122 = tpu.memref_slice %arg8[%add3A_1117, %dma_start3A_1121] : memref<263168x64xf32, #tpu.memory_space<hbm>> -> memref<128x64xf32, #tpu.memory_space<hbm>>
    %dma_start3A_1123 = arith.constant 0 : i32
    %dma_start3A_1124 = tpu.memref_slice %arg8[%add3A_1117, %dma_start3A_1123] : memref<263168x64xf32, #tpu.memory_space<hbm>> -> memref<128x64xf32, #tpu.memory_space<hbm>>
    %dma_start3A_1125 = arith.constant 0 : i32
    %dma_start3A_1126 = arith.constant 0 : i32
    %dma_start3A_1127 = tpu.memref_slice %arg22[%dma_start3A_1125, %dma_start3A_1126] : memref<128x64xf32, #tpu.memory_space<vmem>> -> memref<128x64xf32, #tpu.memory_space<vmem>>
    tpu.enqueue_dma source(%dma_start3A_1127 : memref<128x64xf32, #tpu.memory_space<vmem>>) target(%dma_start3A_1124 : memref<128x64xf32, #tpu.memory_space<hbm>>) target_semaphore(%arg19 : memref<!tpu.dma_semaphore, #tpu.memory_space<semaphore_mem>>)
    %dma_wait3A_1128 = arith.constant 0 : i32
    %dma_wait3A_1129 = arith.constant 0 : i32
    %dma_wait3A_1130 = tpu.memref_slice %arg22[%dma_wait3A_1128, %dma_wait3A_1129] : memref<128x64xf32, #tpu.memory_space<vmem>> -> memref<128x64xf32, #tpu.memory_space<vmem>>
    %dma_wait3A_1131 = arith.constant 0 : i32
    %dma_wait3A_1132 = tpu.memref_slice %arg8[%add3A_1117, %dma_wait3A_1131] : memref<263168x64xf32, #tpu.memory_space<hbm>> -> memref<128x64xf32, #tpu.memory_space<hbm>>
    %dma_wait3A_1133 = arith.constant 0 : i32
    %dma_wait3A_1134 = tpu.memref_slice %arg8[%add3A_1117, %dma_wait3A_1133] : memref<263168x64xf32, #tpu.memory_space<hbm>> -> memref<128x64xf32, #tpu.memory_space<hbm>>
    %dma_wait3A_1135 = arith.constant 0 : i32
    %dma_wait3A_1136 = arith.constant 0 : i32
    %dma_wait3A_1137 = tpu.memref_slice %arg22[%dma_wait3A_1135, %dma_wait3A_1136] : memref<128x64xf32, #tpu.memory_space<vmem>> -> memref<128x64xf32, #tpu.memory_space<vmem>>
    tpu.wait_dma2 semaphore(%arg19 : memref<!tpu.dma_semaphore, #tpu.memory_space<semaphore_mem>>) src(%dma_wait3A_1137 : memref<128x64xf32, #tpu.memory_space<vmem>>) dst(%dma_wait3A_1134 : memref<128x64xf32, #tpu.memory_space<hbm>>)
    %dma_start3A_1138 = arith.constant 0 : i32
    %dma_start3A_1139 = arith.constant 0 : i32
    %dma_start3A_1140 = tpu.memref_slice %arg22[%dma_start3A_1138, %dma_start3A_1139] : memref<128x64xf32, #tpu.memory_space<vmem>> -> memref<128x64xf32, #tpu.memory_space<vmem>>
    %dma_start3A_1141 = arith.constant 4096 : i32
    %dma_start3A_1142 = tpu.memref_slice %arg12[%dma_start3A_1141] : memref<8224xi32, #tpu.memory_space<vmem>> -> memref<128xi32, #tpu.memory_space<vmem>>
    %dma_start3A_1143 = arith.constant 0 : i32
    %dma_start3A_1144 = arith.constant 0 : i32
    %dma_start3A_1145 = tpu.memref_slice %arg2[%dma_start3A_1143, %dma_start3A_1144] : memref<1000000x64xf32, #tpu.memory_space<hbm>> -> memref<1000000x64xf32, #tpu.memory_space<hbm>>
    tpu.enqueue_indirect_dma source(%dma_start3A_1145 : memref<1000000x64xf32, #tpu.memory_space<hbm>>) target(%dma_start3A_1140 : memref<128x64xf32, #tpu.memory_space<vmem>>) offsets(%dma_start3A_1142 : memref<128xi32, #tpu.memory_space<vmem>>) semaphore(%arg18 : memref<!tpu.dma_semaphore, #tpu.memory_space<semaphore_mem>>)
    %dma_wait3A_1146 = arith.constant 0 : i32
    %dma_wait3A_1147 = arith.constant 0 : i32
    %dma_wait3A_1148 = tpu.memref_slice %arg23[%dma_wait3A_1146, %dma_wait3A_1147] : memref<128x64xf32, #tpu.memory_space<vmem>> -> memref<128x64xf32, #tpu.memory_space<vmem>>
    %dma_wait3A_1149 = arith.constant 3712 : i32
    %dma_wait3A_1150 = tpu.memref_slice %arg12[%dma_wait3A_1149] : memref<8224xi32, #tpu.memory_space<vmem>> -> memref<128xi32, #tpu.memory_space<vmem>>
    %dma_wait3A_1151 = arith.constant 0 : i32
    %dma_wait3A_1152 = arith.constant 0 : i32
    %dma_wait3A_1153 = tpu.memref_slice %arg2[%dma_wait3A_1151, %dma_wait3A_1152] : memref<1000000x64xf32, #tpu.memory_space<hbm>> -> memref<1000000x64xf32, #tpu.memory_space<hbm>>
    tpu.wait_indirect_dma semaphore(%arg18 : memref<!tpu.dma_semaphore, #tpu.memory_space<semaphore_mem>>) src(%dma_wait3A_1153 : memref<1000000x64xf32, #tpu.memory_space<hbm>>) dst(%dma_wait3A_1148 : memref<128x64xf32, #tpu.memory_space<vmem>>)
    %add3A_1154 = arith.constant 3712 : i32
    %add3A_1155 = arith.addi %mul3A_2, %add3A_1154 : i32
    %dma_start3A_1156 = arith.constant 0 : i32
    %dma_start3A_1157 = arith.constant 0 : i32
    %dma_start3A_1158 = tpu.memref_slice %arg23[%dma_start3A_1156, %dma_start3A_1157] : memref<128x64xf32, #tpu.memory_space<vmem>> -> memref<128x64xf32, #tpu.memory_space<vmem>>
    %dma_start3A_1159 = arith.constant 0 : i32
    %dma_start3A_1160 = tpu.memref_slice %arg8[%add3A_1155, %dma_start3A_1159] : memref<263168x64xf32, #tpu.memory_space<hbm>> -> memref<128x64xf32, #tpu.memory_space<hbm>>
    %dma_start3A_1161 = arith.constant 0 : i32
    %dma_start3A_1162 = tpu.memref_slice %arg8[%add3A_1155, %dma_start3A_1161] : memref<263168x64xf32, #tpu.memory_space<hbm>> -> memref<128x64xf32, #tpu.memory_space<hbm>>
    %dma_start3A_1163 = arith.constant 0 : i32
    %dma_start3A_1164 = arith.constant 0 : i32
    %dma_start3A_1165 = tpu.memref_slice %arg23[%dma_start3A_1163, %dma_start3A_1164] : memref<128x64xf32, #tpu.memory_space<vmem>> -> memref<128x64xf32, #tpu.memory_space<vmem>>
    tpu.enqueue_dma source(%dma_start3A_1165 : memref<128x64xf32, #tpu.memory_space<vmem>>) target(%dma_start3A_1162 : memref<128x64xf32, #tpu.memory_space<hbm>>) target_semaphore(%arg19 : memref<!tpu.dma_semaphore, #tpu.memory_space<semaphore_mem>>)
    %dma_wait3A_1166 = arith.constant 0 : i32
    %dma_wait3A_1167 = arith.constant 0 : i32
    %dma_wait3A_1168 = tpu.memref_slice %arg23[%dma_wait3A_1166, %dma_wait3A_1167] : memref<128x64xf32, #tpu.memory_space<vmem>> -> memref<128x64xf32, #tpu.memory_space<vmem>>
    %dma_wait3A_1169 = arith.constant 0 : i32
    %dma_wait3A_1170 = tpu.memref_slice %arg8[%add3A_1155, %dma_wait3A_1169] : memref<263168x64xf32, #tpu.memory_space<hbm>> -> memref<128x64xf32, #tpu.memory_space<hbm>>
    %dma_wait3A_1171 = arith.constant 0 : i32
    %dma_wait3A_1172 = tpu.memref_slice %arg8[%add3A_1155, %dma_wait3A_1171] : memref<263168x64xf32, #tpu.memory_space<hbm>> -> memref<128x64xf32, #tpu.memory_space<hbm>>
    %dma_wait3A_1173 = arith.constant 0 : i32
    %dma_wait3A_1174 = arith.constant 0 : i32
    %dma_wait3A_1175 = tpu.memref_slice %arg23[%dma_wait3A_1173, %dma_wait3A_1174] : memref<128x64xf32, #tpu.memory_space<vmem>> -> memref<128x64xf32, #tpu.memory_space<vmem>>
    tpu.wait_dma2 semaphore(%arg19 : memref<!tpu.dma_semaphore, #tpu.memory_space<semaphore_mem>>) src(%dma_wait3A_1175 : memref<128x64xf32, #tpu.memory_space<vmem>>) dst(%dma_wait3A_1172 : memref<128x64xf32, #tpu.memory_space<hbm>>)
    %dma_start3A_1176 = arith.constant 0 : i32
    %dma_start3A_1177 = arith.constant 0 : i32
    %dma_start3A_1178 = tpu.memref_slice %arg23[%dma_start3A_1176, %dma_start3A_1177] : memref<128x64xf32, #tpu.memory_space<vmem>> -> memref<128x64xf32, #tpu.memory_space<vmem>>
    %dma_start3A_1179 = arith.constant 4224 : i32
    %dma_start3A_1180 = tpu.memref_slice %arg12[%dma_start3A_1179] : memref<8224xi32, #tpu.memory_space<vmem>> -> memref<128xi32, #tpu.memory_space<vmem>>
    %dma_start3A_1181 = arith.constant 0 : i32
    %dma_start3A_1182 = arith.constant 0 : i32
    %dma_start3A_1183 = tpu.memref_slice %arg2[%dma_start3A_1181, %dma_start3A_1182] : memref<1000000x64xf32, #tpu.memory_space<hbm>> -> memref<1000000x64xf32, #tpu.memory_space<hbm>>
    tpu.enqueue_indirect_dma source(%dma_start3A_1183 : memref<1000000x64xf32, #tpu.memory_space<hbm>>) target(%dma_start3A_1178 : memref<128x64xf32, #tpu.memory_space<vmem>>) offsets(%dma_start3A_1180 : memref<128xi32, #tpu.memory_space<vmem>>) semaphore(%arg18 : memref<!tpu.dma_semaphore, #tpu.memory_space<semaphore_mem>>)
    %dma_wait3A_1184 = arith.constant 0 : i32
    %dma_wait3A_1185 = arith.constant 0 : i32
    %dma_wait3A_1186 = tpu.memref_slice %arg24[%dma_wait3A_1184, %dma_wait3A_1185] : memref<128x64xf32, #tpu.memory_space<vmem>> -> memref<128x64xf32, #tpu.memory_space<vmem>>
    %dma_wait3A_1187 = arith.constant 3840 : i32
    %dma_wait3A_1188 = tpu.memref_slice %arg12[%dma_wait3A_1187] : memref<8224xi32, #tpu.memory_space<vmem>> -> memref<128xi32, #tpu.memory_space<vmem>>
    %dma_wait3A_1189 = arith.constant 0 : i32
    %dma_wait3A_1190 = arith.constant 0 : i32
    %dma_wait3A_1191 = tpu.memref_slice %arg2[%dma_wait3A_1189, %dma_wait3A_1190] : memref<1000000x64xf32, #tpu.memory_space<hbm>> -> memref<1000000x64xf32, #tpu.memory_space<hbm>>
    tpu.wait_indirect_dma semaphore(%arg18 : memref<!tpu.dma_semaphore, #tpu.memory_space<semaphore_mem>>) src(%dma_wait3A_1191 : memref<1000000x64xf32, #tpu.memory_space<hbm>>) dst(%dma_wait3A_1186 : memref<128x64xf32, #tpu.memory_space<vmem>>)
    %add3A_1192 = arith.constant 3840 : i32
    %add3A_1193 = arith.addi %mul3A_2, %add3A_1192 : i32
    %dma_start3A_1194 = arith.constant 0 : i32
    %dma_start3A_1195 = arith.constant 0 : i32
    %dma_start3A_1196 = tpu.memref_slice %arg24[%dma_start3A_1194, %dma_start3A_1195] : memref<128x64xf32, #tpu.memory_space<vmem>> -> memref<128x64xf32, #tpu.memory_space<vmem>>
    %dma_start3A_1197 = arith.constant 0 : i32
    %dma_start3A_1198 = tpu.memref_slice %arg8[%add3A_1193, %dma_start3A_1197] : memref<263168x64xf32, #tpu.memory_space<hbm>> -> memref<128x64xf32, #tpu.memory_space<hbm>>
    %dma_start3A_1199 = arith.constant 0 : i32
    %dma_start3A_1200 = tpu.memref_slice %arg8[%add3A_1193, %dma_start3A_1199] : memref<263168x64xf32, #tpu.memory_space<hbm>> -> memref<128x64xf32, #tpu.memory_space<hbm>>
    %dma_start3A_1201 = arith.constant 0 : i32
    %dma_start3A_1202 = arith.constant 0 : i32
    %dma_start3A_1203 = tpu.memref_slice %arg24[%dma_start3A_1201, %dma_start3A_1202] : memref<128x64xf32, #tpu.memory_space<vmem>> -> memref<128x64xf32, #tpu.memory_space<vmem>>
    tpu.enqueue_dma source(%dma_start3A_1203 : memref<128x64xf32, #tpu.memory_space<vmem>>) target(%dma_start3A_1200 : memref<128x64xf32, #tpu.memory_space<hbm>>) target_semaphore(%arg19 : memref<!tpu.dma_semaphore, #tpu.memory_space<semaphore_mem>>)
    %dma_wait3A_1204 = arith.constant 0 : i32
    %dma_wait3A_1205 = arith.constant 0 : i32
    %dma_wait3A_1206 = tpu.memref_slice %arg24[%dma_wait3A_1204, %dma_wait3A_1205] : memref<128x64xf32, #tpu.memory_space<vmem>> -> memref<128x64xf32, #tpu.memory_space<vmem>>
    %dma_wait3A_1207 = arith.constant 0 : i32
    %dma_wait3A_1208 = tpu.memref_slice %arg8[%add3A_1193, %dma_wait3A_1207] : memref<263168x64xf32, #tpu.memory_space<hbm>> -> memref<128x64xf32, #tpu.memory_space<hbm>>
    %dma_wait3A_1209 = arith.constant 0 : i32
    %dma_wait3A_1210 = tpu.memref_slice %arg8[%add3A_1193, %dma_wait3A_1209] : memref<263168x64xf32, #tpu.memory_space<hbm>> -> memref<128x64xf32, #tpu.memory_space<hbm>>
    %dma_wait3A_1211 = arith.constant 0 : i32
    %dma_wait3A_1212 = arith.constant 0 : i32
    %dma_wait3A_1213 = tpu.memref_slice %arg24[%dma_wait3A_1211, %dma_wait3A_1212] : memref<128x64xf32, #tpu.memory_space<vmem>> -> memref<128x64xf32, #tpu.memory_space<vmem>>
    tpu.wait_dma2 semaphore(%arg19 : memref<!tpu.dma_semaphore, #tpu.memory_space<semaphore_mem>>) src(%dma_wait3A_1213 : memref<128x64xf32, #tpu.memory_space<vmem>>) dst(%dma_wait3A_1210 : memref<128x64xf32, #tpu.memory_space<hbm>>)
    %dma_start3A_1214 = arith.constant 0 : i32
    %dma_start3A_1215 = arith.constant 0 : i32
    %dma_start3A_1216 = tpu.memref_slice %arg24[%dma_start3A_1214, %dma_start3A_1215] : memref<128x64xf32, #tpu.memory_space<vmem>> -> memref<128x64xf32, #tpu.memory_space<vmem>>
    %dma_start3A_1217 = arith.constant 4352 : i32
    %dma_start3A_1218 = tpu.memref_slice %arg12[%dma_start3A_1217] : memref<8224xi32, #tpu.memory_space<vmem>> -> memref<128xi32, #tpu.memory_space<vmem>>
    %dma_start3A_1219 = arith.constant 0 : i32
    %dma_start3A_1220 = arith.constant 0 : i32
    %dma_start3A_1221 = tpu.memref_slice %arg2[%dma_start3A_1219, %dma_start3A_1220] : memref<1000000x64xf32, #tpu.memory_space<hbm>> -> memref<1000000x64xf32, #tpu.memory_space<hbm>>
    tpu.enqueue_indirect_dma source(%dma_start3A_1221 : memref<1000000x64xf32, #tpu.memory_space<hbm>>) target(%dma_start3A_1216 : memref<128x64xf32, #tpu.memory_space<vmem>>) offsets(%dma_start3A_1218 : memref<128xi32, #tpu.memory_space<vmem>>) semaphore(%arg18 : memref<!tpu.dma_semaphore, #tpu.memory_space<semaphore_mem>>)
    %dma_wait3A_1222 = arith.constant 0 : i32
    %dma_wait3A_1223 = arith.constant 0 : i32
    %dma_wait3A_1224 = tpu.memref_slice %arg25[%dma_wait3A_1222, %dma_wait3A_1223] : memref<128x64xf32, #tpu.memory_space<vmem>> -> memref<128x64xf32, #tpu.memory_space<vmem>>
    %dma_wait3A_1225 = arith.constant 3968 : i32
    %dma_wait3A_1226 = tpu.memref_slice %arg12[%dma_wait3A_1225] : memref<8224xi32, #tpu.memory_space<vmem>> -> memref<128xi32, #tpu.memory_space<vmem>>
    %dma_wait3A_1227 = arith.constant 0 : i32
    %dma_wait3A_1228 = arith.constant 0 : i32
    %dma_wait3A_1229 = tpu.memref_slice %arg2[%dma_wait3A_1227, %dma_wait3A_1228] : memref<1000000x64xf32, #tpu.memory_space<hbm>> -> memref<1000000x64xf32, #tpu.memory_space<hbm>>
    tpu.wait_indirect_dma semaphore(%arg18 : memref<!tpu.dma_semaphore, #tpu.memory_space<semaphore_mem>>) src(%dma_wait3A_1229 : memref<1000000x64xf32, #tpu.memory_space<hbm>>) dst(%dma_wait3A_1224 : memref<128x64xf32, #tpu.memory_space<vmem>>)
    %add3A_1230 = arith.constant 3968 : i32
    %add3A_1231 = arith.addi %mul3A_2, %add3A_1230 : i32
    %dma_start3A_1232 = arith.constant 0 : i32
    %dma_start3A_1233 = arith.constant 0 : i32
    %dma_start3A_1234 = tpu.memref_slice %arg25[%dma_start3A_1232, %dma_start3A_1233] : memref<128x64xf32, #tpu.memory_space<vmem>> -> memref<128x64xf32, #tpu.memory_space<vmem>>
    %dma_start3A_1235 = arith.constant 0 : i32
    %dma_start3A_1236 = tpu.memref_slice %arg8[%add3A_1231, %dma_start3A_1235] : memref<263168x64xf32, #tpu.memory_space<hbm>> -> memref<128x64xf32, #tpu.memory_space<hbm>>
    %dma_start3A_1237 = arith.constant 0 : i32
    %dma_start3A_1238 = tpu.memref_slice %arg8[%add3A_1231, %dma_start3A_1237] : memref<263168x64xf32, #tpu.memory_space<hbm>> -> memref<128x64xf32, #tpu.memory_space<hbm>>
    %dma_start3A_1239 = arith.constant 0 : i32
    %dma_start3A_1240 = arith.constant 0 : i32
    %dma_start3A_1241 = tpu.memref_slice %arg25[%dma_start3A_1239, %dma_start3A_1240] : memref<128x64xf32, #tpu.memory_space<vmem>> -> memref<128x64xf32, #tpu.memory_space<vmem>>
    tpu.enqueue_dma source(%dma_start3A_1241 : memref<128x64xf32, #tpu.memory_space<vmem>>) target(%dma_start3A_1238 : memref<128x64xf32, #tpu.memory_space<hbm>>) target_semaphore(%arg19 : memref<!tpu.dma_semaphore, #tpu.memory_space<semaphore_mem>>)
    %dma_wait3A_1242 = arith.constant 0 : i32
    %dma_wait3A_1243 = arith.constant 0 : i32
    %dma_wait3A_1244 = tpu.memref_slice %arg25[%dma_wait3A_1242, %dma_wait3A_1243] : memref<128x64xf32, #tpu.memory_space<vmem>> -> memref<128x64xf32, #tpu.memory_space<vmem>>
    %dma_wait3A_1245 = arith.constant 0 : i32
    %dma_wait3A_1246 = tpu.memref_slice %arg8[%add3A_1231, %dma_wait3A_1245] : memref<263168x64xf32, #tpu.memory_space<hbm>> -> memref<128x64xf32, #tpu.memory_space<hbm>>
    %dma_wait3A_1247 = arith.constant 0 : i32
    %dma_wait3A_1248 = tpu.memref_slice %arg8[%add3A_1231, %dma_wait3A_1247] : memref<263168x64xf32, #tpu.memory_space<hbm>> -> memref<128x64xf32, #tpu.memory_space<hbm>>
    %dma_wait3A_1249 = arith.constant 0 : i32
    %dma_wait3A_1250 = arith.constant 0 : i32
    %dma_wait3A_1251 = tpu.memref_slice %arg25[%dma_wait3A_1249, %dma_wait3A_1250] : memref<128x64xf32, #tpu.memory_space<vmem>> -> memref<128x64xf32, #tpu.memory_space<vmem>>
    tpu.wait_dma2 semaphore(%arg19 : memref<!tpu.dma_semaphore, #tpu.memory_space<semaphore_mem>>) src(%dma_wait3A_1251 : memref<128x64xf32, #tpu.memory_space<vmem>>) dst(%dma_wait3A_1248 : memref<128x64xf32, #tpu.memory_space<hbm>>)
    %dma_start3A_1252 = arith.constant 0 : i32
    %dma_start3A_1253 = arith.constant 0 : i32
    %dma_start3A_1254 = tpu.memref_slice %arg25[%dma_start3A_1252, %dma_start3A_1253] : memref<128x64xf32, #tpu.memory_space<vmem>> -> memref<128x64xf32, #tpu.memory_space<vmem>>
    %dma_start3A_1255 = arith.constant 4480 : i32
    %dma_start3A_1256 = tpu.memref_slice %arg12[%dma_start3A_1255] : memref<8224xi32, #tpu.memory_space<vmem>> -> memref<128xi32, #tpu.memory_space<vmem>>
    %dma_start3A_1257 = arith.constant 0 : i32
    %dma_start3A_1258 = arith.constant 0 : i32
    %dma_start3A_1259 = tpu.memref_slice %arg2[%dma_start3A_1257, %dma_start3A_1258] : memref<1000000x64xf32, #tpu.memory_space<hbm>> -> memref<1000000x64xf32, #tpu.memory_space<hbm>>
    tpu.enqueue_indirect_dma source(%dma_start3A_1259 : memref<1000000x64xf32, #tpu.memory_space<hbm>>) target(%dma_start3A_1254 : memref<128x64xf32, #tpu.memory_space<vmem>>) offsets(%dma_start3A_1256 : memref<128xi32, #tpu.memory_space<vmem>>) semaphore(%arg18 : memref<!tpu.dma_semaphore, #tpu.memory_space<semaphore_mem>>)
    %dma_wait3A_1260 = arith.constant 0 : i32
    %dma_wait3A_1261 = arith.constant 0 : i32
    %dma_wait3A_1262 = tpu.memref_slice %arg22[%dma_wait3A_1260, %dma_wait3A_1261] : memref<128x64xf32, #tpu.memory_space<vmem>> -> memref<128x64xf32, #tpu.memory_space<vmem>>
    %dma_wait3A_1263 = arith.constant 4096 : i32
    %dma_wait3A_1264 = tpu.memref_slice %arg12[%dma_wait3A_1263] : memref<8224xi32, #tpu.memory_space<vmem>> -> memref<128xi32, #tpu.memory_space<vmem>>
    %dma_wait3A_1265 = arith.constant 0 : i32
    %dma_wait3A_1266 = arith.constant 0 : i32
    %dma_wait3A_1267 = tpu.memref_slice %arg2[%dma_wait3A_1265, %dma_wait3A_1266] : memref<1000000x64xf32, #tpu.memory_space<hbm>> -> memref<1000000x64xf32, #tpu.memory_space<hbm>>
    tpu.wait_indirect_dma semaphore(%arg18 : memref<!tpu.dma_semaphore, #tpu.memory_space<semaphore_mem>>) src(%dma_wait3A_1267 : memref<1000000x64xf32, #tpu.memory_space<hbm>>) dst(%dma_wait3A_1262 : memref<128x64xf32, #tpu.memory_space<vmem>>)
    %add3A_1268 = arith.constant 4096 : i32
    %add3A_1269 = arith.addi %mul3A_2, %add3A_1268 : i32
    %dma_start3A_1270 = arith.constant 0 : i32
    %dma_start3A_1271 = arith.constant 0 : i32
    %dma_start3A_1272 = tpu.memref_slice %arg22[%dma_start3A_1270, %dma_start3A_1271] : memref<128x64xf32, #tpu.memory_space<vmem>> -> memref<128x64xf32, #tpu.memory_space<vmem>>
    %dma_start3A_1273 = arith.constant 0 : i32
    %dma_start3A_1274 = tpu.memref_slice %arg8[%add3A_1269, %dma_start3A_1273] : memref<263168x64xf32, #tpu.memory_space<hbm>> -> memref<128x64xf32, #tpu.memory_space<hbm>>
    %dma_start3A_1275 = arith.constant 0 : i32
    %dma_start3A_1276 = tpu.memref_slice %arg8[%add3A_1269, %dma_start3A_1275] : memref<263168x64xf32, #tpu.memory_space<hbm>> -> memref<128x64xf32, #tpu.memory_space<hbm>>
    %dma_start3A_1277 = arith.constant 0 : i32
    %dma_start3A_1278 = arith.constant 0 : i32
    %dma_start3A_1279 = tpu.memref_slice %arg22[%dma_start3A_1277, %dma_start3A_1278] : memref<128x64xf32, #tpu.memory_space<vmem>> -> memref<128x64xf32, #tpu.memory_space<vmem>>
    tpu.enqueue_dma source(%dma_start3A_1279 : memref<128x64xf32, #tpu.memory_space<vmem>>) target(%dma_start3A_1276 : memref<128x64xf32, #tpu.memory_space<hbm>>) target_semaphore(%arg19 : memref<!tpu.dma_semaphore, #tpu.memory_space<semaphore_mem>>)
    %dma_wait3A_1280 = arith.constant 0 : i32
    %dma_wait3A_1281 = arith.constant 0 : i32
    %dma_wait3A_1282 = tpu.memref_slice %arg22[%dma_wait3A_1280, %dma_wait3A_1281] : memref<128x64xf32, #tpu.memory_space<vmem>> -> memref<128x64xf32, #tpu.memory_space<vmem>>
    %dma_wait3A_1283 = arith.constant 0 : i32
    %dma_wait3A_1284 = tpu.memref_slice %arg8[%add3A_1269, %dma_wait3A_1283] : memref<263168x64xf32, #tpu.memory_space<hbm>> -> memref<128x64xf32, #tpu.memory_space<hbm>>
    %dma_wait3A_1285 = arith.constant 0 : i32
    %dma_wait3A_1286 = tpu.memref_slice %arg8[%add3A_1269, %dma_wait3A_1285] : memref<263168x64xf32, #tpu.memory_space<hbm>> -> memref<128x64xf32, #tpu.memory_space<hbm>>
    %dma_wait3A_1287 = arith.constant 0 : i32
    %dma_wait3A_1288 = arith.constant 0 : i32
    %dma_wait3A_1289 = tpu.memref_slice %arg22[%dma_wait3A_1287, %dma_wait3A_1288] : memref<128x64xf32, #tpu.memory_space<vmem>> -> memref<128x64xf32, #tpu.memory_space<vmem>>
    tpu.wait_dma2 semaphore(%arg19 : memref<!tpu.dma_semaphore, #tpu.memory_space<semaphore_mem>>) src(%dma_wait3A_1289 : memref<128x64xf32, #tpu.memory_space<vmem>>) dst(%dma_wait3A_1286 : memref<128x64xf32, #tpu.memory_space<hbm>>)
    %dma_start3A_1290 = arith.constant 0 : i32
    %dma_start3A_1291 = arith.constant 0 : i32
    %dma_start3A_1292 = tpu.memref_slice %arg22[%dma_start3A_1290, %dma_start3A_1291] : memref<128x64xf32, #tpu.memory_space<vmem>> -> memref<128x64xf32, #tpu.memory_space<vmem>>
    %dma_start3A_1293 = arith.constant 4608 : i32
    %dma_start3A_1294 = tpu.memref_slice %arg12[%dma_start3A_1293] : memref<8224xi32, #tpu.memory_space<vmem>> -> memref<128xi32, #tpu.memory_space<vmem>>
    %dma_start3A_1295 = arith.constant 0 : i32
    %dma_start3A_1296 = arith.constant 0 : i32
    %dma_start3A_1297 = tpu.memref_slice %arg2[%dma_start3A_1295, %dma_start3A_1296] : memref<1000000x64xf32, #tpu.memory_space<hbm>> -> memref<1000000x64xf32, #tpu.memory_space<hbm>>
    tpu.enqueue_indirect_dma source(%dma_start3A_1297 : memref<1000000x64xf32, #tpu.memory_space<hbm>>) target(%dma_start3A_1292 : memref<128x64xf32, #tpu.memory_space<vmem>>) offsets(%dma_start3A_1294 : memref<128xi32, #tpu.memory_space<vmem>>) semaphore(%arg18 : memref<!tpu.dma_semaphore, #tpu.memory_space<semaphore_mem>>)
    %dma_wait3A_1298 = arith.constant 0 : i32
    %dma_wait3A_1299 = arith.constant 0 : i32
    %dma_wait3A_1300 = tpu.memref_slice %arg23[%dma_wait3A_1298, %dma_wait3A_1299] : memref<128x64xf32, #tpu.memory_space<vmem>> -> memref<128x64xf32, #tpu.memory_space<vmem>>
    %dma_wait3A_1301 = arith.constant 4224 : i32
    %dma_wait3A_1302 = tpu.memref_slice %arg12[%dma_wait3A_1301] : memref<8224xi32, #tpu.memory_space<vmem>> -> memref<128xi32, #tpu.memory_space<vmem>>
    %dma_wait3A_1303 = arith.constant 0 : i32
    %dma_wait3A_1304 = arith.constant 0 : i32
    %dma_wait3A_1305 = tpu.memref_slice %arg2[%dma_wait3A_1303, %dma_wait3A_1304] : memref<1000000x64xf32, #tpu.memory_space<hbm>> -> memref<1000000x64xf32, #tpu.memory_space<hbm>>
    tpu.wait_indirect_dma semaphore(%arg18 : memref<!tpu.dma_semaphore, #tpu.memory_space<semaphore_mem>>) src(%dma_wait3A_1305 : memref<1000000x64xf32, #tpu.memory_space<hbm>>) dst(%dma_wait3A_1300 : memref<128x64xf32, #tpu.memory_space<vmem>>)
    %add3A_1306 = arith.constant 4224 : i32
    %add3A_1307 = arith.addi %mul3A_2, %add3A_1306 : i32
    %dma_start3A_1308 = arith.constant 0 : i32
    %dma_start3A_1309 = arith.constant 0 : i32
    %dma_start3A_1310 = tpu.memref_slice %arg23[%dma_start3A_1308, %dma_start3A_1309] : memref<128x64xf32, #tpu.memory_space<vmem>> -> memref<128x64xf32, #tpu.memory_space<vmem>>
    %dma_start3A_1311 = arith.constant 0 : i32
    %dma_start3A_1312 = tpu.memref_slice %arg8[%add3A_1307, %dma_start3A_1311] : memref<263168x64xf32, #tpu.memory_space<hbm>> -> memref<128x64xf32, #tpu.memory_space<hbm>>
    %dma_start3A_1313 = arith.constant 0 : i32
    %dma_start3A_1314 = tpu.memref_slice %arg8[%add3A_1307, %dma_start3A_1313] : memref<263168x64xf32, #tpu.memory_space<hbm>> -> memref<128x64xf32, #tpu.memory_space<hbm>>
    %dma_start3A_1315 = arith.constant 0 : i32
    %dma_start3A_1316 = arith.constant 0 : i32
    %dma_start3A_1317 = tpu.memref_slice %arg23[%dma_start3A_1315, %dma_start3A_1316] : memref<128x64xf32, #tpu.memory_space<vmem>> -> memref<128x64xf32, #tpu.memory_space<vmem>>
    tpu.enqueue_dma source(%dma_start3A_1317 : memref<128x64xf32, #tpu.memory_space<vmem>>) target(%dma_start3A_1314 : memref<128x64xf32, #tpu.memory_space<hbm>>) target_semaphore(%arg19 : memref<!tpu.dma_semaphore, #tpu.memory_space<semaphore_mem>>)
    %dma_wait3A_1318 = arith.constant 0 : i32
    %dma_wait3A_1319 = arith.constant 0 : i32
    %dma_wait3A_1320 = tpu.memref_slice %arg23[%dma_wait3A_1318, %dma_wait3A_1319] : memref<128x64xf32, #tpu.memory_space<vmem>> -> memref<128x64xf32, #tpu.memory_space<vmem>>
    %dma_wait3A_1321 = arith.constant 0 : i32
    %dma_wait3A_1322 = tpu.memref_slice %arg8[%add3A_1307, %dma_wait3A_1321] : memref<263168x64xf32, #tpu.memory_space<hbm>> -> memref<128x64xf32, #tpu.memory_space<hbm>>
    %dma_wait3A_1323 = arith.constant 0 : i32
    %dma_wait3A_1324 = tpu.memref_slice %arg8[%add3A_1307, %dma_wait3A_1323] : memref<263168x64xf32, #tpu.memory_space<hbm>> -> memref<128x64xf32, #tpu.memory_space<hbm>>
    %dma_wait3A_1325 = arith.constant 0 : i32
    %dma_wait3A_1326 = arith.constant 0 : i32
    %dma_wait3A_1327 = tpu.memref_slice %arg23[%dma_wait3A_1325, %dma_wait3A_1326] : memref<128x64xf32, #tpu.memory_space<vmem>> -> memref<128x64xf32, #tpu.memory_space<vmem>>
    tpu.wait_dma2 semaphore(%arg19 : memref<!tpu.dma_semaphore, #tpu.memory_space<semaphore_mem>>) src(%dma_wait3A_1327 : memref<128x64xf32, #tpu.memory_space<vmem>>) dst(%dma_wait3A_1324 : memref<128x64xf32, #tpu.memory_space<hbm>>)
    %dma_start3A_1328 = arith.constant 0 : i32
    %dma_start3A_1329 = arith.constant 0 : i32
    %dma_start3A_1330 = tpu.memref_slice %arg23[%dma_start3A_1328, %dma_start3A_1329] : memref<128x64xf32, #tpu.memory_space<vmem>> -> memref<128x64xf32, #tpu.memory_space<vmem>>
    %dma_start3A_1331 = arith.constant 4736 : i32
    %dma_start3A_1332 = tpu.memref_slice %arg12[%dma_start3A_1331] : memref<8224xi32, #tpu.memory_space<vmem>> -> memref<128xi32, #tpu.memory_space<vmem>>
    %dma_start3A_1333 = arith.constant 0 : i32
    %dma_start3A_1334 = arith.constant 0 : i32
    %dma_start3A_1335 = tpu.memref_slice %arg2[%dma_start3A_1333, %dma_start3A_1334] : memref<1000000x64xf32, #tpu.memory_space<hbm>> -> memref<1000000x64xf32, #tpu.memory_space<hbm>>
    tpu.enqueue_indirect_dma source(%dma_start3A_1335 : memref<1000000x64xf32, #tpu.memory_space<hbm>>) target(%dma_start3A_1330 : memref<128x64xf32, #tpu.memory_space<vmem>>) offsets(%dma_start3A_1332 : memref<128xi32, #tpu.memory_space<vmem>>) semaphore(%arg18 : memref<!tpu.dma_semaphore, #tpu.memory_space<semaphore_mem>>)
    %dma_wait3A_1336 = arith.constant 0 : i32
    %dma_wait3A_1337 = arith.constant 0 : i32
    %dma_wait3A_1338 = tpu.memref_slice %arg24[%dma_wait3A_1336, %dma_wait3A_1337] : memref<128x64xf32, #tpu.memory_space<vmem>> -> memref<128x64xf32, #tpu.memory_space<vmem>>
    %dma_wait3A_1339 = arith.constant 4352 : i32
    %dma_wait3A_1340 = tpu.memref_slice %arg12[%dma_wait3A_1339] : memref<8224xi32, #tpu.memory_space<vmem>> -> memref<128xi32, #tpu.memory_space<vmem>>
    %dma_wait3A_1341 = arith.constant 0 : i32
    %dma_wait3A_1342 = arith.constant 0 : i32
    %dma_wait3A_1343 = tpu.memref_slice %arg2[%dma_wait3A_1341, %dma_wait3A_1342] : memref<1000000x64xf32, #tpu.memory_space<hbm>> -> memref<1000000x64xf32, #tpu.memory_space<hbm>>
    tpu.wait_indirect_dma semaphore(%arg18 : memref<!tpu.dma_semaphore, #tpu.memory_space<semaphore_mem>>) src(%dma_wait3A_1343 : memref<1000000x64xf32, #tpu.memory_space<hbm>>) dst(%dma_wait3A_1338 : memref<128x64xf32, #tpu.memory_space<vmem>>)
    %add3A_1344 = arith.constant 4352 : i32
    %add3A_1345 = arith.addi %mul3A_2, %add3A_1344 : i32
    %dma_start3A_1346 = arith.constant 0 : i32
    %dma_start3A_1347 = arith.constant 0 : i32
    %dma_start3A_1348 = tpu.memref_slice %arg24[%dma_start3A_1346, %dma_start3A_1347] : memref<128x64xf32, #tpu.memory_space<vmem>> -> memref<128x64xf32, #tpu.memory_space<vmem>>
    %dma_start3A_1349 = arith.constant 0 : i32
    %dma_start3A_1350 = tpu.memref_slice %arg8[%add3A_1345, %dma_start3A_1349] : memref<263168x64xf32, #tpu.memory_space<hbm>> -> memref<128x64xf32, #tpu.memory_space<hbm>>
    %dma_start3A_1351 = arith.constant 0 : i32
    %dma_start3A_1352 = tpu.memref_slice %arg8[%add3A_1345, %dma_start3A_1351] : memref<263168x64xf32, #tpu.memory_space<hbm>> -> memref<128x64xf32, #tpu.memory_space<hbm>>
    %dma_start3A_1353 = arith.constant 0 : i32
    %dma_start3A_1354 = arith.constant 0 : i32
    %dma_start3A_1355 = tpu.memref_slice %arg24[%dma_start3A_1353, %dma_start3A_1354] : memref<128x64xf32, #tpu.memory_space<vmem>> -> memref<128x64xf32, #tpu.memory_space<vmem>>
    tpu.enqueue_dma source(%dma_start3A_1355 : memref<128x64xf32, #tpu.memory_space<vmem>>) target(%dma_start3A_1352 : memref<128x64xf32, #tpu.memory_space<hbm>>) target_semaphore(%arg19 : memref<!tpu.dma_semaphore, #tpu.memory_space<semaphore_mem>>)
    %dma_wait3A_1356 = arith.constant 0 : i32
    %dma_wait3A_1357 = arith.constant 0 : i32
    %dma_wait3A_1358 = tpu.memref_slice %arg24[%dma_wait3A_1356, %dma_wait3A_1357] : memref<128x64xf32, #tpu.memory_space<vmem>> -> memref<128x64xf32, #tpu.memory_space<vmem>>
    %dma_wait3A_1359 = arith.constant 0 : i32
    %dma_wait3A_1360 = tpu.memref_slice %arg8[%add3A_1345, %dma_wait3A_1359] : memref<263168x64xf32, #tpu.memory_space<hbm>> -> memref<128x64xf32, #tpu.memory_space<hbm>>
    %dma_wait3A_1361 = arith.constant 0 : i32
    %dma_wait3A_1362 = tpu.memref_slice %arg8[%add3A_1345, %dma_wait3A_1361] : memref<263168x64xf32, #tpu.memory_space<hbm>> -> memref<128x64xf32, #tpu.memory_space<hbm>>
    %dma_wait3A_1363 = arith.constant 0 : i32
    %dma_wait3A_1364 = arith.constant 0 : i32
    %dma_wait3A_1365 = tpu.memref_slice %arg24[%dma_wait3A_1363, %dma_wait3A_1364] : memref<128x64xf32, #tpu.memory_space<vmem>> -> memref<128x64xf32, #tpu.memory_space<vmem>>
    tpu.wait_dma2 semaphore(%arg19 : memref<!tpu.dma_semaphore, #tpu.memory_space<semaphore_mem>>) src(%dma_wait3A_1365 : memref<128x64xf32, #tpu.memory_space<vmem>>) dst(%dma_wait3A_1362 : memref<128x64xf32, #tpu.memory_space<hbm>>)
    %dma_start3A_1366 = arith.constant 0 : i32
    %dma_start3A_1367 = arith.constant 0 : i32
    %dma_start3A_1368 = tpu.memref_slice %arg24[%dma_start3A_1366, %dma_start3A_1367] : memref<128x64xf32, #tpu.memory_space<vmem>> -> memref<128x64xf32, #tpu.memory_space<vmem>>
    %dma_start3A_1369 = arith.constant 4864 : i32
    %dma_start3A_1370 = tpu.memref_slice %arg12[%dma_start3A_1369] : memref<8224xi32, #tpu.memory_space<vmem>> -> memref<128xi32, #tpu.memory_space<vmem>>
    %dma_start3A_1371 = arith.constant 0 : i32
    %dma_start3A_1372 = arith.constant 0 : i32
    %dma_start3A_1373 = tpu.memref_slice %arg2[%dma_start3A_1371, %dma_start3A_1372] : memref<1000000x64xf32, #tpu.memory_space<hbm>> -> memref<1000000x64xf32, #tpu.memory_space<hbm>>
    tpu.enqueue_indirect_dma source(%dma_start3A_1373 : memref<1000000x64xf32, #tpu.memory_space<hbm>>) target(%dma_start3A_1368 : memref<128x64xf32, #tpu.memory_space<vmem>>) offsets(%dma_start3A_1370 : memref<128xi32, #tpu.memory_space<vmem>>) semaphore(%arg18 : memref<!tpu.dma_semaphore, #tpu.memory_space<semaphore_mem>>)
    %dma_wait3A_1374 = arith.constant 0 : i32
    %dma_wait3A_1375 = arith.constant 0 : i32
    %dma_wait3A_1376 = tpu.memref_slice %arg25[%dma_wait3A_1374, %dma_wait3A_1375] : memref<128x64xf32, #tpu.memory_space<vmem>> -> memref<128x64xf32, #tpu.memory_space<vmem>>
    %dma_wait3A_1377 = arith.constant 4480 : i32
    %dma_wait3A_1378 = tpu.memref_slice %arg12[%dma_wait3A_1377] : memref<8224xi32, #tpu.memory_space<vmem>> -> memref<128xi32, #tpu.memory_space<vmem>>
    %dma_wait3A_1379 = arith.constant 0 : i32
    %dma_wait3A_1380 = arith.constant 0 : i32
    %dma_wait3A_1381 = tpu.memref_slice %arg2[%dma_wait3A_1379, %dma_wait3A_1380] : memref<1000000x64xf32, #tpu.memory_space<hbm>> -> memref<1000000x64xf32, #tpu.memory_space<hbm>>
    tpu.wait_indirect_dma semaphore(%arg18 : memref<!tpu.dma_semaphore, #tpu.memory_space<semaphore_mem>>) src(%dma_wait3A_1381 : memref<1000000x64xf32, #tpu.memory_space<hbm>>) dst(%dma_wait3A_1376 : memref<128x64xf32, #tpu.memory_space<vmem>>)
    %add3A_1382 = arith.constant 4480 : i32
    %add3A_1383 = arith.addi %mul3A_2, %add3A_1382 : i32
    %dma_start3A_1384 = arith.constant 0 : i32
    %dma_start3A_1385 = arith.constant 0 : i32
    %dma_start3A_1386 = tpu.memref_slice %arg25[%dma_start3A_1384, %dma_start3A_1385] : memref<128x64xf32, #tpu.memory_space<vmem>> -> memref<128x64xf32, #tpu.memory_space<vmem>>
    %dma_start3A_1387 = arith.constant 0 : i32
    %dma_start3A_1388 = tpu.memref_slice %arg8[%add3A_1383, %dma_start3A_1387] : memref<263168x64xf32, #tpu.memory_space<hbm>> -> memref<128x64xf32, #tpu.memory_space<hbm>>
    %dma_start3A_1389 = arith.constant 0 : i32
    %dma_start3A_1390 = tpu.memref_slice %arg8[%add3A_1383, %dma_start3A_1389] : memref<263168x64xf32, #tpu.memory_space<hbm>> -> memref<128x64xf32, #tpu.memory_space<hbm>>
    %dma_start3A_1391 = arith.constant 0 : i32
    %dma_start3A_1392 = arith.constant 0 : i32
    %dma_start3A_1393 = tpu.memref_slice %arg25[%dma_start3A_1391, %dma_start3A_1392] : memref<128x64xf32, #tpu.memory_space<vmem>> -> memref<128x64xf32, #tpu.memory_space<vmem>>
    tpu.enqueue_dma source(%dma_start3A_1393 : memref<128x64xf32, #tpu.memory_space<vmem>>) target(%dma_start3A_1390 : memref<128x64xf32, #tpu.memory_space<hbm>>) target_semaphore(%arg19 : memref<!tpu.dma_semaphore, #tpu.memory_space<semaphore_mem>>)
    %dma_wait3A_1394 = arith.constant 0 : i32
    %dma_wait3A_1395 = arith.constant 0 : i32
    %dma_wait3A_1396 = tpu.memref_slice %arg25[%dma_wait3A_1394, %dma_wait3A_1395] : memref<128x64xf32, #tpu.memory_space<vmem>> -> memref<128x64xf32, #tpu.memory_space<vmem>>
    %dma_wait3A_1397 = arith.constant 0 : i32
    %dma_wait3A_1398 = tpu.memref_slice %arg8[%add3A_1383, %dma_wait3A_1397] : memref<263168x64xf32, #tpu.memory_space<hbm>> -> memref<128x64xf32, #tpu.memory_space<hbm>>
    %dma_wait3A_1399 = arith.constant 0 : i32
    %dma_wait3A_1400 = tpu.memref_slice %arg8[%add3A_1383, %dma_wait3A_1399] : memref<263168x64xf32, #tpu.memory_space<hbm>> -> memref<128x64xf32, #tpu.memory_space<hbm>>
    %dma_wait3A_1401 = arith.constant 0 : i32
    %dma_wait3A_1402 = arith.constant 0 : i32
    %dma_wait3A_1403 = tpu.memref_slice %arg25[%dma_wait3A_1401, %dma_wait3A_1402] : memref<128x64xf32, #tpu.memory_space<vmem>> -> memref<128x64xf32, #tpu.memory_space<vmem>>
    tpu.wait_dma2 semaphore(%arg19 : memref<!tpu.dma_semaphore, #tpu.memory_space<semaphore_mem>>) src(%dma_wait3A_1403 : memref<128x64xf32, #tpu.memory_space<vmem>>) dst(%dma_wait3A_1400 : memref<128x64xf32, #tpu.memory_space<hbm>>)
    %dma_start3A_1404 = arith.constant 0 : i32
    %dma_start3A_1405 = arith.constant 0 : i32
    %dma_start3A_1406 = tpu.memref_slice %arg25[%dma_start3A_1404, %dma_start3A_1405] : memref<128x64xf32, #tpu.memory_space<vmem>> -> memref<128x64xf32, #tpu.memory_space<vmem>>
    %dma_start3A_1407 = arith.constant 4992 : i32
    %dma_start3A_1408 = tpu.memref_slice %arg12[%dma_start3A_1407] : memref<8224xi32, #tpu.memory_space<vmem>> -> memref<128xi32, #tpu.memory_space<vmem>>
    %dma_start3A_1409 = arith.constant 0 : i32
    %dma_start3A_1410 = arith.constant 0 : i32
    %dma_start3A_1411 = tpu.memref_slice %arg2[%dma_start3A_1409, %dma_start3A_1410] : memref<1000000x64xf32, #tpu.memory_space<hbm>> -> memref<1000000x64xf32, #tpu.memory_space<hbm>>
    tpu.enqueue_indirect_dma source(%dma_start3A_1411 : memref<1000000x64xf32, #tpu.memory_space<hbm>>) target(%dma_start3A_1406 : memref<128x64xf32, #tpu.memory_space<vmem>>) offsets(%dma_start3A_1408 : memref<128xi32, #tpu.memory_space<vmem>>) semaphore(%arg18 : memref<!tpu.dma_semaphore, #tpu.memory_space<semaphore_mem>>)
    %dma_wait3A_1412 = arith.constant 0 : i32
    %dma_wait3A_1413 = arith.constant 0 : i32
    %dma_wait3A_1414 = tpu.memref_slice %arg22[%dma_wait3A_1412, %dma_wait3A_1413] : memref<128x64xf32, #tpu.memory_space<vmem>> -> memref<128x64xf32, #tpu.memory_space<vmem>>
    %dma_wait3A_1415 = arith.constant 4608 : i32
    %dma_wait3A_1416 = tpu.memref_slice %arg12[%dma_wait3A_1415] : memref<8224xi32, #tpu.memory_space<vmem>> -> memref<128xi32, #tpu.memory_space<vmem>>
    %dma_wait3A_1417 = arith.constant 0 : i32
    %dma_wait3A_1418 = arith.constant 0 : i32
    %dma_wait3A_1419 = tpu.memref_slice %arg2[%dma_wait3A_1417, %dma_wait3A_1418] : memref<1000000x64xf32, #tpu.memory_space<hbm>> -> memref<1000000x64xf32, #tpu.memory_space<hbm>>
    tpu.wait_indirect_dma semaphore(%arg18 : memref<!tpu.dma_semaphore, #tpu.memory_space<semaphore_mem>>) src(%dma_wait3A_1419 : memref<1000000x64xf32, #tpu.memory_space<hbm>>) dst(%dma_wait3A_1414 : memref<128x64xf32, #tpu.memory_space<vmem>>)
    %add3A_1420 = arith.constant 4608 : i32
    %add3A_1421 = arith.addi %mul3A_2, %add3A_1420 : i32
    %dma_start3A_1422 = arith.constant 0 : i32
    %dma_start3A_1423 = arith.constant 0 : i32
    %dma_start3A_1424 = tpu.memref_slice %arg22[%dma_start3A_1422, %dma_start3A_1423] : memref<128x64xf32, #tpu.memory_space<vmem>> -> memref<128x64xf32, #tpu.memory_space<vmem>>
    %dma_start3A_1425 = arith.constant 0 : i32
    %dma_start3A_1426 = tpu.memref_slice %arg8[%add3A_1421, %dma_start3A_1425] : memref<263168x64xf32, #tpu.memory_space<hbm>> -> memref<128x64xf32, #tpu.memory_space<hbm>>
    %dma_start3A_1427 = arith.constant 0 : i32
    %dma_start3A_1428 = tpu.memref_slice %arg8[%add3A_1421, %dma_start3A_1427] : memref<263168x64xf32, #tpu.memory_space<hbm>> -> memref<128x64xf32, #tpu.memory_space<hbm>>
    %dma_start3A_1429 = arith.constant 0 : i32
    %dma_start3A_1430 = arith.constant 0 : i32
    %dma_start3A_1431 = tpu.memref_slice %arg22[%dma_start3A_1429, %dma_start3A_1430] : memref<128x64xf32, #tpu.memory_space<vmem>> -> memref<128x64xf32, #tpu.memory_space<vmem>>
    tpu.enqueue_dma source(%dma_start3A_1431 : memref<128x64xf32, #tpu.memory_space<vmem>>) target(%dma_start3A_1428 : memref<128x64xf32, #tpu.memory_space<hbm>>) target_semaphore(%arg19 : memref<!tpu.dma_semaphore, #tpu.memory_space<semaphore_mem>>)
    %dma_wait3A_1432 = arith.constant 0 : i32
    %dma_wait3A_1433 = arith.constant 0 : i32
    %dma_wait3A_1434 = tpu.memref_slice %arg22[%dma_wait3A_1432, %dma_wait3A_1433] : memref<128x64xf32, #tpu.memory_space<vmem>> -> memref<128x64xf32, #tpu.memory_space<vmem>>
    %dma_wait3A_1435 = arith.constant 0 : i32
    %dma_wait3A_1436 = tpu.memref_slice %arg8[%add3A_1421, %dma_wait3A_1435] : memref<263168x64xf32, #tpu.memory_space<hbm>> -> memref<128x64xf32, #tpu.memory_space<hbm>>
    %dma_wait3A_1437 = arith.constant 0 : i32
    %dma_wait3A_1438 = tpu.memref_slice %arg8[%add3A_1421, %dma_wait3A_1437] : memref<263168x64xf32, #tpu.memory_space<hbm>> -> memref<128x64xf32, #tpu.memory_space<hbm>>
    %dma_wait3A_1439 = arith.constant 0 : i32
    %dma_wait3A_1440 = arith.constant 0 : i32
    %dma_wait3A_1441 = tpu.memref_slice %arg22[%dma_wait3A_1439, %dma_wait3A_1440] : memref<128x64xf32, #tpu.memory_space<vmem>> -> memref<128x64xf32, #tpu.memory_space<vmem>>
    tpu.wait_dma2 semaphore(%arg19 : memref<!tpu.dma_semaphore, #tpu.memory_space<semaphore_mem>>) src(%dma_wait3A_1441 : memref<128x64xf32, #tpu.memory_space<vmem>>) dst(%dma_wait3A_1438 : memref<128x64xf32, #tpu.memory_space<hbm>>)
    %dma_start3A_1442 = arith.constant 0 : i32
    %dma_start3A_1443 = arith.constant 0 : i32
    %dma_start3A_1444 = tpu.memref_slice %arg22[%dma_start3A_1442, %dma_start3A_1443] : memref<128x64xf32, #tpu.memory_space<vmem>> -> memref<128x64xf32, #tpu.memory_space<vmem>>
    %dma_start3A_1445 = arith.constant 5120 : i32
    %dma_start3A_1446 = tpu.memref_slice %arg12[%dma_start3A_1445] : memref<8224xi32, #tpu.memory_space<vmem>> -> memref<128xi32, #tpu.memory_space<vmem>>
    %dma_start3A_1447 = arith.constant 0 : i32
    %dma_start3A_1448 = arith.constant 0 : i32
    %dma_start3A_1449 = tpu.memref_slice %arg2[%dma_start3A_1447, %dma_start3A_1448] : memref<1000000x64xf32, #tpu.memory_space<hbm>> -> memref<1000000x64xf32, #tpu.memory_space<hbm>>
    tpu.enqueue_indirect_dma source(%dma_start3A_1449 : memref<1000000x64xf32, #tpu.memory_space<hbm>>) target(%dma_start3A_1444 : memref<128x64xf32, #tpu.memory_space<vmem>>) offsets(%dma_start3A_1446 : memref<128xi32, #tpu.memory_space<vmem>>) semaphore(%arg18 : memref<!tpu.dma_semaphore, #tpu.memory_space<semaphore_mem>>)
    %dma_wait3A_1450 = arith.constant 0 : i32
    %dma_wait3A_1451 = arith.constant 0 : i32
    %dma_wait3A_1452 = tpu.memref_slice %arg23[%dma_wait3A_1450, %dma_wait3A_1451] : memref<128x64xf32, #tpu.memory_space<vmem>> -> memref<128x64xf32, #tpu.memory_space<vmem>>
    %dma_wait3A_1453 = arith.constant 4736 : i32
    %dma_wait3A_1454 = tpu.memref_slice %arg12[%dma_wait3A_1453] : memref<8224xi32, #tpu.memory_space<vmem>> -> memref<128xi32, #tpu.memory_space<vmem>>
    %dma_wait3A_1455 = arith.constant 0 : i32
    %dma_wait3A_1456 = arith.constant 0 : i32
    %dma_wait3A_1457 = tpu.memref_slice %arg2[%dma_wait3A_1455, %dma_wait3A_1456] : memref<1000000x64xf32, #tpu.memory_space<hbm>> -> memref<1000000x64xf32, #tpu.memory_space<hbm>>
    tpu.wait_indirect_dma semaphore(%arg18 : memref<!tpu.dma_semaphore, #tpu.memory_space<semaphore_mem>>) src(%dma_wait3A_1457 : memref<1000000x64xf32, #tpu.memory_space<hbm>>) dst(%dma_wait3A_1452 : memref<128x64xf32, #tpu.memory_space<vmem>>)
    %add3A_1458 = arith.constant 4736 : i32
    %add3A_1459 = arith.addi %mul3A_2, %add3A_1458 : i32
    %dma_start3A_1460 = arith.constant 0 : i32
    %dma_start3A_1461 = arith.constant 0 : i32
    %dma_start3A_1462 = tpu.memref_slice %arg23[%dma_start3A_1460, %dma_start3A_1461] : memref<128x64xf32, #tpu.memory_space<vmem>> -> memref<128x64xf32, #tpu.memory_space<vmem>>
    %dma_start3A_1463 = arith.constant 0 : i32
    %dma_start3A_1464 = tpu.memref_slice %arg8[%add3A_1459, %dma_start3A_1463] : memref<263168x64xf32, #tpu.memory_space<hbm>> -> memref<128x64xf32, #tpu.memory_space<hbm>>
    %dma_start3A_1465 = arith.constant 0 : i32
    %dma_start3A_1466 = tpu.memref_slice %arg8[%add3A_1459, %dma_start3A_1465] : memref<263168x64xf32, #tpu.memory_space<hbm>> -> memref<128x64xf32, #tpu.memory_space<hbm>>
    %dma_start3A_1467 = arith.constant 0 : i32
    %dma_start3A_1468 = arith.constant 0 : i32
    %dma_start3A_1469 = tpu.memref_slice %arg23[%dma_start3A_1467, %dma_start3A_1468] : memref<128x64xf32, #tpu.memory_space<vmem>> -> memref<128x64xf32, #tpu.memory_space<vmem>>
    tpu.enqueue_dma source(%dma_start3A_1469 : memref<128x64xf32, #tpu.memory_space<vmem>>) target(%dma_start3A_1466 : memref<128x64xf32, #tpu.memory_space<hbm>>) target_semaphore(%arg19 : memref<!tpu.dma_semaphore, #tpu.memory_space<semaphore_mem>>)
    %dma_wait3A_1470 = arith.constant 0 : i32
    %dma_wait3A_1471 = arith.constant 0 : i32
    %dma_wait3A_1472 = tpu.memref_slice %arg23[%dma_wait3A_1470, %dma_wait3A_1471] : memref<128x64xf32, #tpu.memory_space<vmem>> -> memref<128x64xf32, #tpu.memory_space<vmem>>
    %dma_wait3A_1473 = arith.constant 0 : i32
    %dma_wait3A_1474 = tpu.memref_slice %arg8[%add3A_1459, %dma_wait3A_1473] : memref<263168x64xf32, #tpu.memory_space<hbm>> -> memref<128x64xf32, #tpu.memory_space<hbm>>
    %dma_wait3A_1475 = arith.constant 0 : i32
    %dma_wait3A_1476 = tpu.memref_slice %arg8[%add3A_1459, %dma_wait3A_1475] : memref<263168x64xf32, #tpu.memory_space<hbm>> -> memref<128x64xf32, #tpu.memory_space<hbm>>
    %dma_wait3A_1477 = arith.constant 0 : i32
    %dma_wait3A_1478 = arith.constant 0 : i32
    %dma_wait3A_1479 = tpu.memref_slice %arg23[%dma_wait3A_1477, %dma_wait3A_1478] : memref<128x64xf32, #tpu.memory_space<vmem>> -> memref<128x64xf32, #tpu.memory_space<vmem>>
    tpu.wait_dma2 semaphore(%arg19 : memref<!tpu.dma_semaphore, #tpu.memory_space<semaphore_mem>>) src(%dma_wait3A_1479 : memref<128x64xf32, #tpu.memory_space<vmem>>) dst(%dma_wait3A_1476 : memref<128x64xf32, #tpu.memory_space<hbm>>)
    %dma_start3A_1480 = arith.constant 0 : i32
    %dma_start3A_1481 = arith.constant 0 : i32
    %dma_start3A_1482 = tpu.memref_slice %arg23[%dma_start3A_1480, %dma_start3A_1481] : memref<128x64xf32, #tpu.memory_space<vmem>> -> memref<128x64xf32, #tpu.memory_space<vmem>>
    %dma_start3A_1483 = arith.constant 5248 : i32
    %dma_start3A_1484 = tpu.memref_slice %arg12[%dma_start3A_1483] : memref<8224xi32, #tpu.memory_space<vmem>> -> memref<128xi32, #tpu.memory_space<vmem>>
    %dma_start3A_1485 = arith.constant 0 : i32
    %dma_start3A_1486 = arith.constant 0 : i32
    %dma_start3A_1487 = tpu.memref_slice %arg2[%dma_start3A_1485, %dma_start3A_1486] : memref<1000000x64xf32, #tpu.memory_space<hbm>> -> memref<1000000x64xf32, #tpu.memory_space<hbm>>
    tpu.enqueue_indirect_dma source(%dma_start3A_1487 : memref<1000000x64xf32, #tpu.memory_space<hbm>>) target(%dma_start3A_1482 : memref<128x64xf32, #tpu.memory_space<vmem>>) offsets(%dma_start3A_1484 : memref<128xi32, #tpu.memory_space<vmem>>) semaphore(%arg18 : memref<!tpu.dma_semaphore, #tpu.memory_space<semaphore_mem>>)
    %dma_wait3A_1488 = arith.constant 0 : i32
    %dma_wait3A_1489 = arith.constant 0 : i32
    %dma_wait3A_1490 = tpu.memref_slice %arg24[%dma_wait3A_1488, %dma_wait3A_1489] : memref<128x64xf32, #tpu.memory_space<vmem>> -> memref<128x64xf32, #tpu.memory_space<vmem>>
    %dma_wait3A_1491 = arith.constant 4864 : i32
    %dma_wait3A_1492 = tpu.memref_slice %arg12[%dma_wait3A_1491] : memref<8224xi32, #tpu.memory_space<vmem>> -> memref<128xi32, #tpu.memory_space<vmem>>
    %dma_wait3A_1493 = arith.constant 0 : i32
    %dma_wait3A_1494 = arith.constant 0 : i32
    %dma_wait3A_1495 = tpu.memref_slice %arg2[%dma_wait3A_1493, %dma_wait3A_1494] : memref<1000000x64xf32, #tpu.memory_space<hbm>> -> memref<1000000x64xf32, #tpu.memory_space<hbm>>
    tpu.wait_indirect_dma semaphore(%arg18 : memref<!tpu.dma_semaphore, #tpu.memory_space<semaphore_mem>>) src(%dma_wait3A_1495 : memref<1000000x64xf32, #tpu.memory_space<hbm>>) dst(%dma_wait3A_1490 : memref<128x64xf32, #tpu.memory_space<vmem>>)
    %add3A_1496 = arith.constant 4864 : i32
    %add3A_1497 = arith.addi %mul3A_2, %add3A_1496 : i32
    %dma_start3A_1498 = arith.constant 0 : i32
    %dma_start3A_1499 = arith.constant 0 : i32
    %dma_start3A_1500 = tpu.memref_slice %arg24[%dma_start3A_1498, %dma_start3A_1499] : memref<128x64xf32, #tpu.memory_space<vmem>> -> memref<128x64xf32, #tpu.memory_space<vmem>>
    %dma_start3A_1501 = arith.constant 0 : i32
    %dma_start3A_1502 = tpu.memref_slice %arg8[%add3A_1497, %dma_start3A_1501] : memref<263168x64xf32, #tpu.memory_space<hbm>> -> memref<128x64xf32, #tpu.memory_space<hbm>>
    %dma_start3A_1503 = arith.constant 0 : i32
    %dma_start3A_1504 = tpu.memref_slice %arg8[%add3A_1497, %dma_start3A_1503] : memref<263168x64xf32, #tpu.memory_space<hbm>> -> memref<128x64xf32, #tpu.memory_space<hbm>>
    %dma_start3A_1505 = arith.constant 0 : i32
    %dma_start3A_1506 = arith.constant 0 : i32
    %dma_start3A_1507 = tpu.memref_slice %arg24[%dma_start3A_1505, %dma_start3A_1506] : memref<128x64xf32, #tpu.memory_space<vmem>> -> memref<128x64xf32, #tpu.memory_space<vmem>>
    tpu.enqueue_dma source(%dma_start3A_1507 : memref<128x64xf32, #tpu.memory_space<vmem>>) target(%dma_start3A_1504 : memref<128x64xf32, #tpu.memory_space<hbm>>) target_semaphore(%arg19 : memref<!tpu.dma_semaphore, #tpu.memory_space<semaphore_mem>>)
    %dma_wait3A_1508 = arith.constant 0 : i32
    %dma_wait3A_1509 = arith.constant 0 : i32
    %dma_wait3A_1510 = tpu.memref_slice %arg24[%dma_wait3A_1508, %dma_wait3A_1509] : memref<128x64xf32, #tpu.memory_space<vmem>> -> memref<128x64xf32, #tpu.memory_space<vmem>>
    %dma_wait3A_1511 = arith.constant 0 : i32
    %dma_wait3A_1512 = tpu.memref_slice %arg8[%add3A_1497, %dma_wait3A_1511] : memref<263168x64xf32, #tpu.memory_space<hbm>> -> memref<128x64xf32, #tpu.memory_space<hbm>>
    %dma_wait3A_1513 = arith.constant 0 : i32
    %dma_wait3A_1514 = tpu.memref_slice %arg8[%add3A_1497, %dma_wait3A_1513] : memref<263168x64xf32, #tpu.memory_space<hbm>> -> memref<128x64xf32, #tpu.memory_space<hbm>>
    %dma_wait3A_1515 = arith.constant 0 : i32
    %dma_wait3A_1516 = arith.constant 0 : i32
    %dma_wait3A_1517 = tpu.memref_slice %arg24[%dma_wait3A_1515, %dma_wait3A_1516] : memref<128x64xf32, #tpu.memory_space<vmem>> -> memref<128x64xf32, #tpu.memory_space<vmem>>
    tpu.wait_dma2 semaphore(%arg19 : memref<!tpu.dma_semaphore, #tpu.memory_space<semaphore_mem>>) src(%dma_wait3A_1517 : memref<128x64xf32, #tpu.memory_space<vmem>>) dst(%dma_wait3A_1514 : memref<128x64xf32, #tpu.memory_space<hbm>>)
    %dma_start3A_1518 = arith.constant 0 : i32
    %dma_start3A_1519 = arith.constant 0 : i32
    %dma_start3A_1520 = tpu.memref_slice %arg24[%dma_start3A_1518, %dma_start3A_1519] : memref<128x64xf32, #tpu.memory_space<vmem>> -> memref<128x64xf32, #tpu.memory_space<vmem>>
    %dma_start3A_1521 = arith.constant 5376 : i32
    %dma_start3A_1522 = tpu.memref_slice %arg12[%dma_start3A_1521] : memref<8224xi32, #tpu.memory_space<vmem>> -> memref<128xi32, #tpu.memory_space<vmem>>
    %dma_start3A_1523 = arith.constant 0 : i32
    %dma_start3A_1524 = arith.constant 0 : i32
    %dma_start3A_1525 = tpu.memref_slice %arg2[%dma_start3A_1523, %dma_start3A_1524] : memref<1000000x64xf32, #tpu.memory_space<hbm>> -> memref<1000000x64xf32, #tpu.memory_space<hbm>>
    tpu.enqueue_indirect_dma source(%dma_start3A_1525 : memref<1000000x64xf32, #tpu.memory_space<hbm>>) target(%dma_start3A_1520 : memref<128x64xf32, #tpu.memory_space<vmem>>) offsets(%dma_start3A_1522 : memref<128xi32, #tpu.memory_space<vmem>>) semaphore(%arg18 : memref<!tpu.dma_semaphore, #tpu.memory_space<semaphore_mem>>)
    %dma_wait3A_1526 = arith.constant 0 : i32
    %dma_wait3A_1527 = arith.constant 0 : i32
    %dma_wait3A_1528 = tpu.memref_slice %arg25[%dma_wait3A_1526, %dma_wait3A_1527] : memref<128x64xf32, #tpu.memory_space<vmem>> -> memref<128x64xf32, #tpu.memory_space<vmem>>
    %dma_wait3A_1529 = arith.constant 4992 : i32
    %dma_wait3A_1530 = tpu.memref_slice %arg12[%dma_wait3A_1529] : memref<8224xi32, #tpu.memory_space<vmem>> -> memref<128xi32, #tpu.memory_space<vmem>>
    %dma_wait3A_1531 = arith.constant 0 : i32
    %dma_wait3A_1532 = arith.constant 0 : i32
    %dma_wait3A_1533 = tpu.memref_slice %arg2[%dma_wait3A_1531, %dma_wait3A_1532] : memref<1000000x64xf32, #tpu.memory_space<hbm>> -> memref<1000000x64xf32, #tpu.memory_space<hbm>>
    tpu.wait_indirect_dma semaphore(%arg18 : memref<!tpu.dma_semaphore, #tpu.memory_space<semaphore_mem>>) src(%dma_wait3A_1533 : memref<1000000x64xf32, #tpu.memory_space<hbm>>) dst(%dma_wait3A_1528 : memref<128x64xf32, #tpu.memory_space<vmem>>)
    %add3A_1534 = arith.constant 4992 : i32
    %add3A_1535 = arith.addi %mul3A_2, %add3A_1534 : i32
    %dma_start3A_1536 = arith.constant 0 : i32
    %dma_start3A_1537 = arith.constant 0 : i32
    %dma_start3A_1538 = tpu.memref_slice %arg25[%dma_start3A_1536, %dma_start3A_1537] : memref<128x64xf32, #tpu.memory_space<vmem>> -> memref<128x64xf32, #tpu.memory_space<vmem>>
    %dma_start3A_1539 = arith.constant 0 : i32
    %dma_start3A_1540 = tpu.memref_slice %arg8[%add3A_1535, %dma_start3A_1539] : memref<263168x64xf32, #tpu.memory_space<hbm>> -> memref<128x64xf32, #tpu.memory_space<hbm>>
    %dma_start3A_1541 = arith.constant 0 : i32
    %dma_start3A_1542 = tpu.memref_slice %arg8[%add3A_1535, %dma_start3A_1541] : memref<263168x64xf32, #tpu.memory_space<hbm>> -> memref<128x64xf32, #tpu.memory_space<hbm>>
    %dma_start3A_1543 = arith.constant 0 : i32
    %dma_start3A_1544 = arith.constant 0 : i32
    %dma_start3A_1545 = tpu.memref_slice %arg25[%dma_start3A_1543, %dma_start3A_1544] : memref<128x64xf32, #tpu.memory_space<vmem>> -> memref<128x64xf32, #tpu.memory_space<vmem>>
    tpu.enqueue_dma source(%dma_start3A_1545 : memref<128x64xf32, #tpu.memory_space<vmem>>) target(%dma_start3A_1542 : memref<128x64xf32, #tpu.memory_space<hbm>>) target_semaphore(%arg19 : memref<!tpu.dma_semaphore, #tpu.memory_space<semaphore_mem>>)
    %dma_wait3A_1546 = arith.constant 0 : i32
    %dma_wait3A_1547 = arith.constant 0 : i32
    %dma_wait3A_1548 = tpu.memref_slice %arg25[%dma_wait3A_1546, %dma_wait3A_1547] : memref<128x64xf32, #tpu.memory_space<vmem>> -> memref<128x64xf32, #tpu.memory_space<vmem>>
    %dma_wait3A_1549 = arith.constant 0 : i32
    %dma_wait3A_1550 = tpu.memref_slice %arg8[%add3A_1535, %dma_wait3A_1549] : memref<263168x64xf32, #tpu.memory_space<hbm>> -> memref<128x64xf32, #tpu.memory_space<hbm>>
    %dma_wait3A_1551 = arith.constant 0 : i32
    %dma_wait3A_1552 = tpu.memref_slice %arg8[%add3A_1535, %dma_wait3A_1551] : memref<263168x64xf32, #tpu.memory_space<hbm>> -> memref<128x64xf32, #tpu.memory_space<hbm>>
    %dma_wait3A_1553 = arith.constant 0 : i32
    %dma_wait3A_1554 = arith.constant 0 : i32
    %dma_wait3A_1555 = tpu.memref_slice %arg25[%dma_wait3A_1553, %dma_wait3A_1554] : memref<128x64xf32, #tpu.memory_space<vmem>> -> memref<128x64xf32, #tpu.memory_space<vmem>>
    tpu.wait_dma2 semaphore(%arg19 : memref<!tpu.dma_semaphore, #tpu.memory_space<semaphore_mem>>) src(%dma_wait3A_1555 : memref<128x64xf32, #tpu.memory_space<vmem>>) dst(%dma_wait3A_1552 : memref<128x64xf32, #tpu.memory_space<hbm>>)
    %dma_start3A_1556 = arith.constant 0 : i32
    %dma_start3A_1557 = arith.constant 0 : i32
    %dma_start3A_1558 = tpu.memref_slice %arg25[%dma_start3A_1556, %dma_start3A_1557] : memref<128x64xf32, #tpu.memory_space<vmem>> -> memref<128x64xf32, #tpu.memory_space<vmem>>
    %dma_start3A_1559 = arith.constant 5504 : i32
    %dma_start3A_1560 = tpu.memref_slice %arg12[%dma_start3A_1559] : memref<8224xi32, #tpu.memory_space<vmem>> -> memref<128xi32, #tpu.memory_space<vmem>>
    %dma_start3A_1561 = arith.constant 0 : i32
    %dma_start3A_1562 = arith.constant 0 : i32
    %dma_start3A_1563 = tpu.memref_slice %arg2[%dma_start3A_1561, %dma_start3A_1562] : memref<1000000x64xf32, #tpu.memory_space<hbm>> -> memref<1000000x64xf32, #tpu.memory_space<hbm>>
    tpu.enqueue_indirect_dma source(%dma_start3A_1563 : memref<1000000x64xf32, #tpu.memory_space<hbm>>) target(%dma_start3A_1558 : memref<128x64xf32, #tpu.memory_space<vmem>>) offsets(%dma_start3A_1560 : memref<128xi32, #tpu.memory_space<vmem>>) semaphore(%arg18 : memref<!tpu.dma_semaphore, #tpu.memory_space<semaphore_mem>>)
    %dma_wait3A_1564 = arith.constant 0 : i32
    %dma_wait3A_1565 = arith.constant 0 : i32
    %dma_wait3A_1566 = tpu.memref_slice %arg22[%dma_wait3A_1564, %dma_wait3A_1565] : memref<128x64xf32, #tpu.memory_space<vmem>> -> memref<128x64xf32, #tpu.memory_space<vmem>>
    %dma_wait3A_1567 = arith.constant 5120 : i32
    %dma_wait3A_1568 = tpu.memref_slice %arg12[%dma_wait3A_1567] : memref<8224xi32, #tpu.memory_space<vmem>> -> memref<128xi32, #tpu.memory_space<vmem>>
    %dma_wait3A_1569 = arith.constant 0 : i32
    %dma_wait3A_1570 = arith.constant 0 : i32
    %dma_wait3A_1571 = tpu.memref_slice %arg2[%dma_wait3A_1569, %dma_wait3A_1570] : memref<1000000x64xf32, #tpu.memory_space<hbm>> -> memref<1000000x64xf32, #tpu.memory_space<hbm>>
    tpu.wait_indirect_dma semaphore(%arg18 : memref<!tpu.dma_semaphore, #tpu.memory_space<semaphore_mem>>) src(%dma_wait3A_1571 : memref<1000000x64xf32, #tpu.memory_space<hbm>>) dst(%dma_wait3A_1566 : memref<128x64xf32, #tpu.memory_space<vmem>>)
    %add3A_1572 = arith.constant 5120 : i32
    %add3A_1573 = arith.addi %mul3A_2, %add3A_1572 : i32
    %dma_start3A_1574 = arith.constant 0 : i32
    %dma_start3A_1575 = arith.constant 0 : i32
    %dma_start3A_1576 = tpu.memref_slice %arg22[%dma_start3A_1574, %dma_start3A_1575] : memref<128x64xf32, #tpu.memory_space<vmem>> -> memref<128x64xf32, #tpu.memory_space<vmem>>
    %dma_start3A_1577 = arith.constant 0 : i32
    %dma_start3A_1578 = tpu.memref_slice %arg8[%add3A_1573, %dma_start3A_1577] : memref<263168x64xf32, #tpu.memory_space<hbm>> -> memref<128x64xf32, #tpu.memory_space<hbm>>
    %dma_start3A_1579 = arith.constant 0 : i32
    %dma_start3A_1580 = tpu.memref_slice %arg8[%add3A_1573, %dma_start3A_1579] : memref<263168x64xf32, #tpu.memory_space<hbm>> -> memref<128x64xf32, #tpu.memory_space<hbm>>
    %dma_start3A_1581 = arith.constant 0 : i32
    %dma_start3A_1582 = arith.constant 0 : i32
    %dma_start3A_1583 = tpu.memref_slice %arg22[%dma_start3A_1581, %dma_start3A_1582] : memref<128x64xf32, #tpu.memory_space<vmem>> -> memref<128x64xf32, #tpu.memory_space<vmem>>
    tpu.enqueue_dma source(%dma_start3A_1583 : memref<128x64xf32, #tpu.memory_space<vmem>>) target(%dma_start3A_1580 : memref<128x64xf32, #tpu.memory_space<hbm>>) target_semaphore(%arg19 : memref<!tpu.dma_semaphore, #tpu.memory_space<semaphore_mem>>)
    %dma_wait3A_1584 = arith.constant 0 : i32
    %dma_wait3A_1585 = arith.constant 0 : i32
    %dma_wait3A_1586 = tpu.memref_slice %arg22[%dma_wait3A_1584, %dma_wait3A_1585] : memref<128x64xf32, #tpu.memory_space<vmem>> -> memref<128x64xf32, #tpu.memory_space<vmem>>
    %dma_wait3A_1587 = arith.constant 0 : i32
    %dma_wait3A_1588 = tpu.memref_slice %arg8[%add3A_1573, %dma_wait3A_1587] : memref<263168x64xf32, #tpu.memory_space<hbm>> -> memref<128x64xf32, #tpu.memory_space<hbm>>
    %dma_wait3A_1589 = arith.constant 0 : i32
    %dma_wait3A_1590 = tpu.memref_slice %arg8[%add3A_1573, %dma_wait3A_1589] : memref<263168x64xf32, #tpu.memory_space<hbm>> -> memref<128x64xf32, #tpu.memory_space<hbm>>
    %dma_wait3A_1591 = arith.constant 0 : i32
    %dma_wait3A_1592 = arith.constant 0 : i32
    %dma_wait3A_1593 = tpu.memref_slice %arg22[%dma_wait3A_1591, %dma_wait3A_1592] : memref<128x64xf32, #tpu.memory_space<vmem>> -> memref<128x64xf32, #tpu.memory_space<vmem>>
    tpu.wait_dma2 semaphore(%arg19 : memref<!tpu.dma_semaphore, #tpu.memory_space<semaphore_mem>>) src(%dma_wait3A_1593 : memref<128x64xf32, #tpu.memory_space<vmem>>) dst(%dma_wait3A_1590 : memref<128x64xf32, #tpu.memory_space<hbm>>)
    %dma_start3A_1594 = arith.constant 0 : i32
    %dma_start3A_1595 = arith.constant 0 : i32
    %dma_start3A_1596 = tpu.memref_slice %arg22[%dma_start3A_1594, %dma_start3A_1595] : memref<128x64xf32, #tpu.memory_space<vmem>> -> memref<128x64xf32, #tpu.memory_space<vmem>>
    %dma_start3A_1597 = arith.constant 5632 : i32
    %dma_start3A_1598 = tpu.memref_slice %arg12[%dma_start3A_1597] : memref<8224xi32, #tpu.memory_space<vmem>> -> memref<128xi32, #tpu.memory_space<vmem>>
    %dma_start3A_1599 = arith.constant 0 : i32
    %dma_start3A_1600 = arith.constant 0 : i32
    %dma_start3A_1601 = tpu.memref_slice %arg2[%dma_start3A_1599, %dma_start3A_1600] : memref<1000000x64xf32, #tpu.memory_space<hbm>> -> memref<1000000x64xf32, #tpu.memory_space<hbm>>
    tpu.enqueue_indirect_dma source(%dma_start3A_1601 : memref<1000000x64xf32, #tpu.memory_space<hbm>>) target(%dma_start3A_1596 : memref<128x64xf32, #tpu.memory_space<vmem>>) offsets(%dma_start3A_1598 : memref<128xi32, #tpu.memory_space<vmem>>) semaphore(%arg18 : memref<!tpu.dma_semaphore, #tpu.memory_space<semaphore_mem>>)
    %dma_wait3A_1602 = arith.constant 0 : i32
    %dma_wait3A_1603 = arith.constant 0 : i32
    %dma_wait3A_1604 = tpu.memref_slice %arg23[%dma_wait3A_1602, %dma_wait3A_1603] : memref<128x64xf32, #tpu.memory_space<vmem>> -> memref<128x64xf32, #tpu.memory_space<vmem>>
    %dma_wait3A_1605 = arith.constant 5248 : i32
    %dma_wait3A_1606 = tpu.memref_slice %arg12[%dma_wait3A_1605] : memref<8224xi32, #tpu.memory_space<vmem>> -> memref<128xi32, #tpu.memory_space<vmem>>
    %dma_wait3A_1607 = arith.constant 0 : i32
    %dma_wait3A_1608 = arith.constant 0 : i32
    %dma_wait3A_1609 = tpu.memref_slice %arg2[%dma_wait3A_1607, %dma_wait3A_1608] : memref<1000000x64xf32, #tpu.memory_space<hbm>> -> memref<1000000x64xf32, #tpu.memory_space<hbm>>
    tpu.wait_indirect_dma semaphore(%arg18 : memref<!tpu.dma_semaphore, #tpu.memory_space<semaphore_mem>>) src(%dma_wait3A_1609 : memref<1000000x64xf32, #tpu.memory_space<hbm>>) dst(%dma_wait3A_1604 : memref<128x64xf32, #tpu.memory_space<vmem>>)
    %add3A_1610 = arith.constant 5248 : i32
    %add3A_1611 = arith.addi %mul3A_2, %add3A_1610 : i32
    %dma_start3A_1612 = arith.constant 0 : i32
    %dma_start3A_1613 = arith.constant 0 : i32
    %dma_start3A_1614 = tpu.memref_slice %arg23[%dma_start3A_1612, %dma_start3A_1613] : memref<128x64xf32, #tpu.memory_space<vmem>> -> memref<128x64xf32, #tpu.memory_space<vmem>>
    %dma_start3A_1615 = arith.constant 0 : i32
    %dma_start3A_1616 = tpu.memref_slice %arg8[%add3A_1611, %dma_start3A_1615] : memref<263168x64xf32, #tpu.memory_space<hbm>> -> memref<128x64xf32, #tpu.memory_space<hbm>>
    %dma_start3A_1617 = arith.constant 0 : i32
    %dma_start3A_1618 = tpu.memref_slice %arg8[%add3A_1611, %dma_start3A_1617] : memref<263168x64xf32, #tpu.memory_space<hbm>> -> memref<128x64xf32, #tpu.memory_space<hbm>>
    %dma_start3A_1619 = arith.constant 0 : i32
    %dma_start3A_1620 = arith.constant 0 : i32
    %dma_start3A_1621 = tpu.memref_slice %arg23[%dma_start3A_1619, %dma_start3A_1620] : memref<128x64xf32, #tpu.memory_space<vmem>> -> memref<128x64xf32, #tpu.memory_space<vmem>>
    tpu.enqueue_dma source(%dma_start3A_1621 : memref<128x64xf32, #tpu.memory_space<vmem>>) target(%dma_start3A_1618 : memref<128x64xf32, #tpu.memory_space<hbm>>) target_semaphore(%arg19 : memref<!tpu.dma_semaphore, #tpu.memory_space<semaphore_mem>>)
    %dma_wait3A_1622 = arith.constant 0 : i32
    %dma_wait3A_1623 = arith.constant 0 : i32
    %dma_wait3A_1624 = tpu.memref_slice %arg23[%dma_wait3A_1622, %dma_wait3A_1623] : memref<128x64xf32, #tpu.memory_space<vmem>> -> memref<128x64xf32, #tpu.memory_space<vmem>>
    %dma_wait3A_1625 = arith.constant 0 : i32
    %dma_wait3A_1626 = tpu.memref_slice %arg8[%add3A_1611, %dma_wait3A_1625] : memref<263168x64xf32, #tpu.memory_space<hbm>> -> memref<128x64xf32, #tpu.memory_space<hbm>>
    %dma_wait3A_1627 = arith.constant 0 : i32
    %dma_wait3A_1628 = tpu.memref_slice %arg8[%add3A_1611, %dma_wait3A_1627] : memref<263168x64xf32, #tpu.memory_space<hbm>> -> memref<128x64xf32, #tpu.memory_space<hbm>>
    %dma_wait3A_1629 = arith.constant 0 : i32
    %dma_wait3A_1630 = arith.constant 0 : i32
    %dma_wait3A_1631 = tpu.memref_slice %arg23[%dma_wait3A_1629, %dma_wait3A_1630] : memref<128x64xf32, #tpu.memory_space<vmem>> -> memref<128x64xf32, #tpu.memory_space<vmem>>
    tpu.wait_dma2 semaphore(%arg19 : memref<!tpu.dma_semaphore, #tpu.memory_space<semaphore_mem>>) src(%dma_wait3A_1631 : memref<128x64xf32, #tpu.memory_space<vmem>>) dst(%dma_wait3A_1628 : memref<128x64xf32, #tpu.memory_space<hbm>>)
    %dma_start3A_1632 = arith.constant 0 : i32
    %dma_start3A_1633 = arith.constant 0 : i32
    %dma_start3A_1634 = tpu.memref_slice %arg23[%dma_start3A_1632, %dma_start3A_1633] : memref<128x64xf32, #tpu.memory_space<vmem>> -> memref<128x64xf32, #tpu.memory_space<vmem>>
    %dma_start3A_1635 = arith.constant 5760 : i32
    %dma_start3A_1636 = tpu.memref_slice %arg12[%dma_start3A_1635] : memref<8224xi32, #tpu.memory_space<vmem>> -> memref<128xi32, #tpu.memory_space<vmem>>
    %dma_start3A_1637 = arith.constant 0 : i32
    %dma_start3A_1638 = arith.constant 0 : i32
    %dma_start3A_1639 = tpu.memref_slice %arg2[%dma_start3A_1637, %dma_start3A_1638] : memref<1000000x64xf32, #tpu.memory_space<hbm>> -> memref<1000000x64xf32, #tpu.memory_space<hbm>>
    tpu.enqueue_indirect_dma source(%dma_start3A_1639 : memref<1000000x64xf32, #tpu.memory_space<hbm>>) target(%dma_start3A_1634 : memref<128x64xf32, #tpu.memory_space<vmem>>) offsets(%dma_start3A_1636 : memref<128xi32, #tpu.memory_space<vmem>>) semaphore(%arg18 : memref<!tpu.dma_semaphore, #tpu.memory_space<semaphore_mem>>)
    %dma_wait3A_1640 = arith.constant 0 : i32
    %dma_wait3A_1641 = arith.constant 0 : i32
    %dma_wait3A_1642 = tpu.memref_slice %arg24[%dma_wait3A_1640, %dma_wait3A_1641] : memref<128x64xf32, #tpu.memory_space<vmem>> -> memref<128x64xf32, #tpu.memory_space<vmem>>
    %dma_wait3A_1643 = arith.constant 5376 : i32
    %dma_wait3A_1644 = tpu.memref_slice %arg12[%dma_wait3A_1643] : memref<8224xi32, #tpu.memory_space<vmem>> -> memref<128xi32, #tpu.memory_space<vmem>>
    %dma_wait3A_1645 = arith.constant 0 : i32
    %dma_wait3A_1646 = arith.constant 0 : i32
    %dma_wait3A_1647 = tpu.memref_slice %arg2[%dma_wait3A_1645, %dma_wait3A_1646] : memref<1000000x64xf32, #tpu.memory_space<hbm>> -> memref<1000000x64xf32, #tpu.memory_space<hbm>>
    tpu.wait_indirect_dma semaphore(%arg18 : memref<!tpu.dma_semaphore, #tpu.memory_space<semaphore_mem>>) src(%dma_wait3A_1647 : memref<1000000x64xf32, #tpu.memory_space<hbm>>) dst(%dma_wait3A_1642 : memref<128x64xf32, #tpu.memory_space<vmem>>)
    %add3A_1648 = arith.constant 5376 : i32
    %add3A_1649 = arith.addi %mul3A_2, %add3A_1648 : i32
    %dma_start3A_1650 = arith.constant 0 : i32
    %dma_start3A_1651 = arith.constant 0 : i32
    %dma_start3A_1652 = tpu.memref_slice %arg24[%dma_start3A_1650, %dma_start3A_1651] : memref<128x64xf32, #tpu.memory_space<vmem>> -> memref<128x64xf32, #tpu.memory_space<vmem>>
    %dma_start3A_1653 = arith.constant 0 : i32
    %dma_start3A_1654 = tpu.memref_slice %arg8[%add3A_1649, %dma_start3A_1653] : memref<263168x64xf32, #tpu.memory_space<hbm>> -> memref<128x64xf32, #tpu.memory_space<hbm>>
    %dma_start3A_1655 = arith.constant 0 : i32
    %dma_start3A_1656 = tpu.memref_slice %arg8[%add3A_1649, %dma_start3A_1655] : memref<263168x64xf32, #tpu.memory_space<hbm>> -> memref<128x64xf32, #tpu.memory_space<hbm>>
    %dma_start3A_1657 = arith.constant 0 : i32
    %dma_start3A_1658 = arith.constant 0 : i32
    %dma_start3A_1659 = tpu.memref_slice %arg24[%dma_start3A_1657, %dma_start3A_1658] : memref<128x64xf32, #tpu.memory_space<vmem>> -> memref<128x64xf32, #tpu.memory_space<vmem>>
    tpu.enqueue_dma source(%dma_start3A_1659 : memref<128x64xf32, #tpu.memory_space<vmem>>) target(%dma_start3A_1656 : memref<128x64xf32, #tpu.memory_space<hbm>>) target_semaphore(%arg19 : memref<!tpu.dma_semaphore, #tpu.memory_space<semaphore_mem>>)
    %dma_wait3A_1660 = arith.constant 0 : i32
    %dma_wait3A_1661 = arith.constant 0 : i32
    %dma_wait3A_1662 = tpu.memref_slice %arg24[%dma_wait3A_1660, %dma_wait3A_1661] : memref<128x64xf32, #tpu.memory_space<vmem>> -> memref<128x64xf32, #tpu.memory_space<vmem>>
    %dma_wait3A_1663 = arith.constant 0 : i32
    %dma_wait3A_1664 = tpu.memref_slice %arg8[%add3A_1649, %dma_wait3A_1663] : memref<263168x64xf32, #tpu.memory_space<hbm>> -> memref<128x64xf32, #tpu.memory_space<hbm>>
    %dma_wait3A_1665 = arith.constant 0 : i32
    %dma_wait3A_1666 = tpu.memref_slice %arg8[%add3A_1649, %dma_wait3A_1665] : memref<263168x64xf32, #tpu.memory_space<hbm>> -> memref<128x64xf32, #tpu.memory_space<hbm>>
    %dma_wait3A_1667 = arith.constant 0 : i32
    %dma_wait3A_1668 = arith.constant 0 : i32
    %dma_wait3A_1669 = tpu.memref_slice %arg24[%dma_wait3A_1667, %dma_wait3A_1668] : memref<128x64xf32, #tpu.memory_space<vmem>> -> memref<128x64xf32, #tpu.memory_space<vmem>>
    tpu.wait_dma2 semaphore(%arg19 : memref<!tpu.dma_semaphore, #tpu.memory_space<semaphore_mem>>) src(%dma_wait3A_1669 : memref<128x64xf32, #tpu.memory_space<vmem>>) dst(%dma_wait3A_1666 : memref<128x64xf32, #tpu.memory_space<hbm>>)
    %dma_start3A_1670 = arith.constant 0 : i32
    %dma_start3A_1671 = arith.constant 0 : i32
    %dma_start3A_1672 = tpu.memref_slice %arg24[%dma_start3A_1670, %dma_start3A_1671] : memref<128x64xf32, #tpu.memory_space<vmem>> -> memref<128x64xf32, #tpu.memory_space<vmem>>
    %dma_start3A_1673 = arith.constant 5888 : i32
    %dma_start3A_1674 = tpu.memref_slice %arg12[%dma_start3A_1673] : memref<8224xi32, #tpu.memory_space<vmem>> -> memref<128xi32, #tpu.memory_space<vmem>>
    %dma_start3A_1675 = arith.constant 0 : i32
    %dma_start3A_1676 = arith.constant 0 : i32
    %dma_start3A_1677 = tpu.memref_slice %arg2[%dma_start3A_1675, %dma_start3A_1676] : memref<1000000x64xf32, #tpu.memory_space<hbm>> -> memref<1000000x64xf32, #tpu.memory_space<hbm>>
    tpu.enqueue_indirect_dma source(%dma_start3A_1677 : memref<1000000x64xf32, #tpu.memory_space<hbm>>) target(%dma_start3A_1672 : memref<128x64xf32, #tpu.memory_space<vmem>>) offsets(%dma_start3A_1674 : memref<128xi32, #tpu.memory_space<vmem>>) semaphore(%arg18 : memref<!tpu.dma_semaphore, #tpu.memory_space<semaphore_mem>>)
    %dma_wait3A_1678 = arith.constant 0 : i32
    %dma_wait3A_1679 = arith.constant 0 : i32
    %dma_wait3A_1680 = tpu.memref_slice %arg25[%dma_wait3A_1678, %dma_wait3A_1679] : memref<128x64xf32, #tpu.memory_space<vmem>> -> memref<128x64xf32, #tpu.memory_space<vmem>>
    %dma_wait3A_1681 = arith.constant 5504 : i32
    %dma_wait3A_1682 = tpu.memref_slice %arg12[%dma_wait3A_1681] : memref<8224xi32, #tpu.memory_space<vmem>> -> memref<128xi32, #tpu.memory_space<vmem>>
    %dma_wait3A_1683 = arith.constant 0 : i32
    %dma_wait3A_1684 = arith.constant 0 : i32
    %dma_wait3A_1685 = tpu.memref_slice %arg2[%dma_wait3A_1683, %dma_wait3A_1684] : memref<1000000x64xf32, #tpu.memory_space<hbm>> -> memref<1000000x64xf32, #tpu.memory_space<hbm>>
    tpu.wait_indirect_dma semaphore(%arg18 : memref<!tpu.dma_semaphore, #tpu.memory_space<semaphore_mem>>) src(%dma_wait3A_1685 : memref<1000000x64xf32, #tpu.memory_space<hbm>>) dst(%dma_wait3A_1680 : memref<128x64xf32, #tpu.memory_space<vmem>>)
    %add3A_1686 = arith.constant 5504 : i32
    %add3A_1687 = arith.addi %mul3A_2, %add3A_1686 : i32
    %dma_start3A_1688 = arith.constant 0 : i32
    %dma_start3A_1689 = arith.constant 0 : i32
    %dma_start3A_1690 = tpu.memref_slice %arg25[%dma_start3A_1688, %dma_start3A_1689] : memref<128x64xf32, #tpu.memory_space<vmem>> -> memref<128x64xf32, #tpu.memory_space<vmem>>
    %dma_start3A_1691 = arith.constant 0 : i32
    %dma_start3A_1692 = tpu.memref_slice %arg8[%add3A_1687, %dma_start3A_1691] : memref<263168x64xf32, #tpu.memory_space<hbm>> -> memref<128x64xf32, #tpu.memory_space<hbm>>
    %dma_start3A_1693 = arith.constant 0 : i32
    %dma_start3A_1694 = tpu.memref_slice %arg8[%add3A_1687, %dma_start3A_1693] : memref<263168x64xf32, #tpu.memory_space<hbm>> -> memref<128x64xf32, #tpu.memory_space<hbm>>
    %dma_start3A_1695 = arith.constant 0 : i32
    %dma_start3A_1696 = arith.constant 0 : i32
    %dma_start3A_1697 = tpu.memref_slice %arg25[%dma_start3A_1695, %dma_start3A_1696] : memref<128x64xf32, #tpu.memory_space<vmem>> -> memref<128x64xf32, #tpu.memory_space<vmem>>
    tpu.enqueue_dma source(%dma_start3A_1697 : memref<128x64xf32, #tpu.memory_space<vmem>>) target(%dma_start3A_1694 : memref<128x64xf32, #tpu.memory_space<hbm>>) target_semaphore(%arg19 : memref<!tpu.dma_semaphore, #tpu.memory_space<semaphore_mem>>)
    %dma_wait3A_1698 = arith.constant 0 : i32
    %dma_wait3A_1699 = arith.constant 0 : i32
    %dma_wait3A_1700 = tpu.memref_slice %arg25[%dma_wait3A_1698, %dma_wait3A_1699] : memref<128x64xf32, #tpu.memory_space<vmem>> -> memref<128x64xf32, #tpu.memory_space<vmem>>
    %dma_wait3A_1701 = arith.constant 0 : i32
    %dma_wait3A_1702 = tpu.memref_slice %arg8[%add3A_1687, %dma_wait3A_1701] : memref<263168x64xf32, #tpu.memory_space<hbm>> -> memref<128x64xf32, #tpu.memory_space<hbm>>
    %dma_wait3A_1703 = arith.constant 0 : i32
    %dma_wait3A_1704 = tpu.memref_slice %arg8[%add3A_1687, %dma_wait3A_1703] : memref<263168x64xf32, #tpu.memory_space<hbm>> -> memref<128x64xf32, #tpu.memory_space<hbm>>
    %dma_wait3A_1705 = arith.constant 0 : i32
    %dma_wait3A_1706 = arith.constant 0 : i32
    %dma_wait3A_1707 = tpu.memref_slice %arg25[%dma_wait3A_1705, %dma_wait3A_1706] : memref<128x64xf32, #tpu.memory_space<vmem>> -> memref<128x64xf32, #tpu.memory_space<vmem>>
    tpu.wait_dma2 semaphore(%arg19 : memref<!tpu.dma_semaphore, #tpu.memory_space<semaphore_mem>>) src(%dma_wait3A_1707 : memref<128x64xf32, #tpu.memory_space<vmem>>) dst(%dma_wait3A_1704 : memref<128x64xf32, #tpu.memory_space<hbm>>)
    %dma_start3A_1708 = arith.constant 0 : i32
    %dma_start3A_1709 = arith.constant 0 : i32
    %dma_start3A_1710 = tpu.memref_slice %arg25[%dma_start3A_1708, %dma_start3A_1709] : memref<128x64xf32, #tpu.memory_space<vmem>> -> memref<128x64xf32, #tpu.memory_space<vmem>>
    %dma_start3A_1711 = arith.constant 6016 : i32
    %dma_start3A_1712 = tpu.memref_slice %arg12[%dma_start3A_1711] : memref<8224xi32, #tpu.memory_space<vmem>> -> memref<128xi32, #tpu.memory_space<vmem>>
    %dma_start3A_1713 = arith.constant 0 : i32
    %dma_start3A_1714 = arith.constant 0 : i32
    %dma_start3A_1715 = tpu.memref_slice %arg2[%dma_start3A_1713, %dma_start3A_1714] : memref<1000000x64xf32, #tpu.memory_space<hbm>> -> memref<1000000x64xf32, #tpu.memory_space<hbm>>
    tpu.enqueue_indirect_dma source(%dma_start3A_1715 : memref<1000000x64xf32, #tpu.memory_space<hbm>>) target(%dma_start3A_1710 : memref<128x64xf32, #tpu.memory_space<vmem>>) offsets(%dma_start3A_1712 : memref<128xi32, #tpu.memory_space<vmem>>) semaphore(%arg18 : memref<!tpu.dma_semaphore, #tpu.memory_space<semaphore_mem>>)
    %dma_wait3A_1716 = arith.constant 0 : i32
    %dma_wait3A_1717 = arith.constant 0 : i32
    %dma_wait3A_1718 = tpu.memref_slice %arg22[%dma_wait3A_1716, %dma_wait3A_1717] : memref<128x64xf32, #tpu.memory_space<vmem>> -> memref<128x64xf32, #tpu.memory_space<vmem>>
    %dma_wait3A_1719 = arith.constant 5632 : i32
    %dma_wait3A_1720 = tpu.memref_slice %arg12[%dma_wait3A_1719] : memref<8224xi32, #tpu.memory_space<vmem>> -> memref<128xi32, #tpu.memory_space<vmem>>
    %dma_wait3A_1721 = arith.constant 0 : i32
    %dma_wait3A_1722 = arith.constant 0 : i32
    %dma_wait3A_1723 = tpu.memref_slice %arg2[%dma_wait3A_1721, %dma_wait3A_1722] : memref<1000000x64xf32, #tpu.memory_space<hbm>> -> memref<1000000x64xf32, #tpu.memory_space<hbm>>
    tpu.wait_indirect_dma semaphore(%arg18 : memref<!tpu.dma_semaphore, #tpu.memory_space<semaphore_mem>>) src(%dma_wait3A_1723 : memref<1000000x64xf32, #tpu.memory_space<hbm>>) dst(%dma_wait3A_1718 : memref<128x64xf32, #tpu.memory_space<vmem>>)
    %add3A_1724 = arith.constant 5632 : i32
    %add3A_1725 = arith.addi %mul3A_2, %add3A_1724 : i32
    %dma_start3A_1726 = arith.constant 0 : i32
    %dma_start3A_1727 = arith.constant 0 : i32
    %dma_start3A_1728 = tpu.memref_slice %arg22[%dma_start3A_1726, %dma_start3A_1727] : memref<128x64xf32, #tpu.memory_space<vmem>> -> memref<128x64xf32, #tpu.memory_space<vmem>>
    %dma_start3A_1729 = arith.constant 0 : i32
    %dma_start3A_1730 = tpu.memref_slice %arg8[%add3A_1725, %dma_start3A_1729] : memref<263168x64xf32, #tpu.memory_space<hbm>> -> memref<128x64xf32, #tpu.memory_space<hbm>>
    %dma_start3A_1731 = arith.constant 0 : i32
    %dma_start3A_1732 = tpu.memref_slice %arg8[%add3A_1725, %dma_start3A_1731] : memref<263168x64xf32, #tpu.memory_space<hbm>> -> memref<128x64xf32, #tpu.memory_space<hbm>>
    %dma_start3A_1733 = arith.constant 0 : i32
    %dma_start3A_1734 = arith.constant 0 : i32
    %dma_start3A_1735 = tpu.memref_slice %arg22[%dma_start3A_1733, %dma_start3A_1734] : memref<128x64xf32, #tpu.memory_space<vmem>> -> memref<128x64xf32, #tpu.memory_space<vmem>>
    tpu.enqueue_dma source(%dma_start3A_1735 : memref<128x64xf32, #tpu.memory_space<vmem>>) target(%dma_start3A_1732 : memref<128x64xf32, #tpu.memory_space<hbm>>) target_semaphore(%arg19 : memref<!tpu.dma_semaphore, #tpu.memory_space<semaphore_mem>>)
    %dma_wait3A_1736 = arith.constant 0 : i32
    %dma_wait3A_1737 = arith.constant 0 : i32
    %dma_wait3A_1738 = tpu.memref_slice %arg22[%dma_wait3A_1736, %dma_wait3A_1737] : memref<128x64xf32, #tpu.memory_space<vmem>> -> memref<128x64xf32, #tpu.memory_space<vmem>>
    %dma_wait3A_1739 = arith.constant 0 : i32
    %dma_wait3A_1740 = tpu.memref_slice %arg8[%add3A_1725, %dma_wait3A_1739] : memref<263168x64xf32, #tpu.memory_space<hbm>> -> memref<128x64xf32, #tpu.memory_space<hbm>>
    %dma_wait3A_1741 = arith.constant 0 : i32
    %dma_wait3A_1742 = tpu.memref_slice %arg8[%add3A_1725, %dma_wait3A_1741] : memref<263168x64xf32, #tpu.memory_space<hbm>> -> memref<128x64xf32, #tpu.memory_space<hbm>>
    %dma_wait3A_1743 = arith.constant 0 : i32
    %dma_wait3A_1744 = arith.constant 0 : i32
    %dma_wait3A_1745 = tpu.memref_slice %arg22[%dma_wait3A_1743, %dma_wait3A_1744] : memref<128x64xf32, #tpu.memory_space<vmem>> -> memref<128x64xf32, #tpu.memory_space<vmem>>
    tpu.wait_dma2 semaphore(%arg19 : memref<!tpu.dma_semaphore, #tpu.memory_space<semaphore_mem>>) src(%dma_wait3A_1745 : memref<128x64xf32, #tpu.memory_space<vmem>>) dst(%dma_wait3A_1742 : memref<128x64xf32, #tpu.memory_space<hbm>>)
    %dma_start3A_1746 = arith.constant 0 : i32
    %dma_start3A_1747 = arith.constant 0 : i32
    %dma_start3A_1748 = tpu.memref_slice %arg22[%dma_start3A_1746, %dma_start3A_1747] : memref<128x64xf32, #tpu.memory_space<vmem>> -> memref<128x64xf32, #tpu.memory_space<vmem>>
    %dma_start3A_1749 = arith.constant 6144 : i32
    %dma_start3A_1750 = tpu.memref_slice %arg12[%dma_start3A_1749] : memref<8224xi32, #tpu.memory_space<vmem>> -> memref<128xi32, #tpu.memory_space<vmem>>
    %dma_start3A_1751 = arith.constant 0 : i32
    %dma_start3A_1752 = arith.constant 0 : i32
    %dma_start3A_1753 = tpu.memref_slice %arg2[%dma_start3A_1751, %dma_start3A_1752] : memref<1000000x64xf32, #tpu.memory_space<hbm>> -> memref<1000000x64xf32, #tpu.memory_space<hbm>>
    tpu.enqueue_indirect_dma source(%dma_start3A_1753 : memref<1000000x64xf32, #tpu.memory_space<hbm>>) target(%dma_start3A_1748 : memref<128x64xf32, #tpu.memory_space<vmem>>) offsets(%dma_start3A_1750 : memref<128xi32, #tpu.memory_space<vmem>>) semaphore(%arg18 : memref<!tpu.dma_semaphore, #tpu.memory_space<semaphore_mem>>)
    %dma_wait3A_1754 = arith.constant 0 : i32
    %dma_wait3A_1755 = arith.constant 0 : i32
    %dma_wait3A_1756 = tpu.memref_slice %arg23[%dma_wait3A_1754, %dma_wait3A_1755] : memref<128x64xf32, #tpu.memory_space<vmem>> -> memref<128x64xf32, #tpu.memory_space<vmem>>
    %dma_wait3A_1757 = arith.constant 5760 : i32
    %dma_wait3A_1758 = tpu.memref_slice %arg12[%dma_wait3A_1757] : memref<8224xi32, #tpu.memory_space<vmem>> -> memref<128xi32, #tpu.memory_space<vmem>>
    %dma_wait3A_1759 = arith.constant 0 : i32
    %dma_wait3A_1760 = arith.constant 0 : i32
    %dma_wait3A_1761 = tpu.memref_slice %arg2[%dma_wait3A_1759, %dma_wait3A_1760] : memref<1000000x64xf32, #tpu.memory_space<hbm>> -> memref<1000000x64xf32, #tpu.memory_space<hbm>>
    tpu.wait_indirect_dma semaphore(%arg18 : memref<!tpu.dma_semaphore, #tpu.memory_space<semaphore_mem>>) src(%dma_wait3A_1761 : memref<1000000x64xf32, #tpu.memory_space<hbm>>) dst(%dma_wait3A_1756 : memref<128x64xf32, #tpu.memory_space<vmem>>)
    %add3A_1762 = arith.constant 5760 : i32
    %add3A_1763 = arith.addi %mul3A_2, %add3A_1762 : i32
    %dma_start3A_1764 = arith.constant 0 : i32
    %dma_start3A_1765 = arith.constant 0 : i32
    %dma_start3A_1766 = tpu.memref_slice %arg23[%dma_start3A_1764, %dma_start3A_1765] : memref<128x64xf32, #tpu.memory_space<vmem>> -> memref<128x64xf32, #tpu.memory_space<vmem>>
    %dma_start3A_1767 = arith.constant 0 : i32
    %dma_start3A_1768 = tpu.memref_slice %arg8[%add3A_1763, %dma_start3A_1767] : memref<263168x64xf32, #tpu.memory_space<hbm>> -> memref<128x64xf32, #tpu.memory_space<hbm>>
    %dma_start3A_1769 = arith.constant 0 : i32
    %dma_start3A_1770 = tpu.memref_slice %arg8[%add3A_1763, %dma_start3A_1769] : memref<263168x64xf32, #tpu.memory_space<hbm>> -> memref<128x64xf32, #tpu.memory_space<hbm>>
    %dma_start3A_1771 = arith.constant 0 : i32
    %dma_start3A_1772 = arith.constant 0 : i32
    %dma_start3A_1773 = tpu.memref_slice %arg23[%dma_start3A_1771, %dma_start3A_1772] : memref<128x64xf32, #tpu.memory_space<vmem>> -> memref<128x64xf32, #tpu.memory_space<vmem>>
    tpu.enqueue_dma source(%dma_start3A_1773 : memref<128x64xf32, #tpu.memory_space<vmem>>) target(%dma_start3A_1770 : memref<128x64xf32, #tpu.memory_space<hbm>>) target_semaphore(%arg19 : memref<!tpu.dma_semaphore, #tpu.memory_space<semaphore_mem>>)
    %dma_wait3A_1774 = arith.constant 0 : i32
    %dma_wait3A_1775 = arith.constant 0 : i32
    %dma_wait3A_1776 = tpu.memref_slice %arg23[%dma_wait3A_1774, %dma_wait3A_1775] : memref<128x64xf32, #tpu.memory_space<vmem>> -> memref<128x64xf32, #tpu.memory_space<vmem>>
    %dma_wait3A_1777 = arith.constant 0 : i32
    %dma_wait3A_1778 = tpu.memref_slice %arg8[%add3A_1763, %dma_wait3A_1777] : memref<263168x64xf32, #tpu.memory_space<hbm>> -> memref<128x64xf32, #tpu.memory_space<hbm>>
    %dma_wait3A_1779 = arith.constant 0 : i32
    %dma_wait3A_1780 = tpu.memref_slice %arg8[%add3A_1763, %dma_wait3A_1779] : memref<263168x64xf32, #tpu.memory_space<hbm>> -> memref<128x64xf32, #tpu.memory_space<hbm>>
    %dma_wait3A_1781 = arith.constant 0 : i32
    %dma_wait3A_1782 = arith.constant 0 : i32
    %dma_wait3A_1783 = tpu.memref_slice %arg23[%dma_wait3A_1781, %dma_wait3A_1782] : memref<128x64xf32, #tpu.memory_space<vmem>> -> memref<128x64xf32, #tpu.memory_space<vmem>>
    tpu.wait_dma2 semaphore(%arg19 : memref<!tpu.dma_semaphore, #tpu.memory_space<semaphore_mem>>) src(%dma_wait3A_1783 : memref<128x64xf32, #tpu.memory_space<vmem>>) dst(%dma_wait3A_1780 : memref<128x64xf32, #tpu.memory_space<hbm>>)
    %dma_start3A_1784 = arith.constant 0 : i32
    %dma_start3A_1785 = arith.constant 0 : i32
    %dma_start3A_1786 = tpu.memref_slice %arg23[%dma_start3A_1784, %dma_start3A_1785] : memref<128x64xf32, #tpu.memory_space<vmem>> -> memref<128x64xf32, #tpu.memory_space<vmem>>
    %dma_start3A_1787 = arith.constant 6272 : i32
    %dma_start3A_1788 = tpu.memref_slice %arg12[%dma_start3A_1787] : memref<8224xi32, #tpu.memory_space<vmem>> -> memref<128xi32, #tpu.memory_space<vmem>>
    %dma_start3A_1789 = arith.constant 0 : i32
    %dma_start3A_1790 = arith.constant 0 : i32
    %dma_start3A_1791 = tpu.memref_slice %arg2[%dma_start3A_1789, %dma_start3A_1790] : memref<1000000x64xf32, #tpu.memory_space<hbm>> -> memref<1000000x64xf32, #tpu.memory_space<hbm>>
    tpu.enqueue_indirect_dma source(%dma_start3A_1791 : memref<1000000x64xf32, #tpu.memory_space<hbm>>) target(%dma_start3A_1786 : memref<128x64xf32, #tpu.memory_space<vmem>>) offsets(%dma_start3A_1788 : memref<128xi32, #tpu.memory_space<vmem>>) semaphore(%arg18 : memref<!tpu.dma_semaphore, #tpu.memory_space<semaphore_mem>>)
    %dma_wait3A_1792 = arith.constant 0 : i32
    %dma_wait3A_1793 = arith.constant 0 : i32
    %dma_wait3A_1794 = tpu.memref_slice %arg24[%dma_wait3A_1792, %dma_wait3A_1793] : memref<128x64xf32, #tpu.memory_space<vmem>> -> memref<128x64xf32, #tpu.memory_space<vmem>>
    %dma_wait3A_1795 = arith.constant 5888 : i32
    %dma_wait3A_1796 = tpu.memref_slice %arg12[%dma_wait3A_1795] : memref<8224xi32, #tpu.memory_space<vmem>> -> memref<128xi32, #tpu.memory_space<vmem>>
    %dma_wait3A_1797 = arith.constant 0 : i32
    %dma_wait3A_1798 = arith.constant 0 : i32
    %dma_wait3A_1799 = tpu.memref_slice %arg2[%dma_wait3A_1797, %dma_wait3A_1798] : memref<1000000x64xf32, #tpu.memory_space<hbm>> -> memref<1000000x64xf32, #tpu.memory_space<hbm>>
    tpu.wait_indirect_dma semaphore(%arg18 : memref<!tpu.dma_semaphore, #tpu.memory_space<semaphore_mem>>) src(%dma_wait3A_1799 : memref<1000000x64xf32, #tpu.memory_space<hbm>>) dst(%dma_wait3A_1794 : memref<128x64xf32, #tpu.memory_space<vmem>>)
    %add3A_1800 = arith.constant 5888 : i32
    %add3A_1801 = arith.addi %mul3A_2, %add3A_1800 : i32
    %dma_start3A_1802 = arith.constant 0 : i32
    %dma_start3A_1803 = arith.constant 0 : i32
    %dma_start3A_1804 = tpu.memref_slice %arg24[%dma_start3A_1802, %dma_start3A_1803] : memref<128x64xf32, #tpu.memory_space<vmem>> -> memref<128x64xf32, #tpu.memory_space<vmem>>
    %dma_start3A_1805 = arith.constant 0 : i32
    %dma_start3A_1806 = tpu.memref_slice %arg8[%add3A_1801, %dma_start3A_1805] : memref<263168x64xf32, #tpu.memory_space<hbm>> -> memref<128x64xf32, #tpu.memory_space<hbm>>
    %dma_start3A_1807 = arith.constant 0 : i32
    %dma_start3A_1808 = tpu.memref_slice %arg8[%add3A_1801, %dma_start3A_1807] : memref<263168x64xf32, #tpu.memory_space<hbm>> -> memref<128x64xf32, #tpu.memory_space<hbm>>
    %dma_start3A_1809 = arith.constant 0 : i32
    %dma_start3A_1810 = arith.constant 0 : i32
    %dma_start3A_1811 = tpu.memref_slice %arg24[%dma_start3A_1809, %dma_start3A_1810] : memref<128x64xf32, #tpu.memory_space<vmem>> -> memref<128x64xf32, #tpu.memory_space<vmem>>
    tpu.enqueue_dma source(%dma_start3A_1811 : memref<128x64xf32, #tpu.memory_space<vmem>>) target(%dma_start3A_1808 : memref<128x64xf32, #tpu.memory_space<hbm>>) target_semaphore(%arg19 : memref<!tpu.dma_semaphore, #tpu.memory_space<semaphore_mem>>)
    %dma_wait3A_1812 = arith.constant 0 : i32
    %dma_wait3A_1813 = arith.constant 0 : i32
    %dma_wait3A_1814 = tpu.memref_slice %arg24[%dma_wait3A_1812, %dma_wait3A_1813] : memref<128x64xf32, #tpu.memory_space<vmem>> -> memref<128x64xf32, #tpu.memory_space<vmem>>
    %dma_wait3A_1815 = arith.constant 0 : i32
    %dma_wait3A_1816 = tpu.memref_slice %arg8[%add3A_1801, %dma_wait3A_1815] : memref<263168x64xf32, #tpu.memory_space<hbm>> -> memref<128x64xf32, #tpu.memory_space<hbm>>
    %dma_wait3A_1817 = arith.constant 0 : i32
    %dma_wait3A_1818 = tpu.memref_slice %arg8[%add3A_1801, %dma_wait3A_1817] : memref<263168x64xf32, #tpu.memory_space<hbm>> -> memref<128x64xf32, #tpu.memory_space<hbm>>
    %dma_wait3A_1819 = arith.constant 0 : i32
    %dma_wait3A_1820 = arith.constant 0 : i32
    %dma_wait3A_1821 = tpu.memref_slice %arg24[%dma_wait3A_1819, %dma_wait3A_1820] : memref<128x64xf32, #tpu.memory_space<vmem>> -> memref<128x64xf32, #tpu.memory_space<vmem>>
    tpu.wait_dma2 semaphore(%arg19 : memref<!tpu.dma_semaphore, #tpu.memory_space<semaphore_mem>>) src(%dma_wait3A_1821 : memref<128x64xf32, #tpu.memory_space<vmem>>) dst(%dma_wait3A_1818 : memref<128x64xf32, #tpu.memory_space<hbm>>)
    %dma_start3A_1822 = arith.constant 0 : i32
    %dma_start3A_1823 = arith.constant 0 : i32
    %dma_start3A_1824 = tpu.memref_slice %arg24[%dma_start3A_1822, %dma_start3A_1823] : memref<128x64xf32, #tpu.memory_space<vmem>> -> memref<128x64xf32, #tpu.memory_space<vmem>>
    %dma_start3A_1825 = arith.constant 6400 : i32
    %dma_start3A_1826 = tpu.memref_slice %arg12[%dma_start3A_1825] : memref<8224xi32, #tpu.memory_space<vmem>> -> memref<128xi32, #tpu.memory_space<vmem>>
    %dma_start3A_1827 = arith.constant 0 : i32
    %dma_start3A_1828 = arith.constant 0 : i32
    %dma_start3A_1829 = tpu.memref_slice %arg2[%dma_start3A_1827, %dma_start3A_1828] : memref<1000000x64xf32, #tpu.memory_space<hbm>> -> memref<1000000x64xf32, #tpu.memory_space<hbm>>
    tpu.enqueue_indirect_dma source(%dma_start3A_1829 : memref<1000000x64xf32, #tpu.memory_space<hbm>>) target(%dma_start3A_1824 : memref<128x64xf32, #tpu.memory_space<vmem>>) offsets(%dma_start3A_1826 : memref<128xi32, #tpu.memory_space<vmem>>) semaphore(%arg18 : memref<!tpu.dma_semaphore, #tpu.memory_space<semaphore_mem>>)
    %dma_wait3A_1830 = arith.constant 0 : i32
    %dma_wait3A_1831 = arith.constant 0 : i32
    %dma_wait3A_1832 = tpu.memref_slice %arg25[%dma_wait3A_1830, %dma_wait3A_1831] : memref<128x64xf32, #tpu.memory_space<vmem>> -> memref<128x64xf32, #tpu.memory_space<vmem>>
    %dma_wait3A_1833 = arith.constant 6016 : i32
    %dma_wait3A_1834 = tpu.memref_slice %arg12[%dma_wait3A_1833] : memref<8224xi32, #tpu.memory_space<vmem>> -> memref<128xi32, #tpu.memory_space<vmem>>
    %dma_wait3A_1835 = arith.constant 0 : i32
    %dma_wait3A_1836 = arith.constant 0 : i32
    %dma_wait3A_1837 = tpu.memref_slice %arg2[%dma_wait3A_1835, %dma_wait3A_1836] : memref<1000000x64xf32, #tpu.memory_space<hbm>> -> memref<1000000x64xf32, #tpu.memory_space<hbm>>
    tpu.wait_indirect_dma semaphore(%arg18 : memref<!tpu.dma_semaphore, #tpu.memory_space<semaphore_mem>>) src(%dma_wait3A_1837 : memref<1000000x64xf32, #tpu.memory_space<hbm>>) dst(%dma_wait3A_1832 : memref<128x64xf32, #tpu.memory_space<vmem>>)
    %add3A_1838 = arith.constant 6016 : i32
    %add3A_1839 = arith.addi %mul3A_2, %add3A_1838 : i32
    %dma_start3A_1840 = arith.constant 0 : i32
    %dma_start3A_1841 = arith.constant 0 : i32
    %dma_start3A_1842 = tpu.memref_slice %arg25[%dma_start3A_1840, %dma_start3A_1841] : memref<128x64xf32, #tpu.memory_space<vmem>> -> memref<128x64xf32, #tpu.memory_space<vmem>>
    %dma_start3A_1843 = arith.constant 0 : i32
    %dma_start3A_1844 = tpu.memref_slice %arg8[%add3A_1839, %dma_start3A_1843] : memref<263168x64xf32, #tpu.memory_space<hbm>> -> memref<128x64xf32, #tpu.memory_space<hbm>>
    %dma_start3A_1845 = arith.constant 0 : i32
    %dma_start3A_1846 = tpu.memref_slice %arg8[%add3A_1839, %dma_start3A_1845] : memref<263168x64xf32, #tpu.memory_space<hbm>> -> memref<128x64xf32, #tpu.memory_space<hbm>>
    %dma_start3A_1847 = arith.constant 0 : i32
    %dma_start3A_1848 = arith.constant 0 : i32
    %dma_start3A_1849 = tpu.memref_slice %arg25[%dma_start3A_1847, %dma_start3A_1848] : memref<128x64xf32, #tpu.memory_space<vmem>> -> memref<128x64xf32, #tpu.memory_space<vmem>>
    tpu.enqueue_dma source(%dma_start3A_1849 : memref<128x64xf32, #tpu.memory_space<vmem>>) target(%dma_start3A_1846 : memref<128x64xf32, #tpu.memory_space<hbm>>) target_semaphore(%arg19 : memref<!tpu.dma_semaphore, #tpu.memory_space<semaphore_mem>>)
    %dma_wait3A_1850 = arith.constant 0 : i32
    %dma_wait3A_1851 = arith.constant 0 : i32
    %dma_wait3A_1852 = tpu.memref_slice %arg25[%dma_wait3A_1850, %dma_wait3A_1851] : memref<128x64xf32, #tpu.memory_space<vmem>> -> memref<128x64xf32, #tpu.memory_space<vmem>>
    %dma_wait3A_1853 = arith.constant 0 : i32
    %dma_wait3A_1854 = tpu.memref_slice %arg8[%add3A_1839, %dma_wait3A_1853] : memref<263168x64xf32, #tpu.memory_space<hbm>> -> memref<128x64xf32, #tpu.memory_space<hbm>>
    %dma_wait3A_1855 = arith.constant 0 : i32
    %dma_wait3A_1856 = tpu.memref_slice %arg8[%add3A_1839, %dma_wait3A_1855] : memref<263168x64xf32, #tpu.memory_space<hbm>> -> memref<128x64xf32, #tpu.memory_space<hbm>>
    %dma_wait3A_1857 = arith.constant 0 : i32
    %dma_wait3A_1858 = arith.constant 0 : i32
    %dma_wait3A_1859 = tpu.memref_slice %arg25[%dma_wait3A_1857, %dma_wait3A_1858] : memref<128x64xf32, #tpu.memory_space<vmem>> -> memref<128x64xf32, #tpu.memory_space<vmem>>
    tpu.wait_dma2 semaphore(%arg19 : memref<!tpu.dma_semaphore, #tpu.memory_space<semaphore_mem>>) src(%dma_wait3A_1859 : memref<128x64xf32, #tpu.memory_space<vmem>>) dst(%dma_wait3A_1856 : memref<128x64xf32, #tpu.memory_space<hbm>>)
    %dma_start3A_1860 = arith.constant 0 : i32
    %dma_start3A_1861 = arith.constant 0 : i32
    %dma_start3A_1862 = tpu.memref_slice %arg25[%dma_start3A_1860, %dma_start3A_1861] : memref<128x64xf32, #tpu.memory_space<vmem>> -> memref<128x64xf32, #tpu.memory_space<vmem>>
    %dma_start3A_1863 = arith.constant 6528 : i32
    %dma_start3A_1864 = tpu.memref_slice %arg12[%dma_start3A_1863] : memref<8224xi32, #tpu.memory_space<vmem>> -> memref<128xi32, #tpu.memory_space<vmem>>
    %dma_start3A_1865 = arith.constant 0 : i32
    %dma_start3A_1866 = arith.constant 0 : i32
    %dma_start3A_1867 = tpu.memref_slice %arg2[%dma_start3A_1865, %dma_start3A_1866] : memref<1000000x64xf32, #tpu.memory_space<hbm>> -> memref<1000000x64xf32, #tpu.memory_space<hbm>>
    tpu.enqueue_indirect_dma source(%dma_start3A_1867 : memref<1000000x64xf32, #tpu.memory_space<hbm>>) target(%dma_start3A_1862 : memref<128x64xf32, #tpu.memory_space<vmem>>) offsets(%dma_start3A_1864 : memref<128xi32, #tpu.memory_space<vmem>>) semaphore(%arg18 : memref<!tpu.dma_semaphore, #tpu.memory_space<semaphore_mem>>)
    %dma_wait3A_1868 = arith.constant 0 : i32
    %dma_wait3A_1869 = arith.constant 0 : i32
    %dma_wait3A_1870 = tpu.memref_slice %arg22[%dma_wait3A_1868, %dma_wait3A_1869] : memref<128x64xf32, #tpu.memory_space<vmem>> -> memref<128x64xf32, #tpu.memory_space<vmem>>
    %dma_wait3A_1871 = arith.constant 6144 : i32
    %dma_wait3A_1872 = tpu.memref_slice %arg12[%dma_wait3A_1871] : memref<8224xi32, #tpu.memory_space<vmem>> -> memref<128xi32, #tpu.memory_space<vmem>>
    %dma_wait3A_1873 = arith.constant 0 : i32
    %dma_wait3A_1874 = arith.constant 0 : i32
    %dma_wait3A_1875 = tpu.memref_slice %arg2[%dma_wait3A_1873, %dma_wait3A_1874] : memref<1000000x64xf32, #tpu.memory_space<hbm>> -> memref<1000000x64xf32, #tpu.memory_space<hbm>>
    tpu.wait_indirect_dma semaphore(%arg18 : memref<!tpu.dma_semaphore, #tpu.memory_space<semaphore_mem>>) src(%dma_wait3A_1875 : memref<1000000x64xf32, #tpu.memory_space<hbm>>) dst(%dma_wait3A_1870 : memref<128x64xf32, #tpu.memory_space<vmem>>)
    %add3A_1876 = arith.constant 6144 : i32
    %add3A_1877 = arith.addi %mul3A_2, %add3A_1876 : i32
    %dma_start3A_1878 = arith.constant 0 : i32
    %dma_start3A_1879 = arith.constant 0 : i32
    %dma_start3A_1880 = tpu.memref_slice %arg22[%dma_start3A_1878, %dma_start3A_1879] : memref<128x64xf32, #tpu.memory_space<vmem>> -> memref<128x64xf32, #tpu.memory_space<vmem>>
    %dma_start3A_1881 = arith.constant 0 : i32
    %dma_start3A_1882 = tpu.memref_slice %arg8[%add3A_1877, %dma_start3A_1881] : memref<263168x64xf32, #tpu.memory_space<hbm>> -> memref<128x64xf32, #tpu.memory_space<hbm>>
    %dma_start3A_1883 = arith.constant 0 : i32
    %dma_start3A_1884 = tpu.memref_slice %arg8[%add3A_1877, %dma_start3A_1883] : memref<263168x64xf32, #tpu.memory_space<hbm>> -> memref<128x64xf32, #tpu.memory_space<hbm>>
    %dma_start3A_1885 = arith.constant 0 : i32
    %dma_start3A_1886 = arith.constant 0 : i32
    %dma_start3A_1887 = tpu.memref_slice %arg22[%dma_start3A_1885, %dma_start3A_1886] : memref<128x64xf32, #tpu.memory_space<vmem>> -> memref<128x64xf32, #tpu.memory_space<vmem>>
    tpu.enqueue_dma source(%dma_start3A_1887 : memref<128x64xf32, #tpu.memory_space<vmem>>) target(%dma_start3A_1884 : memref<128x64xf32, #tpu.memory_space<hbm>>) target_semaphore(%arg19 : memref<!tpu.dma_semaphore, #tpu.memory_space<semaphore_mem>>)
    %dma_wait3A_1888 = arith.constant 0 : i32
    %dma_wait3A_1889 = arith.constant 0 : i32
    %dma_wait3A_1890 = tpu.memref_slice %arg22[%dma_wait3A_1888, %dma_wait3A_1889] : memref<128x64xf32, #tpu.memory_space<vmem>> -> memref<128x64xf32, #tpu.memory_space<vmem>>
    %dma_wait3A_1891 = arith.constant 0 : i32
    %dma_wait3A_1892 = tpu.memref_slice %arg8[%add3A_1877, %dma_wait3A_1891] : memref<263168x64xf32, #tpu.memory_space<hbm>> -> memref<128x64xf32, #tpu.memory_space<hbm>>
    %dma_wait3A_1893 = arith.constant 0 : i32
    %dma_wait3A_1894 = tpu.memref_slice %arg8[%add3A_1877, %dma_wait3A_1893] : memref<263168x64xf32, #tpu.memory_space<hbm>> -> memref<128x64xf32, #tpu.memory_space<hbm>>
    %dma_wait3A_1895 = arith.constant 0 : i32
    %dma_wait3A_1896 = arith.constant 0 : i32
    %dma_wait3A_1897 = tpu.memref_slice %arg22[%dma_wait3A_1895, %dma_wait3A_1896] : memref<128x64xf32, #tpu.memory_space<vmem>> -> memref<128x64xf32, #tpu.memory_space<vmem>>
    tpu.wait_dma2 semaphore(%arg19 : memref<!tpu.dma_semaphore, #tpu.memory_space<semaphore_mem>>) src(%dma_wait3A_1897 : memref<128x64xf32, #tpu.memory_space<vmem>>) dst(%dma_wait3A_1894 : memref<128x64xf32, #tpu.memory_space<hbm>>)
    %dma_start3A_1898 = arith.constant 0 : i32
    %dma_start3A_1899 = arith.constant 0 : i32
    %dma_start3A_1900 = tpu.memref_slice %arg22[%dma_start3A_1898, %dma_start3A_1899] : memref<128x64xf32, #tpu.memory_space<vmem>> -> memref<128x64xf32, #tpu.memory_space<vmem>>
    %dma_start3A_1901 = arith.constant 6656 : i32
    %dma_start3A_1902 = tpu.memref_slice %arg12[%dma_start3A_1901] : memref<8224xi32, #tpu.memory_space<vmem>> -> memref<128xi32, #tpu.memory_space<vmem>>
    %dma_start3A_1903 = arith.constant 0 : i32
    %dma_start3A_1904 = arith.constant 0 : i32
    %dma_start3A_1905 = tpu.memref_slice %arg2[%dma_start3A_1903, %dma_start3A_1904] : memref<1000000x64xf32, #tpu.memory_space<hbm>> -> memref<1000000x64xf32, #tpu.memory_space<hbm>>
    tpu.enqueue_indirect_dma source(%dma_start3A_1905 : memref<1000000x64xf32, #tpu.memory_space<hbm>>) target(%dma_start3A_1900 : memref<128x64xf32, #tpu.memory_space<vmem>>) offsets(%dma_start3A_1902 : memref<128xi32, #tpu.memory_space<vmem>>) semaphore(%arg18 : memref<!tpu.dma_semaphore, #tpu.memory_space<semaphore_mem>>)
    %dma_wait3A_1906 = arith.constant 0 : i32
    %dma_wait3A_1907 = arith.constant 0 : i32
    %dma_wait3A_1908 = tpu.memref_slice %arg23[%dma_wait3A_1906, %dma_wait3A_1907] : memref<128x64xf32, #tpu.memory_space<vmem>> -> memref<128x64xf32, #tpu.memory_space<vmem>>
    %dma_wait3A_1909 = arith.constant 6272 : i32
    %dma_wait3A_1910 = tpu.memref_slice %arg12[%dma_wait3A_1909] : memref<8224xi32, #tpu.memory_space<vmem>> -> memref<128xi32, #tpu.memory_space<vmem>>
    %dma_wait3A_1911 = arith.constant 0 : i32
    %dma_wait3A_1912 = arith.constant 0 : i32
    %dma_wait3A_1913 = tpu.memref_slice %arg2[%dma_wait3A_1911, %dma_wait3A_1912] : memref<1000000x64xf32, #tpu.memory_space<hbm>> -> memref<1000000x64xf32, #tpu.memory_space<hbm>>
    tpu.wait_indirect_dma semaphore(%arg18 : memref<!tpu.dma_semaphore, #tpu.memory_space<semaphore_mem>>) src(%dma_wait3A_1913 : memref<1000000x64xf32, #tpu.memory_space<hbm>>) dst(%dma_wait3A_1908 : memref<128x64xf32, #tpu.memory_space<vmem>>)
    %add3A_1914 = arith.constant 6272 : i32
    %add3A_1915 = arith.addi %mul3A_2, %add3A_1914 : i32
    %dma_start3A_1916 = arith.constant 0 : i32
    %dma_start3A_1917 = arith.constant 0 : i32
    %dma_start3A_1918 = tpu.memref_slice %arg23[%dma_start3A_1916, %dma_start3A_1917] : memref<128x64xf32, #tpu.memory_space<vmem>> -> memref<128x64xf32, #tpu.memory_space<vmem>>
    %dma_start3A_1919 = arith.constant 0 : i32
    %dma_start3A_1920 = tpu.memref_slice %arg8[%add3A_1915, %dma_start3A_1919] : memref<263168x64xf32, #tpu.memory_space<hbm>> -> memref<128x64xf32, #tpu.memory_space<hbm>>
    %dma_start3A_1921 = arith.constant 0 : i32
    %dma_start3A_1922 = tpu.memref_slice %arg8[%add3A_1915, %dma_start3A_1921] : memref<263168x64xf32, #tpu.memory_space<hbm>> -> memref<128x64xf32, #tpu.memory_space<hbm>>
    %dma_start3A_1923 = arith.constant 0 : i32
    %dma_start3A_1924 = arith.constant 0 : i32
    %dma_start3A_1925 = tpu.memref_slice %arg23[%dma_start3A_1923, %dma_start3A_1924] : memref<128x64xf32, #tpu.memory_space<vmem>> -> memref<128x64xf32, #tpu.memory_space<vmem>>
    tpu.enqueue_dma source(%dma_start3A_1925 : memref<128x64xf32, #tpu.memory_space<vmem>>) target(%dma_start3A_1922 : memref<128x64xf32, #tpu.memory_space<hbm>>) target_semaphore(%arg19 : memref<!tpu.dma_semaphore, #tpu.memory_space<semaphore_mem>>)
    %dma_wait3A_1926 = arith.constant 0 : i32
    %dma_wait3A_1927 = arith.constant 0 : i32
    %dma_wait3A_1928 = tpu.memref_slice %arg23[%dma_wait3A_1926, %dma_wait3A_1927] : memref<128x64xf32, #tpu.memory_space<vmem>> -> memref<128x64xf32, #tpu.memory_space<vmem>>
    %dma_wait3A_1929 = arith.constant 0 : i32
    %dma_wait3A_1930 = tpu.memref_slice %arg8[%add3A_1915, %dma_wait3A_1929] : memref<263168x64xf32, #tpu.memory_space<hbm>> -> memref<128x64xf32, #tpu.memory_space<hbm>>
    %dma_wait3A_1931 = arith.constant 0 : i32
    %dma_wait3A_1932 = tpu.memref_slice %arg8[%add3A_1915, %dma_wait3A_1931] : memref<263168x64xf32, #tpu.memory_space<hbm>> -> memref<128x64xf32, #tpu.memory_space<hbm>>
    %dma_wait3A_1933 = arith.constant 0 : i32
    %dma_wait3A_1934 = arith.constant 0 : i32
    %dma_wait3A_1935 = tpu.memref_slice %arg23[%dma_wait3A_1933, %dma_wait3A_1934] : memref<128x64xf32, #tpu.memory_space<vmem>> -> memref<128x64xf32, #tpu.memory_space<vmem>>
    tpu.wait_dma2 semaphore(%arg19 : memref<!tpu.dma_semaphore, #tpu.memory_space<semaphore_mem>>) src(%dma_wait3A_1935 : memref<128x64xf32, #tpu.memory_space<vmem>>) dst(%dma_wait3A_1932 : memref<128x64xf32, #tpu.memory_space<hbm>>)
    %dma_start3A_1936 = arith.constant 0 : i32
    %dma_start3A_1937 = arith.constant 0 : i32
    %dma_start3A_1938 = tpu.memref_slice %arg23[%dma_start3A_1936, %dma_start3A_1937] : memref<128x64xf32, #tpu.memory_space<vmem>> -> memref<128x64xf32, #tpu.memory_space<vmem>>
    %dma_start3A_1939 = arith.constant 6784 : i32
    %dma_start3A_1940 = tpu.memref_slice %arg12[%dma_start3A_1939] : memref<8224xi32, #tpu.memory_space<vmem>> -> memref<128xi32, #tpu.memory_space<vmem>>
    %dma_start3A_1941 = arith.constant 0 : i32
    %dma_start3A_1942 = arith.constant 0 : i32
    %dma_start3A_1943 = tpu.memref_slice %arg2[%dma_start3A_1941, %dma_start3A_1942] : memref<1000000x64xf32, #tpu.memory_space<hbm>> -> memref<1000000x64xf32, #tpu.memory_space<hbm>>
    tpu.enqueue_indirect_dma source(%dma_start3A_1943 : memref<1000000x64xf32, #tpu.memory_space<hbm>>) target(%dma_start3A_1938 : memref<128x64xf32, #tpu.memory_space<vmem>>) offsets(%dma_start3A_1940 : memref<128xi32, #tpu.memory_space<vmem>>) semaphore(%arg18 : memref<!tpu.dma_semaphore, #tpu.memory_space<semaphore_mem>>)
    %dma_wait3A_1944 = arith.constant 0 : i32
    %dma_wait3A_1945 = arith.constant 0 : i32
    %dma_wait3A_1946 = tpu.memref_slice %arg24[%dma_wait3A_1944, %dma_wait3A_1945] : memref<128x64xf32, #tpu.memory_space<vmem>> -> memref<128x64xf32, #tpu.memory_space<vmem>>
    %dma_wait3A_1947 = arith.constant 6400 : i32
    %dma_wait3A_1948 = tpu.memref_slice %arg12[%dma_wait3A_1947] : memref<8224xi32, #tpu.memory_space<vmem>> -> memref<128xi32, #tpu.memory_space<vmem>>
    %dma_wait3A_1949 = arith.constant 0 : i32
    %dma_wait3A_1950 = arith.constant 0 : i32
    %dma_wait3A_1951 = tpu.memref_slice %arg2[%dma_wait3A_1949, %dma_wait3A_1950] : memref<1000000x64xf32, #tpu.memory_space<hbm>> -> memref<1000000x64xf32, #tpu.memory_space<hbm>>
    tpu.wait_indirect_dma semaphore(%arg18 : memref<!tpu.dma_semaphore, #tpu.memory_space<semaphore_mem>>) src(%dma_wait3A_1951 : memref<1000000x64xf32, #tpu.memory_space<hbm>>) dst(%dma_wait3A_1946 : memref<128x64xf32, #tpu.memory_space<vmem>>)
    %add3A_1952 = arith.constant 6400 : i32
    %add3A_1953 = arith.addi %mul3A_2, %add3A_1952 : i32
    %dma_start3A_1954 = arith.constant 0 : i32
    %dma_start3A_1955 = arith.constant 0 : i32
    %dma_start3A_1956 = tpu.memref_slice %arg24[%dma_start3A_1954, %dma_start3A_1955] : memref<128x64xf32, #tpu.memory_space<vmem>> -> memref<128x64xf32, #tpu.memory_space<vmem>>
    %dma_start3A_1957 = arith.constant 0 : i32
    %dma_start3A_1958 = tpu.memref_slice %arg8[%add3A_1953, %dma_start3A_1957] : memref<263168x64xf32, #tpu.memory_space<hbm>> -> memref<128x64xf32, #tpu.memory_space<hbm>>
    %dma_start3A_1959 = arith.constant 0 : i32
    %dma_start3A_1960 = tpu.memref_slice %arg8[%add3A_1953, %dma_start3A_1959] : memref<263168x64xf32, #tpu.memory_space<hbm>> -> memref<128x64xf32, #tpu.memory_space<hbm>>
    %dma_start3A_1961 = arith.constant 0 : i32
    %dma_start3A_1962 = arith.constant 0 : i32
    %dma_start3A_1963 = tpu.memref_slice %arg24[%dma_start3A_1961, %dma_start3A_1962] : memref<128x64xf32, #tpu.memory_space<vmem>> -> memref<128x64xf32, #tpu.memory_space<vmem>>
    tpu.enqueue_dma source(%dma_start3A_1963 : memref<128x64xf32, #tpu.memory_space<vmem>>) target(%dma_start3A_1960 : memref<128x64xf32, #tpu.memory_space<hbm>>) target_semaphore(%arg19 : memref<!tpu.dma_semaphore, #tpu.memory_space<semaphore_mem>>)
    %dma_wait3A_1964 = arith.constant 0 : i32
    %dma_wait3A_1965 = arith.constant 0 : i32
    %dma_wait3A_1966 = tpu.memref_slice %arg24[%dma_wait3A_1964, %dma_wait3A_1965] : memref<128x64xf32, #tpu.memory_space<vmem>> -> memref<128x64xf32, #tpu.memory_space<vmem>>
    %dma_wait3A_1967 = arith.constant 0 : i32
    %dma_wait3A_1968 = tpu.memref_slice %arg8[%add3A_1953, %dma_wait3A_1967] : memref<263168x64xf32, #tpu.memory_space<hbm>> -> memref<128x64xf32, #tpu.memory_space<hbm>>
    %dma_wait3A_1969 = arith.constant 0 : i32
    %dma_wait3A_1970 = tpu.memref_slice %arg8[%add3A_1953, %dma_wait3A_1969] : memref<263168x64xf32, #tpu.memory_space<hbm>> -> memref<128x64xf32, #tpu.memory_space<hbm>>
    %dma_wait3A_1971 = arith.constant 0 : i32
    %dma_wait3A_1972 = arith.constant 0 : i32
    %dma_wait3A_1973 = tpu.memref_slice %arg24[%dma_wait3A_1971, %dma_wait3A_1972] : memref<128x64xf32, #tpu.memory_space<vmem>> -> memref<128x64xf32, #tpu.memory_space<vmem>>
    tpu.wait_dma2 semaphore(%arg19 : memref<!tpu.dma_semaphore, #tpu.memory_space<semaphore_mem>>) src(%dma_wait3A_1973 : memref<128x64xf32, #tpu.memory_space<vmem>>) dst(%dma_wait3A_1970 : memref<128x64xf32, #tpu.memory_space<hbm>>)
    %dma_start3A_1974 = arith.constant 0 : i32
    %dma_start3A_1975 = arith.constant 0 : i32
    %dma_start3A_1976 = tpu.memref_slice %arg24[%dma_start3A_1974, %dma_start3A_1975] : memref<128x64xf32, #tpu.memory_space<vmem>> -> memref<128x64xf32, #tpu.memory_space<vmem>>
    %dma_start3A_1977 = arith.constant 6912 : i32
    %dma_start3A_1978 = tpu.memref_slice %arg12[%dma_start3A_1977] : memref<8224xi32, #tpu.memory_space<vmem>> -> memref<128xi32, #tpu.memory_space<vmem>>
    %dma_start3A_1979 = arith.constant 0 : i32
    %dma_start3A_1980 = arith.constant 0 : i32
    %dma_start3A_1981 = tpu.memref_slice %arg2[%dma_start3A_1979, %dma_start3A_1980] : memref<1000000x64xf32, #tpu.memory_space<hbm>> -> memref<1000000x64xf32, #tpu.memory_space<hbm>>
    tpu.enqueue_indirect_dma source(%dma_start3A_1981 : memref<1000000x64xf32, #tpu.memory_space<hbm>>) target(%dma_start3A_1976 : memref<128x64xf32, #tpu.memory_space<vmem>>) offsets(%dma_start3A_1978 : memref<128xi32, #tpu.memory_space<vmem>>) semaphore(%arg18 : memref<!tpu.dma_semaphore, #tpu.memory_space<semaphore_mem>>)
    %dma_wait3A_1982 = arith.constant 0 : i32
    %dma_wait3A_1983 = arith.constant 0 : i32
    %dma_wait3A_1984 = tpu.memref_slice %arg25[%dma_wait3A_1982, %dma_wait3A_1983] : memref<128x64xf32, #tpu.memory_space<vmem>> -> memref<128x64xf32, #tpu.memory_space<vmem>>
    %dma_wait3A_1985 = arith.constant 6528 : i32
    %dma_wait3A_1986 = tpu.memref_slice %arg12[%dma_wait3A_1985] : memref<8224xi32, #tpu.memory_space<vmem>> -> memref<128xi32, #tpu.memory_space<vmem>>
    %dma_wait3A_1987 = arith.constant 0 : i32
    %dma_wait3A_1988 = arith.constant 0 : i32
    %dma_wait3A_1989 = tpu.memref_slice %arg2[%dma_wait3A_1987, %dma_wait3A_1988] : memref<1000000x64xf32, #tpu.memory_space<hbm>> -> memref<1000000x64xf32, #tpu.memory_space<hbm>>
    tpu.wait_indirect_dma semaphore(%arg18 : memref<!tpu.dma_semaphore, #tpu.memory_space<semaphore_mem>>) src(%dma_wait3A_1989 : memref<1000000x64xf32, #tpu.memory_space<hbm>>) dst(%dma_wait3A_1984 : memref<128x64xf32, #tpu.memory_space<vmem>>)
    %add3A_1990 = arith.constant 6528 : i32
    %add3A_1991 = arith.addi %mul3A_2, %add3A_1990 : i32
    %dma_start3A_1992 = arith.constant 0 : i32
    %dma_start3A_1993 = arith.constant 0 : i32
    %dma_start3A_1994 = tpu.memref_slice %arg25[%dma_start3A_1992, %dma_start3A_1993] : memref<128x64xf32, #tpu.memory_space<vmem>> -> memref<128x64xf32, #tpu.memory_space<vmem>>
    %dma_start3A_1995 = arith.constant 0 : i32
    %dma_start3A_1996 = tpu.memref_slice %arg8[%add3A_1991, %dma_start3A_1995] : memref<263168x64xf32, #tpu.memory_space<hbm>> -> memref<128x64xf32, #tpu.memory_space<hbm>>
    %dma_start3A_1997 = arith.constant 0 : i32
    %dma_start3A_1998 = tpu.memref_slice %arg8[%add3A_1991, %dma_start3A_1997] : memref<263168x64xf32, #tpu.memory_space<hbm>> -> memref<128x64xf32, #tpu.memory_space<hbm>>
    %dma_start3A_1999 = arith.constant 0 : i32
    %dma_start3A_2000 = arith.constant 0 : i32
    %dma_start3A_2001 = tpu.memref_slice %arg25[%dma_start3A_1999, %dma_start3A_2000] : memref<128x64xf32, #tpu.memory_space<vmem>> -> memref<128x64xf32, #tpu.memory_space<vmem>>
    tpu.enqueue_dma source(%dma_start3A_2001 : memref<128x64xf32, #tpu.memory_space<vmem>>) target(%dma_start3A_1998 : memref<128x64xf32, #tpu.memory_space<hbm>>) target_semaphore(%arg19 : memref<!tpu.dma_semaphore, #tpu.memory_space<semaphore_mem>>)
    %dma_wait3A_2002 = arith.constant 0 : i32
    %dma_wait3A_2003 = arith.constant 0 : i32
    %dma_wait3A_2004 = tpu.memref_slice %arg25[%dma_wait3A_2002, %dma_wait3A_2003] : memref<128x64xf32, #tpu.memory_space<vmem>> -> memref<128x64xf32, #tpu.memory_space<vmem>>
    %dma_wait3A_2005 = arith.constant 0 : i32
    %dma_wait3A_2006 = tpu.memref_slice %arg8[%add3A_1991, %dma_wait3A_2005] : memref<263168x64xf32, #tpu.memory_space<hbm>> -> memref<128x64xf32, #tpu.memory_space<hbm>>
    %dma_wait3A_2007 = arith.constant 0 : i32
    %dma_wait3A_2008 = tpu.memref_slice %arg8[%add3A_1991, %dma_wait3A_2007] : memref<263168x64xf32, #tpu.memory_space<hbm>> -> memref<128x64xf32, #tpu.memory_space<hbm>>
    %dma_wait3A_2009 = arith.constant 0 : i32
    %dma_wait3A_2010 = arith.constant 0 : i32
    %dma_wait3A_2011 = tpu.memref_slice %arg25[%dma_wait3A_2009, %dma_wait3A_2010] : memref<128x64xf32, #tpu.memory_space<vmem>> -> memref<128x64xf32, #tpu.memory_space<vmem>>
    tpu.wait_dma2 semaphore(%arg19 : memref<!tpu.dma_semaphore, #tpu.memory_space<semaphore_mem>>) src(%dma_wait3A_2011 : memref<128x64xf32, #tpu.memory_space<vmem>>) dst(%dma_wait3A_2008 : memref<128x64xf32, #tpu.memory_space<hbm>>)
    %dma_start3A_2012 = arith.constant 0 : i32
    %dma_start3A_2013 = arith.constant 0 : i32
    %dma_start3A_2014 = tpu.memref_slice %arg25[%dma_start3A_2012, %dma_start3A_2013] : memref<128x64xf32, #tpu.memory_space<vmem>> -> memref<128x64xf32, #tpu.memory_space<vmem>>
    %dma_start3A_2015 = arith.constant 7040 : i32
    %dma_start3A_2016 = tpu.memref_slice %arg12[%dma_start3A_2015] : memref<8224xi32, #tpu.memory_space<vmem>> -> memref<128xi32, #tpu.memory_space<vmem>>
    %dma_start3A_2017 = arith.constant 0 : i32
    %dma_start3A_2018 = arith.constant 0 : i32
    %dma_start3A_2019 = tpu.memref_slice %arg2[%dma_start3A_2017, %dma_start3A_2018] : memref<1000000x64xf32, #tpu.memory_space<hbm>> -> memref<1000000x64xf32, #tpu.memory_space<hbm>>
    tpu.enqueue_indirect_dma source(%dma_start3A_2019 : memref<1000000x64xf32, #tpu.memory_space<hbm>>) target(%dma_start3A_2014 : memref<128x64xf32, #tpu.memory_space<vmem>>) offsets(%dma_start3A_2016 : memref<128xi32, #tpu.memory_space<vmem>>) semaphore(%arg18 : memref<!tpu.dma_semaphore, #tpu.memory_space<semaphore_mem>>)
    %dma_wait3A_2020 = arith.constant 0 : i32
    %dma_wait3A_2021 = arith.constant 0 : i32
    %dma_wait3A_2022 = tpu.memref_slice %arg22[%dma_wait3A_2020, %dma_wait3A_2021] : memref<128x64xf32, #tpu.memory_space<vmem>> -> memref<128x64xf32, #tpu.memory_space<vmem>>
    %dma_wait3A_2023 = arith.constant 6656 : i32
    %dma_wait3A_2024 = tpu.memref_slice %arg12[%dma_wait3A_2023] : memref<8224xi32, #tpu.memory_space<vmem>> -> memref<128xi32, #tpu.memory_space<vmem>>
    %dma_wait3A_2025 = arith.constant 0 : i32
    %dma_wait3A_2026 = arith.constant 0 : i32
    %dma_wait3A_2027 = tpu.memref_slice %arg2[%dma_wait3A_2025, %dma_wait3A_2026] : memref<1000000x64xf32, #tpu.memory_space<hbm>> -> memref<1000000x64xf32, #tpu.memory_space<hbm>>
    tpu.wait_indirect_dma semaphore(%arg18 : memref<!tpu.dma_semaphore, #tpu.memory_space<semaphore_mem>>) src(%dma_wait3A_2027 : memref<1000000x64xf32, #tpu.memory_space<hbm>>) dst(%dma_wait3A_2022 : memref<128x64xf32, #tpu.memory_space<vmem>>)
    %add3A_2028 = arith.constant 6656 : i32
    %add3A_2029 = arith.addi %mul3A_2, %add3A_2028 : i32
    %dma_start3A_2030 = arith.constant 0 : i32
    %dma_start3A_2031 = arith.constant 0 : i32
    %dma_start3A_2032 = tpu.memref_slice %arg22[%dma_start3A_2030, %dma_start3A_2031] : memref<128x64xf32, #tpu.memory_space<vmem>> -> memref<128x64xf32, #tpu.memory_space<vmem>>
    %dma_start3A_2033 = arith.constant 0 : i32
    %dma_start3A_2034 = tpu.memref_slice %arg8[%add3A_2029, %dma_start3A_2033] : memref<263168x64xf32, #tpu.memory_space<hbm>> -> memref<128x64xf32, #tpu.memory_space<hbm>>
    %dma_start3A_2035 = arith.constant 0 : i32
    %dma_start3A_2036 = tpu.memref_slice %arg8[%add3A_2029, %dma_start3A_2035] : memref<263168x64xf32, #tpu.memory_space<hbm>> -> memref<128x64xf32, #tpu.memory_space<hbm>>
    %dma_start3A_2037 = arith.constant 0 : i32
    %dma_start3A_2038 = arith.constant 0 : i32
    %dma_start3A_2039 = tpu.memref_slice %arg22[%dma_start3A_2037, %dma_start3A_2038] : memref<128x64xf32, #tpu.memory_space<vmem>> -> memref<128x64xf32, #tpu.memory_space<vmem>>
    tpu.enqueue_dma source(%dma_start3A_2039 : memref<128x64xf32, #tpu.memory_space<vmem>>) target(%dma_start3A_2036 : memref<128x64xf32, #tpu.memory_space<hbm>>) target_semaphore(%arg19 : memref<!tpu.dma_semaphore, #tpu.memory_space<semaphore_mem>>)
    %dma_wait3A_2040 = arith.constant 0 : i32
    %dma_wait3A_2041 = arith.constant 0 : i32
    %dma_wait3A_2042 = tpu.memref_slice %arg22[%dma_wait3A_2040, %dma_wait3A_2041] : memref<128x64xf32, #tpu.memory_space<vmem>> -> memref<128x64xf32, #tpu.memory_space<vmem>>
    %dma_wait3A_2043 = arith.constant 0 : i32
    %dma_wait3A_2044 = tpu.memref_slice %arg8[%add3A_2029, %dma_wait3A_2043] : memref<263168x64xf32, #tpu.memory_space<hbm>> -> memref<128x64xf32, #tpu.memory_space<hbm>>
    %dma_wait3A_2045 = arith.constant 0 : i32
    %dma_wait3A_2046 = tpu.memref_slice %arg8[%add3A_2029, %dma_wait3A_2045] : memref<263168x64xf32, #tpu.memory_space<hbm>> -> memref<128x64xf32, #tpu.memory_space<hbm>>
    %dma_wait3A_2047 = arith.constant 0 : i32
    %dma_wait3A_2048 = arith.constant 0 : i32
    %dma_wait3A_2049 = tpu.memref_slice %arg22[%dma_wait3A_2047, %dma_wait3A_2048] : memref<128x64xf32, #tpu.memory_space<vmem>> -> memref<128x64xf32, #tpu.memory_space<vmem>>
    tpu.wait_dma2 semaphore(%arg19 : memref<!tpu.dma_semaphore, #tpu.memory_space<semaphore_mem>>) src(%dma_wait3A_2049 : memref<128x64xf32, #tpu.memory_space<vmem>>) dst(%dma_wait3A_2046 : memref<128x64xf32, #tpu.memory_space<hbm>>)
    %dma_start3A_2050 = arith.constant 0 : i32
    %dma_start3A_2051 = arith.constant 0 : i32
    %dma_start3A_2052 = tpu.memref_slice %arg22[%dma_start3A_2050, %dma_start3A_2051] : memref<128x64xf32, #tpu.memory_space<vmem>> -> memref<128x64xf32, #tpu.memory_space<vmem>>
    %dma_start3A_2053 = arith.constant 7168 : i32
    %dma_start3A_2054 = tpu.memref_slice %arg12[%dma_start3A_2053] : memref<8224xi32, #tpu.memory_space<vmem>> -> memref<128xi32, #tpu.memory_space<vmem>>
    %dma_start3A_2055 = arith.constant 0 : i32
    %dma_start3A_2056 = arith.constant 0 : i32
    %dma_start3A_2057 = tpu.memref_slice %arg2[%dma_start3A_2055, %dma_start3A_2056] : memref<1000000x64xf32, #tpu.memory_space<hbm>> -> memref<1000000x64xf32, #tpu.memory_space<hbm>>
    tpu.enqueue_indirect_dma source(%dma_start3A_2057 : memref<1000000x64xf32, #tpu.memory_space<hbm>>) target(%dma_start3A_2052 : memref<128x64xf32, #tpu.memory_space<vmem>>) offsets(%dma_start3A_2054 : memref<128xi32, #tpu.memory_space<vmem>>) semaphore(%arg18 : memref<!tpu.dma_semaphore, #tpu.memory_space<semaphore_mem>>)
    %dma_wait3A_2058 = arith.constant 0 : i32
    %dma_wait3A_2059 = arith.constant 0 : i32
    %dma_wait3A_2060 = tpu.memref_slice %arg23[%dma_wait3A_2058, %dma_wait3A_2059] : memref<128x64xf32, #tpu.memory_space<vmem>> -> memref<128x64xf32, #tpu.memory_space<vmem>>
    %dma_wait3A_2061 = arith.constant 6784 : i32
    %dma_wait3A_2062 = tpu.memref_slice %arg12[%dma_wait3A_2061] : memref<8224xi32, #tpu.memory_space<vmem>> -> memref<128xi32, #tpu.memory_space<vmem>>
    %dma_wait3A_2063 = arith.constant 0 : i32
    %dma_wait3A_2064 = arith.constant 0 : i32
    %dma_wait3A_2065 = tpu.memref_slice %arg2[%dma_wait3A_2063, %dma_wait3A_2064] : memref<1000000x64xf32, #tpu.memory_space<hbm>> -> memref<1000000x64xf32, #tpu.memory_space<hbm>>
    tpu.wait_indirect_dma semaphore(%arg18 : memref<!tpu.dma_semaphore, #tpu.memory_space<semaphore_mem>>) src(%dma_wait3A_2065 : memref<1000000x64xf32, #tpu.memory_space<hbm>>) dst(%dma_wait3A_2060 : memref<128x64xf32, #tpu.memory_space<vmem>>)
    %add3A_2066 = arith.constant 6784 : i32
    %add3A_2067 = arith.addi %mul3A_2, %add3A_2066 : i32
    %dma_start3A_2068 = arith.constant 0 : i32
    %dma_start3A_2069 = arith.constant 0 : i32
    %dma_start3A_2070 = tpu.memref_slice %arg23[%dma_start3A_2068, %dma_start3A_2069] : memref<128x64xf32, #tpu.memory_space<vmem>> -> memref<128x64xf32, #tpu.memory_space<vmem>>
    %dma_start3A_2071 = arith.constant 0 : i32
    %dma_start3A_2072 = tpu.memref_slice %arg8[%add3A_2067, %dma_start3A_2071] : memref<263168x64xf32, #tpu.memory_space<hbm>> -> memref<128x64xf32, #tpu.memory_space<hbm>>
    %dma_start3A_2073 = arith.constant 0 : i32
    %dma_start3A_2074 = tpu.memref_slice %arg8[%add3A_2067, %dma_start3A_2073] : memref<263168x64xf32, #tpu.memory_space<hbm>> -> memref<128x64xf32, #tpu.memory_space<hbm>>
    %dma_start3A_2075 = arith.constant 0 : i32
    %dma_start3A_2076 = arith.constant 0 : i32
    %dma_start3A_2077 = tpu.memref_slice %arg23[%dma_start3A_2075, %dma_start3A_2076] : memref<128x64xf32, #tpu.memory_space<vmem>> -> memref<128x64xf32, #tpu.memory_space<vmem>>
    tpu.enqueue_dma source(%dma_start3A_2077 : memref<128x64xf32, #tpu.memory_space<vmem>>) target(%dma_start3A_2074 : memref<128x64xf32, #tpu.memory_space<hbm>>) target_semaphore(%arg19 : memref<!tpu.dma_semaphore, #tpu.memory_space<semaphore_mem>>)
    %dma_wait3A_2078 = arith.constant 0 : i32
    %dma_wait3A_2079 = arith.constant 0 : i32
    %dma_wait3A_2080 = tpu.memref_slice %arg23[%dma_wait3A_2078, %dma_wait3A_2079] : memref<128x64xf32, #tpu.memory_space<vmem>> -> memref<128x64xf32, #tpu.memory_space<vmem>>
    %dma_wait3A_2081 = arith.constant 0 : i32
    %dma_wait3A_2082 = tpu.memref_slice %arg8[%add3A_2067, %dma_wait3A_2081] : memref<263168x64xf32, #tpu.memory_space<hbm>> -> memref<128x64xf32, #tpu.memory_space<hbm>>
    %dma_wait3A_2083 = arith.constant 0 : i32
    %dma_wait3A_2084 = tpu.memref_slice %arg8[%add3A_2067, %dma_wait3A_2083] : memref<263168x64xf32, #tpu.memory_space<hbm>> -> memref<128x64xf32, #tpu.memory_space<hbm>>
    %dma_wait3A_2085 = arith.constant 0 : i32
    %dma_wait3A_2086 = arith.constant 0 : i32
    %dma_wait3A_2087 = tpu.memref_slice %arg23[%dma_wait3A_2085, %dma_wait3A_2086] : memref<128x64xf32, #tpu.memory_space<vmem>> -> memref<128x64xf32, #tpu.memory_space<vmem>>
    tpu.wait_dma2 semaphore(%arg19 : memref<!tpu.dma_semaphore, #tpu.memory_space<semaphore_mem>>) src(%dma_wait3A_2087 : memref<128x64xf32, #tpu.memory_space<vmem>>) dst(%dma_wait3A_2084 : memref<128x64xf32, #tpu.memory_space<hbm>>)
    %dma_start3A_2088 = arith.constant 0 : i32
    %dma_start3A_2089 = arith.constant 0 : i32
    %dma_start3A_2090 = tpu.memref_slice %arg23[%dma_start3A_2088, %dma_start3A_2089] : memref<128x64xf32, #tpu.memory_space<vmem>> -> memref<128x64xf32, #tpu.memory_space<vmem>>
    %dma_start3A_2091 = arith.constant 7296 : i32
    %dma_start3A_2092 = tpu.memref_slice %arg12[%dma_start3A_2091] : memref<8224xi32, #tpu.memory_space<vmem>> -> memref<128xi32, #tpu.memory_space<vmem>>
    %dma_start3A_2093 = arith.constant 0 : i32
    %dma_start3A_2094 = arith.constant 0 : i32
    %dma_start3A_2095 = tpu.memref_slice %arg2[%dma_start3A_2093, %dma_start3A_2094] : memref<1000000x64xf32, #tpu.memory_space<hbm>> -> memref<1000000x64xf32, #tpu.memory_space<hbm>>
    tpu.enqueue_indirect_dma source(%dma_start3A_2095 : memref<1000000x64xf32, #tpu.memory_space<hbm>>) target(%dma_start3A_2090 : memref<128x64xf32, #tpu.memory_space<vmem>>) offsets(%dma_start3A_2092 : memref<128xi32, #tpu.memory_space<vmem>>) semaphore(%arg18 : memref<!tpu.dma_semaphore, #tpu.memory_space<semaphore_mem>>)
    %dma_wait3A_2096 = arith.constant 0 : i32
    %dma_wait3A_2097 = arith.constant 0 : i32
    %dma_wait3A_2098 = tpu.memref_slice %arg24[%dma_wait3A_2096, %dma_wait3A_2097] : memref<128x64xf32, #tpu.memory_space<vmem>> -> memref<128x64xf32, #tpu.memory_space<vmem>>
    %dma_wait3A_2099 = arith.constant 6912 : i32
    %dma_wait3A_2100 = tpu.memref_slice %arg12[%dma_wait3A_2099] : memref<8224xi32, #tpu.memory_space<vmem>> -> memref<128xi32, #tpu.memory_space<vmem>>
    %dma_wait3A_2101 = arith.constant 0 : i32
    %dma_wait3A_2102 = arith.constant 0 : i32
    %dma_wait3A_2103 = tpu.memref_slice %arg2[%dma_wait3A_2101, %dma_wait3A_2102] : memref<1000000x64xf32, #tpu.memory_space<hbm>> -> memref<1000000x64xf32, #tpu.memory_space<hbm>>
    tpu.wait_indirect_dma semaphore(%arg18 : memref<!tpu.dma_semaphore, #tpu.memory_space<semaphore_mem>>) src(%dma_wait3A_2103 : memref<1000000x64xf32, #tpu.memory_space<hbm>>) dst(%dma_wait3A_2098 : memref<128x64xf32, #tpu.memory_space<vmem>>)
    %add3A_2104 = arith.constant 6912 : i32
    %add3A_2105 = arith.addi %mul3A_2, %add3A_2104 : i32
    %dma_start3A_2106 = arith.constant 0 : i32
    %dma_start3A_2107 = arith.constant 0 : i32
    %dma_start3A_2108 = tpu.memref_slice %arg24[%dma_start3A_2106, %dma_start3A_2107] : memref<128x64xf32, #tpu.memory_space<vmem>> -> memref<128x64xf32, #tpu.memory_space<vmem>>
    %dma_start3A_2109 = arith.constant 0 : i32
    %dma_start3A_2110 = tpu.memref_slice %arg8[%add3A_2105, %dma_start3A_2109] : memref<263168x64xf32, #tpu.memory_space<hbm>> -> memref<128x64xf32, #tpu.memory_space<hbm>>
    %dma_start3A_2111 = arith.constant 0 : i32
    %dma_start3A_2112 = tpu.memref_slice %arg8[%add3A_2105, %dma_start3A_2111] : memref<263168x64xf32, #tpu.memory_space<hbm>> -> memref<128x64xf32, #tpu.memory_space<hbm>>
    %dma_start3A_2113 = arith.constant 0 : i32
    %dma_start3A_2114 = arith.constant 0 : i32
    %dma_start3A_2115 = tpu.memref_slice %arg24[%dma_start3A_2113, %dma_start3A_2114] : memref<128x64xf32, #tpu.memory_space<vmem>> -> memref<128x64xf32, #tpu.memory_space<vmem>>
    tpu.enqueue_dma source(%dma_start3A_2115 : memref<128x64xf32, #tpu.memory_space<vmem>>) target(%dma_start3A_2112 : memref<128x64xf32, #tpu.memory_space<hbm>>) target_semaphore(%arg19 : memref<!tpu.dma_semaphore, #tpu.memory_space<semaphore_mem>>)
    %dma_wait3A_2116 = arith.constant 0 : i32
    %dma_wait3A_2117 = arith.constant 0 : i32
    %dma_wait3A_2118 = tpu.memref_slice %arg24[%dma_wait3A_2116, %dma_wait3A_2117] : memref<128x64xf32, #tpu.memory_space<vmem>> -> memref<128x64xf32, #tpu.memory_space<vmem>>
    %dma_wait3A_2119 = arith.constant 0 : i32
    %dma_wait3A_2120 = tpu.memref_slice %arg8[%add3A_2105, %dma_wait3A_2119] : memref<263168x64xf32, #tpu.memory_space<hbm>> -> memref<128x64xf32, #tpu.memory_space<hbm>>
    %dma_wait3A_2121 = arith.constant 0 : i32
    %dma_wait3A_2122 = tpu.memref_slice %arg8[%add3A_2105, %dma_wait3A_2121] : memref<263168x64xf32, #tpu.memory_space<hbm>> -> memref<128x64xf32, #tpu.memory_space<hbm>>
    %dma_wait3A_2123 = arith.constant 0 : i32
    %dma_wait3A_2124 = arith.constant 0 : i32
    %dma_wait3A_2125 = tpu.memref_slice %arg24[%dma_wait3A_2123, %dma_wait3A_2124] : memref<128x64xf32, #tpu.memory_space<vmem>> -> memref<128x64xf32, #tpu.memory_space<vmem>>
    tpu.wait_dma2 semaphore(%arg19 : memref<!tpu.dma_semaphore, #tpu.memory_space<semaphore_mem>>) src(%dma_wait3A_2125 : memref<128x64xf32, #tpu.memory_space<vmem>>) dst(%dma_wait3A_2122 : memref<128x64xf32, #tpu.memory_space<hbm>>)
    %dma_start3A_2126 = arith.constant 0 : i32
    %dma_start3A_2127 = arith.constant 0 : i32
    %dma_start3A_2128 = tpu.memref_slice %arg24[%dma_start3A_2126, %dma_start3A_2127] : memref<128x64xf32, #tpu.memory_space<vmem>> -> memref<128x64xf32, #tpu.memory_space<vmem>>
    %dma_start3A_2129 = arith.constant 7424 : i32
    %dma_start3A_2130 = tpu.memref_slice %arg12[%dma_start3A_2129] : memref<8224xi32, #tpu.memory_space<vmem>> -> memref<128xi32, #tpu.memory_space<vmem>>
    %dma_start3A_2131 = arith.constant 0 : i32
    %dma_start3A_2132 = arith.constant 0 : i32
    %dma_start3A_2133 = tpu.memref_slice %arg2[%dma_start3A_2131, %dma_start3A_2132] : memref<1000000x64xf32, #tpu.memory_space<hbm>> -> memref<1000000x64xf32, #tpu.memory_space<hbm>>
    tpu.enqueue_indirect_dma source(%dma_start3A_2133 : memref<1000000x64xf32, #tpu.memory_space<hbm>>) target(%dma_start3A_2128 : memref<128x64xf32, #tpu.memory_space<vmem>>) offsets(%dma_start3A_2130 : memref<128xi32, #tpu.memory_space<vmem>>) semaphore(%arg18 : memref<!tpu.dma_semaphore, #tpu.memory_space<semaphore_mem>>)
    %dma_wait3A_2134 = arith.constant 0 : i32
    %dma_wait3A_2135 = arith.constant 0 : i32
    %dma_wait3A_2136 = tpu.memref_slice %arg25[%dma_wait3A_2134, %dma_wait3A_2135] : memref<128x64xf32, #tpu.memory_space<vmem>> -> memref<128x64xf32, #tpu.memory_space<vmem>>
    %dma_wait3A_2137 = arith.constant 7040 : i32
    %dma_wait3A_2138 = tpu.memref_slice %arg12[%dma_wait3A_2137] : memref<8224xi32, #tpu.memory_space<vmem>> -> memref<128xi32, #tpu.memory_space<vmem>>
    %dma_wait3A_2139 = arith.constant 0 : i32
    %dma_wait3A_2140 = arith.constant 0 : i32
    %dma_wait3A_2141 = tpu.memref_slice %arg2[%dma_wait3A_2139, %dma_wait3A_2140] : memref<1000000x64xf32, #tpu.memory_space<hbm>> -> memref<1000000x64xf32, #tpu.memory_space<hbm>>
    tpu.wait_indirect_dma semaphore(%arg18 : memref<!tpu.dma_semaphore, #tpu.memory_space<semaphore_mem>>) src(%dma_wait3A_2141 : memref<1000000x64xf32, #tpu.memory_space<hbm>>) dst(%dma_wait3A_2136 : memref<128x64xf32, #tpu.memory_space<vmem>>)
    %add3A_2142 = arith.constant 7040 : i32
    %add3A_2143 = arith.addi %mul3A_2, %add3A_2142 : i32
    %dma_start3A_2144 = arith.constant 0 : i32
    %dma_start3A_2145 = arith.constant 0 : i32
    %dma_start3A_2146 = tpu.memref_slice %arg25[%dma_start3A_2144, %dma_start3A_2145] : memref<128x64xf32, #tpu.memory_space<vmem>> -> memref<128x64xf32, #tpu.memory_space<vmem>>
    %dma_start3A_2147 = arith.constant 0 : i32
    %dma_start3A_2148 = tpu.memref_slice %arg8[%add3A_2143, %dma_start3A_2147] : memref<263168x64xf32, #tpu.memory_space<hbm>> -> memref<128x64xf32, #tpu.memory_space<hbm>>
    %dma_start3A_2149 = arith.constant 0 : i32
    %dma_start3A_2150 = tpu.memref_slice %arg8[%add3A_2143, %dma_start3A_2149] : memref<263168x64xf32, #tpu.memory_space<hbm>> -> memref<128x64xf32, #tpu.memory_space<hbm>>
    %dma_start3A_2151 = arith.constant 0 : i32
    %dma_start3A_2152 = arith.constant 0 : i32
    %dma_start3A_2153 = tpu.memref_slice %arg25[%dma_start3A_2151, %dma_start3A_2152] : memref<128x64xf32, #tpu.memory_space<vmem>> -> memref<128x64xf32, #tpu.memory_space<vmem>>
    tpu.enqueue_dma source(%dma_start3A_2153 : memref<128x64xf32, #tpu.memory_space<vmem>>) target(%dma_start3A_2150 : memref<128x64xf32, #tpu.memory_space<hbm>>) target_semaphore(%arg19 : memref<!tpu.dma_semaphore, #tpu.memory_space<semaphore_mem>>)
    %dma_wait3A_2154 = arith.constant 0 : i32
    %dma_wait3A_2155 = arith.constant 0 : i32
    %dma_wait3A_2156 = tpu.memref_slice %arg25[%dma_wait3A_2154, %dma_wait3A_2155] : memref<128x64xf32, #tpu.memory_space<vmem>> -> memref<128x64xf32, #tpu.memory_space<vmem>>
    %dma_wait3A_2157 = arith.constant 0 : i32
    %dma_wait3A_2158 = tpu.memref_slice %arg8[%add3A_2143, %dma_wait3A_2157] : memref<263168x64xf32, #tpu.memory_space<hbm>> -> memref<128x64xf32, #tpu.memory_space<hbm>>
    %dma_wait3A_2159 = arith.constant 0 : i32
    %dma_wait3A_2160 = tpu.memref_slice %arg8[%add3A_2143, %dma_wait3A_2159] : memref<263168x64xf32, #tpu.memory_space<hbm>> -> memref<128x64xf32, #tpu.memory_space<hbm>>
    %dma_wait3A_2161 = arith.constant 0 : i32
    %dma_wait3A_2162 = arith.constant 0 : i32
    %dma_wait3A_2163 = tpu.memref_slice %arg25[%dma_wait3A_2161, %dma_wait3A_2162] : memref<128x64xf32, #tpu.memory_space<vmem>> -> memref<128x64xf32, #tpu.memory_space<vmem>>
    tpu.wait_dma2 semaphore(%arg19 : memref<!tpu.dma_semaphore, #tpu.memory_space<semaphore_mem>>) src(%dma_wait3A_2163 : memref<128x64xf32, #tpu.memory_space<vmem>>) dst(%dma_wait3A_2160 : memref<128x64xf32, #tpu.memory_space<hbm>>)
    %dma_start3A_2164 = arith.constant 0 : i32
    %dma_start3A_2165 = arith.constant 0 : i32
    %dma_start3A_2166 = tpu.memref_slice %arg25[%dma_start3A_2164, %dma_start3A_2165] : memref<128x64xf32, #tpu.memory_space<vmem>> -> memref<128x64xf32, #tpu.memory_space<vmem>>
    %dma_start3A_2167 = arith.constant 7552 : i32
    %dma_start3A_2168 = tpu.memref_slice %arg12[%dma_start3A_2167] : memref<8224xi32, #tpu.memory_space<vmem>> -> memref<128xi32, #tpu.memory_space<vmem>>
    %dma_start3A_2169 = arith.constant 0 : i32
    %dma_start3A_2170 = arith.constant 0 : i32
    %dma_start3A_2171 = tpu.memref_slice %arg2[%dma_start3A_2169, %dma_start3A_2170] : memref<1000000x64xf32, #tpu.memory_space<hbm>> -> memref<1000000x64xf32, #tpu.memory_space<hbm>>
    tpu.enqueue_indirect_dma source(%dma_start3A_2171 : memref<1000000x64xf32, #tpu.memory_space<hbm>>) target(%dma_start3A_2166 : memref<128x64xf32, #tpu.memory_space<vmem>>) offsets(%dma_start3A_2168 : memref<128xi32, #tpu.memory_space<vmem>>) semaphore(%arg18 : memref<!tpu.dma_semaphore, #tpu.memory_space<semaphore_mem>>)
    %dma_wait3A_2172 = arith.constant 0 : i32
    %dma_wait3A_2173 = arith.constant 0 : i32
    %dma_wait3A_2174 = tpu.memref_slice %arg22[%dma_wait3A_2172, %dma_wait3A_2173] : memref<128x64xf32, #tpu.memory_space<vmem>> -> memref<128x64xf32, #tpu.memory_space<vmem>>
    %dma_wait3A_2175 = arith.constant 7168 : i32
    %dma_wait3A_2176 = tpu.memref_slice %arg12[%dma_wait3A_2175] : memref<8224xi32, #tpu.memory_space<vmem>> -> memref<128xi32, #tpu.memory_space<vmem>>
    %dma_wait3A_2177 = arith.constant 0 : i32
    %dma_wait3A_2178 = arith.constant 0 : i32
    %dma_wait3A_2179 = tpu.memref_slice %arg2[%dma_wait3A_2177, %dma_wait3A_2178] : memref<1000000x64xf32, #tpu.memory_space<hbm>> -> memref<1000000x64xf32, #tpu.memory_space<hbm>>
    tpu.wait_indirect_dma semaphore(%arg18 : memref<!tpu.dma_semaphore, #tpu.memory_space<semaphore_mem>>) src(%dma_wait3A_2179 : memref<1000000x64xf32, #tpu.memory_space<hbm>>) dst(%dma_wait3A_2174 : memref<128x64xf32, #tpu.memory_space<vmem>>)
    %add3A_2180 = arith.constant 7168 : i32
    %add3A_2181 = arith.addi %mul3A_2, %add3A_2180 : i32
    %dma_start3A_2182 = arith.constant 0 : i32
    %dma_start3A_2183 = arith.constant 0 : i32
    %dma_start3A_2184 = tpu.memref_slice %arg22[%dma_start3A_2182, %dma_start3A_2183] : memref<128x64xf32, #tpu.memory_space<vmem>> -> memref<128x64xf32, #tpu.memory_space<vmem>>
    %dma_start3A_2185 = arith.constant 0 : i32
    %dma_start3A_2186 = tpu.memref_slice %arg8[%add3A_2181, %dma_start3A_2185] : memref<263168x64xf32, #tpu.memory_space<hbm>> -> memref<128x64xf32, #tpu.memory_space<hbm>>
    %dma_start3A_2187 = arith.constant 0 : i32
    %dma_start3A_2188 = tpu.memref_slice %arg8[%add3A_2181, %dma_start3A_2187] : memref<263168x64xf32, #tpu.memory_space<hbm>> -> memref<128x64xf32, #tpu.memory_space<hbm>>
    %dma_start3A_2189 = arith.constant 0 : i32
    %dma_start3A_2190 = arith.constant 0 : i32
    %dma_start3A_2191 = tpu.memref_slice %arg22[%dma_start3A_2189, %dma_start3A_2190] : memref<128x64xf32, #tpu.memory_space<vmem>> -> memref<128x64xf32, #tpu.memory_space<vmem>>
    tpu.enqueue_dma source(%dma_start3A_2191 : memref<128x64xf32, #tpu.memory_space<vmem>>) target(%dma_start3A_2188 : memref<128x64xf32, #tpu.memory_space<hbm>>) target_semaphore(%arg19 : memref<!tpu.dma_semaphore, #tpu.memory_space<semaphore_mem>>)
    %dma_wait3A_2192 = arith.constant 0 : i32
    %dma_wait3A_2193 = arith.constant 0 : i32
    %dma_wait3A_2194 = tpu.memref_slice %arg22[%dma_wait3A_2192, %dma_wait3A_2193] : memref<128x64xf32, #tpu.memory_space<vmem>> -> memref<128x64xf32, #tpu.memory_space<vmem>>
    %dma_wait3A_2195 = arith.constant 0 : i32
    %dma_wait3A_2196 = tpu.memref_slice %arg8[%add3A_2181, %dma_wait3A_2195] : memref<263168x64xf32, #tpu.memory_space<hbm>> -> memref<128x64xf32, #tpu.memory_space<hbm>>
    %dma_wait3A_2197 = arith.constant 0 : i32
    %dma_wait3A_2198 = tpu.memref_slice %arg8[%add3A_2181, %dma_wait3A_2197] : memref<263168x64xf32, #tpu.memory_space<hbm>> -> memref<128x64xf32, #tpu.memory_space<hbm>>
    %dma_wait3A_2199 = arith.constant 0 : i32
    %dma_wait3A_2200 = arith.constant 0 : i32
    %dma_wait3A_2201 = tpu.memref_slice %arg22[%dma_wait3A_2199, %dma_wait3A_2200] : memref<128x64xf32, #tpu.memory_space<vmem>> -> memref<128x64xf32, #tpu.memory_space<vmem>>
    tpu.wait_dma2 semaphore(%arg19 : memref<!tpu.dma_semaphore, #tpu.memory_space<semaphore_mem>>) src(%dma_wait3A_2201 : memref<128x64xf32, #tpu.memory_space<vmem>>) dst(%dma_wait3A_2198 : memref<128x64xf32, #tpu.memory_space<hbm>>)
    %dma_start3A_2202 = arith.constant 0 : i32
    %dma_start3A_2203 = arith.constant 0 : i32
    %dma_start3A_2204 = tpu.memref_slice %arg22[%dma_start3A_2202, %dma_start3A_2203] : memref<128x64xf32, #tpu.memory_space<vmem>> -> memref<128x64xf32, #tpu.memory_space<vmem>>
    %dma_start3A_2205 = arith.constant 7680 : i32
    %dma_start3A_2206 = tpu.memref_slice %arg12[%dma_start3A_2205] : memref<8224xi32, #tpu.memory_space<vmem>> -> memref<128xi32, #tpu.memory_space<vmem>>
    %dma_start3A_2207 = arith.constant 0 : i32
    %dma_start3A_2208 = arith.constant 0 : i32
    %dma_start3A_2209 = tpu.memref_slice %arg2[%dma_start3A_2207, %dma_start3A_2208] : memref<1000000x64xf32, #tpu.memory_space<hbm>> -> memref<1000000x64xf32, #tpu.memory_space<hbm>>
    tpu.enqueue_indirect_dma source(%dma_start3A_2209 : memref<1000000x64xf32, #tpu.memory_space<hbm>>) target(%dma_start3A_2204 : memref<128x64xf32, #tpu.memory_space<vmem>>) offsets(%dma_start3A_2206 : memref<128xi32, #tpu.memory_space<vmem>>) semaphore(%arg18 : memref<!tpu.dma_semaphore, #tpu.memory_space<semaphore_mem>>)
    %dma_wait3A_2210 = arith.constant 0 : i32
    %dma_wait3A_2211 = arith.constant 0 : i32
    %dma_wait3A_2212 = tpu.memref_slice %arg23[%dma_wait3A_2210, %dma_wait3A_2211] : memref<128x64xf32, #tpu.memory_space<vmem>> -> memref<128x64xf32, #tpu.memory_space<vmem>>
    %dma_wait3A_2213 = arith.constant 7296 : i32
    %dma_wait3A_2214 = tpu.memref_slice %arg12[%dma_wait3A_2213] : memref<8224xi32, #tpu.memory_space<vmem>> -> memref<128xi32, #tpu.memory_space<vmem>>
    %dma_wait3A_2215 = arith.constant 0 : i32
    %dma_wait3A_2216 = arith.constant 0 : i32
    %dma_wait3A_2217 = tpu.memref_slice %arg2[%dma_wait3A_2215, %dma_wait3A_2216] : memref<1000000x64xf32, #tpu.memory_space<hbm>> -> memref<1000000x64xf32, #tpu.memory_space<hbm>>
    tpu.wait_indirect_dma semaphore(%arg18 : memref<!tpu.dma_semaphore, #tpu.memory_space<semaphore_mem>>) src(%dma_wait3A_2217 : memref<1000000x64xf32, #tpu.memory_space<hbm>>) dst(%dma_wait3A_2212 : memref<128x64xf32, #tpu.memory_space<vmem>>)
    %add3A_2218 = arith.constant 7296 : i32
    %add3A_2219 = arith.addi %mul3A_2, %add3A_2218 : i32
    %dma_start3A_2220 = arith.constant 0 : i32
    %dma_start3A_2221 = arith.constant 0 : i32
    %dma_start3A_2222 = tpu.memref_slice %arg23[%dma_start3A_2220, %dma_start3A_2221] : memref<128x64xf32, #tpu.memory_space<vmem>> -> memref<128x64xf32, #tpu.memory_space<vmem>>
    %dma_start3A_2223 = arith.constant 0 : i32
    %dma_start3A_2224 = tpu.memref_slice %arg8[%add3A_2219, %dma_start3A_2223] : memref<263168x64xf32, #tpu.memory_space<hbm>> -> memref<128x64xf32, #tpu.memory_space<hbm>>
    %dma_start3A_2225 = arith.constant 0 : i32
    %dma_start3A_2226 = tpu.memref_slice %arg8[%add3A_2219, %dma_start3A_2225] : memref<263168x64xf32, #tpu.memory_space<hbm>> -> memref<128x64xf32, #tpu.memory_space<hbm>>
    %dma_start3A_2227 = arith.constant 0 : i32
    %dma_start3A_2228 = arith.constant 0 : i32
    %dma_start3A_2229 = tpu.memref_slice %arg23[%dma_start3A_2227, %dma_start3A_2228] : memref<128x64xf32, #tpu.memory_space<vmem>> -> memref<128x64xf32, #tpu.memory_space<vmem>>
    tpu.enqueue_dma source(%dma_start3A_2229 : memref<128x64xf32, #tpu.memory_space<vmem>>) target(%dma_start3A_2226 : memref<128x64xf32, #tpu.memory_space<hbm>>) target_semaphore(%arg19 : memref<!tpu.dma_semaphore, #tpu.memory_space<semaphore_mem>>)
    %dma_wait3A_2230 = arith.constant 0 : i32
    %dma_wait3A_2231 = arith.constant 0 : i32
    %dma_wait3A_2232 = tpu.memref_slice %arg23[%dma_wait3A_2230, %dma_wait3A_2231] : memref<128x64xf32, #tpu.memory_space<vmem>> -> memref<128x64xf32, #tpu.memory_space<vmem>>
    %dma_wait3A_2233 = arith.constant 0 : i32
    %dma_wait3A_2234 = tpu.memref_slice %arg8[%add3A_2219, %dma_wait3A_2233] : memref<263168x64xf32, #tpu.memory_space<hbm>> -> memref<128x64xf32, #tpu.memory_space<hbm>>
    %dma_wait3A_2235 = arith.constant 0 : i32
    %dma_wait3A_2236 = tpu.memref_slice %arg8[%add3A_2219, %dma_wait3A_2235] : memref<263168x64xf32, #tpu.memory_space<hbm>> -> memref<128x64xf32, #tpu.memory_space<hbm>>
    %dma_wait3A_2237 = arith.constant 0 : i32
    %dma_wait3A_2238 = arith.constant 0 : i32
    %dma_wait3A_2239 = tpu.memref_slice %arg23[%dma_wait3A_2237, %dma_wait3A_2238] : memref<128x64xf32, #tpu.memory_space<vmem>> -> memref<128x64xf32, #tpu.memory_space<vmem>>
    tpu.wait_dma2 semaphore(%arg19 : memref<!tpu.dma_semaphore, #tpu.memory_space<semaphore_mem>>) src(%dma_wait3A_2239 : memref<128x64xf32, #tpu.memory_space<vmem>>) dst(%dma_wait3A_2236 : memref<128x64xf32, #tpu.memory_space<hbm>>)
    %dma_start3A_2240 = arith.constant 0 : i32
    %dma_start3A_2241 = arith.constant 0 : i32
    %dma_start3A_2242 = tpu.memref_slice %arg23[%dma_start3A_2240, %dma_start3A_2241] : memref<128x64xf32, #tpu.memory_space<vmem>> -> memref<128x64xf32, #tpu.memory_space<vmem>>
    %dma_start3A_2243 = arith.constant 7808 : i32
    %dma_start3A_2244 = tpu.memref_slice %arg12[%dma_start3A_2243] : memref<8224xi32, #tpu.memory_space<vmem>> -> memref<128xi32, #tpu.memory_space<vmem>>
    %dma_start3A_2245 = arith.constant 0 : i32
    %dma_start3A_2246 = arith.constant 0 : i32
    %dma_start3A_2247 = tpu.memref_slice %arg2[%dma_start3A_2245, %dma_start3A_2246] : memref<1000000x64xf32, #tpu.memory_space<hbm>> -> memref<1000000x64xf32, #tpu.memory_space<hbm>>
    tpu.enqueue_indirect_dma source(%dma_start3A_2247 : memref<1000000x64xf32, #tpu.memory_space<hbm>>) target(%dma_start3A_2242 : memref<128x64xf32, #tpu.memory_space<vmem>>) offsets(%dma_start3A_2244 : memref<128xi32, #tpu.memory_space<vmem>>) semaphore(%arg18 : memref<!tpu.dma_semaphore, #tpu.memory_space<semaphore_mem>>)
    %dma_wait3A_2248 = arith.constant 0 : i32
    %dma_wait3A_2249 = arith.constant 0 : i32
    %dma_wait3A_2250 = tpu.memref_slice %arg24[%dma_wait3A_2248, %dma_wait3A_2249] : memref<128x64xf32, #tpu.memory_space<vmem>> -> memref<128x64xf32, #tpu.memory_space<vmem>>
    %dma_wait3A_2251 = arith.constant 7424 : i32
    %dma_wait3A_2252 = tpu.memref_slice %arg12[%dma_wait3A_2251] : memref<8224xi32, #tpu.memory_space<vmem>> -> memref<128xi32, #tpu.memory_space<vmem>>
    %dma_wait3A_2253 = arith.constant 0 : i32
    %dma_wait3A_2254 = arith.constant 0 : i32
    %dma_wait3A_2255 = tpu.memref_slice %arg2[%dma_wait3A_2253, %dma_wait3A_2254] : memref<1000000x64xf32, #tpu.memory_space<hbm>> -> memref<1000000x64xf32, #tpu.memory_space<hbm>>
    tpu.wait_indirect_dma semaphore(%arg18 : memref<!tpu.dma_semaphore, #tpu.memory_space<semaphore_mem>>) src(%dma_wait3A_2255 : memref<1000000x64xf32, #tpu.memory_space<hbm>>) dst(%dma_wait3A_2250 : memref<128x64xf32, #tpu.memory_space<vmem>>)
    %add3A_2256 = arith.constant 7424 : i32
    %add3A_2257 = arith.addi %mul3A_2, %add3A_2256 : i32
    %dma_start3A_2258 = arith.constant 0 : i32
    %dma_start3A_2259 = arith.constant 0 : i32
    %dma_start3A_2260 = tpu.memref_slice %arg24[%dma_start3A_2258, %dma_start3A_2259] : memref<128x64xf32, #tpu.memory_space<vmem>> -> memref<128x64xf32, #tpu.memory_space<vmem>>
    %dma_start3A_2261 = arith.constant 0 : i32
    %dma_start3A_2262 = tpu.memref_slice %arg8[%add3A_2257, %dma_start3A_2261] : memref<263168x64xf32, #tpu.memory_space<hbm>> -> memref<128x64xf32, #tpu.memory_space<hbm>>
    %dma_start3A_2263 = arith.constant 0 : i32
    %dma_start3A_2264 = tpu.memref_slice %arg8[%add3A_2257, %dma_start3A_2263] : memref<263168x64xf32, #tpu.memory_space<hbm>> -> memref<128x64xf32, #tpu.memory_space<hbm>>
    %dma_start3A_2265 = arith.constant 0 : i32
    %dma_start3A_2266 = arith.constant 0 : i32
    %dma_start3A_2267 = tpu.memref_slice %arg24[%dma_start3A_2265, %dma_start3A_2266] : memref<128x64xf32, #tpu.memory_space<vmem>> -> memref<128x64xf32, #tpu.memory_space<vmem>>
    tpu.enqueue_dma source(%dma_start3A_2267 : memref<128x64xf32, #tpu.memory_space<vmem>>) target(%dma_start3A_2264 : memref<128x64xf32, #tpu.memory_space<hbm>>) target_semaphore(%arg19 : memref<!tpu.dma_semaphore, #tpu.memory_space<semaphore_mem>>)
    %dma_wait3A_2268 = arith.constant 0 : i32
    %dma_wait3A_2269 = arith.constant 0 : i32
    %dma_wait3A_2270 = tpu.memref_slice %arg24[%dma_wait3A_2268, %dma_wait3A_2269] : memref<128x64xf32, #tpu.memory_space<vmem>> -> memref<128x64xf32, #tpu.memory_space<vmem>>
    %dma_wait3A_2271 = arith.constant 0 : i32
    %dma_wait3A_2272 = tpu.memref_slice %arg8[%add3A_2257, %dma_wait3A_2271] : memref<263168x64xf32, #tpu.memory_space<hbm>> -> memref<128x64xf32, #tpu.memory_space<hbm>>
    %dma_wait3A_2273 = arith.constant 0 : i32
    %dma_wait3A_2274 = tpu.memref_slice %arg8[%add3A_2257, %dma_wait3A_2273] : memref<263168x64xf32, #tpu.memory_space<hbm>> -> memref<128x64xf32, #tpu.memory_space<hbm>>
    %dma_wait3A_2275 = arith.constant 0 : i32
    %dma_wait3A_2276 = arith.constant 0 : i32
    %dma_wait3A_2277 = tpu.memref_slice %arg24[%dma_wait3A_2275, %dma_wait3A_2276] : memref<128x64xf32, #tpu.memory_space<vmem>> -> memref<128x64xf32, #tpu.memory_space<vmem>>
    tpu.wait_dma2 semaphore(%arg19 : memref<!tpu.dma_semaphore, #tpu.memory_space<semaphore_mem>>) src(%dma_wait3A_2277 : memref<128x64xf32, #tpu.memory_space<vmem>>) dst(%dma_wait3A_2274 : memref<128x64xf32, #tpu.memory_space<hbm>>)
    %dma_start3A_2278 = arith.constant 0 : i32
    %dma_start3A_2279 = arith.constant 0 : i32
    %dma_start3A_2280 = tpu.memref_slice %arg24[%dma_start3A_2278, %dma_start3A_2279] : memref<128x64xf32, #tpu.memory_space<vmem>> -> memref<128x64xf32, #tpu.memory_space<vmem>>
    %dma_start3A_2281 = arith.constant 7936 : i32
    %dma_start3A_2282 = tpu.memref_slice %arg12[%dma_start3A_2281] : memref<8224xi32, #tpu.memory_space<vmem>> -> memref<128xi32, #tpu.memory_space<vmem>>
    %dma_start3A_2283 = arith.constant 0 : i32
    %dma_start3A_2284 = arith.constant 0 : i32
    %dma_start3A_2285 = tpu.memref_slice %arg2[%dma_start3A_2283, %dma_start3A_2284] : memref<1000000x64xf32, #tpu.memory_space<hbm>> -> memref<1000000x64xf32, #tpu.memory_space<hbm>>
    tpu.enqueue_indirect_dma source(%dma_start3A_2285 : memref<1000000x64xf32, #tpu.memory_space<hbm>>) target(%dma_start3A_2280 : memref<128x64xf32, #tpu.memory_space<vmem>>) offsets(%dma_start3A_2282 : memref<128xi32, #tpu.memory_space<vmem>>) semaphore(%arg18 : memref<!tpu.dma_semaphore, #tpu.memory_space<semaphore_mem>>)
    %dma_wait3A_2286 = arith.constant 0 : i32
    %dma_wait3A_2287 = arith.constant 0 : i32
    %dma_wait3A_2288 = tpu.memref_slice %arg25[%dma_wait3A_2286, %dma_wait3A_2287] : memref<128x64xf32, #tpu.memory_space<vmem>> -> memref<128x64xf32, #tpu.memory_space<vmem>>
    %dma_wait3A_2289 = arith.constant 7552 : i32
    %dma_wait3A_2290 = tpu.memref_slice %arg12[%dma_wait3A_2289] : memref<8224xi32, #tpu.memory_space<vmem>> -> memref<128xi32, #tpu.memory_space<vmem>>
    %dma_wait3A_2291 = arith.constant 0 : i32
    %dma_wait3A_2292 = arith.constant 0 : i32
    %dma_wait3A_2293 = tpu.memref_slice %arg2[%dma_wait3A_2291, %dma_wait3A_2292] : memref<1000000x64xf32, #tpu.memory_space<hbm>> -> memref<1000000x64xf32, #tpu.memory_space<hbm>>
    tpu.wait_indirect_dma semaphore(%arg18 : memref<!tpu.dma_semaphore, #tpu.memory_space<semaphore_mem>>) src(%dma_wait3A_2293 : memref<1000000x64xf32, #tpu.memory_space<hbm>>) dst(%dma_wait3A_2288 : memref<128x64xf32, #tpu.memory_space<vmem>>)
    %add3A_2294 = arith.constant 7552 : i32
    %add3A_2295 = arith.addi %mul3A_2, %add3A_2294 : i32
    %dma_start3A_2296 = arith.constant 0 : i32
    %dma_start3A_2297 = arith.constant 0 : i32
    %dma_start3A_2298 = tpu.memref_slice %arg25[%dma_start3A_2296, %dma_start3A_2297] : memref<128x64xf32, #tpu.memory_space<vmem>> -> memref<128x64xf32, #tpu.memory_space<vmem>>
    %dma_start3A_2299 = arith.constant 0 : i32
    %dma_start3A_2300 = tpu.memref_slice %arg8[%add3A_2295, %dma_start3A_2299] : memref<263168x64xf32, #tpu.memory_space<hbm>> -> memref<128x64xf32, #tpu.memory_space<hbm>>
    %dma_start3A_2301 = arith.constant 0 : i32
    %dma_start3A_2302 = tpu.memref_slice %arg8[%add3A_2295, %dma_start3A_2301] : memref<263168x64xf32, #tpu.memory_space<hbm>> -> memref<128x64xf32, #tpu.memory_space<hbm>>
    %dma_start3A_2303 = arith.constant 0 : i32
    %dma_start3A_2304 = arith.constant 0 : i32
    %dma_start3A_2305 = tpu.memref_slice %arg25[%dma_start3A_2303, %dma_start3A_2304] : memref<128x64xf32, #tpu.memory_space<vmem>> -> memref<128x64xf32, #tpu.memory_space<vmem>>
    tpu.enqueue_dma source(%dma_start3A_2305 : memref<128x64xf32, #tpu.memory_space<vmem>>) target(%dma_start3A_2302 : memref<128x64xf32, #tpu.memory_space<hbm>>) target_semaphore(%arg19 : memref<!tpu.dma_semaphore, #tpu.memory_space<semaphore_mem>>)
    %dma_wait3A_2306 = arith.constant 0 : i32
    %dma_wait3A_2307 = arith.constant 0 : i32
    %dma_wait3A_2308 = tpu.memref_slice %arg25[%dma_wait3A_2306, %dma_wait3A_2307] : memref<128x64xf32, #tpu.memory_space<vmem>> -> memref<128x64xf32, #tpu.memory_space<vmem>>
    %dma_wait3A_2309 = arith.constant 0 : i32
    %dma_wait3A_2310 = tpu.memref_slice %arg8[%add3A_2295, %dma_wait3A_2309] : memref<263168x64xf32, #tpu.memory_space<hbm>> -> memref<128x64xf32, #tpu.memory_space<hbm>>
    %dma_wait3A_2311 = arith.constant 0 : i32
    %dma_wait3A_2312 = tpu.memref_slice %arg8[%add3A_2295, %dma_wait3A_2311] : memref<263168x64xf32, #tpu.memory_space<hbm>> -> memref<128x64xf32, #tpu.memory_space<hbm>>
    %dma_wait3A_2313 = arith.constant 0 : i32
    %dma_wait3A_2314 = arith.constant 0 : i32
    %dma_wait3A_2315 = tpu.memref_slice %arg25[%dma_wait3A_2313, %dma_wait3A_2314] : memref<128x64xf32, #tpu.memory_space<vmem>> -> memref<128x64xf32, #tpu.memory_space<vmem>>
    tpu.wait_dma2 semaphore(%arg19 : memref<!tpu.dma_semaphore, #tpu.memory_space<semaphore_mem>>) src(%dma_wait3A_2315 : memref<128x64xf32, #tpu.memory_space<vmem>>) dst(%dma_wait3A_2312 : memref<128x64xf32, #tpu.memory_space<hbm>>)
    %dma_start3A_2316 = arith.constant 0 : i32
    %dma_start3A_2317 = arith.constant 0 : i32
    %dma_start3A_2318 = tpu.memref_slice %arg25[%dma_start3A_2316, %dma_start3A_2317] : memref<128x64xf32, #tpu.memory_space<vmem>> -> memref<128x64xf32, #tpu.memory_space<vmem>>
    %dma_start3A_2319 = arith.constant 8064 : i32
    %dma_start3A_2320 = tpu.memref_slice %arg12[%dma_start3A_2319] : memref<8224xi32, #tpu.memory_space<vmem>> -> memref<128xi32, #tpu.memory_space<vmem>>
    %dma_start3A_2321 = arith.constant 0 : i32
    %dma_start3A_2322 = arith.constant 0 : i32
    %dma_start3A_2323 = tpu.memref_slice %arg2[%dma_start3A_2321, %dma_start3A_2322] : memref<1000000x64xf32, #tpu.memory_space<hbm>> -> memref<1000000x64xf32, #tpu.memory_space<hbm>>
    tpu.enqueue_indirect_dma source(%dma_start3A_2323 : memref<1000000x64xf32, #tpu.memory_space<hbm>>) target(%dma_start3A_2318 : memref<128x64xf32, #tpu.memory_space<vmem>>) offsets(%dma_start3A_2320 : memref<128xi32, #tpu.memory_space<vmem>>) semaphore(%arg18 : memref<!tpu.dma_semaphore, #tpu.memory_space<semaphore_mem>>)
    %dma_wait3A_2324 = arith.constant 0 : i32
    %dma_wait3A_2325 = arith.constant 0 : i32
    %dma_wait3A_2326 = tpu.memref_slice %arg22[%dma_wait3A_2324, %dma_wait3A_2325] : memref<128x64xf32, #tpu.memory_space<vmem>> -> memref<128x64xf32, #tpu.memory_space<vmem>>
    %dma_wait3A_2327 = arith.constant 7680 : i32
    %dma_wait3A_2328 = tpu.memref_slice %arg12[%dma_wait3A_2327] : memref<8224xi32, #tpu.memory_space<vmem>> -> memref<128xi32, #tpu.memory_space<vmem>>
    %dma_wait3A_2329 = arith.constant 0 : i32
    %dma_wait3A_2330 = arith.constant 0 : i32
    %dma_wait3A_2331 = tpu.memref_slice %arg2[%dma_wait3A_2329, %dma_wait3A_2330] : memref<1000000x64xf32, #tpu.memory_space<hbm>> -> memref<1000000x64xf32, #tpu.memory_space<hbm>>
    tpu.wait_indirect_dma semaphore(%arg18 : memref<!tpu.dma_semaphore, #tpu.memory_space<semaphore_mem>>) src(%dma_wait3A_2331 : memref<1000000x64xf32, #tpu.memory_space<hbm>>) dst(%dma_wait3A_2326 : memref<128x64xf32, #tpu.memory_space<vmem>>)
    %add3A_2332 = arith.constant 7680 : i32
    %add3A_2333 = arith.addi %mul3A_2, %add3A_2332 : i32
    %dma_start3A_2334 = arith.constant 0 : i32
    %dma_start3A_2335 = arith.constant 0 : i32
    %dma_start3A_2336 = tpu.memref_slice %arg22[%dma_start3A_2334, %dma_start3A_2335] : memref<128x64xf32, #tpu.memory_space<vmem>> -> memref<128x64xf32, #tpu.memory_space<vmem>>
    %dma_start3A_2337 = arith.constant 0 : i32
    %dma_start3A_2338 = tpu.memref_slice %arg8[%add3A_2333, %dma_start3A_2337] : memref<263168x64xf32, #tpu.memory_space<hbm>> -> memref<128x64xf32, #tpu.memory_space<hbm>>
    %dma_start3A_2339 = arith.constant 0 : i32
    %dma_start3A_2340 = tpu.memref_slice %arg8[%add3A_2333, %dma_start3A_2339] : memref<263168x64xf32, #tpu.memory_space<hbm>> -> memref<128x64xf32, #tpu.memory_space<hbm>>
    %dma_start3A_2341 = arith.constant 0 : i32
    %dma_start3A_2342 = arith.constant 0 : i32
    %dma_start3A_2343 = tpu.memref_slice %arg22[%dma_start3A_2341, %dma_start3A_2342] : memref<128x64xf32, #tpu.memory_space<vmem>> -> memref<128x64xf32, #tpu.memory_space<vmem>>
    tpu.enqueue_dma source(%dma_start3A_2343 : memref<128x64xf32, #tpu.memory_space<vmem>>) target(%dma_start3A_2340 : memref<128x64xf32, #tpu.memory_space<hbm>>) target_semaphore(%arg19 : memref<!tpu.dma_semaphore, #tpu.memory_space<semaphore_mem>>)
    %dma_wait3A_2344 = arith.constant 0 : i32
    %dma_wait3A_2345 = arith.constant 0 : i32
    %dma_wait3A_2346 = tpu.memref_slice %arg22[%dma_wait3A_2344, %dma_wait3A_2345] : memref<128x64xf32, #tpu.memory_space<vmem>> -> memref<128x64xf32, #tpu.memory_space<vmem>>
    %dma_wait3A_2347 = arith.constant 0 : i32
    %dma_wait3A_2348 = tpu.memref_slice %arg8[%add3A_2333, %dma_wait3A_2347] : memref<263168x64xf32, #tpu.memory_space<hbm>> -> memref<128x64xf32, #tpu.memory_space<hbm>>
    %dma_wait3A_2349 = arith.constant 0 : i32
    %dma_wait3A_2350 = tpu.memref_slice %arg8[%add3A_2333, %dma_wait3A_2349] : memref<263168x64xf32, #tpu.memory_space<hbm>> -> memref<128x64xf32, #tpu.memory_space<hbm>>
    %dma_wait3A_2351 = arith.constant 0 : i32
    %dma_wait3A_2352 = arith.constant 0 : i32
    %dma_wait3A_2353 = tpu.memref_slice %arg22[%dma_wait3A_2351, %dma_wait3A_2352] : memref<128x64xf32, #tpu.memory_space<vmem>> -> memref<128x64xf32, #tpu.memory_space<vmem>>
    tpu.wait_dma2 semaphore(%arg19 : memref<!tpu.dma_semaphore, #tpu.memory_space<semaphore_mem>>) src(%dma_wait3A_2353 : memref<128x64xf32, #tpu.memory_space<vmem>>) dst(%dma_wait3A_2350 : memref<128x64xf32, #tpu.memory_space<hbm>>)
    %dma_start3A_2354 = arith.constant 0 : i32
    %dma_start3A_2355 = arith.constant 0 : i32
    %dma_start3A_2356 = tpu.memref_slice %arg22[%dma_start3A_2354, %dma_start3A_2355] : memref<128x64xf32, #tpu.memory_space<vmem>> -> memref<32x64xf32, #tpu.memory_space<vmem>>
    %dma_start3A_2357 = arith.constant 8192 : i32
    %dma_start3A_2358 = tpu.memref_slice %arg12[%dma_start3A_2357] : memref<8224xi32, #tpu.memory_space<vmem>> -> memref<32xi32, #tpu.memory_space<vmem>>
    %dma_start3A_2359 = arith.constant 0 : i32
    %dma_start3A_2360 = arith.constant 0 : i32
    %dma_start3A_2361 = tpu.memref_slice %arg2[%dma_start3A_2359, %dma_start3A_2360] : memref<1000000x64xf32, #tpu.memory_space<hbm>> -> memref<1000000x64xf32, #tpu.memory_space<hbm>>
    tpu.enqueue_indirect_dma source(%dma_start3A_2361 : memref<1000000x64xf32, #tpu.memory_space<hbm>>) target(%dma_start3A_2356 : memref<32x64xf32, #tpu.memory_space<vmem>>) offsets(%dma_start3A_2358 : memref<32xi32, #tpu.memory_space<vmem>>) semaphore(%arg18 : memref<!tpu.dma_semaphore, #tpu.memory_space<semaphore_mem>>)
    %dma_wait3A_2362 = arith.constant 0 : i32
    %dma_wait3A_2363 = arith.constant 0 : i32
    %dma_wait3A_2364 = tpu.memref_slice %arg23[%dma_wait3A_2362, %dma_wait3A_2363] : memref<128x64xf32, #tpu.memory_space<vmem>> -> memref<128x64xf32, #tpu.memory_space<vmem>>
    %dma_wait3A_2365 = arith.constant 7808 : i32
    %dma_wait3A_2366 = tpu.memref_slice %arg12[%dma_wait3A_2365] : memref<8224xi32, #tpu.memory_space<vmem>> -> memref<128xi32, #tpu.memory_space<vmem>>
    %dma_wait3A_2367 = arith.constant 0 : i32
    %dma_wait3A_2368 = arith.constant 0 : i32
    %dma_wait3A_2369 = tpu.memref_slice %arg2[%dma_wait3A_2367, %dma_wait3A_2368] : memref<1000000x64xf32, #tpu.memory_space<hbm>> -> memref<1000000x64xf32, #tpu.memory_space<hbm>>
    tpu.wait_indirect_dma semaphore(%arg18 : memref<!tpu.dma_semaphore, #tpu.memory_space<semaphore_mem>>) src(%dma_wait3A_2369 : memref<1000000x64xf32, #tpu.memory_space<hbm>>) dst(%dma_wait3A_2364 : memref<128x64xf32, #tpu.memory_space<vmem>>)
    %add3A_2370 = arith.constant 7808 : i32
    %add3A_2371 = arith.addi %mul3A_2, %add3A_2370 : i32
    %dma_start3A_2372 = arith.constant 0 : i32
    %dma_start3A_2373 = arith.constant 0 : i32
    %dma_start3A_2374 = tpu.memref_slice %arg23[%dma_start3A_2372, %dma_start3A_2373] : memref<128x64xf32, #tpu.memory_space<vmem>> -> memref<128x64xf32, #tpu.memory_space<vmem>>
    %dma_start3A_2375 = arith.constant 0 : i32
    %dma_start3A_2376 = tpu.memref_slice %arg8[%add3A_2371, %dma_start3A_2375] : memref<263168x64xf32, #tpu.memory_space<hbm>> -> memref<128x64xf32, #tpu.memory_space<hbm>>
    %dma_start3A_2377 = arith.constant 0 : i32
    %dma_start3A_2378 = tpu.memref_slice %arg8[%add3A_2371, %dma_start3A_2377] : memref<263168x64xf32, #tpu.memory_space<hbm>> -> memref<128x64xf32, #tpu.memory_space<hbm>>
    %dma_start3A_2379 = arith.constant 0 : i32
    %dma_start3A_2380 = arith.constant 0 : i32
    %dma_start3A_2381 = tpu.memref_slice %arg23[%dma_start3A_2379, %dma_start3A_2380] : memref<128x64xf32, #tpu.memory_space<vmem>> -> memref<128x64xf32, #tpu.memory_space<vmem>>
    tpu.enqueue_dma source(%dma_start3A_2381 : memref<128x64xf32, #tpu.memory_space<vmem>>) target(%dma_start3A_2378 : memref<128x64xf32, #tpu.memory_space<hbm>>) target_semaphore(%arg19 : memref<!tpu.dma_semaphore, #tpu.memory_space<semaphore_mem>>)
    %dma_wait3A_2382 = arith.constant 0 : i32
    %dma_wait3A_2383 = arith.constant 0 : i32
    %dma_wait3A_2384 = tpu.memref_slice %arg24[%dma_wait3A_2382, %dma_wait3A_2383] : memref<128x64xf32, #tpu.memory_space<vmem>> -> memref<128x64xf32, #tpu.memory_space<vmem>>
    %dma_wait3A_2385 = arith.constant 7936 : i32
    %dma_wait3A_2386 = tpu.memref_slice %arg12[%dma_wait3A_2385] : memref<8224xi32, #tpu.memory_space<vmem>> -> memref<128xi32, #tpu.memory_space<vmem>>
    %dma_wait3A_2387 = arith.constant 0 : i32
    %dma_wait3A_2388 = arith.constant 0 : i32
    %dma_wait3A_2389 = tpu.memref_slice %arg2[%dma_wait3A_2387, %dma_wait3A_2388] : memref<1000000x64xf32, #tpu.memory_space<hbm>> -> memref<1000000x64xf32, #tpu.memory_space<hbm>>
    tpu.wait_indirect_dma semaphore(%arg18 : memref<!tpu.dma_semaphore, #tpu.memory_space<semaphore_mem>>) src(%dma_wait3A_2389 : memref<1000000x64xf32, #tpu.memory_space<hbm>>) dst(%dma_wait3A_2384 : memref<128x64xf32, #tpu.memory_space<vmem>>)
    %add3A_2390 = arith.constant 7936 : i32
    %add3A_2391 = arith.addi %mul3A_2, %add3A_2390 : i32
    %dma_start3A_2392 = arith.constant 0 : i32
    %dma_start3A_2393 = arith.constant 0 : i32
    %dma_start3A_2394 = tpu.memref_slice %arg24[%dma_start3A_2392, %dma_start3A_2393] : memref<128x64xf32, #tpu.memory_space<vmem>> -> memref<128x64xf32, #tpu.memory_space<vmem>>
    %dma_start3A_2395 = arith.constant 0 : i32
    %dma_start3A_2396 = tpu.memref_slice %arg8[%add3A_2391, %dma_start3A_2395] : memref<263168x64xf32, #tpu.memory_space<hbm>> -> memref<128x64xf32, #tpu.memory_space<hbm>>
    %dma_start3A_2397 = arith.constant 0 : i32
    %dma_start3A_2398 = tpu.memref_slice %arg8[%add3A_2391, %dma_start3A_2397] : memref<263168x64xf32, #tpu.memory_space<hbm>> -> memref<128x64xf32, #tpu.memory_space<hbm>>
    %dma_start3A_2399 = arith.constant 0 : i32
    %dma_start3A_2400 = arith.constant 0 : i32
    %dma_start3A_2401 = tpu.memref_slice %arg24[%dma_start3A_2399, %dma_start3A_2400] : memref<128x64xf32, #tpu.memory_space<vmem>> -> memref<128x64xf32, #tpu.memory_space<vmem>>
    tpu.enqueue_dma source(%dma_start3A_2401 : memref<128x64xf32, #tpu.memory_space<vmem>>) target(%dma_start3A_2398 : memref<128x64xf32, #tpu.memory_space<hbm>>) target_semaphore(%arg19 : memref<!tpu.dma_semaphore, #tpu.memory_space<semaphore_mem>>)
    %dma_wait3A_2402 = arith.constant 0 : i32
    %dma_wait3A_2403 = arith.constant 0 : i32
    %dma_wait3A_2404 = tpu.memref_slice %arg25[%dma_wait3A_2402, %dma_wait3A_2403] : memref<128x64xf32, #tpu.memory_space<vmem>> -> memref<128x64xf32, #tpu.memory_space<vmem>>
    %dma_wait3A_2405 = arith.constant 8064 : i32
    %dma_wait3A_2406 = tpu.memref_slice %arg12[%dma_wait3A_2405] : memref<8224xi32, #tpu.memory_space<vmem>> -> memref<128xi32, #tpu.memory_space<vmem>>
    %dma_wait3A_2407 = arith.constant 0 : i32
    %dma_wait3A_2408 = arith.constant 0 : i32
    %dma_wait3A_2409 = tpu.memref_slice %arg2[%dma_wait3A_2407, %dma_wait3A_2408] : memref<1000000x64xf32, #tpu.memory_space<hbm>> -> memref<1000000x64xf32, #tpu.memory_space<hbm>>
    tpu.wait_indirect_dma semaphore(%arg18 : memref<!tpu.dma_semaphore, #tpu.memory_space<semaphore_mem>>) src(%dma_wait3A_2409 : memref<1000000x64xf32, #tpu.memory_space<hbm>>) dst(%dma_wait3A_2404 : memref<128x64xf32, #tpu.memory_space<vmem>>)
    %add3A_2410 = arith.constant 8064 : i32
    %add3A_2411 = arith.addi %mul3A_2, %add3A_2410 : i32
    %dma_start3A_2412 = arith.constant 0 : i32
    %dma_start3A_2413 = arith.constant 0 : i32
    %dma_start3A_2414 = tpu.memref_slice %arg25[%dma_start3A_2412, %dma_start3A_2413] : memref<128x64xf32, #tpu.memory_space<vmem>> -> memref<128x64xf32, #tpu.memory_space<vmem>>
    %dma_start3A_2415 = arith.constant 0 : i32
    %dma_start3A_2416 = tpu.memref_slice %arg8[%add3A_2411, %dma_start3A_2415] : memref<263168x64xf32, #tpu.memory_space<hbm>> -> memref<128x64xf32, #tpu.memory_space<hbm>>
    %dma_start3A_2417 = arith.constant 0 : i32
    %dma_start3A_2418 = tpu.memref_slice %arg8[%add3A_2411, %dma_start3A_2417] : memref<263168x64xf32, #tpu.memory_space<hbm>> -> memref<128x64xf32, #tpu.memory_space<hbm>>
    %dma_start3A_2419 = arith.constant 0 : i32
    %dma_start3A_2420 = arith.constant 0 : i32
    %dma_start3A_2421 = tpu.memref_slice %arg25[%dma_start3A_2419, %dma_start3A_2420] : memref<128x64xf32, #tpu.memory_space<vmem>> -> memref<128x64xf32, #tpu.memory_space<vmem>>
    tpu.enqueue_dma source(%dma_start3A_2421 : memref<128x64xf32, #tpu.memory_space<vmem>>) target(%dma_start3A_2418 : memref<128x64xf32, #tpu.memory_space<hbm>>) target_semaphore(%arg19 : memref<!tpu.dma_semaphore, #tpu.memory_space<semaphore_mem>>)
    %dma_wait3A_2422 = arith.constant 0 : i32
    %dma_wait3A_2423 = arith.constant 0 : i32
    %dma_wait3A_2424 = tpu.memref_slice %arg22[%dma_wait3A_2422, %dma_wait3A_2423] : memref<128x64xf32, #tpu.memory_space<vmem>> -> memref<32x64xf32, #tpu.memory_space<vmem>>
    %dma_wait3A_2425 = arith.constant 8192 : i32
    %dma_wait3A_2426 = tpu.memref_slice %arg12[%dma_wait3A_2425] : memref<8224xi32, #tpu.memory_space<vmem>> -> memref<32xi32, #tpu.memory_space<vmem>>
    %dma_wait3A_2427 = arith.constant 0 : i32
    %dma_wait3A_2428 = arith.constant 0 : i32
    %dma_wait3A_2429 = tpu.memref_slice %arg2[%dma_wait3A_2427, %dma_wait3A_2428] : memref<1000000x64xf32, #tpu.memory_space<hbm>> -> memref<1000000x64xf32, #tpu.memory_space<hbm>>
    tpu.wait_indirect_dma semaphore(%arg18 : memref<!tpu.dma_semaphore, #tpu.memory_space<semaphore_mem>>) src(%dma_wait3A_2429 : memref<1000000x64xf32, #tpu.memory_space<hbm>>) dst(%dma_wait3A_2424 : memref<32x64xf32, #tpu.memory_space<vmem>>)
    %add3A_2430 = arith.constant 8192 : i32
    %add3A_2431 = arith.addi %mul3A_2, %add3A_2430 : i32
    %dma_start3A_2432 = arith.constant 0 : i32
    %dma_start3A_2433 = arith.constant 0 : i32
    %dma_start3A_2434 = tpu.memref_slice %arg22[%dma_start3A_2432, %dma_start3A_2433] : memref<128x64xf32, #tpu.memory_space<vmem>> -> memref<32x64xf32, #tpu.memory_space<vmem>>
    %dma_start3A_2435 = arith.constant 0 : i32
    %dma_start3A_2436 = tpu.memref_slice %arg8[%add3A_2431, %dma_start3A_2435] : memref<263168x64xf32, #tpu.memory_space<hbm>> -> memref<32x64xf32, #tpu.memory_space<hbm>>
    %dma_start3A_2437 = arith.constant 0 : i32
    %dma_start3A_2438 = tpu.memref_slice %arg8[%add3A_2431, %dma_start3A_2437] : memref<263168x64xf32, #tpu.memory_space<hbm>> -> memref<32x64xf32, #tpu.memory_space<hbm>>
    %dma_start3A_2439 = arith.constant 0 : i32
    %dma_start3A_2440 = arith.constant 0 : i32
    %dma_start3A_2441 = tpu.memref_slice %arg22[%dma_start3A_2439, %dma_start3A_2440] : memref<128x64xf32, #tpu.memory_space<vmem>> -> memref<32x64xf32, #tpu.memory_space<vmem>>
    tpu.enqueue_dma source(%dma_start3A_2441 : memref<32x64xf32, #tpu.memory_space<vmem>>) target(%dma_start3A_2438 : memref<32x64xf32, #tpu.memory_space<hbm>>) target_semaphore(%arg19 : memref<!tpu.dma_semaphore, #tpu.memory_space<semaphore_mem>>)
    %dma_wait3A_2442 = arith.constant 0 : i32
    %dma_wait3A_2443 = arith.constant 0 : i32
    %dma_wait3A_2444 = tpu.memref_slice %arg2[%dma_wait3A_2442, %dma_wait3A_2443] : memref<1000000x64xf32, #tpu.memory_space<hbm>> -> memref<1000000x64xf32, #tpu.memory_space<hbm>>
    tpu.wait_indirect_dma semaphore(%arg20 : memref<!tpu.dma_semaphore, #tpu.memory_space<semaphore_mem>>) src(%dma_wait3A_2444 : memref<1000000x64xf32, #tpu.memory_space<hbm>>) dst(%arg15 : memref<32x64xf32, #tpu.memory_space<vmem>>)
    %dma_wait3A_2445 = arith.constant 0 : i32
    %dma_wait3A_2446 = arith.constant 0 : i32
    %dma_wait3A_2447 = tpu.memref_slice %arg3[%dma_wait3A_2445, %dma_wait3A_2446] : memref<1000x128xf32, #tpu.memory_space<hbm>> -> memref<1000x128xf32, #tpu.memory_space<hbm>>
    tpu.wait_indirect_dma semaphore(%arg20 : memref<!tpu.dma_semaphore, #tpu.memory_space<semaphore_mem>>) src(%dma_wait3A_2447 : memref<1000x128xf32, #tpu.memory_space<hbm>>) dst(%arg16 : memref<32x128xf32, #tpu.memory_space<vmem>>)
    %dma_wait3A_2448 = arith.constant 0 : i32
    %dma_wait3A_2449 = arith.constant 0 : i32
    %dma_wait3A_2450 = tpu.memref_slice %arg4[%dma_wait3A_2448, %dma_wait3A_2449] : memref<1000x64xf32, #tpu.memory_space<hbm>> -> memref<1000x64xf32, #tpu.memory_space<hbm>>
    tpu.wait_indirect_dma semaphore(%arg20 : memref<!tpu.dma_semaphore, #tpu.memory_space<semaphore_mem>>) src(%dma_wait3A_2450 : memref<1000x64xf32, #tpu.memory_space<hbm>>) dst(%arg17 : memref<32x64xf32, #tpu.memory_space<vmem>>)
    %dma_start3A_2451 = arith.constant 0 : i32
    %dma_start3A_2452 = tpu.memref_slice %arg9[%mul3A_4, %dma_start3A_2451] : memref<1024x64xf32, #tpu.memory_space<hbm>> -> memref<32x64xf32, #tpu.memory_space<hbm>>
    %dma_start3A_2453 = arith.constant 0 : i32
    %dma_start3A_2454 = tpu.memref_slice %arg9[%mul3A_4, %dma_start3A_2453] : memref<1024x64xf32, #tpu.memory_space<hbm>> -> memref<32x64xf32, #tpu.memory_space<hbm>>
    tpu.enqueue_dma source(%arg15 : memref<32x64xf32, #tpu.memory_space<vmem>>) target(%dma_start3A_2454 : memref<32x64xf32, #tpu.memory_space<hbm>>) target_semaphore(%arg21 : memref<!tpu.dma_semaphore, #tpu.memory_space<semaphore_mem>>)
    %dma_start3A_2455 = arith.constant 0 : i32
    %dma_start3A_2456 = tpu.memref_slice %arg10[%mul3A_4, %dma_start3A_2455] : memref<1024x128xf32, #tpu.memory_space<hbm>> -> memref<32x128xf32, #tpu.memory_space<hbm>>
    %dma_start3A_2457 = arith.constant 0 : i32
    %dma_start3A_2458 = tpu.memref_slice %arg10[%mul3A_4, %dma_start3A_2457] : memref<1024x128xf32, #tpu.memory_space<hbm>> -> memref<32x128xf32, #tpu.memory_space<hbm>>
    tpu.enqueue_dma source(%arg16 : memref<32x128xf32, #tpu.memory_space<vmem>>) target(%dma_start3A_2458 : memref<32x128xf32, #tpu.memory_space<hbm>>) target_semaphore(%arg21 : memref<!tpu.dma_semaphore, #tpu.memory_space<semaphore_mem>>)
    %dma_start3A_2459 = arith.constant 0 : i32
    %dma_start3A_2460 = tpu.memref_slice %arg11[%mul3A_4, %dma_start3A_2459] : memref<1024x64xf32, #tpu.memory_space<hbm>> -> memref<32x64xf32, #tpu.memory_space<hbm>>
    %dma_start3A_2461 = arith.constant 0 : i32
    %dma_start3A_2462 = tpu.memref_slice %arg11[%mul3A_4, %dma_start3A_2461] : memref<1024x64xf32, #tpu.memory_space<hbm>> -> memref<32x64xf32, #tpu.memory_space<hbm>>
    tpu.enqueue_dma source(%arg17 : memref<32x64xf32, #tpu.memory_space<vmem>>) target(%dma_start3A_2462 : memref<32x64xf32, #tpu.memory_space<hbm>>) target_semaphore(%arg21 : memref<!tpu.dma_semaphore, #tpu.memory_space<semaphore_mem>>)
    %dma_wait3A_2463 = arith.constant 0 : i32
    %dma_wait3A_2464 = arith.constant 0 : i32
    %dma_wait3A_2465 = tpu.memref_slice %arg23[%dma_wait3A_2463, %dma_wait3A_2464] : memref<128x64xf32, #tpu.memory_space<vmem>> -> memref<128x64xf32, #tpu.memory_space<vmem>>
    %dma_wait3A_2466 = arith.constant 0 : i32
    %dma_wait3A_2467 = tpu.memref_slice %arg8[%add3A_2371, %dma_wait3A_2466] : memref<263168x64xf32, #tpu.memory_space<hbm>> -> memref<128x64xf32, #tpu.memory_space<hbm>>
    %dma_wait3A_2468 = arith.constant 0 : i32
    %dma_wait3A_2469 = tpu.memref_slice %arg8[%add3A_2371, %dma_wait3A_2468] : memref<263168x64xf32, #tpu.memory_space<hbm>> -> memref<128x64xf32, #tpu.memory_space<hbm>>
    %dma_wait3A_2470 = arith.constant 0 : i32
    %dma_wait3A_2471 = arith.constant 0 : i32
    %dma_wait3A_2472 = tpu.memref_slice %arg23[%dma_wait3A_2470, %dma_wait3A_2471] : memref<128x64xf32, #tpu.memory_space<vmem>> -> memref<128x64xf32, #tpu.memory_space<vmem>>
    tpu.wait_dma2 semaphore(%arg19 : memref<!tpu.dma_semaphore, #tpu.memory_space<semaphore_mem>>) src(%dma_wait3A_2472 : memref<128x64xf32, #tpu.memory_space<vmem>>) dst(%dma_wait3A_2469 : memref<128x64xf32, #tpu.memory_space<hbm>>)
    %dma_wait3A_2473 = arith.constant 0 : i32
    %dma_wait3A_2474 = arith.constant 0 : i32
    %dma_wait3A_2475 = tpu.memref_slice %arg24[%dma_wait3A_2473, %dma_wait3A_2474] : memref<128x64xf32, #tpu.memory_space<vmem>> -> memref<128x64xf32, #tpu.memory_space<vmem>>
    %dma_wait3A_2476 = arith.constant 0 : i32
    %dma_wait3A_2477 = tpu.memref_slice %arg8[%add3A_2391, %dma_wait3A_2476] : memref<263168x64xf32, #tpu.memory_space<hbm>> -> memref<128x64xf32, #tpu.memory_space<hbm>>
    %dma_wait3A_2478 = arith.constant 0 : i32
    %dma_wait3A_2479 = tpu.memref_slice %arg8[%add3A_2391, %dma_wait3A_2478] : memref<263168x64xf32, #tpu.memory_space<hbm>> -> memref<128x64xf32, #tpu.memory_space<hbm>>
    %dma_wait3A_2480 = arith.constant 0 : i32
    %dma_wait3A_2481 = arith.constant 0 : i32
    %dma_wait3A_2482 = tpu.memref_slice %arg24[%dma_wait3A_2480, %dma_wait3A_2481] : memref<128x64xf32, #tpu.memory_space<vmem>> -> memref<128x64xf32, #tpu.memory_space<vmem>>
    tpu.wait_dma2 semaphore(%arg19 : memref<!tpu.dma_semaphore, #tpu.memory_space<semaphore_mem>>) src(%dma_wait3A_2482 : memref<128x64xf32, #tpu.memory_space<vmem>>) dst(%dma_wait3A_2479 : memref<128x64xf32, #tpu.memory_space<hbm>>)
    %dma_wait3A_2483 = arith.constant 0 : i32
    %dma_wait3A_2484 = arith.constant 0 : i32
    %dma_wait3A_2485 = tpu.memref_slice %arg25[%dma_wait3A_2483, %dma_wait3A_2484] : memref<128x64xf32, #tpu.memory_space<vmem>> -> memref<128x64xf32, #tpu.memory_space<vmem>>
    %dma_wait3A_2486 = arith.constant 0 : i32
    %dma_wait3A_2487 = tpu.memref_slice %arg8[%add3A_2411, %dma_wait3A_2486] : memref<263168x64xf32, #tpu.memory_space<hbm>> -> memref<128x64xf32, #tpu.memory_space<hbm>>
    %dma_wait3A_2488 = arith.constant 0 : i32
    %dma_wait3A_2489 = tpu.memref_slice %arg8[%add3A_2411, %dma_wait3A_2488] : memref<263168x64xf32, #tpu.memory_space<hbm>> -> memref<128x64xf32, #tpu.memory_space<hbm>>
    %dma_wait3A_2490 = arith.constant 0 : i32
    %dma_wait3A_2491 = arith.constant 0 : i32
    %dma_wait3A_2492 = tpu.memref_slice %arg25[%dma_wait3A_2490, %dma_wait3A_2491] : memref<128x64xf32, #tpu.memory_space<vmem>> -> memref<128x64xf32, #tpu.memory_space<vmem>>
    tpu.wait_dma2 semaphore(%arg19 : memref<!tpu.dma_semaphore, #tpu.memory_space<semaphore_mem>>) src(%dma_wait3A_2492 : memref<128x64xf32, #tpu.memory_space<vmem>>) dst(%dma_wait3A_2489 : memref<128x64xf32, #tpu.memory_space<hbm>>)
    %dma_wait3A_2493 = arith.constant 0 : i32
    %dma_wait3A_2494 = arith.constant 0 : i32
    %dma_wait3A_2495 = tpu.memref_slice %arg22[%dma_wait3A_2493, %dma_wait3A_2494] : memref<128x64xf32, #tpu.memory_space<vmem>> -> memref<32x64xf32, #tpu.memory_space<vmem>>
    %dma_wait3A_2496 = arith.constant 0 : i32
    %dma_wait3A_2497 = tpu.memref_slice %arg8[%add3A_2431, %dma_wait3A_2496] : memref<263168x64xf32, #tpu.memory_space<hbm>> -> memref<32x64xf32, #tpu.memory_space<hbm>>
    %dma_wait3A_2498 = arith.constant 0 : i32
    %dma_wait3A_2499 = tpu.memref_slice %arg8[%add3A_2431, %dma_wait3A_2498] : memref<263168x64xf32, #tpu.memory_space<hbm>> -> memref<32x64xf32, #tpu.memory_space<hbm>>
    %dma_wait3A_2500 = arith.constant 0 : i32
    %dma_wait3A_2501 = arith.constant 0 : i32
    %dma_wait3A_2502 = tpu.memref_slice %arg22[%dma_wait3A_2500, %dma_wait3A_2501] : memref<128x64xf32, #tpu.memory_space<vmem>> -> memref<32x64xf32, #tpu.memory_space<vmem>>
    tpu.wait_dma2 semaphore(%arg19 : memref<!tpu.dma_semaphore, #tpu.memory_space<semaphore_mem>>) src(%dma_wait3A_2502 : memref<32x64xf32, #tpu.memory_space<vmem>>) dst(%dma_wait3A_2499 : memref<32x64xf32, #tpu.memory_space<hbm>>)
    %dma_wait3A_2503 = arith.constant 0 : i32
    %dma_wait3A_2504 = tpu.memref_slice %arg9[%mul3A_4, %dma_wait3A_2503] : memref<1024x64xf32, #tpu.memory_space<hbm>> -> memref<32x64xf32, #tpu.memory_space<hbm>>
    %dma_wait3A_2505 = arith.constant 0 : i32
    %dma_wait3A_2506 = tpu.memref_slice %arg9[%mul3A_4, %dma_wait3A_2505] : memref<1024x64xf32, #tpu.memory_space<hbm>> -> memref<32x64xf32, #tpu.memory_space<hbm>>
    tpu.wait_dma2 semaphore(%arg21 : memref<!tpu.dma_semaphore, #tpu.memory_space<semaphore_mem>>) src(%arg15 : memref<32x64xf32, #tpu.memory_space<vmem>>) dst(%dma_wait3A_2506 : memref<32x64xf32, #tpu.memory_space<hbm>>)
    %dma_wait3A_2507 = arith.constant 0 : i32
    %dma_wait3A_2508 = tpu.memref_slice %arg10[%mul3A_4, %dma_wait3A_2507] : memref<1024x128xf32, #tpu.memory_space<hbm>> -> memref<32x128xf32, #tpu.memory_space<hbm>>
    %dma_wait3A_2509 = arith.constant 0 : i32
    %dma_wait3A_2510 = tpu.memref_slice %arg10[%mul3A_4, %dma_wait3A_2509] : memref<1024x128xf32, #tpu.memory_space<hbm>> -> memref<32x128xf32, #tpu.memory_space<hbm>>
    tpu.wait_dma2 semaphore(%arg21 : memref<!tpu.dma_semaphore, #tpu.memory_space<semaphore_mem>>) src(%arg16 : memref<32x128xf32, #tpu.memory_space<vmem>>) dst(%dma_wait3A_2510 : memref<32x128xf32, #tpu.memory_space<hbm>>)
    %dma_wait3A_2511 = arith.constant 0 : i32
    %dma_wait3A_2512 = tpu.memref_slice %arg11[%mul3A_4, %dma_wait3A_2511] : memref<1024x64xf32, #tpu.memory_space<hbm>> -> memref<32x64xf32, #tpu.memory_space<hbm>>
    %dma_wait3A_2513 = arith.constant 0 : i32
    %dma_wait3A_2514 = tpu.memref_slice %arg11[%mul3A_4, %dma_wait3A_2513] : memref<1024x64xf32, #tpu.memory_space<hbm>> -> memref<32x64xf32, #tpu.memory_space<hbm>>
    tpu.wait_dma2 semaphore(%arg21 : memref<!tpu.dma_semaphore, #tpu.memory_space<semaphore_mem>>) src(%arg17 : memref<32x64xf32, #tpu.memory_space<vmem>>) dst(%dma_wait3A_2514 : memref<32x64xf32, #tpu.memory_space<hbm>>)
    return
  }
}

</mosaic_0001>

<sc_bundles>
// kernel: _gather_all.3.cloned.1.call-start
scs
__scs_entry_jumppad:
0x0: {  	(pc) =	sbr.rel $0x88, $3  }
0x1: {  	(tag) =	ssettag $0x0;
	lr =	simm.s32 $0x1  }
0x2: {  	[smem:$0x3F9B] =	sst lr;
	_ =	strace $0xD0000000  }
0x3: {  	_ = 	snop  }
0x4: {  	_ = 	snop  }
0x5: {  	_ = 	snop  }
0x6: {  	_ = 	snop  }
0x7: {  	_ = 	snop  }
__scs_overlays_trampoline_lowered:
0x8: {  	[smem:$0x3FAA] =	sst s0  }
0x9: {  	[smem:$0x3FAB] =	sst s1  }
0xa: {  	[smem:$0x3FAC] =	sst s2  }
0xb: {  	[smem:$0x3FAD] =	sst s3  }
0xc: {  	[smem:$0x3FAE] =	sst s4  }
0xd: {  	[smem:$0x3FAF] =	sst s5  }
0xe: {  	[smem:$0x3FB0] =	sst s6  }
0xf: {  	[smem:$0x3FB1] =	sst s7  }
0x10: {  	[smem:$0x3FB2] =	sst s8  }
0x11: {  	[smem:$0x3FB3] =	sst s9;
	s0 =	simm.s32 @!p0 $0x0  }
0x12: {  	s1 =	sld [smem:$0x3F99];
	s0 =	simm.s32 @p0 $0x1  }
0x13: {  	[smem:$0x3FB4] =	sst s0;
	s0 =	simm.s32 @!p1 $0x0  }
0x14: {  	s2 =	sld [smem:$0x3F98];
	s0 =	simm.s32 @p1 $0x1  }
0x15: {  	[smem:$0x3FB5] =	sst s0;
	s0 =	simm.s32 @!p2 $0x0  }
0x16: {  	s3 =	sld [smem:$0x3FDB];
	s0 =	simm.s32 @p2 $0x1  }
0x17: {  	s4 =	simm.s32 $0x1BF5;
	[smem:$0x3FB7] =	sst s0  }
0x18: {  	s0 =	sld [smem:$0x3F9A];
	_ =	swait.ge [sflag:s4], $0x0  }
0x19: {  	s7 =	sld [smem:$0x3F9B]  }
0x1a: {  	s8 =	sadd.s32 $0xFFFFE003, lr  }
0x1b: {  	s9 =	sadd.s32 $0xFFFFFEF7, lr;
	s5 =	simm.s32 $0xFFFFFFFF;
	p2 =	slt.u32 s8, $0xFFFFF086  }
0x1c: {  	p1 =	slt.u32 s9, $0xF7A;
	s5 =	simm.s32 @!p2 $0x0  }
0x1d: {  	s5 =	simm.s32 @p1 $0x1;
	p0 =	seq.s32 s7, s2  }
0x1e: {  	s7 =	smul.u32 @!p0 $0xF7A, s2;
	p2 =	seq.s32 @!p0 s5, $0x0  }
0x1f: {  	s9 =	smul.u32 $0xF7A, s1;
	s8 =	simm.s32 @!p0 $0x1BF5;
	p2 =	por !p2, p0  }
0x20: {  	[sflag:s8] =	ssyncset.s32 @!p0 $0xFFFFF086;
	s6 =	sadd.s32 @!p0 s3, s7;
	s7 =	simm.s32 @!p0 $0x108  }
0x21: {  	s3 =	sadd.s32 s3, s9;
	s6 =	sadd.s32 @!p0 $0x88, s6;
	s7 =	simm.s32 @p2 $0x1082  }
0x22: {  	[simem:s7], [sflag:s8] =	dma.local @!p0 [hbm:s6], $0xF7A  }
0x23: {  	s9 =	sor.u32 $0xD0000000, s2;
	s6 =	simm.s32 $0x108;
	_ =	swait.ge @!p0 [sflag:s8], $0x0  }
0x24: {  	s3 =	sadd.s32 $0x88, s3;
	s6 =	simm.s32 @!p1 $0x1082;
	[sflag:s4] =	ssyncset.s32 $0xFFFFF086  }
0x25: {  	[simem:s6], [sflag:s4] =	dma.local [hbm:s3], $0xF7A  }
0x26: {  	[smem:$0x3F9B] =	sst s1;
	(tag) =	ssettag s2;
	_ =	strace s9  }
0x27: {  	s1 =	sld [smem:$0x3FAB]  }
0x28: {  	s2 =	sld [smem:$0x3FAC]  }
0x29: {  	s4 =	sld [smem:$0x3FAE]  }
0x2a: {  	p0 =	seq.s32 s5, $0x0;
	s5 =	sld [smem:$0x3FAF]  }
0x2b: {  	s6 =	sld [smem:$0x3FB0]  }
0x2c: {  	s7 =	sld [smem:$0x3FB1]  }
0x2d: {  	s3 =	simm.s32 $0x108;
	s8 =	sld [smem:$0x3FB2]  }
0x2e: {  	s3 =	simm.s32 @!p0 $0x1082;
	s9 =	sld [smem:$0x3FB3]  }
0x2f: {  	lr =	sadd.s32 s0, s3;
	s0 =	sld [smem:$0x3FAA]  }
0x30: {  	s3 =	sld [smem:$0x3FAD]  }
0x31: {  	[smem:$0x3FB6] =	sst s10  }
0x32: {  	s10 =	sld [smem:$0x3FB4];
	_ =	sdelay $0x3  }
0x33: {  	p0 =	seq.s32 s10, $0x1;
	s10 =	sld [smem:$0x3FB6];
	_ =	sdelay $0x3  }
0x34: {  	[smem:$0x3FB6] =	sst s10  }
0x35: {  	s10 =	sld [smem:$0x3FB5];
	_ =	sdelay $0x3  }
0x36: {  	p1 =	seq.s32 s10, $0x1;
	s10 =	sld [smem:$0x3FB6];
	_ =	sdelay $0x3  }
0x37: {  	[smem:$0x3FB6] =	sst s10  }
0x38: {  	s10 =	sld [smem:$0x3FB7]  }
0x39: {  	_ = 	snop;
	(pc) =	sbr.ind lr, $3  }
0x3a: {  	_ = 	snop  }
0x3b: {  	_ = 	snop  }
0x3c: {  	p2 =	seq.s32 s10, $0x1;
	s10 =	sld [smem:$0x3FB6]  }
0x3d: {  	_ =	shalt  }
0x3e: {  	_ =	shalt  }
0x3f: {  	_ =	shalt  }
0x40: {  	_ =	shalt  }
0x41: {  	_ =	shalt  }
0x42: {  	_ =	shalt  }
0x43: {  	_ =	shalt  }
0x44: {  	_ =	shalt  }
0x45: {  	_ =	shalt  }
0x46: {  	_ =	shalt  }
0x47: {  	_ =	shalt  }
0x48: {  	_ =	shalt  }
0x49: {  	_ =	shalt  }
0x4a: {  	_ =	shalt  }
0x4b: {  	_ =	shalt  }
0x4c: {  	_ =	shalt  }
0x4d: {  	_ =	shalt  }
0x4e: {  	_ =	shalt  }
0x4f: {  	_ =	shalt  }
0x50: {  	_ =	shalt  }
0x51: {  	_ =	shalt  }
0x52: {  	_ =	shalt  }
0x53: {  	_ =	shalt  }
0x54: {  	_ =	shalt  }
0x55: {  	_ =	shalt  }
0x56: {  	_ =	shalt  }
0x57: {  	_ =	shalt  }
0x58: {  	_ =	shalt  }
0x59: {  	_ =	shalt  }
0x5a: {  	_ =	shalt  }
0x5b: {  	_ =	shalt  }
0x5c: {  	_ =	shalt  }
0x5d: {  	_ =	shalt  }
0x5e: {  	_ =	shalt  }
0x5f: {  	_ =	shalt  }
0x60: {  	_ =	shalt  }
0x61: {  	_ =	shalt  }
0x62: {  	_ =	shalt  }
0x63: {  	_ =	shalt  }
0x64: {  	_ =	shalt  }
0x65: {  	_ =	shalt  }
0x66: {  	_ =	shalt  }
0x67: {  	_ =	shalt  }
0x68: {  	_ =	shalt  }
0x69: {  	_ =	shalt  }
0x6a: {  	_ =	shalt  }
0x6b: {  	_ =	shalt  }
0x6c: {  	_ =	shalt  }
0x6d: {  	_ =	shalt  }
0x6e: {  	_ =	shalt  }
0x6f: {  	_ =	shalt  }
0x70: {  	_ =	shalt  }
0x71: {  	_ =	shalt  }
0x72: {  	_ =	shalt  }
0x73: {  	_ =	shalt  }
0x74: {  	_ =	shalt  }
0x75: {  	_ =	shalt  }
0x76: {  	_ =	shalt  }
0x77: {  	_ =	shalt  }
0x78: {  	_ =	shalt  }
0x79: {  	_ =	shalt  }
0x7a: {  	_ =	shalt  }
0x7b: {  	_ =	shalt  }
0x7c: {  	_ =	shalt  }
0x7d: {  	_ =	shalt  }
0x7e: {  	_ =	shalt  }
0x7f: {  	_ =	shalt  }
0x80: {  	_ =	shalt  }
0x81: {  	_ =	shalt  }
0x82: {  	_ =	shalt  }
0x83: {  	_ =	shalt  }
0x84: {  	_ =	shalt  }
0x85: {  	_ =	shalt  }
0x86: {  	_ =	shalt  }
0x87: {  	_ =	shalt  }
.Lfunc_end0:
.L_simem_size_0:
called_computation.1_lowered:
.L_overlay_start_0:
0x88: {  	s2 =	sld [smem:$0x3FD9]  }
0x89: {  	s3 =	sld [smem:$0x3FFE];
	_ =	sdelay $0x1  }
0x8a: {  	s1 =	srdreg.scid  }
0x8b: {  	s0 =	sand.u32 $0x1, s1  }
0x8c: {  	s14 =	sshll.u32 s0, $0xA;
	s2 =	sadd.s32 s3, s2  }
0x8d: {  	s2 =	sadd.s32 s2, s14  }
0x8e: {  	[smem:$0x3FC2] =	sst s2  }
0x8f: {  	_ = 	snop  }
0x90: {  	s2 =	sld [smem:$0x3FC8]  }
0x91: {  	s15 =	sld [smem:$0x3FD0]  }
0x92: {  	s4 =	sld [smem:$0x3FC6]  }
0x93: {  	s5 =	sld [smem:$0x3FC5]  }
0x94: {  	s7 =	simm.s32 $0xA;
	s8 =	simm.s32 $0x10;
	s6 =	sld [smem:$0x3FC4]  }
0x95: {  	[smem:s8], [sflag:s7] =	dma.local [hbm:s15], $0x1  }
0x96: {  	_ =	swait.eq [sflag:s7], $0x1  }
0x97: {  	s16 =	sld [smem:$0x10]  }
0x98: {  	s17 =	sld [smem:$0x11];
	[sflag:s7] =	ssyncset.done $0x0  }
0x99: {  	s9 =	sld [smem:$0x12];
	[sflag:s7] =	ssyncadd.s32 $0xFFFFFFFF  }
0x9a: {  	s18 =	sld [smem:$0x13];
	(tm) =	ssettm $0x1  }
0x9b: {  	s10 =	sld [smem:$0x3FFB];
	_ =	sdelay $0x3  }
0x9c: {  	_ =	strace s10  }
0x9d: {  	s10 =	sld [smem:$0x3FFC];
	_ =	sdelay $0x3  }
0x9e: {  	_ =	strace s10  }
0x9f: {  	s10 =	sld [smem:$0x3FFD];
	_ =	sdelay $0x3  }
0xa0: {  	_ =	strace s10  }
0xa1: {  	_ =	strace $0x8FFFFFFF  }
0xa2: {  	s19 =	sld [smem:$0x3FDB];
	_ =	sdelay $0x1  }
0xa3: {  	s11 =	simm.s32 $_scs_section_size  }
0xa4: {  	s12 =	simm.s32 $_size__tile_overlayer_lowered;
	s13 =	simm.s32 $_tile_overlayer_lowered  }
0xa5: {  	s22 =	simm.s32 $0x1BFF;
	s21 =	sshll.u32 s13, $0x1;
	s10 =	sadd.s32 s11, s19  }
0xa6: {  	s20 =	sshll.u32 s12, $0x1;
	s14 =	simm.s32 $0x0;
	s12 =	sadd.s32 s21, s10  }
0xa7: {  	[timem:s14], [sflag:s22] =	dma.local [hbm:s12], s20  }
0xa8: {  	_ =	swait.ge [sflag:s22], s20  }
0xa9: {  	s11 =	ssub.s32 $0x0, s20;
	[sflag:s22] =	ssyncset.done $0x0  }
0xaa: {  	[sflag:s22] =	ssyncadd.s32 s11;
	_ =	sdelay $0x1  }
0xab: {  	s23 =	simm.s32 $0x1B8B  }
0xac: {  	_ =	swait.ge [sflag:s23], $0x1  }
0xad: {  	[sflag:s23] =	ssyncset.done $0x0  }
0xae: {  	s25 =	simm.s32 $0x1B8E;
	s24 =	sld [smem:$0x3FFE];
	[sflag:s23] =	ssyncadd.s32 $0xFFFFFFFF  }
0xaf: {  	s26 =	simm.s32 $execute0_lowered;
	[smem:$0x3FD2] =	sst s25  }
0xb0: {  	s12 =	sshll.u32 s26, $0x1;
	_ =	strace $0x80000046;
	[dreg:$0x1] =	wrdreg $0xFFFFFFFF  }
0xb1: {  	s28 =	simm.s32 $_size_execute0_lowered;
	s10 =	sadd.s32 s10, s12;
	[dreg:$0x0] =	wrdreg $0x0  }
0xb2: {  	s12 =	sshll.u32 s28, $0x1;
	[dreg:$0x2] =	wrdreg s10  }
0xb3: {  	[dreg:$0x3] =	wrdreg s12  }
0xb4: {  	[dreg:$0x4] =	wrdreg $0xC0  }
0xb5: {  	_ =	task [dreg:s14], $0x5FFFF  }
0xb6: {  	[dreg:$0x1] =	wrdreg $0xFFFFFFFF  }
0xb7: {  	[dreg:$0x0] =	wrdreg $0x60  }
0xb8: {  	[dreg:$0x2] =	wrdreg s24  }
0xb9: {  	[dreg:$0x3] =	wrdreg s2  }
0xba: {  	[dreg:$0x4] =	wrdreg s17  }
0xbb: {  	[dreg:$0x5] =	wrdreg s4  }
0xbc: {  	[dreg:$0x6] =	wrdreg s5  }
0xbd: {  	[dreg:$0x7] =	wrdreg s6  }
0xbe: {  	[dreg:$0x8] =	wrdreg s16  }
0xbf: {  	[dreg:$0x9] =	wrdreg s18  }
0xc0: {  	[dreg:$0xa] =	wrdreg s9  }
0xc1: {  	[dreg:$0xb] =	wrdreg $0x9  }
0xc2: {  	_ =	task.clear_ibuf [dreg:s14], $0xCFFFF;
	_ =	strace $0x90000046  }
0xc3: {  	s29 =	simm.s32 $0x9;
	_ =	strace $0x80000048  }
0xc4: {  	_ =	swait.ge [sflag:s29], $0x1  }
0xc5: {  	[sflag:s29] =	ssyncadd.s32 $0xFFFFFFFF  }
0xc6: {  	_ =	strace $0x90000048  }
0xc7: {  	_ =	sfence  }
0xc8: {  	s30 =	sld [smem:$0x0];
	_ =	sdelay $0x2  }
0xc9: {  	s31 =	sshll.u32 s1, $0xD;
	s1 =	sshrl.u32 s1, $0x2  }
0xca: {  	s3 =	sand.u32 $0x4000, s31;
	s1 =	sadd.s32 s1, s30  }
0xcb: {  	s0 =	sor.u32 s3, s0;
	s1 =	sshll.u32 s1, $0x11  }
0xcc: {  	s0 =	sor.u32 s1, s0  }
0xcd: {  	s0 =	sadd.s32 $0x8F2B, s0  }
0xce: {  	[sflag:s0] =	ssyncadd.remote.s32 $0x1  }
0xcf: {  	_ =	sfence.sel $0xFFFF  }
0xd0: {  	[dreg:$0x0] =	wrdreg $0xFFFFFFFF;
	(pc) =	sbr.abs _section_cstart, $3  }
0xd1: {  	[dreg:$0x1] =	wrdreg $0xFFFFFFFF  }
0xd2: {  	_ =	task.clear_ibuf [dreg:s14], $0x2FFFF;
	_ =	strace $0x9FFFFFFF  }
0xd3: {  	(tm) =	ssettm $0x7FFFFFFF  }
tec
execute0_lowered:
.L_overlay_start_1:
0x0: {  	(tag) =	ssettag $0x1  }
0x1: {  	s1 =	rddreg [dreg:$0x0]  }
0x2: {  	s0 =	rddreg [dreg:$0x1]  }
0x3: {  	s10 =	rddreg [dreg:$0x2]  }
0x4: {  	s11 =	rddreg [dreg:$0x3]  }
0x5: {  	s7 =	rddreg [dreg:$0x4]  }
0x6: {  	s8 =	rddreg [dreg:$0x5]  }
0x7: {  	s9 =	rddreg [dreg:$0x6]  }
0x8: {  	s5 =	rddreg [dreg:$0x7]  }
0x9: {  	s4 =	rddreg [dreg:$0x8]  }
0xa: {  	s2 =	srdreg.scid;
	[dreg:$0xa] =	wrdreg s0  }
0xb: {  	s17 =	stileid.u32;
	[dreg:$0xb] =	wrdreg s10  }
0xc: {  	s3 =	sand.u32 $0x1, s2;
	s6 =	sshll.u32 s17, $0x1;
	s2 =	simm.s32 $0x0  }
0xd: {  	s6 =	sor.u32 s3, s6;
	[smem:$0x7FF] =	sst s2  }
0xe: {  	s10 =	smul.u32 $0x404, s6;
	_ =	strace $0x80000047;
	s12 =	sshll.u32 s6, $0x2  }
0xf: {  	s14 =	smul.u32 $0x10100, s6;
	s13 =	sadd.s32 s7, s12;
	s15 =	sadd.s32 s8, s12  }
0x10: {  	s0 =	sadd.s32 s11, s10;
	s11 =	smul.u32 $0x80800, s6;
	[dreg:$0xd] =	wrdreg s13  }
0x11: {  	[dreg:$0xe] =	wrdreg s15  }
0x12: {  	s18 =	sadd.s32 s9, s14;
	[dreg:$0xc] =	wrdreg s0;
	s16 =	sshrl.u32 s11, $0x3  }
0x13: {  	[dreg:$0xf] =	wrdreg s18;
	s7 =	sadd.s32 s9, s16  }
0x14: {  	s0 =	rddreg [dreg:$0xc];
	s19 =	sadd.s32 $0x400, s7  }
0x15: {  	s20 =	sadd.s32 $0x800, s7;
	[dreg:$0x10] =	wrdreg s19  }
0x16: {  	s21 =	sadd.s32 $0xC00, s7;
	[dreg:$0x11] =	wrdreg s20  }
0x17: {  	s22 =	sadd.s32 $0x1000, s7;
	[dreg:$0x12] =	wrdreg s21  }
0x18: {  	s23 =	sadd.s32 $0x1400, s7;
	[dreg:$0x13] =	wrdreg s22  }
0x19: {  	s24 =	sadd.s32 $0x1800, s7;
	[dreg:$0x14] =	wrdreg s23  }
0x1a: {  	s25 =	sadd.s32 $0x1C00, s7;
	[dreg:$0x15] =	wrdreg s24  }
0x1b: {  	s26 =	sadd.s32 $0x2000, s7;
	[dreg:$0x16] =	wrdreg s25  }
0x1c: {  	s8 =	sadd.s32 $0x2400, s7;
	[dreg:$0x17] =	wrdreg s26  }
0x1d: {  	s9 =	sadd.s32 $0x2800, s7;
	[dreg:$0x18] =	wrdreg s8  }
0x1e: {  	s10 =	sadd.s32 $0x2C00, s7;
	[dreg:$0x19] =	wrdreg s9  }
0x1f: {  	s11 =	sadd.s32 $0x3000, s7;
	[dreg:$0x1a] =	wrdreg s10  }
0x20: {  	s12 =	sadd.s32 $0x3400, s7;
	[dreg:$0x1b] =	wrdreg s11  }
0x21: {  	s13 =	sadd.s32 $0x3800, s7;
	[dreg:$0x1c] =	wrdreg s12  }
0x22: {  	s14 =	sadd.s32 $0x3C00, s7;
	[dreg:$0x1d] =	wrdreg s13  }
0x23: {  	s15 =	sadd.s32 $0x4000, s7;
	[dreg:$0x1e] =	wrdreg s14  }
0x24: {  	s16 =	sadd.s32 $0x4400, s7;
	[dreg:$0x1f] =	wrdreg s15  }
0x25: {  	s18 =	sadd.s32 $0x4800, s7;
	[smem:$0x797] =	sst s16  }
0x26: {  	[smem:$0x798] =	sst s18;
	s19 =	sadd.s32 $0x4C00, s7  }
0x27: {  	s20 =	sadd.s32 $0x5000, s7;
	[smem:$0x799] =	sst s19  }
0x28: {  	s21 =	sadd.s32 $0x5400, s7;
	[smem:$0x79A] =	sst s20  }
0x29: {  	s22 =	sadd.s32 $0x5800, s7;
	[smem:$0x79B] =	sst s21  }
0x2a: {  	s23 =	sadd.s32 $0x5C00, s7;
	[smem:$0x79C] =	sst s22  }
0x2b: {  	s24 =	sadd.s32 $0x6000, s7;
	[smem:$0x79D] =	sst s23  }
0x2c: {  	s25 =	sadd.s32 $0x6400, s7;
	[smem:$0x79E] =	sst s24  }
0x2d: {  	s26 =	sadd.s32 $0x6800, s7;
	[smem:$0x79F] =	sst s25  }
0x2e: {  	s8 =	sadd.s32 $0x6C00, s7;
	[smem:$0x7A0] =	sst s26  }
0x2f: {  	s9 =	sadd.s32 $0x7000, s7;
	[smem:$0x7A1] =	sst s8  }
0x30: {  	s10 =	sadd.s32 $0x7400, s7;
	[smem:$0x7A2] =	sst s9  }
0x31: {  	s11 =	sadd.s32 $0x7800, s7;
	[smem:$0x7A3] =	sst s10  }
0x32: {  	s12 =	sadd.s32 $0x7C00, s7;
	[smem:$0x7A4] =	sst s11  }
0x33: {  	s13 =	sadd.s32 $0x8000, s7;
	[smem:$0x7A5] =	sst s12  }
0x34: {  	s14 =	sadd.s32 $0x8400, s7;
	[smem:$0x7A6] =	sst s13  }
0x35: {  	s15 =	sadd.s32 $0x8800, s7;
	[smem:$0x7A7] =	sst s14  }
0x36: {  	s16 =	sadd.s32 $0x8C00, s7;
	[smem:$0x7A8] =	sst s15  }
0x37: {  	s18 =	sadd.s32 $0x9000, s7;
	[smem:$0x7A9] =	sst s16  }
0x38: {  	[smem:$0x7AA] =	sst s18;
	s19 =	sadd.s32 $0x9400, s7  }
0x39: {  	s20 =	sadd.s32 $0x9800, s7;
	[smem:$0x7AB] =	sst s19  }
0x3a: {  	s21 =	sadd.s32 $0x9C00, s7;
	[smem:$0x7AC] =	sst s20  }
0x3b: {  	s22 =	sadd.s32 $0xA000, s7;
	[smem:$0x7AD] =	sst s21  }
0x3c: {  	s23 =	sadd.s32 $0xA400, s7;
	[smem:$0x7AE] =	sst s22  }
0x3d: {  	s24 =	sadd.s32 $0xA800, s7;
	[smem:$0x7AF] =	sst s23  }
0x3e: {  	s25 =	sadd.s32 $0xAC00, s7;
	[smem:$0x7B0] =	sst s24  }
0x3f: {  	s26 =	sadd.s32 $0xB000, s7;
	[smem:$0x7B1] =	sst s25  }
0x40: {  	s8 =	sadd.s32 $0xB400, s7;
	[smem:$0x7B2] =	sst s26  }
0x41: {  	s9 =	sadd.s32 $0xB800, s7;
	[smem:$0x7B3] =	sst s8  }
0x42: {  	s10 =	sadd.s32 $0xBC00, s7;
	[smem:$0x7B4] =	sst s9  }
0x43: {  	s11 =	sadd.s32 $0xC000, s7;
	[smem:$0x7B5] =	sst s10  }
0x44: {  	s12 =	sadd.s32 $0xC400, s7;
	[smem:$0x7B6] =	sst s11  }
0x45: {  	s13 =	sadd.s32 $0xC800, s7;
	[smem:$0x7B7] =	sst s12  }
0x46: {  	s14 =	sadd.s32 $0xCC00, s7;
	[smem:$0x7B8] =	sst s13  }
0x47: {  	s15 =	sadd.s32 $0xD000, s7;
	[smem:$0x7B9] =	sst s14  }
0x48: {  	s16 =	sadd.s32 $0xD400, s7;
	[smem:$0x7BA] =	sst s15  }
0x49: {  	s18 =	sadd.s32 $0xD800, s7;
	[smem:$0x7BB] =	sst s16  }
0x4a: {  	[smem:$0x7BC] =	sst s18;
	s19 =	sadd.s32 $0xDC00, s7  }
0x4b: {  	s20 =	sadd.s32 $0xE000, s7;
	[smem:$0x7BD] =	sst s19  }
0x4c: {  	s21 =	sadd.s32 $0xE400, s7;
	[smem:$0x7BE] =	sst s20  }
0x4d: {  	s22 =	sadd.s32 $0xE800, s7;
	[smem:$0x7BF] =	sst s21  }
0x4e: {  	s23 =	sadd.s32 $0xEC00, s7;
	[smem:$0x7C0] =	sst s22  }
0x4f: {  	s24 =	sadd.s32 $0xF000, s7;
	[smem:$0x7C1] =	sst s23  }
0x50: {  	s25 =	sadd.s32 $0xF400, s7;
	[smem:$0x7C2] =	sst s24  }
0x51: {  	s26 =	sadd.s32 $0xF800, s7;
	[smem:$0x7C3] =	sst s25  }
0x52: {  	s8 =	sadd.s32 $0xFC00, s7;
	[smem:$0x7C4] =	sst s26  }
0x53: {  	s10 =	sadd.s32 $0x10000, s7;
	[smem:$0x7C5] =	sst s8  }
0x54: {  	s16 =	simm.s32 $0x100;
	[smem:$0x7C6] =	sst s10  }
0x55: {  	s9 =	sshll.u32 s6, $0x8;
	s18 =	simm.s32 $0x180;
	[smem:$0x7CA] =	sst s16  }
0x56: {  	s12 =	sshll.u32 s6, $0x9;
	s6 =	simm.s32 $0x700;
	[smem:$0x7CB] =	sst s18  }
0x57: {  	s7 =	simm.s32 $0x780;
	[smem:$0x7D6] =	sst s6  }
0x58: {  	s11 =	sadd.s32 s5, s9;
	[smem:$0x7D7] =	sst s7  }
0x59: {  	s14 =	sadd.s32 s4, s12;
	[smem:$0x7C7] =	sst s11  }
0x5a: {  	s19 =	simm.s32 $0x200;
	[smem:$0x7C8] =	sst s14  }
0x5b: {  	s20 =	simm.s32 $0x280;
	[smem:$0x7CC] =	sst s19  }
0x5c: {  	s21 =	simm.s32 $0x300;
	[smem:$0x7CD] =	sst s20  }
0x5d: {  	s22 =	simm.s32 $0x380;
	[smem:$0x7CE] =	sst s21  }
0x5e: {  	s23 =	simm.s32 $0x400;
	[smem:$0x7CF] =	sst s22  }
0x5f: {  	s24 =	simm.s32 $0x480;
	[smem:$0x7D0] =	sst s23  }
0x60: {  	s25 =	simm.s32 $0x500;
	[smem:$0x7D1] =	sst s24  }
0x61: {  	s26 =	simm.s32 $0x580;
	[smem:$0x7D2] =	sst s25  }
0x62: {  	s4 =	simm.s32 $0x600;
	[smem:$0x7D3] =	sst s26  }
0x63: {  	s5 =	simm.s32 $0x680;
	[smem:$0x7D4] =	sst s4  }
0x64: {  	s8 =	simm.s32 $0x800;
	[smem:$0x7D5] =	sst s5  }
0x65: {  	s13 =	sadd.s32 s9, s1;
	s9 =	simm.s32 $0x880;
	[smem:$0x7D8] =	sst s8  }
0x66: {  	s10 =	simm.s32 $0x900;
	[smem:$0x7D9] =	sst s9  }
0x67: {  	s12 =	simm.s32 $0xA00;
	[smem:$0x7DA] =	sst s10  }
0x68: {  	s16 =	simm.s32 $0xC00;
	[smem:$0x7DC] =	sst s12  }
0x69: {  	s18 =	simm.s32 $0xC80;
	[smem:$0x7E0] =	sst s16  }
0x6a: {  	s15 =	sadd.s32 $0x1200, s13;
	[smem:$0x7E1] =	sst s18  }
0x6b: {  	s11 =	simm.s32 $0x980;
	[smem:$0x7C9] =	sst s15  }
0x6c: {  	s13 =	simm.s32 $0xA80;
	[smem:$0x7DB] =	sst s11  }
0x6d: {  	s14 =	simm.s32 $0xB00;
	[smem:$0x7DD] =	sst s13  }
0x6e: {  	s19 =	simm.s32 $0xD00;
	[smem:$0x7DE] =	sst s14  }
0x6f: {  	s20 =	simm.s32 $0xD80;
	[smem:$0x7E2] =	sst s19  }
0x70: {  	s29 =	simm.s32 $0x5;
	s21 =	simm.s32 $0xE00;
	[smem:$0x7E3] =	sst s20  }
0x71: {  	s30 =	simm.s32 $0x2020;
	s22 =	simm.s32 $0xE80;
	[smem:$0x7E4] =	sst s21  }
0x72: {  	s31 =	simm.s32 $0x2040;
	s23 =	simm.s32 $0xF00;
	[smem:$0x7E5] =	sst s22  }
0x73: {  	s28 =	simm.s32 $0x1B80;
	s24 =	simm.s32 $0xF80;
	[smem:$0x7E6] =	sst s23  }
0x74: {  	p0 =	por $0x0, $0x0;
	s25 =	simm.s32 $0x1000;
	[smem:$0x7E7] =	sst s24  }
0x75: {  	s6 =	sadd.s32 $0xF43600, s1;
	s26 =	simm.s32 $0x1080;
	[smem:$0x7E8] =	sst s25  }
0x76: {  	s7 =	ssub.s32 $0x2, s3;
	s4 =	simm.s32 $0x1100;
	[smem:$0x7E9] =	sst s26  }
0x77: {  	s5 =	simm.s32 $0x1180;
	s8 =	simm.s32 $0x1200;
	[smem:$0x7EA] =	sst s4  }
0x78: {  	s3 =	sshrl.u32 s7, $0x1;
	s9 =	simm.s32 $0x1280;
	[smem:$0x7EB] =	sst s5  }
0x79: {  	s10 =	simm.s32 $0x1300;
	s12 =	simm.s32 $0x1400;
	[smem:$0x7EC] =	sst s8  }
0x7a: {  	s16 =	simm.s32 $0x1600;
	s18 =	simm.s32 $0x1680;
	[smem:$0x7ED] =	sst s9  }
0x7b: {  	s15 =	simm.s32 $0xB80;
	s1 =	ssub.s32 s7, s3;
	[smem:$0x7EE] =	sst s10  }
0x7c: {  	s11 =	simm.s32 $0x1380;
	[smem:$0x7F0] =	sst s12;
	s13 =	simm.s32 $0x1480  }
0x7d: {  	s14 =	simm.s32 $0x1500;
	s10 =	simm.s32 $0x20;
	[smem:$0x7F4] =	sst s16  }
0x7e: {  	s3 =	simm.s32 $0x2060;
	s4 =	simm.s32 $0x2860;
	[smem:$0x7F5] =	sst s18  }
0x7f: {  	s5 =	simm.s32 $0x3860;
	s19 =	simm.s32 $0x1700;
	[smem:$0x7DF] =	sst s15  }
0x80: {  	s16 =	simm.s32 $0x80;
	s20 =	simm.s32 $0x1780;
	[smem:$0x7EF] =	sst s11  }
0x81: {  	s9 =	simm.s32 $0x4060;
	s21 =	simm.s32 $0x1800;
	[smem:$0x7F1] =	sst s13  }
0x82: {  	s22 =	simm.s32 $0x1880;
	s23 =	simm.s32 $0x1900;
	[smem:$0x7F2] =	sst s14  }
0x83: {  	s12 =	simm.s32 $0xA060;
	s24 =	simm.s32 $0x1980;
	[smem:$0x7F6] =	sst s19  }
0x84: {  	s25 =	simm.s32 $0x1A00;
	s7 =	simm.s32 $0x2;
	[smem:$0x7F7] =	sst s20  }
0x85: {  	s26 =	simm.s32 $0x1A80;
	s18 =	simm.s32 $0x2000;
	[smem:$0x7F8] =	sst s21  }
0x86: {  	s8 =	simm.s32 $0x4;
	s1 =	smax.u32 s1, $0x1;
	[smem:$0x7F9] =	sst s22  }
0x87: {  	s15 =	simm.s32 $0x1580;
	s14 =	simm.s32 $0x6060;
	[smem:$0x7FA] =	sst s23  }
0x88: {  	s13 =	simm.s32 $0x8060;
	[smem:$0x7FB] =	sst s24;
	p1 =	sne.s32 s1, $0x1  }
.Ltmp0:
0x89: {  	s11 =	simm.s32 $0x1;
	[smem:$0x7FC] =	sst s25;
	(pc) =	sbr.rel @!p1 .LBB2_1-.Ltmp0, $4  }
0x8a: {  	[smem:$0x7FD] =	sst s26;
	s26 =	simm.s32 $0x1C00;
	s25 =	simm.s32 $0x1C80  }
0x8b: {  	s24 =	simm.s32 $0x1D00;
	s23 =	simm.s32 $0x1D80;
	s22 =	simm.s32 $0x1E00  }
0x8c: {  	s21 =	simm.s32 $0x1E80;
	s20 =	simm.s32 $0x1F00;
	s19 =	simm.s32 $0x1F80  }
0x8d: {  	[smem:$0x7F3] =	sst s15;
	s1 =	sadd.s32 $0xFFFFFFFF, s1;
	s15 =	simm.s32 $0x3  }
0x8e: {  	[tilespmem:s2], [sflag:$0x5] =	stream.linear.gather [hbm4b:s0+s2], $0x2020, $0x38;
	[tilespmem:$0xC060] =	vst v63  }
0x8f: {  	_ =	swait.ge [sflag:s29], $0x2020  }
0x90: {  	[sflag:s29] =	ssyncset.done $0x0  }
0x91: {  	s17 =	rddreg [dreg:$0xd];
	[sflag:s29] =	ssyncadd.s32 $0xFFFFDFE0  }
0x92: {  	[tilespmem:s30], [sflag:$0x5] =	stream.linear.gather [hbm4b:s17+s2], $0x20, $0x38;
	[tilespmem:$0xC060] =	vst v63  }
0x93: {  	_ =	swait.ge [sflag:s29], $0x20  }
0x94: {  	[sflag:s29] =	ssyncset.done $0x0  }
0x95: {  	s17 =	rddreg [dreg:$0xe];
	[sflag:s29] =	ssyncadd.s32 $0xFFFFFFE0  }
0x96: {  	[tilespmem:s31], [sflag:$0x5] =	stream.linear.gather [hbm4b:s17+s2], $0x20, $0x38;
	[tilespmem:$0xC060] =	vst v63  }
0x97: {  	_ =	swait.ge [sflag:s29], $0x20  }
0x98: {  	[sflag:s29] =	ssyncset.done $0x0  }
0x99: {  	[sflag:s29] =	ssyncadd.s32 $0xFFFFFFE0  }
0x9a: {  	[tilespmem:s3], [sflag:$0x3] =	stream.indirect.gather [hbm4b:s6+s10], $0x40, s30, s10, $0xb8;
	[tilespmem:$0xC060] =	vst v63  }
0x9b: {  	s0 =	rddreg [dreg:$0xa]  }
0x9c: {  	[tilespmem:s4], [sflag:$0x3] =	stream.indirect.gather [hbm4b:s0+s10], $0x80, s31, s10, $0xb8;
	[tilespmem:$0xC060] =	vst v63  }
0x9d: {  	s17 =	smov.u32 s1;
	s1 =	rddreg [dreg:$0xb]  }
0x9e: {  	[tilespmem:s5], [sflag:$0x3] =	stream.indirect.gather [hbm4b:s1+s10], $0x40, s31, s10, $0xb8;
	[tilespmem:$0xC060] =	vst v63  }
0x9f: {  	_ = 	snop  }
0xa0: {  	[tilespmem:s9], [sflag:$0x1] =	stream.indirect.gather [hbm4b:s6+s16], $0x40, s2, s16, $0xb8;
	[tilespmem:$0xC060] =	vst v63  }
0xa1: {  	s0 =	sld [smem:$0x7CA]  }
0xa2: {  	[tilespmem:s14], [sflag:$0x1] =	stream.indirect.gather [hbm4b:s6+s16], $0x40, s16, s16, $0xb8;
	[tilespmem:$0xC060] =	vst v63  }
0xa3: {  	s1 =	sld [smem:$0x7CB]  }
0xa4: {  	[tilespmem:s13], [sflag:$0x1] =	stream.indirect.gather [hbm4b:s6+s16], $0x40, s0, s16, $0xb8;
	[tilespmem:$0xC060] =	vst v63  }
0xa5: {  	_ = 	snop  }
0xa6: {  	[tilespmem:s12], [sflag:$0x1] =	stream.indirect.gather [hbm4b:s6+s16], $0x40, s1, s16, $0xb8;
	[tilespmem:$0xC060] =	vst v63  }
0xa7: {  	_ =	swait.ge [sflag:s11], $0x2000  }
0xa8: {  	[sflag:s11] =	ssyncset.done $0x0  }
0xa9: {  	s1 =	rddreg [dreg:$0xf];
	[sflag:s11] =	ssyncadd.s32 $0xFFFFE000  }
0xaa: {  	[hbm4b:s1+s2] =	stream.linear.scatter [tilespmem:s9], [sflag:$0x2], $0x2000, $0x38;
	[tilespmem:$0xC060] =	vst v63  }
0xab: {  	_ =	swait.ge [sflag:s7], $0x2000  }
0xac: {  	s1 =	sld [smem:$0x7CC]  }
0xad: {  	[sflag:s7] =	ssyncset.done $0x0  }
0xae: {  	[sflag:s7] =	ssyncadd.s32 $0xFFFFE000  }
0xaf: {  	[tilespmem:s9], [sflag:$0x1] =	stream.indirect.gather [hbm4b:s6+s16], $0x40, s1, s16, $0xb8;
	[tilespmem:$0xC060] =	vst v63  }
0xb0: {  	_ =	swait.ge [sflag:s11], $0x2000  }
0xb1: {  	[sflag:s11] =	ssyncset.done $0x0  }
0xb2: {  	s1 =	rddreg [dreg:$0x10];
	[sflag:s11] =	ssyncadd.s32 $0xFFFFE000  }
0xb3: {  	[hbm4b:s1+s2] =	stream.linear.scatter [tilespmem:s14], [sflag:$0x2], $0x2000, $0x38;
	[tilespmem:$0xC060] =	vst v63  }
0xb4: {  	_ =	swait.ge [sflag:s7], $0x2000  }
0xb5: {  	s1 =	sld [smem:$0x7CD]  }
0xb6: {  	[sflag:s7] =	ssyncset.done $0x0  }
0xb7: {  	[sflag:s7] =	ssyncadd.s32 $0xFFFFE000  }
0xb8: {  	[tilespmem:s14], [sflag:$0x1] =	stream.indirect.gather [hbm4b:s6+s16], $0x40, s1, s16, $0xb8;
	[tilespmem:$0xC060] =	vst v63  }
0xb9: {  	_ =	swait.ge [sflag:s11], $0x2000  }
0xba: {  	[sflag:s11] =	ssyncset.done $0x0  }
0xbb: {  	s1 =	rddreg [dreg:$0x11];
	[sflag:s11] =	ssyncadd.s32 $0xFFFFE000  }
0xbc: {  	[hbm4b:s1+s2] =	stream.linear.scatter [tilespmem:s13], [sflag:$0x2], $0x2000, $0x38;
	[tilespmem:$0xC060] =	vst v63  }
0xbd: {  	_ =	swait.ge [sflag:s7], $0x2000  }
0xbe: {  	s1 =	sld [smem:$0x7CE]  }
0xbf: {  	[sflag:s7] =	ssyncset.done $0x0  }
0xc0: {  	[sflag:s7] =	ssyncadd.s32 $0xFFFFE000  }
0xc1: {  	[tilespmem:s13], [sflag:$0x1] =	stream.indirect.gather [hbm4b:s6+s16], $0x40, s1, s16, $0xb8;
	[tilespmem:$0xC060] =	vst v63  }
0xc2: {  	_ =	swait.ge [sflag:s11], $0x2000  }
0xc3: {  	[sflag:s11] =	ssyncset.done $0x0  }
0xc4: {  	s1 =	rddreg [dreg:$0x12];
	[sflag:s11] =	ssyncadd.s32 $0xFFFFE000  }
0xc5: {  	[hbm4b:s1+s2] =	stream.linear.scatter [tilespmem:s12], [sflag:$0x2], $0x2000, $0x38;
	[tilespmem:$0xC060] =	vst v63  }
0xc6: {  	_ =	swait.ge [sflag:s7], $0x2000  }
0xc7: {  	s1 =	sld [smem:$0x7CF]  }
0xc8: {  	[sflag:s7] =	ssyncset.done $0x0  }
0xc9: {  	[sflag:s7] =	ssyncadd.s32 $0xFFFFE000  }
0xca: {  	[tilespmem:s12], [sflag:$0x1] =	stream.indirect.gather [hbm4b:s6+s16], $0x40, s1, s16, $0xb8;
	[tilespmem:$0xC060] =	vst v63  }
0xcb: {  	_ =	swait.ge [sflag:s11], $0x2000  }
0xcc: {  	[sflag:s11] =	ssyncset.done $0x0  }
0xcd: {  	s1 =	rddreg [dreg:$0x13];
	[sflag:s11] =	ssyncadd.s32 $0xFFFFE000  }
0xce: {  	[hbm4b:s1+s2] =	stream.linear.scatter [tilespmem:s9], [sflag:$0x2], $0x2000, $0x38;
	[tilespmem:$0xC060] =	vst v63  }
0xcf: {  	_ =	swait.ge [sflag:s7], $0x2000  }
0xd0: {  	s1 =	sld [smem:$0x7D0]  }
0xd1: {  	[sflag:s7] =	ssyncset.done $0x0  }
0xd2: {  	[sflag:s7] =	ssyncadd.s32 $0xFFFFE000  }
0xd3: {  	[tilespmem:s9], [sflag:$0x1] =	stream.indirect.gather [hbm4b:s6+s16], $0x40, s1, s16, $0xb8;
	[tilespmem:$0xC060] =	vst v63  }
0xd4: {  	_ =	swait.ge [sflag:s11], $0x2000  }
0xd5: {  	[sflag:s11] =	ssyncset.done $0x0  }
0xd6: {  	s1 =	rddreg [dreg:$0x14];
	[sflag:s11] =	ssyncadd.s32 $0xFFFFE000  }
0xd7: {  	[hbm4b:s1+s2] =	stream.linear.scatter [tilespmem:s14], [sflag:$0x2], $0x2000, $0x38;
	[tilespmem:$0xC060] =	vst v63  }
0xd8: {  	_ =	swait.ge [sflag:s7], $0x2000  }
0xd9: {  	s1 =	sld [smem:$0x7D1]  }
0xda: {  	[sflag:s7] =	ssyncset.done $0x0  }
0xdb: {  	[sflag:s7] =	ssyncadd.s32 $0xFFFFE000  }
0xdc: {  	[tilespmem:s14], [sflag:$0x1] =	stream.indirect.gather [hbm4b:s6+s16], $0x40, s1, s16, $0xb8;
	[tilespmem:$0xC060] =	vst v63  }
0xdd: {  	_ =	swait.ge [sflag:s11], $0x2000  }
0xde: {  	[sflag:s11] =	ssyncset.done $0x0  }
0xdf: {  	s1 =	rddreg [dreg:$0x15];
	[sflag:s11] =	ssyncadd.s32 $0xFFFFE000  }
0xe0: {  	[hbm4b:s1+s2] =	stream.linear.scatter [tilespmem:s13], [sflag:$0x2], $0x2000, $0x38;
	[tilespmem:$0xC060] =	vst v63  }
0xe1: {  	_ =	swait.ge [sflag:s7], $0x2000  }
0xe2: {  	s1 =	sld [smem:$0x7D2]  }
0xe3: {  	[sflag:s7] =	ssyncset.done $0x0  }
0xe4: {  	[sflag:s7] =	ssyncadd.s32 $0xFFFFE000  }
0xe5: {  	[tilespmem:s13], [sflag:$0x1] =	stream.indirect.gather [hbm4b:s6+s16], $0x40, s1, s16, $0xb8;
	[tilespmem:$0xC060] =	vst v63  }
0xe6: {  	_ =	swait.ge [sflag:s11], $0x2000  }
0xe7: {  	[sflag:s11] =	ssyncset.done $0x0  }
0xe8: {  	s1 =	rddreg [dreg:$0x16];
	[sflag:s11] =	ssyncadd.s32 $0xFFFFE000  }
0xe9: {  	[hbm4b:s1+s2] =	stream.linear.scatter [tilespmem:s12], [sflag:$0x2], $0x2000, $0x38;
	[tilespmem:$0xC060] =	vst v63  }
0xea: {  	_ =	swait.ge [sflag:s7], $0x2000  }
0xeb: {  	s1 =	sld [smem:$0x7D3]  }
0xec: {  	[sflag:s7] =	ssyncset.done $0x0  }
0xed: {  	[sflag:s7] =	ssyncadd.s32 $0xFFFFE000  }
0xee: {  	[tilespmem:s12], [sflag:$0x1] =	stream.indirect.gather [hbm4b:s6+s16], $0x40, s1, s16, $0xb8;
	[tilespmem:$0xC060] =	vst v63  }
0xef: {  	_ =	swait.ge [sflag:s11], $0x2000  }
0xf0: {  	[sflag:s11] =	ssyncset.done $0x0  }
0xf1: {  	s1 =	rddreg [dreg:$0x17];
	[sflag:s11] =	ssyncadd.s32 $0xFFFFE000  }
0xf2: {  	[hbm4b:s1+s2] =	stream.linear.scatter [tilespmem:s9], [sflag:$0x2], $0x2000, $0x38;
	[tilespmem:$0xC060] =	vst v63  }
0xf3: {  	_ =	swait.ge [sflag:s7], $0x2000  }
0xf4: {  	s1 =	sld [smem:$0x7D4]  }
0xf5: {  	[sflag:s7] =	ssyncset.done $0x0  }
0xf6: {  	[sflag:s7] =	ssyncadd.s32 $0xFFFFE000  }
0xf7: {  	[tilespmem:s9], [sflag:$0x1] =	stream.indirect.gather [hbm4b:s6+s16], $0x40, s1, s16, $0xb8;
	[tilespmem:$0xC060] =	vst v63  }
0xf8: {  	_ =	swait.ge [sflag:s11], $0x2000  }
0xf9: {  	[sflag:s11] =	ssyncset.done $0x0  }
0xfa: {  	s1 =	rddreg [dreg:$0x18];
	[sflag:s11] =	ssyncadd.s32 $0xFFFFE000  }
0xfb: {  	[hbm4b:s1+s2] =	stream.linear.scatter [tilespmem:s14], [sflag:$0x2], $0x2000, $0x38;
	[tilespmem:$0xC060] =	vst v63  }
0xfc: {  	_ =	swait.ge [sflag:s7], $0x2000  }
0xfd: {  	s1 =	sld [smem:$0x7D5]  }
0xfe: {  	[sflag:s7] =	ssyncset.done $0x0  }
0xff: {  	[sflag:s7] =	ssyncadd.s32 $0xFFFFE000  }
0x100: {  	[tilespmem:s14], [sflag:$0x1] =	stream.indirect.gather [hbm4b:s6+s16], $0x40, s1, s16, $0xb8;
	[tilespmem:$0xC060] =	vst v63  }
0x101: {  	_ =	swait.ge [sflag:s11], $0x2000  }
0x102: {  	[sflag:s11] =	ssyncset.done $0x0  }
0x103: {  	s1 =	rddreg [dreg:$0x19];
	[sflag:s11] =	ssyncadd.s32 $0xFFFFE000  }
0x104: {  	[hbm4b:s1+s2] =	stream.linear.scatter [tilespmem:s13], [sflag:$0x2], $0x2000, $0x38;
	[tilespmem:$0xC060] =	vst v63  }
0x105: {  	_ =	swait.ge [sflag:s7], $0x2000  }
0x106: {  	s1 =	sld [smem:$0x7D6]  }
0x107: {  	[sflag:s7] =	ssyncset.done $0x0  }
0x108: {  	[sflag:s7] =	ssyncadd.s32 $0xFFFFE000  }
0x109: {  	[tilespmem:s13], [sflag:$0x1] =	stream.indirect.gather [hbm4b:s6+s16], $0x40, s1, s16, $0xb8;
	[tilespmem:$0xC060] =	vst v63  }
0x10a: {  	_ =	swait.ge [sflag:s11], $0x2000  }
0x10b: {  	[sflag:s11] =	ssyncset.done $0x0  }
0x10c: {  	s1 =	rddreg [dreg:$0x1a];
	[sflag:s11] =	ssyncadd.s32 $0xFFFFE000  }
0x10d: {  	[hbm4b:s1+s2] =	stream.linear.scatter [tilespmem:s12], [sflag:$0x2], $0x2000, $0x38;
	[tilespmem:$0xC060] =	vst v63  }
0x10e: {  	_ =	swait.ge [sflag:s7], $0x2000  }
0x10f: {  	s1 =	sld [smem:$0x7D7]  }
0x110: {  	[sflag:s7] =	ssyncset.done $0x0  }
0x111: {  	[sflag:s7] =	ssyncadd.s32 $0xFFFFE000  }
0x112: {  	[tilespmem:s12], [sflag:$0x1] =	stream.indirect.gather [hbm4b:s6+s16], $0x40, s1, s16, $0xb8;
	[tilespmem:$0xC060] =	vst v63  }
0x113: {  	_ =	swait.ge [sflag:s11], $0x2000  }
0x114: {  	[sflag:s11] =	ssyncset.done $0x0  }
0x115: {  	s1 =	rddreg [dreg:$0x1b];
	[sflag:s11] =	ssyncadd.s32 $0xFFFFE000  }
0x116: {  	[hbm4b:s1+s2] =	stream.linear.scatter [tilespmem:s9], [sflag:$0x2], $0x2000, $0x38;
	[tilespmem:$0xC060] =	vst v63  }
0x117: {  	_ =	swait.ge [sflag:s7], $0x2000  }
0x118: {  	s1 =	sld [smem:$0x7D8]  }
0x119: {  	[sflag:s7] =	ssyncset.done $0x0  }
0x11a: {  	[sflag:s7] =	ssyncadd.s32 $0xFFFFE000  }
0x11b: {  	[tilespmem:s9], [sflag:$0x1] =	stream.indirect.gather [hbm4b:s6+s16], $0x40, s1, s16, $0xb8;
	[tilespmem:$0xC060] =	vst v63  }
0x11c: {  	_ =	swait.ge [sflag:s11], $0x2000  }
0x11d: {  	[sflag:s11] =	ssyncset.done $0x0  }
0x11e: {  	s1 =	rddreg [dreg:$0x1c];
	[sflag:s11] =	ssyncadd.s32 $0xFFFFE000  }
0x11f: {  	[hbm4b:s1+s2] =	stream.linear.scatter [tilespmem:s14], [sflag:$0x2], $0x2000, $0x38;
	[tilespmem:$0xC060] =	vst v63  }
0x120: {  	_ =	swait.ge [sflag:s7], $0x2000  }
0x121: {  	s1 =	sld [smem:$0x7D9]  }
0x122: {  	[sflag:s7] =	ssyncset.done $0x0  }
0x123: {  	[sflag:s7] =	ssyncadd.s32 $0xFFFFE000  }
0x124: {  	[tilespmem:s14], [sflag:$0x1] =	stream.indirect.gather [hbm4b:s6+s16], $0x40, s1, s16, $0xb8;
	[tilespmem:$0xC060] =	vst v63  }
0x125: {  	_ =	swait.ge [sflag:s11], $0x2000  }
0x126: {  	[sflag:s11] =	ssyncset.done $0x0  }
0x127: {  	s1 =	rddreg [dreg:$0x1d];
	[sflag:s11] =	ssyncadd.s32 $0xFFFFE000  }
0x128: {  	[hbm4b:s1+s2] =	stream.linear.scatter [tilespmem:s13], [sflag:$0x2], $0x2000, $0x38;
	[tilespmem:$0xC060] =	vst v63  }
0x129: {  	_ =	swait.ge [sflag:s7], $0x2000  }
0x12a: {  	s1 =	sld [smem:$0x7DA]  }
0x12b: {  	[sflag:s7] =	ssyncset.done $0x0  }
0x12c: {  	[sflag:s7] =	ssyncadd.s32 $0xFFFFE000  }
0x12d: {  	[tilespmem:s13], [sflag:$0x1] =	stream.indirect.gather [hbm4b:s6+s16], $0x40, s1, s16, $0xb8;
	[tilespmem:$0xC060] =	vst v63  }
0x12e: {  	_ =	swait.ge [sflag:s11], $0x2000  }
0x12f: {  	[sflag:s11] =	ssyncset.done $0x0  }
0x130: {  	s1 =	rddreg [dreg:$0x1e];
	[sflag:s11] =	ssyncadd.s32 $0xFFFFE000  }
0x131: {  	[hbm4b:s1+s2] =	stream.linear.scatter [tilespmem:s12], [sflag:$0x2], $0x2000, $0x38;
	[tilespmem:$0xC060] =	vst v63  }
0x132: {  	_ =	swait.ge [sflag:s7], $0x2000  }
0x133: {  	s1 =	sld [smem:$0x7DB]  }
0x134: {  	[sflag:s7] =	ssyncset.done $0x0  }
0x135: {  	[sflag:s7] =	ssyncadd.s32 $0xFFFFE000  }
0x136: {  	[tilespmem:s12], [sflag:$0x1] =	stream.indirect.gather [hbm4b:s6+s16], $0x40, s1, s16, $0xb8;
	[tilespmem:$0xC060] =	vst v63  }
0x137: {  	_ =	swait.ge [sflag:s11], $0x2000  }
0x138: {  	[sflag:s11] =	ssyncset.done $0x0  }
0x139: {  	s1 =	rddreg [dreg:$0x1f];
	[sflag:s11] =	ssyncadd.s32 $0xFFFFE000  }
0x13a: {  	[hbm4b:s1+s2] =	stream.linear.scatter [tilespmem:s9], [sflag:$0x2], $0x2000, $0x38;
	[tilespmem:$0xC060] =	vst v63  }
0x13b: {  	_ =	swait.ge [sflag:s7], $0x2000  }
0x13c: {  	s1 =	sld [smem:$0x7DC]  }
0x13d: {  	[sflag:s7] =	ssyncset.done $0x0  }
0x13e: {  	[sflag:s7] =	ssyncadd.s32 $0xFFFFE000  }
0x13f: {  	[tilespmem:s9], [sflag:$0x1] =	stream.indirect.gather [hbm4b:s6+s16], $0x40, s1, s16, $0xb8;
	[tilespmem:$0xC060] =	vst v63  }
0x140: {  	_ =	swait.ge [sflag:s11], $0x2000  }
0x141: {  	s1 =	sld [smem:$0x797]  }
0x142: {  	[sflag:s11] =	ssyncset.done $0x0  }
0x143: {  	[sflag:s11] =	ssyncadd.s32 $0xFFFFE000  }
0x144: {  	[hbm4b:s1+s2] =	stream.linear.scatter [tilespmem:s14], [sflag:$0x2], $0x2000, $0x38;
	[tilespmem:$0xC060] =	vst v63  }
0x145: {  	_ =	swait.ge [sflag:s7], $0x2000  }
0x146: {  	s1 =	sld [smem:$0x7DD]  }
0x147: {  	[sflag:s7] =	ssyncset.done $0x0  }
0x148: {  	[sflag:s7] =	ssyncadd.s32 $0xFFFFE000  }
0x149: {  	[tilespmem:s14], [sflag:$0x1] =	stream.indirect.gather [hbm4b:s6+s16], $0x40, s1, s16, $0xb8;
	[tilespmem:$0xC060] =	vst v63  }
0x14a: {  	_ =	swait.ge [sflag:s11], $0x2000  }
0x14b: {  	s1 =	sld [smem:$0x798]  }
0x14c: {  	[sflag:s11] =	ssyncset.done $0x0  }
0x14d: {  	[sflag:s11] =	ssyncadd.s32 $0xFFFFE000  }
0x14e: {  	[hbm4b:s1+s2] =	stream.linear.scatter [tilespmem:s13], [sflag:$0x2], $0x2000, $0x38;
	[tilespmem:$0xC060] =	vst v63  }
0x14f: {  	_ =	swait.ge [sflag:s7], $0x2000  }
0x150: {  	s1 =	sld [smem:$0x7DE]  }
0x151: {  	[sflag:s7] =	ssyncset.done $0x0  }
0x152: {  	[sflag:s7] =	ssyncadd.s32 $0xFFFFE000  }
0x153: {  	[tilespmem:s13], [sflag:$0x1] =	stream.indirect.gather [hbm4b:s6+s16], $0x40, s1, s16, $0xb8;
	[tilespmem:$0xC060] =	vst v63  }
0x154: {  	_ =	swait.ge [sflag:s11], $0x2000  }
0x155: {  	s1 =	sld [smem:$0x799]  }
0x156: {  	[sflag:s11] =	ssyncset.done $0x0  }
0x157: {  	[sflag:s11] =	ssyncadd.s32 $0xFFFFE000  }
0x158: {  	[hbm4b:s1+s2] =	stream.linear.scatter [tilespmem:s12], [sflag:$0x2], $0x2000, $0x38;
	[tilespmem:$0xC060] =	vst v63  }
0x159: {  	_ =	swait.ge [sflag:s7], $0x2000  }
0x15a: {  	s1 =	sld [smem:$0x7DF]  }
0x15b: {  	[sflag:s7] =	ssyncset.done $0x0  }
0x15c: {  	[sflag:s7] =	ssyncadd.s32 $0xFFFFE000  }
0x15d: {  	[tilespmem:s12], [sflag:$0x1] =	stream.indirect.gather [hbm4b:s6+s16], $0x40, s1, s16, $0xb8;
	[tilespmem:$0xC060] =	vst v63  }
0x15e: {  	_ =	swait.ge [sflag:s11], $0x2000  }
0x15f: {  	s1 =	sld [smem:$0x79A]  }
0x160: {  	[sflag:s11] =	ssyncset.done $0x0  }
0x161: {  	[sflag:s11] =	ssyncadd.s32 $0xFFFFE000  }
0x162: {  	[hbm4b:s1+s2] =	stream.linear.scatter [tilespmem:s9], [sflag:$0x2], $0x2000, $0x38;
	[tilespmem:$0xC060] =	vst v63  }
0x163: {  	_ =	swait.ge [sflag:s7], $0x2000  }
0x164: {  	s1 =	sld [smem:$0x7E0]  }
0x165: {  	[sflag:s7] =	ssyncset.done $0x0  }
0x166: {  	[sflag:s7] =	ssyncadd.s32 $0xFFFFE000  }
0x167: {  	[tilespmem:s9], [sflag:$0x1] =	stream.indirect.gather [hbm4b:s6+s16], $0x40, s1, s16, $0xb8;
	[tilespmem:$0xC060] =	vst v63  }
0x168: {  	_ =	swait.ge [sflag:s11], $0x2000  }
0x169: {  	s1 =	sld [smem:$0x79B]  }
0x16a: {  	[sflag:s11] =	ssyncset.done $0x0  }
0x16b: {  	[sflag:s11] =	ssyncadd.s32 $0xFFFFE000  }
0x16c: {  	[hbm4b:s1+s2] =	stream.linear.scatter [tilespmem:s14], [sflag:$0x2], $0x2000, $0x38;
	[tilespmem:$0xC060] =	vst v63  }
0x16d: {  	_ =	swait.ge [sflag:s7], $0x2000  }
0x16e: {  	s1 =	sld [smem:$0x7E1]  }
0x16f: {  	[sflag:s7] =	ssyncset.done $0x0  }
0x170: {  	[sflag:s7] =	ssyncadd.s32 $0xFFFFE000  }
0x171: {  	[tilespmem:s14], [sflag:$0x1] =	stream.indirect.gather [hbm4b:s6+s16], $0x40, s1, s16, $0xb8;
	[tilespmem:$0xC060] =	vst v63  }
0x172: {  	_ =	swait.ge [sflag:s11], $0x2000  }
0x173: {  	s1 =	sld [smem:$0x79C]  }
0x174: {  	[sflag:s11] =	ssyncset.done $0x0  }
0x175: {  	[sflag:s11] =	ssyncadd.s32 $0xFFFFE000  }
0x176: {  	[hbm4b:s1+s2] =	stream.linear.scatter [tilespmem:s13], [sflag:$0x2], $0x2000, $0x38;
	[tilespmem:$0xC060] =	vst v63  }
0x177: {  	_ =	swait.ge [sflag:s7], $0x2000  }
0x178: {  	s1 =	sld [smem:$0x7E2]  }
0x179: {  	[sflag:s7] =	ssyncset.done $0x0  }
0x17a: {  	[sflag:s7] =	ssyncadd.s32 $0xFFFFE000  }
0x17b: {  	[tilespmem:s13], [sflag:$0x1] =	stream.indirect.gather [hbm4b:s6+s16], $0x40, s1, s16, $0xb8;
	[tilespmem:$0xC060] =	vst v63  }
0x17c: {  	_ =	swait.ge [sflag:s11], $0x2000  }
0x17d: {  	s1 =	sld [smem:$0x79D]  }
0x17e: {  	[sflag:s11] =	ssyncset.done $0x0  }
0x17f: {  	[sflag:s11] =	ssyncadd.s32 $0xFFFFE000  }
0x180: {  	[hbm4b:s1+s2] =	stream.linear.scatter [tilespmem:s12], [sflag:$0x2], $0x2000, $0x38;
	[tilespmem:$0xC060] =	vst v63  }
0x181: {  	_ =	swait.ge [sflag:s7], $0x2000  }
0x182: {  	s1 =	sld [smem:$0x7E3]  }
0x183: {  	[sflag:s7] =	ssyncset.done $0x0  }
0x184: {  	[sflag:s7] =	ssyncadd.s32 $0xFFFFE000  }
0x185: {  	[tilespmem:s12], [sflag:$0x1] =	stream.indirect.gather [hbm4b:s6+s16], $0x40, s1, s16, $0xb8;
	[tilespmem:$0xC060] =	vst v63  }
0x186: {  	_ =	swait.ge [sflag:s11], $0x2000  }
0x187: {  	s1 =	sld [smem:$0x79E]  }
0x188: {  	[sflag:s11] =	ssyncset.done $0x0  }
0x189: {  	[sflag:s11] =	ssyncadd.s32 $0xFFFFE000  }
0x18a: {  	[hbm4b:s1+s2] =	stream.linear.scatter [tilespmem:s9], [sflag:$0x2], $0x2000, $0x38;
	[tilespmem:$0xC060] =	vst v63  }
0x18b: {  	_ =	swait.ge [sflag:s7], $0x2000  }
0x18c: {  	s1 =	sld [smem:$0x7E4]  }
0x18d: {  	[sflag:s7] =	ssyncset.done $0x0  }
0x18e: {  	[sflag:s7] =	ssyncadd.s32 $0xFFFFE000  }
0x18f: {  	[tilespmem:s9], [sflag:$0x1] =	stream.indirect.gather [hbm4b:s6+s16], $0x40, s1, s16, $0xb8;
	[tilespmem:$0xC060] =	vst v63  }
0x190: {  	_ =	swait.ge [sflag:s11], $0x2000  }
0x191: {  	s1 =	sld [smem:$0x79F]  }
0x192: {  	[sflag:s11] =	ssyncset.done $0x0  }
0x193: {  	[sflag:s11] =	ssyncadd.s32 $0xFFFFE000  }
0x194: {  	[hbm4b:s1+s2] =	stream.linear.scatter [tilespmem:s14], [sflag:$0x2], $0x2000, $0x38;
	[tilespmem:$0xC060] =	vst v63  }
0x195: {  	_ =	swait.ge [sflag:s7], $0x2000  }
0x196: {  	s1 =	sld [smem:$0x7E5]  }
0x197: {  	[sflag:s7] =	ssyncset.done $0x0  }
0x198: {  	[sflag:s7] =	ssyncadd.s32 $0xFFFFE000  }
0x199: {  	[tilespmem:s14], [sflag:$0x1] =	stream.indirect.gather [hbm4b:s6+s16], $0x40, s1, s16, $0xb8;
	[tilespmem:$0xC060] =	vst v63  }
0x19a: {  	_ =	swait.ge [sflag:s11], $0x2000  }
0x19b: {  	s1 =	sld [smem:$0x7A0]  }
0x19c: {  	[sflag:s11] =	ssyncset.done $0x0  }
0x19d: {  	[sflag:s11] =	ssyncadd.s32 $0xFFFFE000  }
0x19e: {  	[hbm4b:s1+s2] =	stream.linear.scatter [tilespmem:s13], [sflag:$0x2], $0x2000, $0x38;
	[tilespmem:$0xC060] =	vst v63  }
0x19f: {  	_ =	swait.ge [sflag:s7], $0x2000  }
0x1a0: {  	s1 =	sld [smem:$0x7E6]  }
0x1a1: {  	[sflag:s7] =	ssyncset.done $0x0  }
0x1a2: {  	[sflag:s7] =	ssyncadd.s32 $0xFFFFE000  }
0x1a3: {  	[tilespmem:s13], [sflag:$0x1] =	stream.indirect.gather [hbm4b:s6+s16], $0x40, s1, s16, $0xb8;
	[tilespmem:$0xC060] =	vst v63  }
0x1a4: {  	_ =	swait.ge [sflag:s11], $0x2000  }
0x1a5: {  	s1 =	sld [smem:$0x7A1]  }
0x1a6: {  	[sflag:s11] =	ssyncset.done $0x0  }
0x1a7: {  	[sflag:s11] =	ssyncadd.s32 $0xFFFFE000  }
0x1a8: {  	[hbm4b:s1+s2] =	stream.linear.scatter [tilespmem:s12], [sflag:$0x2], $0x2000, $0x38;
	[tilespmem:$0xC060] =	vst v63  }
0x1a9: {  	_ =	swait.ge [sflag:s7], $0x2000  }
0x1aa: {  	s1 =	sld [smem:$0x7E7]  }
0x1ab: {  	[sflag:s7] =	ssyncset.done $0x0  }
0x1ac: {  	[sflag:s7] =	ssyncadd.s32 $0xFFFFE000  }
0x1ad: {  	[tilespmem:s12], [sflag:$0x1] =	stream.indirect.gather [hbm4b:s6+s16], $0x40, s1, s16, $0xb8;
	[tilespmem:$0xC060] =	vst v63  }
0x1ae: {  	_ =	swait.ge [sflag:s11], $0x2000  }
0x1af: {  	s1 =	sld [smem:$0x7A2]  }
0x1b0: {  	[sflag:s11] =	ssyncset.done $0x0  }
0x1b1: {  	[sflag:s11] =	ssyncadd.s32 $0xFFFFE000  }
0x1b2: {  	[hbm4b:s1+s2] =	stream.linear.scatter [tilespmem:s9], [sflag:$0x2], $0x2000, $0x38;
	[tilespmem:$0xC060] =	vst v63  }
0x1b3: {  	_ =	swait.ge [sflag:s7], $0x2000  }
0x1b4: {  	s1 =	sld [smem:$0x7E8]  }
0x1b5: {  	[sflag:s7] =	ssyncset.done $0x0  }
0x1b6: {  	[sflag:s7] =	ssyncadd.s32 $0xFFFFE000  }
0x1b7: {  	[tilespmem:s9], [sflag:$0x1] =	stream.indirect.gather [hbm4b:s6+s16], $0x40, s1, s16, $0xb8;
	[tilespmem:$0xC060] =	vst v63  }
0x1b8: {  	_ =	swait.ge [sflag:s11], $0x2000  }
0x1b9: {  	s1 =	sld [smem:$0x7A3]  }
0x1ba: {  	[sflag:s11] =	ssyncset.done $0x0  }
0x1bb: {  	[sflag:s11] =	ssyncadd.s32 $0xFFFFE000  }
0x1bc: {  	[hbm4b:s1+s2] =	stream.linear.scatter [tilespmem:s14], [sflag:$0x2], $0x2000, $0x38;
	[tilespmem:$0xC060] =	vst v63  }
0x1bd: {  	_ =	swait.ge [sflag:s7], $0x2000  }
0x1be: {  	s1 =	sld [smem:$0x7E9]  }
0x1bf: {  	[sflag:s7] =	ssyncset.done $0x0  }
0x1c0: {  	[sflag:s7] =	ssyncadd.s32 $0xFFFFE000  }
0x1c1: {  	[tilespmem:s14], [sflag:$0x1] =	stream.indirect.gather [hbm4b:s6+s16], $0x40, s1, s16, $0xb8;
	[tilespmem:$0xC060] =	vst v63  }
0x1c2: {  	_ =	swait.ge [sflag:s11], $0x2000  }
0x1c3: {  	s1 =	sld [smem:$0x7A4]  }
0x1c4: {  	[sflag:s11] =	ssyncset.done $0x0  }
0x1c5: {  	[sflag:s11] =	ssyncadd.s32 $0xFFFFE000  }
0x1c6: {  	[hbm4b:s1+s2] =	stream.linear.scatter [tilespmem:s13], [sflag:$0x2], $0x2000, $0x38;
	[tilespmem:$0xC060] =	vst v63  }
0x1c7: {  	_ =	swait.ge [sflag:s7], $0x2000  }
0x1c8: {  	s1 =	sld [smem:$0x7EA]  }
0x1c9: {  	[sflag:s7] =	ssyncset.done $0x0  }
0x1ca: {  	[sflag:s7] =	ssyncadd.s32 $0xFFFFE000  }
0x1cb: {  	[tilespmem:s13], [sflag:$0x1] =	stream.indirect.gather [hbm4b:s6+s16], $0x40, s1, s16, $0xb8;
	[tilespmem:$0xC060] =	vst v63  }
0x1cc: {  	_ =	swait.ge [sflag:s11], $0x2000  }
0x1cd: {  	s1 =	sld [smem:$0x7A5]  }
0x1ce: {  	[sflag:s11] =	ssyncset.done $0x0  }
0x1cf: {  	[sflag:s11] =	ssyncadd.s32 $0xFFFFE000  }
0x1d0: {  	[hbm4b:s1+s2] =	stream.linear.scatter [tilespmem:s12], [sflag:$0x2], $0x2000, $0x38;
	[tilespmem:$0xC060] =	vst v63  }
0x1d1: {  	_ =	swait.ge [sflag:s7], $0x2000  }
0x1d2: {  	s1 =	sld [smem:$0x7EB]  }
0x1d3: {  	[sflag:s7] =	ssyncset.done $0x0  }
0x1d4: {  	[sflag:s7] =	ssyncadd.s32 $0xFFFFE000  }
0x1d5: {  	[tilespmem:s12], [sflag:$0x1] =	stream.indirect.gather [hbm4b:s6+s16], $0x40, s1, s16, $0xb8;
	[tilespmem:$0xC060] =	vst v63  }
0x1d6: {  	_ =	swait.ge [sflag:s11], $0x2000  }
0x1d7: {  	s1 =	sld [smem:$0x7A6]  }
0x1d8: {  	[sflag:s11] =	ssyncset.done $0x0  }
0x1d9: {  	[sflag:s11] =	ssyncadd.s32 $0xFFFFE000  }
0x1da: {  	[hbm4b:s1+s2] =	stream.linear.scatter [tilespmem:s9], [sflag:$0x2], $0x2000, $0x38;
	[tilespmem:$0xC060] =	vst v63  }
0x1db: {  	_ =	swait.ge [sflag:s7], $0x2000  }
0x1dc: {  	s1 =	sld [smem:$0x7EC]  }
0x1dd: {  	[sflag:s7] =	ssyncset.done $0x0  }
0x1de: {  	[sflag:s7] =	ssyncadd.s32 $0xFFFFE000  }
0x1df: {  	[tilespmem:s9], [sflag:$0x1] =	stream.indirect.gather [hbm4b:s6+s16], $0x40, s1, s16, $0xb8;
	[tilespmem:$0xC060] =	vst v63  }
0x1e0: {  	_ =	swait.ge [sflag:s11], $0x2000  }
0x1e1: {  	s1 =	sld [smem:$0x7A7]  }
0x1e2: {  	[sflag:s11] =	ssyncset.done $0x0  }
0x1e3: {  	[sflag:s11] =	ssyncadd.s32 $0xFFFFE000  }
0x1e4: {  	[hbm4b:s1+s2] =	stream.linear.scatter [tilespmem:s14], [sflag:$0x2], $0x2000, $0x38;
	[tilespmem:$0xC060] =	vst v63  }
0x1e5: {  	_ =	swait.ge [sflag:s7], $0x2000  }
0x1e6: {  	s1 =	sld [smem:$0x7ED]  }
0x1e7: {  	[sflag:s7] =	ssyncset.done $0x0  }
0x1e8: {  	[sflag:s7] =	ssyncadd.s32 $0xFFFFE000  }
0x1e9: {  	[tilespmem:s14], [sflag:$0x1] =	stream.indirect.gather [hbm4b:s6+s16], $0x40, s1, s16, $0xb8;
	[tilespmem:$0xC060] =	vst v63  }
0x1ea: {  	_ =	swait.ge [sflag:s11], $0x2000  }
0x1eb: {  	s1 =	sld [smem:$0x7A8]  }
0x1ec: {  	[sflag:s11] =	ssyncset.done $0x0  }
0x1ed: {  	[sflag:s11] =	ssyncadd.s32 $0xFFFFE000  }
0x1ee: {  	[hbm4b:s1+s2] =	stream.linear.scatter [tilespmem:s13], [sflag:$0x2], $0x2000, $0x38;
	[tilespmem:$0xC060] =	vst v63  }
0x1ef: {  	_ =	swait.ge [sflag:s7], $0x2000  }
0x1f0: {  	s1 =	sld [smem:$0x7EE]  }
0x1f1: {  	[sflag:s7] =	ssyncset.done $0x0  }
0x1f2: {  	[sflag:s7] =	ssyncadd.s32 $0xFFFFE000  }
0x1f3: {  	[tilespmem:s13], [sflag:$0x1] =	stream.indirect.gather [hbm4b:s6+s16], $0x40, s1, s16, $0xb8;
	[tilespmem:$0xC060] =	vst v63  }
0x1f4: {  	_ =	swait.ge [sflag:s11], $0x2000  }
0x1f5: {  	s1 =	sld [smem:$0x7A9]  }
0x1f6: {  	[sflag:s11] =	ssyncset.done $0x0  }
0x1f7: {  	[sflag:s11] =	ssyncadd.s32 $0xFFFFE000  }
0x1f8: {  	[hbm4b:s1+s2] =	stream.linear.scatter [tilespmem:s12], [sflag:$0x2], $0x2000, $0x38;
	[tilespmem:$0xC060] =	vst v63  }
0x1f9: {  	_ =	swait.ge [sflag:s7], $0x2000  }
0x1fa: {  	s1 =	sld [smem:$0x7EF]  }
0x1fb: {  	[sflag:s7] =	ssyncset.done $0x0  }
0x1fc: {  	[sflag:s7] =	ssyncadd.s32 $0xFFFFE000  }
0x1fd: {  	[tilespmem:s12], [sflag:$0x1] =	stream.indirect.gather [hbm4b:s6+s16], $0x40, s1, s16, $0xb8;
	[tilespmem:$0xC060] =	vst v63  }
0x1fe: {  	_ =	swait.ge [sflag:s11], $0x2000  }
0x1ff: {  	s1 =	sld [smem:$0x7AA]  }
0x200: {  	[sflag:s11] =	ssyncset.done $0x0  }
0x201: {  	[sflag:s11] =	ssyncadd.s32 $0xFFFFE000  }
0x202: {  	[hbm4b:s1+s2] =	stream.linear.scatter [tilespmem:s9], [sflag:$0x2], $0x2000, $0x38;
	[tilespmem:$0xC060] =	vst v63  }
0x203: {  	_ =	swait.ge [sflag:s7], $0x2000  }
0x204: {  	s1 =	sld [smem:$0x7F0]  }
0x205: {  	[sflag:s7] =	ssyncset.done $0x0  }
0x206: {  	[sflag:s7] =	ssyncadd.s32 $0xFFFFE000  }
0x207: {  	[tilespmem:s9], [sflag:$0x1] =	stream.indirect.gather [hbm4b:s6+s16], $0x40, s1, s16, $0xb8;
	[tilespmem:$0xC060] =	vst v63  }
0x208: {  	_ =	swait.ge [sflag:s11], $0x2000  }
0x209: {  	s1 =	sld [smem:$0x7AB]  }
0x20a: {  	[sflag:s11] =	ssyncset.done $0x0  }
0x20b: {  	[sflag:s11] =	ssyncadd.s32 $0xFFFFE000  }
0x20c: {  	[hbm4b:s1+s2] =	stream.linear.scatter [tilespmem:s14], [sflag:$0x2], $0x2000, $0x38;
	[tilespmem:$0xC060] =	vst v63  }
0x20d: {  	_ =	swait.ge [sflag:s7], $0x2000  }
0x20e: {  	s1 =	sld [smem:$0x7F1]  }
0x20f: {  	[sflag:s7] =	ssyncset.done $0x0  }
0x210: {  	[sflag:s7] =	ssyncadd.s32 $0xFFFFE000  }
0x211: {  	[tilespmem:s14], [sflag:$0x1] =	stream.indirect.gather [hbm4b:s6+s16], $0x40, s1, s16, $0xb8;
	[tilespmem:$0xC060] =	vst v63  }
0x212: {  	_ =	swait.ge [sflag:s11], $0x2000  }
0x213: {  	s1 =	sld [smem:$0x7AC]  }
0x214: {  	[sflag:s11] =	ssyncset.done $0x0  }
0x215: {  	[sflag:s11] =	ssyncadd.s32 $0xFFFFE000  }
0x216: {  	[hbm4b:s1+s2] =	stream.linear.scatter [tilespmem:s13], [sflag:$0x2], $0x2000, $0x38;
	[tilespmem:$0xC060] =	vst v63  }
0x217: {  	_ =	swait.ge [sflag:s7], $0x2000  }
0x218: {  	s1 =	sld [smem:$0x7F2]  }
0x219: {  	[sflag:s7] =	ssyncset.done $0x0  }
0x21a: {  	[sflag:s7] =	ssyncadd.s32 $0xFFFFE000  }
0x21b: {  	[tilespmem:s13], [sflag:$0x1] =	stream.indirect.gather [hbm4b:s6+s16], $0x40, s1, s16, $0xb8;
	[tilespmem:$0xC060] =	vst v63  }
0x21c: {  	_ =	swait.ge [sflag:s11], $0x2000  }
0x21d: {  	s1 =	sld [smem:$0x7AD]  }
0x21e: {  	[sflag:s11] =	ssyncset.done $0x0  }
0x21f: {  	[sflag:s11] =	ssyncadd.s32 $0xFFFFE000  }
0x220: {  	[hbm4b:s1+s2] =	stream.linear.scatter [tilespmem:s12], [sflag:$0x2], $0x2000, $0x38;
	[tilespmem:$0xC060] =	vst v63  }
0x221: {  	_ =	swait.ge [sflag:s7], $0x2000  }
0x222: {  	s1 =	sld [smem:$0x7F3]  }
0x223: {  	[sflag:s7] =	ssyncset.done $0x0  }
0x224: {  	[sflag:s7] =	ssyncadd.s32 $0xFFFFE000  }
0x225: {  	[tilespmem:s12], [sflag:$0x1] =	stream.indirect.gather [hbm4b:s6+s16], $0x40, s1, s16, $0xb8;
	[tilespmem:$0xC060] =	vst v63  }
0x226: {  	_ =	swait.ge [sflag:s11], $0x2000  }
0x227: {  	s1 =	sld [smem:$0x7AE]  }
0x228: {  	[sflag:s11] =	ssyncset.done $0x0  }
0x229: {  	[sflag:s11] =	ssyncadd.s32 $0xFFFFE000  }
0x22a: {  	[hbm4b:s1+s2] =	stream.linear.scatter [tilespmem:s9], [sflag:$0x2], $0x2000, $0x38;
	[tilespmem:$0xC060] =	vst v63  }
0x22b: {  	_ =	swait.ge [sflag:s7], $0x2000  }
0x22c: {  	s1 =	sld [smem:$0x7F4]  }
0x22d: {  	[sflag:s7] =	ssyncset.done $0x0  }
0x22e: {  	[sflag:s7] =	ssyncadd.s32 $0xFFFFE000  }
0x22f: {  	[tilespmem:s9], [sflag:$0x1] =	stream.indirect.gather [hbm4b:s6+s16], $0x40, s1, s16, $0xb8;
	[tilespmem:$0xC060] =	vst v63  }
0x230: {  	_ =	swait.ge [sflag:s11], $0x2000  }
0x231: {  	s1 =	sld [smem:$0x7AF]  }
0x232: {  	[sflag:s11] =	ssyncset.done $0x0  }
0x233: {  	[sflag:s11] =	ssyncadd.s32 $0xFFFFE000  }
0x234: {  	[hbm4b:s1+s2] =	stream.linear.scatter [tilespmem:s14], [sflag:$0x2], $0x2000, $0x38;
	[tilespmem:$0xC060] =	vst v63  }
0x235: {  	_ =	swait.ge [sflag:s7], $0x2000  }
0x236: {  	s1 =	sld [smem:$0x7F5]  }
0x237: {  	[sflag:s7] =	ssyncset.done $0x0  }
0x238: {  	[sflag:s7] =	ssyncadd.s32 $0xFFFFE000  }
0x239: {  	[tilespmem:s14], [sflag:$0x1] =	stream.indirect.gather [hbm4b:s6+s16], $0x40, s1, s16, $0xb8;
	[tilespmem:$0xC060] =	vst v63  }
0x23a: {  	_ =	swait.ge [sflag:s11], $0x2000  }
0x23b: {  	s1 =	sld [smem:$0x7B0]  }
0x23c: {  	[sflag:s11] =	ssyncset.done $0x0  }
0x23d: {  	[sflag:s11] =	ssyncadd.s32 $0xFFFFE000  }
0x23e: {  	[hbm4b:s1+s2] =	stream.linear.scatter [tilespmem:s13], [sflag:$0x2], $0x2000, $0x38;
	[tilespmem:$0xC060] =	vst v63  }
0x23f: {  	_ =	swait.ge [sflag:s7], $0x2000  }
0x240: {  	s1 =	sld [smem:$0x7F6]  }
0x241: {  	[sflag:s7] =	ssyncset.done $0x0  }
0x242: {  	[sflag:s7] =	ssyncadd.s32 $0xFFFFE000  }
0x243: {  	[tilespmem:s13], [sflag:$0x1] =	stream.indirect.gather [hbm4b:s6+s16], $0x40, s1, s16, $0xb8;
	[tilespmem:$0xC060] =	vst v63  }
0x244: {  	_ =	swait.ge [sflag:s11], $0x2000  }
0x245: {  	s1 =	sld [smem:$0x7B1]  }
0x246: {  	[sflag:s11] =	ssyncset.done $0x0  }
0x247: {  	[sflag:s11] =	ssyncadd.s32 $0xFFFFE000  }
0x248: {  	[hbm4b:s1+s2] =	stream.linear.scatter [tilespmem:s12], [sflag:$0x2], $0x2000, $0x38;
	[tilespmem:$0xC060] =	vst v63  }
0x249: {  	_ =	swait.ge [sflag:s7], $0x2000  }
0x24a: {  	s1 =	sld [smem:$0x7F7]  }
0x24b: {  	[sflag:s7] =	ssyncset.done $0x0  }
0x24c: {  	[sflag:s7] =	ssyncadd.s32 $0xFFFFE000  }
0x24d: {  	[tilespmem:s12], [sflag:$0x1] =	stream.indirect.gather [hbm4b:s6+s16], $0x40, s1, s16, $0xb8;
	[tilespmem:$0xC060] =	vst v63  }
0x24e: {  	_ =	swait.ge [sflag:s11], $0x2000  }
0x24f: {  	s1 =	sld [smem:$0x7B2]  }
0x250: {  	[sflag:s11] =	ssyncset.done $0x0  }
0x251: {  	[sflag:s11] =	ssyncadd.s32 $0xFFFFE000  }
0x252: {  	[hbm4b:s1+s2] =	stream.linear.scatter [tilespmem:s9], [sflag:$0x2], $0x2000, $0x38;
	[tilespmem:$0xC060] =	vst v63  }
0x253: {  	_ =	swait.ge [sflag:s7], $0x2000  }
0x254: {  	s1 =	sld [smem:$0x7F8]  }
0x255: {  	[sflag:s7] =	ssyncset.done $0x0  }
0x256: {  	[sflag:s7] =	ssyncadd.s32 $0xFFFFE000  }
0x257: {  	[tilespmem:s9], [sflag:$0x1] =	stream.indirect.gather [hbm4b:s6+s16], $0x40, s1, s16, $0xb8;
	[tilespmem:$0xC060] =	vst v63  }
0x258: {  	_ =	swait.ge [sflag:s11], $0x2000  }
0x259: {  	s1 =	sld [smem:$0x7B3]  }
0x25a: {  	[sflag:s11] =	ssyncset.done $0x0  }
0x25b: {  	[sflag:s11] =	ssyncadd.s32 $0xFFFFE000  }
0x25c: {  	[hbm4b:s1+s2] =	stream.linear.scatter [tilespmem:s14], [sflag:$0x2], $0x2000, $0x38;
	[tilespmem:$0xC060] =	vst v63  }
0x25d: {  	_ =	swait.ge [sflag:s7], $0x2000  }
0x25e: {  	s1 =	sld [smem:$0x7F9]  }
0x25f: {  	[sflag:s7] =	ssyncset.done $0x0  }
0x260: {  	[sflag:s7] =	ssyncadd.s32 $0xFFFFE000  }
0x261: {  	[tilespmem:s14], [sflag:$0x1] =	stream.indirect.gather [hbm4b:s6+s16], $0x40, s1, s16, $0xb8;
	[tilespmem:$0xC060] =	vst v63  }
0x262: {  	_ =	swait.ge [sflag:s11], $0x2000  }
0x263: {  	s1 =	sld [smem:$0x7B4]  }
0x264: {  	[sflag:s11] =	ssyncset.done $0x0  }
0x265: {  	[sflag:s11] =	ssyncadd.s32 $0xFFFFE000  }
0x266: {  	[hbm4b:s1+s2] =	stream.linear.scatter [tilespmem:s13], [sflag:$0x2], $0x2000, $0x38;
	[tilespmem:$0xC060] =	vst v63  }
0x267: {  	_ =	swait.ge [sflag:s7], $0x2000  }
0x268: {  	s1 =	sld [smem:$0x7FA]  }
0x269: {  	[sflag:s7] =	ssyncset.done $0x0  }
0x26a: {  	[sflag:s7] =	ssyncadd.s32 $0xFFFFE000  }
0x26b: {  	[tilespmem:s13], [sflag:$0x1] =	stream.indirect.gather [hbm4b:s6+s16], $0x40, s1, s16, $0xb8;
	[tilespmem:$0xC060] =	vst v63  }
0x26c: {  	_ =	swait.ge [sflag:s11], $0x2000  }
0x26d: {  	s1 =	sld [smem:$0x7B5]  }
0x26e: {  	[sflag:s11] =	ssyncset.done $0x0  }
0x26f: {  	[sflag:s11] =	ssyncadd.s32 $0xFFFFE000  }
0x270: {  	[hbm4b:s1+s2] =	stream.linear.scatter [tilespmem:s12], [sflag:$0x2], $0x2000, $0x38;
	[tilespmem:$0xC060] =	vst v63  }
0x271: {  	_ =	swait.ge [sflag:s7], $0x2000  }
0x272: {  	s1 =	sld [smem:$0x7FB]  }
0x273: {  	[sflag:s7] =	ssyncset.done $0x0  }
0x274: {  	[sflag:s7] =	ssyncadd.s32 $0xFFFFE000  }
0x275: {  	[tilespmem:s12], [sflag:$0x1] =	stream.indirect.gather [hbm4b:s6+s16], $0x40, s1, s16, $0xb8;
	[tilespmem:$0xC060] =	vst v63  }
0x276: {  	_ =	swait.ge [sflag:s11], $0x2000  }
0x277: {  	s1 =	sld [smem:$0x7B6]  }
0x278: {  	[sflag:s11] =	ssyncset.done $0x0  }
0x279: {  	[sflag:s11] =	ssyncadd.s32 $0xFFFFE000  }
0x27a: {  	[hbm4b:s1+s2] =	stream.linear.scatter [tilespmem:s9], [sflag:$0x2], $0x2000, $0x38;
	[tilespmem:$0xC060] =	vst v63  }
0x27b: {  	_ =	swait.ge [sflag:s7], $0x2000  }
0x27c: {  	s1 =	sld [smem:$0x7FC]  }
0x27d: {  	[sflag:s7] =	ssyncset.done $0x0  }
0x27e: {  	[sflag:s7] =	ssyncadd.s32 $0xFFFFE000  }
0x27f: {  	[tilespmem:s9], [sflag:$0x1] =	stream.indirect.gather [hbm4b:s6+s16], $0x40, s1, s16, $0xb8;
	[tilespmem:$0xC060] =	vst v63  }
0x280: {  	_ =	swait.ge [sflag:s11], $0x2000  }
0x281: {  	s1 =	sld [smem:$0x7B7]  }
0x282: {  	[sflag:s11] =	ssyncset.done $0x0  }
0x283: {  	[sflag:s11] =	ssyncadd.s32 $0xFFFFE000  }
0x284: {  	[hbm4b:s1+s2] =	stream.linear.scatter [tilespmem:s14], [sflag:$0x2], $0x2000, $0x38;
	[tilespmem:$0xC060] =	vst v63  }
0x285: {  	_ =	swait.ge [sflag:s7], $0x2000  }
0x286: {  	s1 =	sld [smem:$0x7FD]  }
0x287: {  	[sflag:s7] =	ssyncset.done $0x0  }
0x288: {  	[sflag:s7] =	ssyncadd.s32 $0xFFFFE000  }
0x289: {  	[tilespmem:s14], [sflag:$0x1] =	stream.indirect.gather [hbm4b:s6+s16], $0x40, s1, s16, $0xb8;
	[tilespmem:$0xC060] =	vst v63  }
0x28a: {  	_ =	swait.ge [sflag:s11], $0x2000  }
0x28b: {  	s1 =	sld [smem:$0x7B8]  }
0x28c: {  	[sflag:s11] =	ssyncset.done $0x0  }
0x28d: {  	[sflag:s11] =	ssyncadd.s32 $0xFFFFE000  }
0x28e: {  	[hbm4b:s1+s2] =	stream.linear.scatter [tilespmem:s13], [sflag:$0x2], $0x2000, $0x38;
	[tilespmem:$0xC060] =	vst v63  }
0x28f: {  	_ =	swait.ge [sflag:s7], $0x2000  }
0x290: {  	[sflag:s7] =	ssyncset.done $0x0  }
0x291: {  	s1 =	simm.s32 $0x1B00;
	[sflag:s7] =	ssyncadd.s32 $0xFFFFE000  }
0x292: {  	[tilespmem:s13], [sflag:$0x1] =	stream.indirect.gather [hbm4b:s6+s16], $0x40, s1, s16, $0xb8;
	[tilespmem:$0xC060] =	vst v63  }
0x293: {  	_ =	swait.ge [sflag:s11], $0x2000  }
0x294: {  	s1 =	sld [smem:$0x7B9]  }
0x295: {  	[sflag:s11] =	ssyncset.done $0x0  }
0x296: {  	[sflag:s11] =	ssyncadd.s32 $0xFFFFE000  }
0x297: {  	[hbm4b:s1+s2] =	stream.linear.scatter [tilespmem:s12], [sflag:$0x2], $0x2000, $0x38;
	[tilespmem:$0xC060] =	vst v63  }
0x298: {  	_ =	swait.ge [sflag:s7], $0x2000  }
0x299: {  	[sflag:s7] =	ssyncset.done $0x0  }
0x29a: {  	[sflag:s7] =	ssyncadd.s32 $0xFFFFE000  }
0x29b: {  	[tilespmem:s12], [sflag:$0x1] =	stream.indirect.gather [hbm4b:s6+s16], $0x40, s28, s16, $0xb8;
	[tilespmem:$0xC060] =	vst v63  }
0x29c: {  	_ =	swait.ge [sflag:s11], $0x2000  }
0x29d: {  	s1 =	sld [smem:$0x7BA]  }
0x29e: {  	[sflag:s11] =	ssyncset.done $0x0  }
0x29f: {  	[sflag:s11] =	ssyncadd.s32 $0xFFFFE000  }
0x2a0: {  	[hbm4b:s1+s2] =	stream.linear.scatter [tilespmem:s9], [sflag:$0x2], $0x2000, $0x38;
	[tilespmem:$0xC060] =	vst v63  }
0x2a1: {  	_ =	swait.ge [sflag:s7], $0x2000  }
0x2a2: {  	[sflag:s7] =	ssyncset.done $0x0  }
0x2a3: {  	[sflag:s7] =	ssyncadd.s32 $0xFFFFE000  }
0x2a4: {  	[tilespmem:s9], [sflag:$0x1] =	stream.indirect.gather [hbm4b:s6+s16], $0x40, s26, s16, $0xb8;
	[tilespmem:$0xC060] =	vst v63  }
0x2a5: {  	_ =	swait.ge [sflag:s11], $0x2000  }
0x2a6: {  	s1 =	sld [smem:$0x7BB]  }
0x2a7: {  	[sflag:s11] =	ssyncset.done $0x0  }
0x2a8: {  	[sflag:s11] =	ssyncadd.s32 $0xFFFFE000  }
0x2a9: {  	[hbm4b:s1+s2] =	stream.linear.scatter [tilespmem:s14], [sflag:$0x2], $0x2000, $0x38;
	[tilespmem:$0xC060] =	vst v63  }
0x2aa: {  	_ =	swait.ge [sflag:s7], $0x2000  }
0x2ab: {  	[sflag:s7] =	ssyncset.done $0x0  }
0x2ac: {  	[sflag:s7] =	ssyncadd.s32 $0xFFFFE000  }
0x2ad: {  	[tilespmem:s14], [sflag:$0x1] =	stream.indirect.gather [hbm4b:s6+s16], $0x40, s25, s16, $0xb8;
	[tilespmem:$0xC060] =	vst v63  }
0x2ae: {  	_ =	swait.ge [sflag:s11], $0x2000  }
0x2af: {  	s1 =	sld [smem:$0x7BC]  }
0x2b0: {  	[sflag:s11] =	ssyncset.done $0x0  }
0x2b1: {  	[sflag:s11] =	ssyncadd.s32 $0xFFFFE000  }
0x2b2: {  	[hbm4b:s1+s2] =	stream.linear.scatter [tilespmem:s13], [sflag:$0x2], $0x2000, $0x38;
	[tilespmem:$0xC060] =	vst v63  }
0x2b3: {  	_ =	swait.ge [sflag:s7], $0x2000  }
0x2b4: {  	[sflag:s7] =	ssyncset.done $0x0  }
0x2b5: {  	[sflag:s7] =	ssyncadd.s32 $0xFFFFE000  }
0x2b6: {  	[tilespmem:s13], [sflag:$0x1] =	stream.indirect.gather [hbm4b:s6+s16], $0x40, s24, s16, $0xb8;
	[tilespmem:$0xC060] =	vst v63  }
0x2b7: {  	_ =	swait.ge [sflag:s11], $0x2000  }
0x2b8: {  	s1 =	sld [smem:$0x7BD]  }
0x2b9: {  	[sflag:s11] =	ssyncset.done $0x0  }
0x2ba: {  	[sflag:s11] =	ssyncadd.s32 $0xFFFFE000  }
0x2bb: {  	[hbm4b:s1+s2] =	stream.linear.scatter [tilespmem:s12], [sflag:$0x2], $0x2000, $0x38;
	[tilespmem:$0xC060] =	vst v63  }
0x2bc: {  	_ =	swait.ge [sflag:s7], $0x2000  }
0x2bd: {  	[sflag:s7] =	ssyncset.done $0x0  }
0x2be: {  	[sflag:s7] =	ssyncadd.s32 $0xFFFFE000  }
0x2bf: {  	[tilespmem:s12], [sflag:$0x1] =	stream.indirect.gather [hbm4b:s6+s16], $0x40, s23, s16, $0xb8;
	[tilespmem:$0xC060] =	vst v63  }
0x2c0: {  	_ =	swait.ge [sflag:s11], $0x2000  }
0x2c1: {  	s1 =	sld [smem:$0x7BE]  }
0x2c2: {  	[sflag:s11] =	ssyncset.done $0x0  }
0x2c3: {  	[sflag:s11] =	ssyncadd.s32 $0xFFFFE000  }
0x2c4: {  	[hbm4b:s1+s2] =	stream.linear.scatter [tilespmem:s9], [sflag:$0x2], $0x2000, $0x38;
	[tilespmem:$0xC060] =	vst v63  }
0x2c5: {  	_ =	swait.ge [sflag:s7], $0x2000  }
0x2c6: {  	[sflag:s7] =	ssyncset.done $0x0  }
0x2c7: {  	[sflag:s7] =	ssyncadd.s32 $0xFFFFE000  }
0x2c8: {  	[tilespmem:s9], [sflag:$0x1] =	stream.indirect.gather [hbm4b:s6+s16], $0x40, s22, s16, $0xb8;
	[tilespmem:$0xC060] =	vst v63  }
0x2c9: {  	_ =	swait.ge [sflag:s11], $0x2000  }
0x2ca: {  	s1 =	sld [smem:$0x7BF]  }
0x2cb: {  	[sflag:s11] =	ssyncset.done $0x0  }
0x2cc: {  	[sflag:s11] =	ssyncadd.s32 $0xFFFFE000  }
0x2cd: {  	[hbm4b:s1+s2] =	stream.linear.scatter [tilespmem:s14], [sflag:$0x2], $0x2000, $0x38;
	[tilespmem:$0xC060] =	vst v63  }
0x2ce: {  	_ =	swait.ge [sflag:s7], $0x2000  }
0x2cf: {  	[sflag:s7] =	ssyncset.done $0x0  }
0x2d0: {  	[sflag:s7] =	ssyncadd.s32 $0xFFFFE000  }
0x2d1: {  	[tilespmem:s14], [sflag:$0x1] =	stream.indirect.gather [hbm4b:s6+s16], $0x40, s21, s16, $0xb8;
	[tilespmem:$0xC060] =	vst v63  }
0x2d2: {  	_ =	swait.ge [sflag:s11], $0x2000  }
0x2d3: {  	s1 =	sld [smem:$0x7C0]  }
0x2d4: {  	[sflag:s11] =	ssyncset.done $0x0  }
0x2d5: {  	[sflag:s11] =	ssyncadd.s32 $0xFFFFE000  }
0x2d6: {  	[hbm4b:s1+s2] =	stream.linear.scatter [tilespmem:s13], [sflag:$0x2], $0x2000, $0x38;
	[tilespmem:$0xC060] =	vst v63  }
0x2d7: {  	_ =	swait.ge [sflag:s7], $0x2000  }
0x2d8: {  	[sflag:s7] =	ssyncset.done $0x0  }
0x2d9: {  	[sflag:s7] =	ssyncadd.s32 $0xFFFFE000  }
0x2da: {  	[tilespmem:s13], [sflag:$0x1] =	stream.indirect.gather [hbm4b:s6+s16], $0x40, s20, s16, $0xb8;
	[tilespmem:$0xC060] =	vst v63  }
0x2db: {  	_ =	swait.ge [sflag:s11], $0x2000  }
0x2dc: {  	s1 =	sld [smem:$0x7C1]  }
0x2dd: {  	[sflag:s11] =	ssyncset.done $0x0  }
0x2de: {  	[sflag:s11] =	ssyncadd.s32 $0xFFFFE000  }
0x2df: {  	[hbm4b:s1+s2] =	stream.linear.scatter [tilespmem:s12], [sflag:$0x2], $0x2000, $0x38;
	[tilespmem:$0xC060] =	vst v63  }
0x2e0: {  	_ =	swait.ge [sflag:s7], $0x2000  }
0x2e1: {  	[sflag:s7] =	ssyncset.done $0x0  }
0x2e2: {  	[sflag:s7] =	ssyncadd.s32 $0xFFFFE000  }
0x2e3: {  	[tilespmem:s12], [sflag:$0x1] =	stream.indirect.gather [hbm4b:s6+s16], $0x40, s19, s16, $0xb8;
	[tilespmem:$0xC060] =	vst v63  }
0x2e4: {  	_ =	swait.ge [sflag:s11], $0x2000  }
0x2e5: {  	s1 =	sld [smem:$0x7C2]  }
0x2e6: {  	[sflag:s11] =	ssyncset.done $0x0  }
0x2e7: {  	[sflag:s11] =	ssyncadd.s32 $0xFFFFE000  }
0x2e8: {  	[hbm4b:s1+s2] =	stream.linear.scatter [tilespmem:s9], [sflag:$0x2], $0x2000, $0x38;
	[tilespmem:$0xC060] =	vst v63  }
0x2e9: {  	_ =	swait.ge [sflag:s7], $0x2000  }
0x2ea: {  	[sflag:s7] =	ssyncset.done $0x0  }
0x2eb: {  	[sflag:s7] =	ssyncadd.s32 $0xFFFFE000  }
0x2ec: {  	[tilespmem:s9], [sflag:$0x1] =	stream.indirect.gather [hbm4b:s6+s10], $0x40, s18, s10, $0xb8;
	[tilespmem:$0xC060] =	vst v63  }
0x2ed: {  	_ =	swait.ge [sflag:s11], $0x2000  }
0x2ee: {  	s1 =	sld [smem:$0x7C3]  }
0x2ef: {  	[sflag:s11] =	ssyncset.done $0x0  }
0x2f0: {  	[sflag:s11] =	ssyncadd.s32 $0xFFFFE000  }
0x2f1: {  	[hbm4b:s1+s2] =	stream.linear.scatter [tilespmem:s14], [sflag:$0x2], $0x2000, $0x38;
	[tilespmem:$0xC060] =	vst v63  }
0x2f2: {  	_ =	swait.ge [sflag:s11], $0x2000  }
0x2f3: {  	s1 =	sld [smem:$0x7C4]  }
0x2f4: {  	[sflag:s11] =	ssyncset.done $0x0  }
0x2f5: {  	[sflag:s11] =	ssyncadd.s32 $0xFFFFE000  }
0x2f6: {  	[hbm4b:s1+s2] =	stream.linear.scatter [tilespmem:s13], [sflag:$0x2], $0x2000, $0x38;
	[tilespmem:$0xC060] =	vst v63  }
0x2f7: {  	_ =	swait.ge [sflag:s11], $0x2000  }
0x2f8: {  	s1 =	sld [smem:$0x7C5]  }
0x2f9: {  	[sflag:s11] =	ssyncset.done $0x0  }
0x2fa: {  	[sflag:s11] =	ssyncadd.s32 $0xFFFFE000  }
0x2fb: {  	[hbm4b:s1+s2] =	stream.linear.scatter [tilespmem:s12], [sflag:$0x2], $0x2000, $0x38;
	[tilespmem:$0xC060] =	vst v63  }
0x2fc: {  	_ =	swait.ge [sflag:s11], $0x800  }
0x2fd: {  	s1 =	sld [smem:$0x7C6]  }
0x2fe: {  	[sflag:s11] =	ssyncset.done $0x0  }
0x2ff: {  	[sflag:s11] =	ssyncadd.s32 $0xFFFFF800  }
0x300: {  	[hbm4b:s1+s2] =	stream.linear.scatter [tilespmem:s9], [sflag:$0x2], $0x800, $0x38;
	[tilespmem:$0xC060] =	vst v63  }
0x301: {  	_ =	swait.ge [sflag:s15], $0x800  }
0x302: {  	[sflag:s15] =	ssyncset.done $0x0  }
0x303: {  	[sflag:s15] =	ssyncadd.s32 $0xFFFFF800  }
0x304: {  	_ =	swait.ge [sflag:s15], $0x1000  }
0x305: {  	[sflag:s15] =	ssyncset.done $0x0  }
0x306: {  	[sflag:s15] =	ssyncadd.s32 $0xFFFFF000  }
0x307: {  	_ =	swait.ge [sflag:s15], $0x800  }
0x308: {  	s0 =	sld [smem:$0x7C7]  }
0x309: {  	[sflag:s15] =	ssyncset.done $0x0  }
0x30a: {  	s1 =	sld [smem:$0x7C8];
	[sflag:s15] =	ssyncadd.s32 $0xFFFFF800  }
0x30b: {  	[hbm4b:s0+s2] =	stream.linear.scatter [tilespmem:s3], [sflag:$0x4], $0x800, $0x38;
	[tilespmem:$0xC060] =	vst v63  }
0x30c: {  	s0 =	sld [smem:$0x7C9]  }
0x30d: {  	[hbm4b:s1+s2] =	stream.linear.scatter [tilespmem:s4], [sflag:$0x4], $0x1000, $0x38;
	[tilespmem:$0xC060] =	vst v63  }
0x30e: {  	_ = 	snop  }
0x30f: {  	[hbm4b:s0+s2] =	stream.linear.scatter [tilespmem:s5], [sflag:$0x4], $0x800, $0x38;
	[tilespmem:$0xC060] =	vst v63  }
0x310: {  	_ =	swait.ge [sflag:s7], $0x2000  }
0x311: {  	[sflag:s7] =	ssyncset.done $0x0  }
0x312: {  	[sflag:s7] =	ssyncadd.s32 $0xFFFFE000  }
0x313: {  	_ =	swait.ge [sflag:s7], $0x2000  }
0x314: {  	[sflag:s7] =	ssyncset.done $0x0  }
0x315: {  	[sflag:s7] =	ssyncadd.s32 $0xFFFFE000  }
0x316: {  	_ =	swait.ge [sflag:s7], $0x2000  }
0x317: {  	[sflag:s7] =	ssyncset.done $0x0  }
0x318: {  	[sflag:s7] =	ssyncadd.s32 $0xFFFFE000  }
0x319: {  	_ =	swait.ge [sflag:s7], $0x800  }
0x31a: {  	[sflag:s7] =	ssyncset.done $0x0  }
0x31b: {  	[sflag:s7] =	ssyncadd.s32 $0xFFFFF800  }
0x31c: {  	_ =	swait.ge [sflag:s8], $0x800  }
0x31d: {  	[sflag:s8] =	ssyncset.done $0x0  }
0x31e: {  	p1 =	sne.s32 s17, $0x1;
	[sflag:s8] =	ssyncadd.s32 $0xFFFFF800  }
.Ltmp1:
0x31f: {  	_ =	swait.ge [sflag:s8], $0x1000;
	(pc) =	sbr.rel @!p1 .LBB2_3-.Ltmp1, $4  }
0x320: {  	[sflag:s8] =	ssyncset.done $0x0  }
0x321: {  	[sflag:s8] =	ssyncadd.s32 $0xFFFFF000  }
0x322: {  	p0 =	por $0x1, $0x1;
	_ =	swait.ge [sflag:s8], $0x800  }
0x323: {  	s1 =	sadd.s32 $0xFFFFFFFF, s17;
	s0 =	rddreg [dreg:$0xc];
	[sflag:s8] =	ssyncset.done $0x0  }
.LBB2_4:
0x324: {  	[sflag:s8] =	ssyncadd.s32 $0xFFFFF800  }
0x325: {  	[tilespmem:s2], [sflag:$0x5] =	stream.linear.gather [hbm4b:s0+s2], $0x2020, $0x38;
	[tilespmem:$0xC060] =	vst v63  }
0x326: {  	_ =	swait.ge [sflag:s29], $0x2020  }
0x327: {  	[sflag:s29] =	ssyncset.done $0x0  }
0x328: {  	s17 =	rddreg [dreg:$0xd];
	[sflag:s29] =	ssyncadd.s32 $0xFFFFDFE0  }
0x329: {  	[tilespmem:s30], [sflag:$0x5] =	stream.linear.gather [hbm4b:s17+s2], $0x20, $0x38;
	[tilespmem:$0xC060] =	vst v63  }
0x32a: {  	_ =	swait.ge [sflag:s29], $0x20  }
0x32b: {  	[sflag:s29] =	ssyncset.done $0x0  }
0x32c: {  	s17 =	rddreg [dreg:$0xe];
	[sflag:s29] =	ssyncadd.s32 $0xFFFFFFE0  }
0x32d: {  	[tilespmem:s31], [sflag:$0x5] =	stream.linear.gather [hbm4b:s17+s2], $0x20, $0x38;
	[tilespmem:$0xC060] =	vst v63  }
0x32e: {  	_ =	swait.ge [sflag:s29], $0x20  }
0x32f: {  	[sflag:s29] =	ssyncset.done $0x0  }
0x330: {  	[sflag:s29] =	ssyncadd.s32 $0xFFFFFFE0  }
0x331: {  	[tilespmem:s3], [sflag:$0x3] =	stream.indirect.gather [hbm4b:s6+s10], $0x40, s30, s10, $0xb8;
	[tilespmem:$0xC060] =	vst v63  }
0x332: {  	s0 =	rddreg [dreg:$0xa]  }
0x333: {  	[tilespmem:s4], [sflag:$0x3] =	stream.indirect.gather [hbm4b:s0+s10], $0x80, s31, s10, $0xb8;
	[tilespmem:$0xC060] =	vst v63  }
0x334: {  	s17 =	rddreg [dreg:$0xb]  }
0x335: {  	[tilespmem:s5], [sflag:$0x3] =	stream.indirect.gather [hbm4b:s17+s10], $0x40, s31, s10, $0xb8;
	[tilespmem:$0xC060] =	vst v63  }
0x336: {  	_ = 	snop  }
0x337: {  	[tilespmem:s9], [sflag:$0x1] =	stream.indirect.gather [hbm4b:s6+s16], $0x40, s2, s16, $0xb8;
	[tilespmem:$0xC060] =	vst v63  }
0x338: {  	s0 =	sld [smem:$0x7CA]  }
0x339: {  	[tilespmem:s14], [sflag:$0x1] =	stream.indirect.gather [hbm4b:s6+s16], $0x40, s16, s16, $0xb8;
	[tilespmem:$0xC060] =	vst v63  }
0x33a: {  	s17 =	sld [smem:$0x7CB]  }
0x33b: {  	[tilespmem:s13], [sflag:$0x1] =	stream.indirect.gather [hbm4b:s6+s16], $0x40, s0, s16, $0xb8;
	[tilespmem:$0xC060] =	vst v63  }
0x33c: {  	_ = 	snop  }
0x33d: {  	[tilespmem:s12], [sflag:$0x1] =	stream.indirect.gather [hbm4b:s6+s16], $0x40, s17, s16, $0xb8;
	[tilespmem:$0xC060] =	vst v63  }
0x33e: {  	_ =	swait.ge [sflag:s11], $0x2000  }
0x33f: {  	[sflag:s11] =	ssyncset.done $0x0  }
0x340: {  	s17 =	rddreg [dreg:$0xf];
	[sflag:s11] =	ssyncadd.s32 $0xFFFFE000  }
0x341: {  	[hbm4b:s17+s2] =	stream.linear.scatter [tilespmem:s9], [sflag:$0x2], $0x2000, $0x38;
	[tilespmem:$0xC060] =	vst v63  }
0x342: {  	_ =	swait.ge [sflag:s7], $0x2000  }
0x343: {  	s17 =	sld [smem:$0x7CC]  }
0x344: {  	[sflag:s7] =	ssyncset.done $0x0  }
0x345: {  	[sflag:s7] =	ssyncadd.s32 $0xFFFFE000  }
0x346: {  	[tilespmem:s9], [sflag:$0x1] =	stream.indirect.gather [hbm4b:s6+s16], $0x40, s17, s16, $0xb8;
	[tilespmem:$0xC060] =	vst v63  }
0x347: {  	_ =	swait.ge [sflag:s11], $0x2000  }
0x348: {  	[sflag:s11] =	ssyncset.done $0x0  }
0x349: {  	s17 =	rddreg [dreg:$0x10];
	[sflag:s11] =	ssyncadd.s32 $0xFFFFE000  }
0x34a: {  	[hbm4b:s17+s2] =	stream.linear.scatter [tilespmem:s14], [sflag:$0x2], $0x2000, $0x38;
	[tilespmem:$0xC060] =	vst v63  }
0x34b: {  	_ =	swait.ge [sflag:s7], $0x2000  }
0x34c: {  	s17 =	sld [smem:$0x7CD]  }
0x34d: {  	[sflag:s7] =	ssyncset.done $0x0  }
0x34e: {  	[sflag:s7] =	ssyncadd.s32 $0xFFFFE000  }
0x34f: {  	[tilespmem:s14], [sflag:$0x1] =	stream.indirect.gather [hbm4b:s6+s16], $0x40, s17, s16, $0xb8;
	[tilespmem:$0xC060] =	vst v63  }
0x350: {  	_ =	swait.ge [sflag:s11], $0x2000  }
0x351: {  	[sflag:s11] =	ssyncset.done $0x0  }
0x352: {  	s17 =	rddreg [dreg:$0x11];
	[sflag:s11] =	ssyncadd.s32 $0xFFFFE000  }
0x353: {  	[hbm4b:s17+s2] =	stream.linear.scatter [tilespmem:s13], [sflag:$0x2], $0x2000, $0x38;
	[tilespmem:$0xC060] =	vst v63  }
0x354: {  	_ =	swait.ge [sflag:s7], $0x2000  }
0x355: {  	s17 =	sld [smem:$0x7CE]  }
0x356: {  	[sflag:s7] =	ssyncset.done $0x0  }
0x357: {  	[sflag:s7] =	ssyncadd.s32 $0xFFFFE000  }
0x358: {  	[tilespmem:s13], [sflag:$0x1] =	stream.indirect.gather [hbm4b:s6+s16], $0x40, s17, s16, $0xb8;
	[tilespmem:$0xC060] =	vst v63  }
0x359: {  	_ =	swait.ge [sflag:s11], $0x2000  }
0x35a: {  	[sflag:s11] =	ssyncset.done $0x0  }
0x35b: {  	s17 =	rddreg [dreg:$0x12];
	[sflag:s11] =	ssyncadd.s32 $0xFFFFE000  }
0x35c: {  	[hbm4b:s17+s2] =	stream.linear.scatter [tilespmem:s12], [sflag:$0x2], $0x2000, $0x38;
	[tilespmem:$0xC060] =	vst v63  }
0x35d: {  	_ =	swait.ge [sflag:s7], $0x2000  }
0x35e: {  	s17 =	sld [smem:$0x7CF]  }
0x35f: {  	[sflag:s7] =	ssyncset.done $0x0  }
0x360: {  	[sflag:s7] =	ssyncadd.s32 $0xFFFFE000  }
0x361: {  	[tilespmem:s12], [sflag:$0x1] =	stream.indirect.gather [hbm4b:s6+s16], $0x40, s17, s16, $0xb8;
	[tilespmem:$0xC060] =	vst v63  }
0x362: {  	_ =	swait.ge [sflag:s11], $0x2000  }
0x363: {  	[sflag:s11] =	ssyncset.done $0x0  }
0x364: {  	s17 =	rddreg [dreg:$0x13];
	[sflag:s11] =	ssyncadd.s32 $0xFFFFE000  }
0x365: {  	[hbm4b:s17+s2] =	stream.linear.scatter [tilespmem:s9], [sflag:$0x2], $0x2000, $0x38;
	[tilespmem:$0xC060] =	vst v63  }
0x366: {  	_ =	swait.ge [sflag:s7], $0x2000  }
0x367: {  	s17 =	sld [smem:$0x7D0]  }
0x368: {  	[sflag:s7] =	ssyncset.done $0x0  }
0x369: {  	[sflag:s7] =	ssyncadd.s32 $0xFFFFE000  }
0x36a: {  	[tilespmem:s9], [sflag:$0x1] =	stream.indirect.gather [hbm4b:s6+s16], $0x40, s17, s16, $0xb8;
	[tilespmem:$0xC060] =	vst v63  }
0x36b: {  	_ =	swait.ge [sflag:s11], $0x2000  }
0x36c: {  	[sflag:s11] =	ssyncset.done $0x0  }
0x36d: {  	s17 =	rddreg [dreg:$0x14];
	[sflag:s11] =	ssyncadd.s32 $0xFFFFE000  }
0x36e: {  	[hbm4b:s17+s2] =	stream.linear.scatter [tilespmem:s14], [sflag:$0x2], $0x2000, $0x38;
	[tilespmem:$0xC060] =	vst v63  }
0x36f: {  	_ =	swait.ge [sflag:s7], $0x2000  }
0x370: {  	s17 =	sld [smem:$0x7D1]  }
0x371: {  	[sflag:s7] =	ssyncset.done $0x0  }
0x372: {  	[sflag:s7] =	ssyncadd.s32 $0xFFFFE000  }
0x373: {  	[tilespmem:s14], [sflag:$0x1] =	stream.indirect.gather [hbm4b:s6+s16], $0x40, s17, s16, $0xb8;
	[tilespmem:$0xC060] =	vst v63  }
0x374: {  	_ =	swait.ge [sflag:s11], $0x2000  }
0x375: {  	[sflag:s11] =	ssyncset.done $0x0  }
0x376: {  	s17 =	rddreg [dreg:$0x15];
	[sflag:s11] =	ssyncadd.s32 $0xFFFFE000  }
0x377: {  	[hbm4b:s17+s2] =	stream.linear.scatter [tilespmem:s13], [sflag:$0x2], $0x2000, $0x38;
	[tilespmem:$0xC060] =	vst v63  }
0x378: {  	_ =	swait.ge [sflag:s7], $0x2000  }
0x379: {  	s17 =	sld [smem:$0x7D2]  }
0x37a: {  	[sflag:s7] =	ssyncset.done $0x0  }
0x37b: {  	[sflag:s7] =	ssyncadd.s32 $0xFFFFE000  }
0x37c: {  	[tilespmem:s13], [sflag:$0x1] =	stream.indirect.gather [hbm4b:s6+s16], $0x40, s17, s16, $0xb8;
	[tilespmem:$0xC060] =	vst v63  }
0x37d: {  	_ =	swait.ge [sflag:s11], $0x2000  }
0x37e: {  	[sflag:s11] =	ssyncset.done $0x0  }
0x37f: {  	s17 =	rddreg [dreg:$0x16];
	[sflag:s11] =	ssyncadd.s32 $0xFFFFE000  }
0x380: {  	[hbm4b:s17+s2] =	stream.linear.scatter [tilespmem:s12], [sflag:$0x2], $0x2000, $0x38;
	[tilespmem:$0xC060] =	vst v63  }
0x381: {  	_ =	swait.ge [sflag:s7], $0x2000  }
0x382: {  	s17 =	sld [smem:$0x7D3]  }
0x383: {  	[sflag:s7] =	ssyncset.done $0x0  }
0x384: {  	[sflag:s7] =	ssyncadd.s32 $0xFFFFE000  }
0x385: {  	[tilespmem:s12], [sflag:$0x1] =	stream.indirect.gather [hbm4b:s6+s16], $0x40, s17, s16, $0xb8;
	[tilespmem:$0xC060] =	vst v63  }
0x386: {  	_ =	swait.ge [sflag:s11], $0x2000  }
0x387: {  	[sflag:s11] =	ssyncset.done $0x0  }
0x388: {  	s17 =	rddreg [dreg:$0x17];
	[sflag:s11] =	ssyncadd.s32 $0xFFFFE000  }
0x389: {  	[hbm4b:s17+s2] =	stream.linear.scatter [tilespmem:s9], [sflag:$0x2], $0x2000, $0x38;
	[tilespmem:$0xC060] =	vst v63  }
0x38a: {  	_ =	swait.ge [sflag:s7], $0x2000  }
0x38b: {  	s17 =	sld [smem:$0x7D4]  }
0x38c: {  	[sflag:s7] =	ssyncset.done $0x0  }
0x38d: {  	[sflag:s7] =	ssyncadd.s32 $0xFFFFE000  }
0x38e: {  	[tilespmem:s9], [sflag:$0x1] =	stream.indirect.gather [hbm4b:s6+s16], $0x40, s17, s16, $0xb8;
	[tilespmem:$0xC060] =	vst v63  }
0x38f: {  	_ =	swait.ge [sflag:s11], $0x2000  }
0x390: {  	[sflag:s11] =	ssyncset.done $0x0  }
0x391: {  	s17 =	rddreg [dreg:$0x18];
	[sflag:s11] =	ssyncadd.s32 $0xFFFFE000  }
0x392: {  	[hbm4b:s17+s2] =	stream.linear.scatter [tilespmem:s14], [sflag:$0x2], $0x2000, $0x38;
	[tilespmem:$0xC060] =	vst v63  }
0x393: {  	_ =	swait.ge [sflag:s7], $0x2000  }
0x394: {  	s17 =	sld [smem:$0x7D5]  }
0x395: {  	[sflag:s7] =	ssyncset.done $0x0  }
0x396: {  	[sflag:s7] =	ssyncadd.s32 $0xFFFFE000  }
0x397: {  	[tilespmem:s14], [sflag:$0x1] =	stream.indirect.gather [hbm4b:s6+s16], $0x40, s17, s16, $0xb8;
	[tilespmem:$0xC060] =	vst v63  }
0x398: {  	_ =	swait.ge [sflag:s11], $0x2000  }
0x399: {  	[sflag:s11] =	ssyncset.done $0x0  }
0x39a: {  	s17 =	rddreg [dreg:$0x19];
	[sflag:s11] =	ssyncadd.s32 $0xFFFFE000  }
0x39b: {  	[hbm4b:s17+s2] =	stream.linear.scatter [tilespmem:s13], [sflag:$0x2], $0x2000, $0x38;
	[tilespmem:$0xC060] =	vst v63  }
0x39c: {  	_ =	swait.ge [sflag:s7], $0x2000  }
0x39d: {  	s17 =	sld [smem:$0x7D6]  }
0x39e: {  	[sflag:s7] =	ssyncset.done $0x0  }
0x39f: {  	[sflag:s7] =	ssyncadd.s32 $0xFFFFE000  }
0x3a0: {  	[tilespmem:s13], [sflag:$0x1] =	stream.indirect.gather [hbm4b:s6+s16], $0x40, s17, s16, $0xb8;
	[tilespmem:$0xC060] =	vst v63  }
0x3a1: {  	_ =	swait.ge [sflag:s11], $0x2000  }
0x3a2: {  	[sflag:s11] =	ssyncset.done $0x0  }
0x3a3: {  	s17 =	rddreg [dreg:$0x1a];
	[sflag:s11] =	ssyncadd.s32 $0xFFFFE000  }
0x3a4: {  	[hbm4b:s17+s2] =	stream.linear.scatter [tilespmem:s12], [sflag:$0x2], $0x2000, $0x38;
	[tilespmem:$0xC060] =	vst v63  }
0x3a5: {  	_ =	swait.ge [sflag:s7], $0x2000  }
0x3a6: {  	s17 =	sld [smem:$0x7D7]  }
0x3a7: {  	[sflag:s7] =	ssyncset.done $0x0  }
0x3a8: {  	[sflag:s7] =	ssyncadd.s32 $0xFFFFE000  }
0x3a9: {  	[tilespmem:s12], [sflag:$0x1] =	stream.indirect.gather [hbm4b:s6+s16], $0x40, s17, s16, $0xb8;
	[tilespmem:$0xC060] =	vst v63  }
0x3aa: {  	_ =	swait.ge [sflag:s11], $0x2000  }
0x3ab: {  	[sflag:s11] =	ssyncset.done $0x0  }
0x3ac: {  	s17 =	rddreg [dreg:$0x1b];
	[sflag:s11] =	ssyncadd.s32 $0xFFFFE000  }
0x3ad: {  	[hbm4b:s17+s2] =	stream.linear.scatter [tilespmem:s9], [sflag:$0x2], $0x2000, $0x38;
	[tilespmem:$0xC060] =	vst v63  }
0x3ae: {  	_ =	swait.ge [sflag:s7], $0x2000  }
0x3af: {  	s17 =	sld [smem:$0x7D8]  }
0x3b0: {  	[sflag:s7] =	ssyncset.done $0x0  }
0x3b1: {  	[sflag:s7] =	ssyncadd.s32 $0xFFFFE000  }
0x3b2: {  	[tilespmem:s9], [sflag:$0x1] =	stream.indirect.gather [hbm4b:s6+s16], $0x40, s17, s16, $0xb8;
	[tilespmem:$0xC060] =	vst v63  }
0x3b3: {  	_ =	swait.ge [sflag:s11], $0x2000  }
0x3b4: {  	[sflag:s11] =	ssyncset.done $0x0  }
0x3b5: {  	s17 =	rddreg [dreg:$0x1c];
	[sflag:s11] =	ssyncadd.s32 $0xFFFFE000  }
0x3b6: {  	[hbm4b:s17+s2] =	stream.linear.scatter [tilespmem:s14], [sflag:$0x2], $0x2000, $0x38;
	[tilespmem:$0xC060] =	vst v63  }
0x3b7: {  	_ =	swait.ge [sflag:s7], $0x2000  }
0x3b8: {  	s17 =	sld [smem:$0x7D9]  }
0x3b9: {  	[sflag:s7] =	ssyncset.done $0x0  }
0x3ba: {  	[sflag:s7] =	ssyncadd.s32 $0xFFFFE000  }
0x3bb: {  	[tilespmem:s14], [sflag:$0x1] =	stream.indirect.gather [hbm4b:s6+s16], $0x40, s17, s16, $0xb8;
	[tilespmem:$0xC060] =	vst v63  }
0x3bc: {  	_ =	swait.ge [sflag:s11], $0x2000  }
0x3bd: {  	[sflag:s11] =	ssyncset.done $0x0  }
0x3be: {  	s17 =	rddreg [dreg:$0x1d];
	[sflag:s11] =	ssyncadd.s32 $0xFFFFE000  }
0x3bf: {  	[hbm4b:s17+s2] =	stream.linear.scatter [tilespmem:s13], [sflag:$0x2], $0x2000, $0x38;
	[tilespmem:$0xC060] =	vst v63  }
0x3c0: {  	_ =	swait.ge [sflag:s7], $0x2000  }
0x3c1: {  	s17 =	sld [smem:$0x7DA]  }
0x3c2: {  	[sflag:s7] =	ssyncset.done $0x0  }
0x3c3: {  	[sflag:s7] =	ssyncadd.s32 $0xFFFFE000  }
0x3c4: {  	[tilespmem:s13], [sflag:$0x1] =	stream.indirect.gather [hbm4b:s6+s16], $0x40, s17, s16, $0xb8;
	[tilespmem:$0xC060] =	vst v63  }
0x3c5: {  	_ =	swait.ge [sflag:s11], $0x2000  }
0x3c6: {  	[sflag:s11] =	ssyncset.done $0x0  }
0x3c7: {  	s17 =	rddreg [dreg:$0x1e];
	[sflag:s11] =	ssyncadd.s32 $0xFFFFE000  }
0x3c8: {  	[hbm4b:s17+s2] =	stream.linear.scatter [tilespmem:s12], [sflag:$0x2], $0x2000, $0x38;
	[tilespmem:$0xC060] =	vst v63  }
0x3c9: {  	_ =	swait.ge [sflag:s7], $0x2000  }
0x3ca: {  	s17 =	sld [smem:$0x7DB]  }
0x3cb: {  	[sflag:s7] =	ssyncset.done $0x0  }
0x3cc: {  	[sflag:s7] =	ssyncadd.s32 $0xFFFFE000  }
0x3cd: {  	[tilespmem:s12], [sflag:$0x1] =	stream.indirect.gather [hbm4b:s6+s16], $0x40, s17, s16, $0xb8;
	[tilespmem:$0xC060] =	vst v63  }
0x3ce: {  	_ =	swait.ge [sflag:s11], $0x2000  }
0x3cf: {  	[sflag:s11] =	ssyncset.done $0x0  }
0x3d0: {  	s17 =	rddreg [dreg:$0x1f];
	[sflag:s11] =	ssyncadd.s32 $0xFFFFE000  }
0x3d1: {  	[hbm4b:s17+s2] =	stream.linear.scatter [tilespmem:s9], [sflag:$0x2], $0x2000, $0x38;
	[tilespmem:$0xC060] =	vst v63  }
0x3d2: {  	_ =	swait.ge [sflag:s7], $0x2000  }
0x3d3: {  	s17 =	sld [smem:$0x7DC]  }
0x3d4: {  	[sflag:s7] =	ssyncset.done $0x0  }
0x3d5: {  	[sflag:s7] =	ssyncadd.s32 $0xFFFFE000  }
0x3d6: {  	[tilespmem:s9], [sflag:$0x1] =	stream.indirect.gather [hbm4b:s6+s16], $0x40, s17, s16, $0xb8;
	[tilespmem:$0xC060] =	vst v63  }
0x3d7: {  	_ =	swait.ge [sflag:s11], $0x2000  }
0x3d8: {  	s17 =	sld [smem:$0x797]  }
0x3d9: {  	[sflag:s11] =	ssyncset.done $0x0  }
0x3da: {  	[sflag:s11] =	ssyncadd.s32 $0xFFFFE000  }
0x3db: {  	[hbm4b:s17+s2] =	stream.linear.scatter [tilespmem:s14], [sflag:$0x2], $0x2000, $0x38;
	[tilespmem:$0xC060] =	vst v63  }
0x3dc: {  	_ =	swait.ge [sflag:s7], $0x2000  }
0x3dd: {  	s17 =	sld [smem:$0x7DD]  }
0x3de: {  	[sflag:s7] =	ssyncset.done $0x0  }
0x3df: {  	[sflag:s7] =	ssyncadd.s32 $0xFFFFE000  }
0x3e0: {  	[tilespmem:s14], [sflag:$0x1] =	stream.indirect.gather [hbm4b:s6+s16], $0x40, s17, s16, $0xb8;
	[tilespmem:$0xC060] =	vst v63  }
0x3e1: {  	_ =	swait.ge [sflag:s11], $0x2000  }
0x3e2: {  	s17 =	sld [smem:$0x798]  }
0x3e3: {  	[sflag:s11] =	ssyncset.done $0x0  }
0x3e4: {  	[sflag:s11] =	ssyncadd.s32 $0xFFFFE000  }
0x3e5: {  	[hbm4b:s17+s2] =	stream.linear.scatter [tilespmem:s13], [sflag:$0x2], $0x2000, $0x38;
	[tilespmem:$0xC060] =	vst v63  }
0x3e6: {  	_ =	swait.ge [sflag:s7], $0x2000  }
0x3e7: {  	s17 =	sld [smem:$0x7DE]  }
0x3e8: {  	[sflag:s7] =	ssyncset.done $0x0  }
0x3e9: {  	[sflag:s7] =	ssyncadd.s32 $0xFFFFE000  }
0x3ea: {  	[tilespmem:s13], [sflag:$0x1] =	stream.indirect.gather [hbm4b:s6+s16], $0x40, s17, s16, $0xb8;
	[tilespmem:$0xC060] =	vst v63  }
0x3eb: {  	_ =	swait.ge [sflag:s11], $0x2000  }
0x3ec: {  	s17 =	sld [smem:$0x799]  }
0x3ed: {  	[sflag:s11] =	ssyncset.done $0x0  }
0x3ee: {  	[sflag:s11] =	ssyncadd.s32 $0xFFFFE000  }
0x3ef: {  	[hbm4b:s17+s2] =	stream.linear.scatter [tilespmem:s12], [sflag:$0x2], $0x2000, $0x38;
	[tilespmem:$0xC060] =	vst v63  }
0x3f0: {  	_ =	swait.ge [sflag:s7], $0x2000  }
0x3f1: {  	s17 =	sld [smem:$0x7DF]  }
0x3f2: {  	[sflag:s7] =	ssyncset.done $0x0  }
0x3f3: {  	[sflag:s7] =	ssyncadd.s32 $0xFFFFE000  }
0x3f4: {  	[tilespmem:s12], [sflag:$0x1] =	stream.indirect.gather [hbm4b:s6+s16], $0x40, s17, s16, $0xb8;
	[tilespmem:$0xC060] =	vst v63  }
0x3f5: {  	_ =	swait.ge [sflag:s11], $0x2000  }
0x3f6: {  	s17 =	sld [smem:$0x79A]  }
0x3f7: {  	[sflag:s11] =	ssyncset.done $0x0  }
0x3f8: {  	[sflag:s11] =	ssyncadd.s32 $0xFFFFE000  }
0x3f9: {  	[hbm4b:s17+s2] =	stream.linear.scatter [tilespmem:s9], [sflag:$0x2], $0x2000, $0x38;
	[tilespmem:$0xC060] =	vst v63  }
0x3fa: {  	_ =	swait.ge [sflag:s7], $0x2000  }
0x3fb: {  	s17 =	sld [smem:$0x7E0]  }
0x3fc: {  	[sflag:s7] =	ssyncset.done $0x0  }
0x3fd: {  	[sflag:s7] =	ssyncadd.s32 $0xFFFFE000  }
0x3fe: {  	[tilespmem:s9], [sflag:$0x1] =	stream.indirect.gather [hbm4b:s6+s16], $0x40, s17, s16, $0xb8;
	[tilespmem:$0xC060] =	vst v63  }
0x3ff: {  	_ =	swait.ge [sflag:s11], $0x2000  }
0x400: {  	s17 =	sld [smem:$0x79B]  }
0x401: {  	[sflag:s11] =	ssyncset.done $0x0  }
0x402: {  	[sflag:s11] =	ssyncadd.s32 $0xFFFFE000  }
0x403: {  	[hbm4b:s17+s2] =	stream.linear.scatter [tilespmem:s14], [sflag:$0x2], $0x2000, $0x38;
	[tilespmem:$0xC060] =	vst v63  }
0x404: {  	_ =	swait.ge [sflag:s7], $0x2000  }
0x405: {  	s17 =	sld [smem:$0x7E1]  }
0x406: {  	[sflag:s7] =	ssyncset.done $0x0  }
0x407: {  	[sflag:s7] =	ssyncadd.s32 $0xFFFFE000  }
0x408: {  	[tilespmem:s14], [sflag:$0x1] =	stream.indirect.gather [hbm4b:s6+s16], $0x40, s17, s16, $0xb8;
	[tilespmem:$0xC060] =	vst v63  }
0x409: {  	_ =	swait.ge [sflag:s11], $0x2000  }
0x40a: {  	s17 =	sld [smem:$0x79C]  }
0x40b: {  	[sflag:s11] =	ssyncset.done $0x0  }
0x40c: {  	[sflag:s11] =	ssyncadd.s32 $0xFFFFE000  }
0x40d: {  	[hbm4b:s17+s2] =	stream.linear.scatter [tilespmem:s13], [sflag:$0x2], $0x2000, $0x38;
	[tilespmem:$0xC060] =	vst v63  }
0x40e: {  	_ =	swait.ge [sflag:s7], $0x2000  }
0x40f: {  	s17 =	sld [smem:$0x7E2]  }
0x410: {  	[sflag:s7] =	ssyncset.done $0x0  }
0x411: {  	[sflag:s7] =	ssyncadd.s32 $0xFFFFE000  }
0x412: {  	[tilespmem:s13], [sflag:$0x1] =	stream.indirect.gather [hbm4b:s6+s16], $0x40, s17, s16, $0xb8;
	[tilespmem:$0xC060] =	vst v63  }
0x413: {  	_ =	swait.ge [sflag:s11], $0x2000  }
0x414: {  	s17 =	sld [smem:$0x79D]  }
0x415: {  	[sflag:s11] =	ssyncset.done $0x0  }
0x416: {  	[sflag:s11] =	ssyncadd.s32 $0xFFFFE000  }
0x417: {  	[hbm4b:s17+s2] =	stream.linear.scatter [tilespmem:s12], [sflag:$0x2], $0x2000, $0x38;
	[tilespmem:$0xC060] =	vst v63  }
0x418: {  	_ =	swait.ge [sflag:s7], $0x2000  }
0x419: {  	s17 =	sld [smem:$0x7E3]  }
0x41a: {  	[sflag:s7] =	ssyncset.done $0x0  }
0x41b: {  	[sflag:s7] =	ssyncadd.s32 $0xFFFFE000  }
0x41c: {  	[tilespmem:s12], [sflag:$0x1] =	stream.indirect.gather [hbm4b:s6+s16], $0x40, s17, s16, $0xb8;
	[tilespmem:$0xC060] =	vst v63  }
0x41d: {  	_ =	swait.ge [sflag:s11], $0x2000  }
0x41e: {  	s17 =	sld [smem:$0x79E]  }
0x41f: {  	[sflag:s11] =	ssyncset.done $0x0  }
0x420: {  	[sflag:s11] =	ssyncadd.s32 $0xFFFFE000  }
0x421: {  	[hbm4b:s17+s2] =	stream.linear.scatter [tilespmem:s9], [sflag:$0x2], $0x2000, $0x38;
	[tilespmem:$0xC060] =	vst v63  }
0x422: {  	_ =	swait.ge [sflag:s7], $0x2000  }
0x423: {  	s17 =	sld [smem:$0x7E4]  }
0x424: {  	[sflag:s7] =	ssyncset.done $0x0  }
0x425: {  	[sflag:s7] =	ssyncadd.s32 $0xFFFFE000  }
0x426: {  	[tilespmem:s9], [sflag:$0x1] =	stream.indirect.gather [hbm4b:s6+s16], $0x40, s17, s16, $0xb8;
	[tilespmem:$0xC060] =	vst v63  }
0x427: {  	_ =	swait.ge [sflag:s11], $0x2000  }
0x428: {  	s17 =	sld [smem:$0x79F]  }
0x429: {  	[sflag:s11] =	ssyncset.done $0x0  }
0x42a: {  	[sflag:s11] =	ssyncadd.s32 $0xFFFFE000  }
0x42b: {  	[hbm4b:s17+s2] =	stream.linear.scatter [tilespmem:s14], [sflag:$0x2], $0x2000, $0x38;
	[tilespmem:$0xC060] =	vst v63  }
0x42c: {  	_ =	swait.ge [sflag:s7], $0x2000  }
0x42d: {  	s17 =	sld [smem:$0x7E5]  }
0x42e: {  	[sflag:s7] =	ssyncset.done $0x0  }
0x42f: {  	[sflag:s7] =	ssyncadd.s32 $0xFFFFE000  }
0x430: {  	[tilespmem:s14], [sflag:$0x1] =	stream.indirect.gather [hbm4b:s6+s16], $0x40, s17, s16, $0xb8;
	[tilespmem:$0xC060] =	vst v63  }
0x431: {  	_ =	swait.ge [sflag:s11], $0x2000  }
0x432: {  	s17 =	sld [smem:$0x7A0]  }
0x433: {  	[sflag:s11] =	ssyncset.done $0x0  }
0x434: {  	[sflag:s11] =	ssyncadd.s32 $0xFFFFE000  }
0x435: {  	[hbm4b:s17+s2] =	stream.linear.scatter [tilespmem:s13], [sflag:$0x2], $0x2000, $0x38;
	[tilespmem:$0xC060] =	vst v63  }
0x436: {  	_ =	swait.ge [sflag:s7], $0x2000  }
0x437: {  	s17 =	sld [smem:$0x7E6]  }
0x438: {  	[sflag:s7] =	ssyncset.done $0x0  }
0x439: {  	[sflag:s7] =	ssyncadd.s32 $0xFFFFE000  }
0x43a: {  	[tilespmem:s13], [sflag:$0x1] =	stream.indirect.gather [hbm4b:s6+s16], $0x40, s17, s16, $0xb8;
	[tilespmem:$0xC060] =	vst v63  }
0x43b: {  	_ =	swait.ge [sflag:s11], $0x2000  }
0x43c: {  	s17 =	sld [smem:$0x7A1]  }
0x43d: {  	[sflag:s11] =	ssyncset.done $0x0  }
0x43e: {  	[sflag:s11] =	ssyncadd.s32 $0xFFFFE000  }
0x43f: {  	[hbm4b:s17+s2] =	stream.linear.scatter [tilespmem:s12], [sflag:$0x2], $0x2000, $0x38;
	[tilespmem:$0xC060] =	vst v63  }
0x440: {  	_ =	swait.ge [sflag:s7], $0x2000  }
0x441: {  	s17 =	sld [smem:$0x7E7]  }
0x442: {  	[sflag:s7] =	ssyncset.done $0x0  }
0x443: {  	[sflag:s7] =	ssyncadd.s32 $0xFFFFE000  }
0x444: {  	[tilespmem:s12], [sflag:$0x1] =	stream.indirect.gather [hbm4b:s6+s16], $0x40, s17, s16, $0xb8;
	[tilespmem:$0xC060] =	vst v63  }
0x445: {  	_ =	swait.ge [sflag:s11], $0x2000  }
0x446: {  	s17 =	sld [smem:$0x7A2]  }
0x447: {  	[sflag:s11] =	ssyncset.done $0x0  }
0x448: {  	[sflag:s11] =	ssyncadd.s32 $0xFFFFE000  }
0x449: {  	[hbm4b:s17+s2] =	stream.linear.scatter [tilespmem:s9], [sflag:$0x2], $0x2000, $0x38;
	[tilespmem:$0xC060] =	vst v63  }
0x44a: {  	_ =	swait.ge [sflag:s7], $0x2000  }
0x44b: {  	s17 =	sld [smem:$0x7E8]  }
0x44c: {  	[sflag:s7] =	ssyncset.done $0x0  }
0x44d: {  	[sflag:s7] =	ssyncadd.s32 $0xFFFFE000  }
0x44e: {  	[tilespmem:s9], [sflag:$0x1] =	stream.indirect.gather [hbm4b:s6+s16], $0x40, s17, s16, $0xb8;
	[tilespmem:$0xC060] =	vst v63  }
0x44f: {  	_ =	swait.ge [sflag:s11], $0x2000  }
0x450: {  	s17 =	sld [smem:$0x7A3]  }
0x451: {  	[sflag:s11] =	ssyncset.done $0x0  }
0x452: {  	[sflag:s11] =	ssyncadd.s32 $0xFFFFE000  }
0x453: {  	[hbm4b:s17+s2] =	stream.linear.scatter [tilespmem:s14], [sflag:$0x2], $0x2000, $0x38;
	[tilespmem:$0xC060] =	vst v63  }
0x454: {  	_ =	swait.ge [sflag:s7], $0x2000  }
0x455: {  	s17 =	sld [smem:$0x7E9]  }
0x456: {  	[sflag:s7] =	ssyncset.done $0x0  }
0x457: {  	[sflag:s7] =	ssyncadd.s32 $0xFFFFE000  }
0x458: {  	[tilespmem:s14], [sflag:$0x1] =	stream.indirect.gather [hbm4b:s6+s16], $0x40, s17, s16, $0xb8;
	[tilespmem:$0xC060] =	vst v63  }
0x459: {  	_ =	swait.ge [sflag:s11], $0x2000  }
0x45a: {  	s17 =	sld [smem:$0x7A4]  }
0x45b: {  	[sflag:s11] =	ssyncset.done $0x0  }
0x45c: {  	[sflag:s11] =	ssyncadd.s32 $0xFFFFE000  }
0x45d: {  	[hbm4b:s17+s2] =	stream.linear.scatter [tilespmem:s13], [sflag:$0x2], $0x2000, $0x38;
	[tilespmem:$0xC060] =	vst v63  }
0x45e: {  	_ =	swait.ge [sflag:s7], $0x2000  }
0x45f: {  	s17 =	sld [smem:$0x7EA]  }
0x460: {  	[sflag:s7] =	ssyncset.done $0x0  }
0x461: {  	[sflag:s7] =	ssyncadd.s32 $0xFFFFE000  }
0x462: {  	[tilespmem:s13], [sflag:$0x1] =	stream.indirect.gather [hbm4b:s6+s16], $0x40, s17, s16, $0xb8;
	[tilespmem:$0xC060] =	vst v63  }
0x463: {  	_ =	swait.ge [sflag:s11], $0x2000  }
0x464: {  	s17 =	sld [smem:$0x7A5]  }
0x465: {  	[sflag:s11] =	ssyncset.done $0x0  }
0x466: {  	[sflag:s11] =	ssyncadd.s32 $0xFFFFE000  }
0x467: {  	[hbm4b:s17+s2] =	stream.linear.scatter [tilespmem:s12], [sflag:$0x2], $0x2000, $0x38;
	[tilespmem:$0xC060] =	vst v63  }
0x468: {  	_ =	swait.ge [sflag:s7], $0x2000  }
0x469: {  	s17 =	sld [smem:$0x7EB]  }
0x46a: {  	[sflag:s7] =	ssyncset.done $0x0  }
0x46b: {  	[sflag:s7] =	ssyncadd.s32 $0xFFFFE000  }
0x46c: {  	[tilespmem:s12], [sflag:$0x1] =	stream.indirect.gather [hbm4b:s6+s16], $0x40, s17, s16, $0xb8;
	[tilespmem:$0xC060] =	vst v63  }
0x46d: {  	_ =	swait.ge [sflag:s11], $0x2000  }
0x46e: {  	s17 =	sld [smem:$0x7A6]  }
0x46f: {  	[sflag:s11] =	ssyncset.done $0x0  }
0x470: {  	[sflag:s11] =	ssyncadd.s32 $0xFFFFE000  }
0x471: {  	[hbm4b:s17+s2] =	stream.linear.scatter [tilespmem:s9], [sflag:$0x2], $0x2000, $0x38;
	[tilespmem:$0xC060] =	vst v63  }
0x472: {  	_ =	swait.ge [sflag:s7], $0x2000  }
0x473: {  	s17 =	sld [smem:$0x7EC]  }
0x474: {  	[sflag:s7] =	ssyncset.done $0x0  }
0x475: {  	[sflag:s7] =	ssyncadd.s32 $0xFFFFE000  }
0x476: {  	[tilespmem:s9], [sflag:$0x1] =	stream.indirect.gather [hbm4b:s6+s16], $0x40, s17, s16, $0xb8;
	[tilespmem:$0xC060] =	vst v63  }
0x477: {  	_ =	swait.ge [sflag:s11], $0x2000  }
0x478: {  	s17 =	sld [smem:$0x7A7]  }
0x479: {  	[sflag:s11] =	ssyncset.done $0x0  }
0x47a: {  	[sflag:s11] =	ssyncadd.s32 $0xFFFFE000  }
0x47b: {  	[hbm4b:s17+s2] =	stream.linear.scatter [tilespmem:s14], [sflag:$0x2], $0x2000, $0x38;
	[tilespmem:$0xC060] =	vst v63  }
0x47c: {  	_ =	swait.ge [sflag:s7], $0x2000  }
0x47d: {  	s17 =	sld [smem:$0x7ED]  }
0x47e: {  	[sflag:s7] =	ssyncset.done $0x0  }
0x47f: {  	[sflag:s7] =	ssyncadd.s32 $0xFFFFE000  }
0x480: {  	[tilespmem:s14], [sflag:$0x1] =	stream.indirect.gather [hbm4b:s6+s16], $0x40, s17, s16, $0xb8;
	[tilespmem:$0xC060] =	vst v63  }
0x481: {  	_ =	swait.ge [sflag:s11], $0x2000  }
0x482: {  	s17 =	sld [smem:$0x7A8]  }
0x483: {  	[sflag:s11] =	ssyncset.done $0x0  }
0x484: {  	[sflag:s11] =	ssyncadd.s32 $0xFFFFE000  }
0x485: {  	[hbm4b:s17+s2] =	stream.linear.scatter [tilespmem:s13], [sflag:$0x2], $0x2000, $0x38;
	[tilespmem:$0xC060] =	vst v63  }
0x486: {  	_ =	swait.ge [sflag:s7], $0x2000  }
0x487: {  	s17 =	sld [smem:$0x7EE]  }
0x488: {  	[sflag:s7] =	ssyncset.done $0x0  }
0x489: {  	[sflag:s7] =	ssyncadd.s32 $0xFFFFE000  }
0x48a: {  	[tilespmem:s13], [sflag:$0x1] =	stream.indirect.gather [hbm4b:s6+s16], $0x40, s17, s16, $0xb8;
	[tilespmem:$0xC060] =	vst v63  }
0x48b: {  	_ =	swait.ge [sflag:s11], $0x2000  }
0x48c: {  	s17 =	sld [smem:$0x7A9]  }
0x48d: {  	[sflag:s11] =	ssyncset.done $0x0  }
0x48e: {  	[sflag:s11] =	ssyncadd.s32 $0xFFFFE000  }
0x48f: {  	[hbm4b:s17+s2] =	stream.linear.scatter [tilespmem:s12], [sflag:$0x2], $0x2000, $0x38;
	[tilespmem:$0xC060] =	vst v63  }
0x490: {  	_ =	swait.ge [sflag:s7], $0x2000  }
0x491: {  	s17 =	sld [smem:$0x7EF]  }
0x492: {  	[sflag:s7] =	ssyncset.done $0x0  }
0x493: {  	[sflag:s7] =	ssyncadd.s32 $0xFFFFE000  }
0x494: {  	[tilespmem:s12], [sflag:$0x1] =	stream.indirect.gather [hbm4b:s6+s16], $0x40, s17, s16, $0xb8;
	[tilespmem:$0xC060] =	vst v63  }
0x495: {  	_ =	swait.ge [sflag:s11], $0x2000  }
0x496: {  	s17 =	sld [smem:$0x7AA]  }
0x497: {  	[sflag:s11] =	ssyncset.done $0x0  }
0x498: {  	[sflag:s11] =	ssyncadd.s32 $0xFFFFE000  }
0x499: {  	[hbm4b:s17+s2] =	stream.linear.scatter [tilespmem:s9], [sflag:$0x2], $0x2000, $0x38;
	[tilespmem:$0xC060] =	vst v63  }
0x49a: {  	_ =	swait.ge [sflag:s7], $0x2000  }
0x49b: {  	s17 =	sld [smem:$0x7F0]  }
0x49c: {  	[sflag:s7] =	ssyncset.done $0x0  }
0x49d: {  	[sflag:s7] =	ssyncadd.s32 $0xFFFFE000  }
0x49e: {  	[tilespmem:s9], [sflag:$0x1] =	stream.indirect.gather [hbm4b:s6+s16], $0x40, s17, s16, $0xb8;
	[tilespmem:$0xC060] =	vst v63  }
0x49f: {  	_ =	swait.ge [sflag:s11], $0x2000  }
0x4a0: {  	s17 =	sld [smem:$0x7AB]  }
0x4a1: {  	[sflag:s11] =	ssyncset.done $0x0  }
0x4a2: {  	[sflag:s11] =	ssyncadd.s32 $0xFFFFE000  }
0x4a3: {  	[hbm4b:s17+s2] =	stream.linear.scatter [tilespmem:s14], [sflag:$0x2], $0x2000, $0x38;
	[tilespmem:$0xC060] =	vst v63  }
0x4a4: {  	_ =	swait.ge [sflag:s7], $0x2000  }
0x4a5: {  	s17 =	sld [smem:$0x7F1]  }
0x4a6: {  	[sflag:s7] =	ssyncset.done $0x0  }
0x4a7: {  	[sflag:s7] =	ssyncadd.s32 $0xFFFFE000  }
0x4a8: {  	[tilespmem:s14], [sflag:$0x1] =	stream.indirect.gather [hbm4b:s6+s16], $0x40, s17, s16, $0xb8;
	[tilespmem:$0xC060] =	vst v63  }
0x4a9: {  	_ =	swait.ge [sflag:s11], $0x2000  }
0x4aa: {  	s17 =	sld [smem:$0x7AC]  }
0x4ab: {  	[sflag:s11] =	ssyncset.done $0x0  }
0x4ac: {  	[sflag:s11] =	ssyncadd.s32 $0xFFFFE000  }
0x4ad: {  	[hbm4b:s17+s2] =	stream.linear.scatter [tilespmem:s13], [sflag:$0x2], $0x2000, $0x38;
	[tilespmem:$0xC060] =	vst v63  }
0x4ae: {  	_ =	swait.ge [sflag:s7], $0x2000  }
0x4af: {  	s17 =	sld [smem:$0x7F2]  }
0x4b0: {  	[sflag:s7] =	ssyncset.done $0x0  }
0x4b1: {  	[sflag:s7] =	ssyncadd.s32 $0xFFFFE000  }
0x4b2: {  	[tilespmem:s13], [sflag:$0x1] =	stream.indirect.gather [hbm4b:s6+s16], $0x40, s17, s16, $0xb8;
	[tilespmem:$0xC060] =	vst v63  }
0x4b3: {  	_ =	swait.ge [sflag:s11], $0x2000  }
0x4b4: {  	s17 =	sld [smem:$0x7AD]  }
0x4b5: {  	[sflag:s11] =	ssyncset.done $0x0  }
0x4b6: {  	[sflag:s11] =	ssyncadd.s32 $0xFFFFE000  }
0x4b7: {  	[hbm4b:s17+s2] =	stream.linear.scatter [tilespmem:s12], [sflag:$0x2], $0x2000, $0x38;
	[tilespmem:$0xC060] =	vst v63  }
0x4b8: {  	_ =	swait.ge [sflag:s7], $0x2000  }
0x4b9: {  	s17 =	sld [smem:$0x7F3]  }
0x4ba: {  	[sflag:s7] =	ssyncset.done $0x0  }
0x4bb: {  	[sflag:s7] =	ssyncadd.s32 $0xFFFFE000  }
0x4bc: {  	[tilespmem:s12], [sflag:$0x1] =	stream.indirect.gather [hbm4b:s6+s16], $0x40, s17, s16, $0xb8;
	[tilespmem:$0xC060] =	vst v63  }
0x4bd: {  	_ =	swait.ge [sflag:s11], $0x2000  }
0x4be: {  	s17 =	sld [smem:$0x7AE]  }
0x4bf: {  	[sflag:s11] =	ssyncset.done $0x0  }
0x4c0: {  	[sflag:s11] =	ssyncadd.s32 $0xFFFFE000  }
0x4c1: {  	[hbm4b:s17+s2] =	stream.linear.scatter [tilespmem:s9], [sflag:$0x2], $0x2000, $0x38;
	[tilespmem:$0xC060] =	vst v63  }
0x4c2: {  	_ =	swait.ge [sflag:s7], $0x2000  }
0x4c3: {  	s17 =	sld [smem:$0x7F4]  }
0x4c4: {  	[sflag:s7] =	ssyncset.done $0x0  }
0x4c5: {  	[sflag:s7] =	ssyncadd.s32 $0xFFFFE000  }
0x4c6: {  	[tilespmem:s9], [sflag:$0x1] =	stream.indirect.gather [hbm4b:s6+s16], $0x40, s17, s16, $0xb8;
	[tilespmem:$0xC060] =	vst v63  }
0x4c7: {  	_ =	swait.ge [sflag:s11], $0x2000  }
0x4c8: {  	s17 =	sld [smem:$0x7AF]  }
0x4c9: {  	[sflag:s11] =	ssyncset.done $0x0  }
0x4ca: {  	[sflag:s11] =	ssyncadd.s32 $0xFFFFE000  }
0x4cb: {  	[hbm4b:s17+s2] =	stream.linear.scatter [tilespmem:s14], [sflag:$0x2], $0x2000, $0x38;
	[tilespmem:$0xC060] =	vst v63  }
0x4cc: {  	_ =	swait.ge [sflag:s7], $0x2000  }
0x4cd: {  	s17 =	sld [smem:$0x7F5]  }
0x4ce: {  	[sflag:s7] =	ssyncset.done $0x0  }
0x4cf: {  	[sflag:s7] =	ssyncadd.s32 $0xFFFFE000  }
0x4d0: {  	[tilespmem:s14], [sflag:$0x1] =	stream.indirect.gather [hbm4b:s6+s16], $0x40, s17, s16, $0xb8;
	[tilespmem:$0xC060] =	vst v63  }
0x4d1: {  	_ =	swait.ge [sflag:s11], $0x2000  }
0x4d2: {  	s17 =	sld [smem:$0x7B0]  }
0x4d3: {  	[sflag:s11] =	ssyncset.done $0x0  }
0x4d4: {  	[sflag:s11] =	ssyncadd.s32 $0xFFFFE000  }
0x4d5: {  	[hbm4b:s17+s2] =	stream.linear.scatter [tilespmem:s13], [sflag:$0x2], $0x2000, $0x38;
	[tilespmem:$0xC060] =	vst v63  }
0x4d6: {  	_ =	swait.ge [sflag:s7], $0x2000  }
0x4d7: {  	s17 =	sld [smem:$0x7F6]  }
0x4d8: {  	[sflag:s7] =	ssyncset.done $0x0  }
0x4d9: {  	[sflag:s7] =	ssyncadd.s32 $0xFFFFE000  }
0x4da: {  	[tilespmem:s13], [sflag:$0x1] =	stream.indirect.gather [hbm4b:s6+s16], $0x40, s17, s16, $0xb8;
	[tilespmem:$0xC060] =	vst v63  }
0x4db: {  	_ =	swait.ge [sflag:s11], $0x2000  }
0x4dc: {  	s17 =	sld [smem:$0x7B1]  }
0x4dd: {  	[sflag:s11] =	ssyncset.done $0x0  }
0x4de: {  	[sflag:s11] =	ssyncadd.s32 $0xFFFFE000  }
0x4df: {  	[hbm4b:s17+s2] =	stream.linear.scatter [tilespmem:s12], [sflag:$0x2], $0x2000, $0x38;
	[tilespmem:$0xC060] =	vst v63  }
0x4e0: {  	_ =	swait.ge [sflag:s7], $0x2000  }
0x4e1: {  	s17 =	sld [smem:$0x7F7]  }
0x4e2: {  	[sflag:s7] =	ssyncset.done $0x0  }
0x4e3: {  	[sflag:s7] =	ssyncadd.s32 $0xFFFFE000  }
0x4e4: {  	[tilespmem:s12], [sflag:$0x1] =	stream.indirect.gather [hbm4b:s6+s16], $0x40, s17, s16, $0xb8;
	[tilespmem:$0xC060] =	vst v63  }
0x4e5: {  	_ =	swait.ge [sflag:s11], $0x2000  }
0x4e6: {  	s17 =	sld [smem:$0x7B2]  }
0x4e7: {  	[sflag:s11] =	ssyncset.done $0x0  }
0x4e8: {  	[sflag:s11] =	ssyncadd.s32 $0xFFFFE000  }
0x4e9: {  	[hbm4b:s17+s2] =	stream.linear.scatter [tilespmem:s9], [sflag:$0x2], $0x2000, $0x38;
	[tilespmem:$0xC060] =	vst v63  }
0x4ea: {  	_ =	swait.ge [sflag:s7], $0x2000  }
0x4eb: {  	s17 =	sld [smem:$0x7F8]  }
0x4ec: {  	[sflag:s7] =	ssyncset.done $0x0  }
0x4ed: {  	[sflag:s7] =	ssyncadd.s32 $0xFFFFE000  }
0x4ee: {  	[tilespmem:s9], [sflag:$0x1] =	stream.indirect.gather [hbm4b:s6+s16], $0x40, s17, s16, $0xb8;
	[tilespmem:$0xC060] =	vst v63  }
0x4ef: {  	_ =	swait.ge [sflag:s11], $0x2000  }
0x4f0: {  	s17 =	sld [smem:$0x7B3]  }
0x4f1: {  	[sflag:s11] =	ssyncset.done $0x0  }
0x4f2: {  	[sflag:s11] =	ssyncadd.s32 $0xFFFFE000  }
0x4f3: {  	[hbm4b:s17+s2] =	stream.linear.scatter [tilespmem:s14], [sflag:$0x2], $0x2000, $0x38;
	[tilespmem:$0xC060] =	vst v63  }
0x4f4: {  	_ =	swait.ge [sflag:s7], $0x2000  }
0x4f5: {  	s17 =	sld [smem:$0x7F9]  }
0x4f6: {  	[sflag:s7] =	ssyncset.done $0x0  }
0x4f7: {  	[sflag:s7] =	ssyncadd.s32 $0xFFFFE000  }
0x4f8: {  	[tilespmem:s14], [sflag:$0x1] =	stream.indirect.gather [hbm4b:s6+s16], $0x40, s17, s16, $0xb8;
	[tilespmem:$0xC060] =	vst v63  }
0x4f9: {  	_ =	swait.ge [sflag:s11], $0x2000  }
0x4fa: {  	s17 =	sld [smem:$0x7B4]  }
0x4fb: {  	[sflag:s11] =	ssyncset.done $0x0  }
0x4fc: {  	[sflag:s11] =	ssyncadd.s32 $0xFFFFE000  }
0x4fd: {  	[hbm4b:s17+s2] =	stream.linear.scatter [tilespmem:s13], [sflag:$0x2], $0x2000, $0x38;
	[tilespmem:$0xC060] =	vst v63  }
0x4fe: {  	_ =	swait.ge [sflag:s7], $0x2000  }
0x4ff: {  	s17 =	sld [smem:$0x7FA]  }
0x500: {  	[sflag:s7] =	ssyncset.done $0x0  }
0x501: {  	[sflag:s7] =	ssyncadd.s32 $0xFFFFE000  }
0x502: {  	[tilespmem:s13], [sflag:$0x1] =	stream.indirect.gather [hbm4b:s6+s16], $0x40, s17, s16, $0xb8;
	[tilespmem:$0xC060] =	vst v63  }
0x503: {  	_ =	swait.ge [sflag:s11], $0x2000  }
0x504: {  	s17 =	sld [smem:$0x7B5]  }
0x505: {  	[sflag:s11] =	ssyncset.done $0x0  }
0x506: {  	[sflag:s11] =	ssyncadd.s32 $0xFFFFE000  }
0x507: {  	[hbm4b:s17+s2] =	stream.linear.scatter [tilespmem:s12], [sflag:$0x2], $0x2000, $0x38;
	[tilespmem:$0xC060] =	vst v63  }
0x508: {  	_ =	swait.ge [sflag:s7], $0x2000  }
0x509: {  	s17 =	sld [smem:$0x7FB]  }
0x50a: {  	[sflag:s7] =	ssyncset.done $0x0  }
0x50b: {  	[sflag:s7] =	ssyncadd.s32 $0xFFFFE000  }
0x50c: {  	[tilespmem:s12], [sflag:$0x1] =	stream.indirect.gather [hbm4b:s6+s16], $0x40, s17, s16, $0xb8;
	[tilespmem:$0xC060] =	vst v63  }
0x50d: {  	_ =	swait.ge [sflag:s11], $0x2000  }
0x50e: {  	s17 =	sld [smem:$0x7B6]  }
0x50f: {  	[sflag:s11] =	ssyncset.done $0x0  }
0x510: {  	[sflag:s11] =	ssyncadd.s32 $0xFFFFE000  }
0x511: {  	[hbm4b:s17+s2] =	stream.linear.scatter [tilespmem:s9], [sflag:$0x2], $0x2000, $0x38;
	[tilespmem:$0xC060] =	vst v63  }
0x512: {  	_ =	swait.ge [sflag:s7], $0x2000  }
0x513: {  	s17 =	sld [smem:$0x7FC]  }
0x514: {  	[sflag:s7] =	ssyncset.done $0x0  }
0x515: {  	[sflag:s7] =	ssyncadd.s32 $0xFFFFE000  }
0x516: {  	[tilespmem:s9], [sflag:$0x1] =	stream.indirect.gather [hbm4b:s6+s16], $0x40, s17, s16, $0xb8;
	[tilespmem:$0xC060] =	vst v63  }
0x517: {  	_ =	swait.ge [sflag:s11], $0x2000  }
0x518: {  	s17 =	sld [smem:$0x7B7]  }
0x519: {  	[sflag:s11] =	ssyncset.done $0x0  }
0x51a: {  	[sflag:s11] =	ssyncadd.s32 $0xFFFFE000  }
0x51b: {  	[hbm4b:s17+s2] =	stream.linear.scatter [tilespmem:s14], [sflag:$0x2], $0x2000, $0x38;
	[tilespmem:$0xC060] =	vst v63  }
0x51c: {  	_ =	swait.ge [sflag:s7], $0x2000  }
0x51d: {  	s17 =	sld [smem:$0x7FD]  }
0x51e: {  	[sflag:s7] =	ssyncset.done $0x0  }
0x51f: {  	[sflag:s7] =	ssyncadd.s32 $0xFFFFE000  }
0x520: {  	[tilespmem:s14], [sflag:$0x1] =	stream.indirect.gather [hbm4b:s6+s16], $0x40, s17, s16, $0xb8;
	[tilespmem:$0xC060] =	vst v63  }
0x521: {  	_ =	swait.ge [sflag:s11], $0x2000  }
0x522: {  	s17 =	sld [smem:$0x7B8]  }
0x523: {  	[sflag:s11] =	ssyncset.done $0x0  }
0x524: {  	[sflag:s11] =	ssyncadd.s32 $0xFFFFE000  }
0x525: {  	[hbm4b:s17+s2] =	stream.linear.scatter [tilespmem:s13], [sflag:$0x2], $0x2000, $0x38;
	[tilespmem:$0xC060] =	vst v63  }
0x526: {  	_ =	swait.ge [sflag:s7], $0x2000  }
0x527: {  	[sflag:s7] =	ssyncset.done $0x0  }
0x528: {  	s17 =	simm.s32 $0x1B00;
	[sflag:s7] =	ssyncadd.s32 $0xFFFFE000  }
0x529: {  	[tilespmem:s13], [sflag:$0x1] =	stream.indirect.gather [hbm4b:s6+s16], $0x40, s17, s16, $0xb8;
	[tilespmem:$0xC060] =	vst v63  }
0x52a: {  	_ =	swait.ge [sflag:s11], $0x2000  }
0x52b: {  	s17 =	sld [smem:$0x7B9]  }
0x52c: {  	[sflag:s11] =	ssyncset.done $0x0  }
0x52d: {  	[sflag:s11] =	ssyncadd.s32 $0xFFFFE000  }
0x52e: {  	[hbm4b:s17+s2] =	stream.linear.scatter [tilespmem:s12], [sflag:$0x2], $0x2000, $0x38;
	[tilespmem:$0xC060] =	vst v63  }
0x52f: {  	_ =	swait.ge [sflag:s7], $0x2000  }
0x530: {  	[sflag:s7] =	ssyncset.done $0x0  }
0x531: {  	[sflag:s7] =	ssyncadd.s32 $0xFFFFE000  }
0x532: {  	[tilespmem:s12], [sflag:$0x1] =	stream.indirect.gather [hbm4b:s6+s16], $0x40, s28, s16, $0xb8;
	[tilespmem:$0xC060] =	vst v63  }
0x533: {  	_ =	swait.ge [sflag:s11], $0x2000  }
0x534: {  	s17 =	sld [smem:$0x7BA]  }
0x535: {  	[sflag:s11] =	ssyncset.done $0x0  }
0x536: {  	[sflag:s11] =	ssyncadd.s32 $0xFFFFE000  }
0x537: {  	[hbm4b:s17+s2] =	stream.linear.scatter [tilespmem:s9], [sflag:$0x2], $0x2000, $0x38;
	[tilespmem:$0xC060] =	vst v63  }
0x538: {  	_ =	swait.ge [sflag:s7], $0x2000  }
0x539: {  	[sflag:s7] =	ssyncset.done $0x0  }
0x53a: {  	[sflag:s7] =	ssyncadd.s32 $0xFFFFE000  }
0x53b: {  	[tilespmem:s9], [sflag:$0x1] =	stream.indirect.gather [hbm4b:s6+s16], $0x40, s26, s16, $0xb8;
	[tilespmem:$0xC060] =	vst v63  }
0x53c: {  	_ =	swait.ge [sflag:s11], $0x2000  }
0x53d: {  	s17 =	sld [smem:$0x7BB]  }
0x53e: {  	[sflag:s11] =	ssyncset.done $0x0  }
0x53f: {  	[sflag:s11] =	ssyncadd.s32 $0xFFFFE000  }
0x540: {  	[hbm4b:s17+s2] =	stream.linear.scatter [tilespmem:s14], [sflag:$0x2], $0x2000, $0x38;
	[tilespmem:$0xC060] =	vst v63  }
0x541: {  	_ =	swait.ge [sflag:s7], $0x2000  }
0x542: {  	[sflag:s7] =	ssyncset.done $0x0  }
0x543: {  	[sflag:s7] =	ssyncadd.s32 $0xFFFFE000  }
0x544: {  	[tilespmem:s14], [sflag:$0x1] =	stream.indirect.gather [hbm4b:s6+s16], $0x40, s25, s16, $0xb8;
	[tilespmem:$0xC060] =	vst v63  }
0x545: {  	_ =	swait.ge [sflag:s11], $0x2000  }
0x546: {  	s17 =	sld [smem:$0x7BC]  }
0x547: {  	[sflag:s11] =	ssyncset.done $0x0  }
0x548: {  	[sflag:s11] =	ssyncadd.s32 $0xFFFFE000  }
0x549: {  	[hbm4b:s17+s2] =	stream.linear.scatter [tilespmem:s13], [sflag:$0x2], $0x2000, $0x38;
	[tilespmem:$0xC060] =	vst v63  }
0x54a: {  	_ =	swait.ge [sflag:s7], $0x2000  }
0x54b: {  	[sflag:s7] =	ssyncset.done $0x0  }
0x54c: {  	[sflag:s7] =	ssyncadd.s32 $0xFFFFE000  }
0x54d: {  	[tilespmem:s13], [sflag:$0x1] =	stream.indirect.gather [hbm4b:s6+s16], $0x40, s24, s16, $0xb8;
	[tilespmem:$0xC060] =	vst v63  }
0x54e: {  	_ =	swait.ge [sflag:s11], $0x2000  }
0x54f: {  	s17 =	sld [smem:$0x7BD]  }
0x550: {  	[sflag:s11] =	ssyncset.done $0x0  }
0x551: {  	[sflag:s11] =	ssyncadd.s32 $0xFFFFE000  }
0x552: {  	[hbm4b:s17+s2] =	stream.linear.scatter [tilespmem:s12], [sflag:$0x2], $0x2000, $0x38;
	[tilespmem:$0xC060] =	vst v63  }
0x553: {  	_ =	swait.ge [sflag:s7], $0x2000  }
0x554: {  	[sflag:s7] =	ssyncset.done $0x0  }
0x555: {  	[sflag:s7] =	ssyncadd.s32 $0xFFFFE000  }
0x556: {  	[tilespmem:s12], [sflag:$0x1] =	stream.indirect.gather [hbm4b:s6+s16], $0x40, s23, s16, $0xb8;
	[tilespmem:$0xC060] =	vst v63  }
0x557: {  	_ =	swait.ge [sflag:s11], $0x2000  }
0x558: {  	s17 =	sld [smem:$0x7BE]  }
0x559: {  	[sflag:s11] =	ssyncset.done $0x0  }
0x55a: {  	[sflag:s11] =	ssyncadd.s32 $0xFFFFE000  }
0x55b: {  	[hbm4b:s17+s2] =	stream.linear.scatter [tilespmem:s9], [sflag:$0x2], $0x2000, $0x38;
	[tilespmem:$0xC060] =	vst v63  }
0x55c: {  	_ =	swait.ge [sflag:s7], $0x2000  }
0x55d: {  	[sflag:s7] =	ssyncset.done $0x0  }
0x55e: {  	[sflag:s7] =	ssyncadd.s32 $0xFFFFE000  }
0x55f: {  	[tilespmem:s9], [sflag:$0x1] =	stream.indirect.gather [hbm4b:s6+s16], $0x40, s22, s16, $0xb8;
	[tilespmem:$0xC060] =	vst v63  }
0x560: {  	_ =	swait.ge [sflag:s11], $0x2000  }
0x561: {  	s17 =	sld [smem:$0x7BF]  }
0x562: {  	[sflag:s11] =	ssyncset.done $0x0  }
0x563: {  	[sflag:s11] =	ssyncadd.s32 $0xFFFFE000  }
0x564: {  	[hbm4b:s17+s2] =	stream.linear.scatter [tilespmem:s14], [sflag:$0x2], $0x2000, $0x38;
	[tilespmem:$0xC060] =	vst v63  }
0x565: {  	_ =	swait.ge [sflag:s7], $0x2000  }
0x566: {  	[sflag:s7] =	ssyncset.done $0x0  }
0x567: {  	[sflag:s7] =	ssyncadd.s32 $0xFFFFE000  }
0x568: {  	[tilespmem:s14], [sflag:$0x1] =	stream.indirect.gather [hbm4b:s6+s16], $0x40, s21, s16, $0xb8;
	[tilespmem:$0xC060] =	vst v63  }
0x569: {  	_ =	swait.ge [sflag:s11], $0x2000  }
0x56a: {  	s17 =	sld [smem:$0x7C0]  }
0x56b: {  	[sflag:s11] =	ssyncset.done $0x0  }
0x56c: {  	[sflag:s11] =	ssyncadd.s32 $0xFFFFE000  }
0x56d: {  	[hbm4b:s17+s2] =	stream.linear.scatter [tilespmem:s13], [sflag:$0x2], $0x2000, $0x38;
	[tilespmem:$0xC060] =	vst v63  }
0x56e: {  	_ =	swait.ge [sflag:s7], $0x2000  }
0x56f: {  	[sflag:s7] =	ssyncset.done $0x0  }
0x570: {  	[sflag:s7] =	ssyncadd.s32 $0xFFFFE000  }
0x571: {  	[tilespmem:s13], [sflag:$0x1] =	stream.indirect.gather [hbm4b:s6+s16], $0x40, s20, s16, $0xb8;
	[tilespmem:$0xC060] =	vst v63  }
0x572: {  	_ =	swait.ge [sflag:s11], $0x2000  }
0x573: {  	s17 =	sld [smem:$0x7C1]  }
0x574: {  	[sflag:s11] =	ssyncset.done $0x0  }
0x575: {  	[sflag:s11] =	ssyncadd.s32 $0xFFFFE000  }
0x576: {  	[hbm4b:s17+s2] =	stream.linear.scatter [tilespmem:s12], [sflag:$0x2], $0x2000, $0x38;
	[tilespmem:$0xC060] =	vst v63  }
0x577: {  	_ =	swait.ge [sflag:s7], $0x2000  }
0x578: {  	[sflag:s7] =	ssyncset.done $0x0  }
0x579: {  	[sflag:s7] =	ssyncadd.s32 $0xFFFFE000  }
0x57a: {  	[tilespmem:s12], [sflag:$0x1] =	stream.indirect.gather [hbm4b:s6+s16], $0x40, s19, s16, $0xb8;
	[tilespmem:$0xC060] =	vst v63  }
0x57b: {  	_ =	swait.ge [sflag:s11], $0x2000  }
0x57c: {  	s17 =	sld [smem:$0x7C2]  }
0x57d: {  	[sflag:s11] =	ssyncset.done $0x0  }
0x57e: {  	[sflag:s11] =	ssyncadd.s32 $0xFFFFE000  }
0x57f: {  	[hbm4b:s17+s2] =	stream.linear.scatter [tilespmem:s9], [sflag:$0x2], $0x2000, $0x38;
	[tilespmem:$0xC060] =	vst v63  }
0x580: {  	_ =	swait.ge [sflag:s7], $0x2000  }
0x581: {  	[sflag:s7] =	ssyncset.done $0x0  }
0x582: {  	[sflag:s7] =	ssyncadd.s32 $0xFFFFE000  }
0x583: {  	[tilespmem:s9], [sflag:$0x1] =	stream.indirect.gather [hbm4b:s6+s10], $0x40, s18, s10, $0xb8;
	[tilespmem:$0xC060] =	vst v63  }
0x584: {  	_ =	swait.ge [sflag:s11], $0x2000  }
0x585: {  	s17 =	sld [smem:$0x7C3]  }
0x586: {  	[sflag:s11] =	ssyncset.done $0x0  }
0x587: {  	[sflag:s11] =	ssyncadd.s32 $0xFFFFE000  }
0x588: {  	[hbm4b:s17+s2] =	stream.linear.scatter [tilespmem:s14], [sflag:$0x2], $0x2000, $0x38;
	[tilespmem:$0xC060] =	vst v63  }
0x589: {  	_ =	swait.ge [sflag:s11], $0x2000  }
0x58a: {  	s17 =	sld [smem:$0x7C4]  }
0x58b: {  	[sflag:s11] =	ssyncset.done $0x0  }
0x58c: {  	[sflag:s11] =	ssyncadd.s32 $0xFFFFE000  }
0x58d: {  	[hbm4b:s17+s2] =	stream.linear.scatter [tilespmem:s13], [sflag:$0x2], $0x2000, $0x38;
	[tilespmem:$0xC060] =	vst v63  }
0x58e: {  	_ =	swait.ge [sflag:s11], $0x2000  }
0x58f: {  	s17 =	sld [smem:$0x7C5]  }
0x590: {  	[sflag:s11] =	ssyncset.done $0x0  }
0x591: {  	[sflag:s11] =	ssyncadd.s32 $0xFFFFE000  }
0x592: {  	[hbm4b:s17+s2] =	stream.linear.scatter [tilespmem:s12], [sflag:$0x2], $0x2000, $0x38;
	[tilespmem:$0xC060] =	vst v63  }
0x593: {  	_ =	swait.ge [sflag:s11], $0x800  }
0x594: {  	s17 =	sld [smem:$0x7C6]  }
0x595: {  	[sflag:s11] =	ssyncset.done $0x0  }
0x596: {  	[sflag:s11] =	ssyncadd.s32 $0xFFFFF800  }
0x597: {  	[hbm4b:s17+s2] =	stream.linear.scatter [tilespmem:s9], [sflag:$0x2], $0x800, $0x38;
	[tilespmem:$0xC060] =	vst v63  }
0x598: {  	_ =	swait.ge [sflag:s15], $0x800  }
0x599: {  	[sflag:s15] =	ssyncset.done $0x0  }
0x59a: {  	[sflag:s15] =	ssyncadd.s32 $0xFFFFF800  }
0x59b: {  	_ =	swait.ge [sflag:s15], $0x1000  }
0x59c: {  	[sflag:s15] =	ssyncset.done $0x0  }
0x59d: {  	[sflag:s15] =	ssyncadd.s32 $0xFFFFF000  }
0x59e: {  	_ =	swait.ge [sflag:s15], $0x800  }
0x59f: {  	s0 =	sld [smem:$0x7C7]  }
0x5a0: {  	[sflag:s15] =	ssyncset.done $0x0  }
0x5a1: {  	s17 =	sld [smem:$0x7C8];
	[sflag:s15] =	ssyncadd.s32 $0xFFFFF800  }
0x5a2: {  	[hbm4b:s0+s2] =	stream.linear.scatter [tilespmem:s3], [sflag:$0x4], $0x800, $0x38;
	[tilespmem:$0xC060] =	vst v63  }
0x5a3: {  	s0 =	sld [smem:$0x7C9]  }
0x5a4: {  	[hbm4b:s17+s2] =	stream.linear.scatter [tilespmem:s4], [sflag:$0x4], $0x1000, $0x38;
	[tilespmem:$0xC060] =	vst v63  }
0x5a5: {  	_ = 	snop  }
0x5a6: {  	[hbm4b:s0+s2] =	stream.linear.scatter [tilespmem:s5], [sflag:$0x4], $0x800, $0x38;
	[tilespmem:$0xC060] =	vst v63  }
0x5a7: {  	_ =	swait.ge [sflag:s7], $0x2000  }
0x5a8: {  	[sflag:s7] =	ssyncset.done $0x0  }
0x5a9: {  	[sflag:s7] =	ssyncadd.s32 $0xFFFFE000  }
0x5aa: {  	_ =	swait.ge [sflag:s7], $0x2000  }
0x5ab: {  	[sflag:s7] =	ssyncset.done $0x0  }
0x5ac: {  	[sflag:s7] =	ssyncadd.s32 $0xFFFFE000  }
0x5ad: {  	_ =	swait.ge [sflag:s7], $0x2000  }
0x5ae: {  	[sflag:s7] =	ssyncset.done $0x0  }
0x5af: {  	[sflag:s7] =	ssyncadd.s32 $0xFFFFE000  }
0x5b0: {  	_ =	swait.ge [sflag:s7], $0x800  }
0x5b1: {  	[sflag:s7] =	ssyncset.done $0x0  }
0x5b2: {  	[sflag:s7] =	ssyncadd.s32 $0xFFFFF800  }
0x5b3: {  	_ =	swait.ge [sflag:s8], $0x800  }
0x5b4: {  	[sflag:s8] =	ssyncset.done $0x0  }
0x5b5: {  	p1 =	sne.s32 s1, $0x1;
	[sflag:s8] =	ssyncadd.s32 $0xFFFFF800  }
.Ltmp2:
0x5b6: {  	_ =	swait.ge [sflag:s8], $0x1000;
	(pc) =	sbr.rel @p1 .LBB2_4-.Ltmp2, $4  }
0x5b7: {  	[sflag:s8] =	ssyncset.done $0x0  }
0x5b8: {  	[sflag:s8] =	ssyncadd.s32 $0xFFFFF000  }
0x5b9: {  	_ =	swait.ge [sflag:s8], $0x800  }
0x5ba: {  	s1 =	sadd.s32 $0xFFFFFFFF, s1;
	s0 =	rddreg [dreg:$0xc];
	[sflag:s8] =	ssyncset.done $0x0  }
0x5bb: {  	s18 =	simm.s32 $0x1B00;
	s28 =	simm.s32 $0x1B80  }
0x5bc: {  	s26 =	simm.s32 $0x1C00;
	s25 =	simm.s32 $0x1C80;
	s24 =	simm.s32 $0x1D00  }
0x5bd: {  	s23 =	simm.s32 $0x1D80;
	s22 =	simm.s32 $0x1E00;
	s21 =	simm.s32 $0x1E80  }
0x5be: {  	s20 =	simm.s32 $0x1F00;
	s19 =	simm.s32 $0x1F80;
	s17 =	stileid.u32  }
.LBB2_6:
0x5bf: {  	[sflag:s8] =	ssyncadd.s32 @p0 $0xFFFFF800  }
0x5c0: {  	[tilespmem:s2], [sflag:$0x5] =	stream.linear.gather [hbm4b:s0+s2], $0x2020, $0x38;
	[tilespmem:$0xC060] =	vst v63  }
0x5c1: {  	_ =	swait.ge [sflag:s29], $0x2020  }
0x5c2: {  	[sflag:s29] =	ssyncset.done $0x0  }
0x5c3: {  	s1 =	rddreg [dreg:$0xd];
	[sflag:s29] =	ssyncadd.s32 $0xFFFFDFE0  }
0x5c4: {  	[tilespmem:s30], [sflag:$0x5] =	stream.linear.gather [hbm4b:s1+s2], $0x20, $0x38;
	[tilespmem:$0xC060] =	vst v63  }
0x5c5: {  	_ =	swait.ge [sflag:s29], $0x20  }
0x5c6: {  	[sflag:s29] =	ssyncset.done $0x0  }
0x5c7: {  	s1 =	rddreg [dreg:$0xe];
	[sflag:s29] =	ssyncadd.s32 $0xFFFFFFE0  }
0x5c8: {  	[tilespmem:s31], [sflag:$0x5] =	stream.linear.gather [hbm4b:s1+s2], $0x20, $0x38;
	[tilespmem:$0xC060] =	vst v63  }
0x5c9: {  	_ =	swait.ge [sflag:s29], $0x20  }
0x5ca: {  	[sflag:s29] =	ssyncset.done $0x0  }
0x5cb: {  	[sflag:s29] =	ssyncadd.s32 $0xFFFFFFE0  }
0x5cc: {  	[tilespmem:s3], [sflag:$0x3] =	stream.indirect.gather [hbm4b:s6+s10], $0x40, s30, s10, $0xb8;
	[tilespmem:$0xC060] =	vst v63  }
0x5cd: {  	s29 =	rddreg [dreg:$0xa]  }
0x5ce: {  	[tilespmem:s4], [sflag:$0x3] =	stream.indirect.gather [hbm4b:s29+s10], $0x80, s31, s10, $0xb8;
	[tilespmem:$0xC060] =	vst v63  }
0x5cf: {  	s1 =	rddreg [dreg:$0xb]  }
0x5d0: {  	[tilespmem:s5], [sflag:$0x3] =	stream.indirect.gather [hbm4b:s1+s10], $0x40, s31, s10, $0xb8;
	[tilespmem:$0xC060] =	vst v63  }
0x5d1: {  	_ = 	snop  }
0x5d2: {  	[tilespmem:s9], [sflag:$0x1] =	stream.indirect.gather [hbm4b:s6+s16], $0x40, s2, s16, $0xb8;
	[tilespmem:$0xC060] =	vst v63  }
0x5d3: {  	s29 =	sld [smem:$0x7CA]  }
0x5d4: {  	[tilespmem:s14], [sflag:$0x1] =	stream.indirect.gather [hbm4b:s6+s16], $0x40, s16, s16, $0xb8;
	[tilespmem:$0xC060] =	vst v63  }
0x5d5: {  	s30 =	sld [smem:$0x7CB]  }
0x5d6: {  	[tilespmem:s13], [sflag:$0x1] =	stream.indirect.gather [hbm4b:s6+s16], $0x40, s29, s16, $0xb8;
	[tilespmem:$0xC060] =	vst v63  }
0x5d7: {  	_ = 	snop  }
0x5d8: {  	[tilespmem:s12], [sflag:$0x1] =	stream.indirect.gather [hbm4b:s6+s16], $0x40, s30, s16, $0xb8;
	[tilespmem:$0xC060] =	vst v63  }
0x5d9: {  	_ =	swait.ge [sflag:s11], $0x2000  }
0x5da: {  	[sflag:s11] =	ssyncset.done $0x0  }
0x5db: {  	s31 =	rddreg [dreg:$0xf];
	[sflag:s11] =	ssyncadd.s32 $0xFFFFE000  }
0x5dc: {  	[hbm4b:s31+s2] =	stream.linear.scatter [tilespmem:s9], [sflag:$0x2], $0x2000, $0x38;
	[tilespmem:$0xC060] =	vst v63  }
0x5dd: {  	_ =	swait.ge [sflag:s7], $0x2000  }
0x5de: {  	s1 =	sld [smem:$0x7CC]  }
0x5df: {  	[sflag:s7] =	ssyncset.done $0x0  }
0x5e0: {  	[sflag:s7] =	ssyncadd.s32 $0xFFFFE000  }
0x5e1: {  	[tilespmem:s9], [sflag:$0x1] =	stream.indirect.gather [hbm4b:s6+s16], $0x40, s1, s16, $0xb8;
	[tilespmem:$0xC060] =	vst v63  }
0x5e2: {  	_ =	swait.ge [sflag:s11], $0x2000  }
0x5e3: {  	[sflag:s11] =	ssyncset.done $0x0  }
0x5e4: {  	s29 =	rddreg [dreg:$0x10];
	[sflag:s11] =	ssyncadd.s32 $0xFFFFE000  }
0x5e5: {  	[hbm4b:s29+s2] =	stream.linear.scatter [tilespmem:s14], [sflag:$0x2], $0x2000, $0x38;
	[tilespmem:$0xC060] =	vst v63  }
0x5e6: {  	_ =	swait.ge [sflag:s7], $0x2000  }
0x5e7: {  	s30 =	sld [smem:$0x7CD]  }
0x5e8: {  	[sflag:s7] =	ssyncset.done $0x0  }
0x5e9: {  	[sflag:s7] =	ssyncadd.s32 $0xFFFFE000  }
0x5ea: {  	[tilespmem:s14], [sflag:$0x1] =	stream.indirect.gather [hbm4b:s6+s16], $0x40, s30, s16, $0xb8;
	[tilespmem:$0xC060] =	vst v63  }
0x5eb: {  	_ =	swait.ge [sflag:s11], $0x2000  }
0x5ec: {  	[sflag:s11] =	ssyncset.done $0x0  }
0x5ed: {  	s31 =	rddreg [dreg:$0x11];
	[sflag:s11] =	ssyncadd.s32 $0xFFFFE000  }
0x5ee: {  	[hbm4b:s31+s2] =	stream.linear.scatter [tilespmem:s13], [sflag:$0x2], $0x2000, $0x38;
	[tilespmem:$0xC060] =	vst v63  }
0x5ef: {  	_ =	swait.ge [sflag:s7], $0x2000  }
0x5f0: {  	s1 =	sld [smem:$0x7CE]  }
0x5f1: {  	[sflag:s7] =	ssyncset.done $0x0  }
0x5f2: {  	[sflag:s7] =	ssyncadd.s32 $0xFFFFE000  }
0x5f3: {  	[tilespmem:s13], [sflag:$0x1] =	stream.indirect.gather [hbm4b:s6+s16], $0x40, s1, s16, $0xb8;
	[tilespmem:$0xC060] =	vst v63  }
0x5f4: {  	_ =	swait.ge [sflag:s11], $0x2000  }
0x5f5: {  	[sflag:s11] =	ssyncset.done $0x0  }
0x5f6: {  	s29 =	rddreg [dreg:$0x12];
	[sflag:s11] =	ssyncadd.s32 $0xFFFFE000  }
0x5f7: {  	[hbm4b:s29+s2] =	stream.linear.scatter [tilespmem:s12], [sflag:$0x2], $0x2000, $0x38;
	[tilespmem:$0xC060] =	vst v63  }
0x5f8: {  	_ =	swait.ge [sflag:s7], $0x2000  }
0x5f9: {  	s30 =	sld [smem:$0x7CF]  }
0x5fa: {  	[sflag:s7] =	ssyncset.done $0x0  }
0x5fb: {  	[sflag:s7] =	ssyncadd.s32 $0xFFFFE000  }
0x5fc: {  	[tilespmem:s12], [sflag:$0x1] =	stream.indirect.gather [hbm4b:s6+s16], $0x40, s30, s16, $0xb8;
	[tilespmem:$0xC060] =	vst v63  }
0x5fd: {  	_ =	swait.ge [sflag:s11], $0x2000  }
0x5fe: {  	[sflag:s11] =	ssyncset.done $0x0  }
0x5ff: {  	s31 =	rddreg [dreg:$0x13];
	[sflag:s11] =	ssyncadd.s32 $0xFFFFE000  }
0x600: {  	[hbm4b:s31+s2] =	stream.linear.scatter [tilespmem:s9], [sflag:$0x2], $0x2000, $0x38;
	[tilespmem:$0xC060] =	vst v63  }
0x601: {  	_ =	swait.ge [sflag:s7], $0x2000  }
0x602: {  	s1 =	sld [smem:$0x7D0]  }
0x603: {  	[sflag:s7] =	ssyncset.done $0x0  }
0x604: {  	[sflag:s7] =	ssyncadd.s32 $0xFFFFE000  }
0x605: {  	[tilespmem:s9], [sflag:$0x1] =	stream.indirect.gather [hbm4b:s6+s16], $0x40, s1, s16, $0xb8;
	[tilespmem:$0xC060] =	vst v63  }
0x606: {  	_ =	swait.ge [sflag:s11], $0x2000  }
0x607: {  	[sflag:s11] =	ssyncset.done $0x0  }
0x608: {  	s29 =	rddreg [dreg:$0x14];
	[sflag:s11] =	ssyncadd.s32 $0xFFFFE000  }
0x609: {  	[hbm4b:s29+s2] =	stream.linear.scatter [tilespmem:s14], [sflag:$0x2], $0x2000, $0x38;
	[tilespmem:$0xC060] =	vst v63  }
0x60a: {  	_ =	swait.ge [sflag:s7], $0x2000  }
0x60b: {  	s30 =	sld [smem:$0x7D1]  }
0x60c: {  	[sflag:s7] =	ssyncset.done $0x0  }
0x60d: {  	[sflag:s7] =	ssyncadd.s32 $0xFFFFE000  }
0x60e: {  	[tilespmem:s14], [sflag:$0x1] =	stream.indirect.gather [hbm4b:s6+s16], $0x40, s30, s16, $0xb8;
	[tilespmem:$0xC060] =	vst v63  }
0x60f: {  	_ =	swait.ge [sflag:s11], $0x2000  }
0x610: {  	[sflag:s11] =	ssyncset.done $0x0  }
0x611: {  	s31 =	rddreg [dreg:$0x15];
	[sflag:s11] =	ssyncadd.s32 $0xFFFFE000  }
0x612: {  	[hbm4b:s31+s2] =	stream.linear.scatter [tilespmem:s13], [sflag:$0x2], $0x2000, $0x38;
	[tilespmem:$0xC060] =	vst v63  }
0x613: {  	_ =	swait.ge [sflag:s7], $0x2000  }
0x614: {  	s1 =	sld [smem:$0x7D2]  }
0x615: {  	[sflag:s7] =	ssyncset.done $0x0  }
0x616: {  	[sflag:s7] =	ssyncadd.s32 $0xFFFFE000  }
0x617: {  	[tilespmem:s13], [sflag:$0x1] =	stream.indirect.gather [hbm4b:s6+s16], $0x40, s1, s16, $0xb8;
	[tilespmem:$0xC060] =	vst v63  }
0x618: {  	_ =	swait.ge [sflag:s11], $0x2000  }
0x619: {  	[sflag:s11] =	ssyncset.done $0x0  }
0x61a: {  	s29 =	rddreg [dreg:$0x16];
	[sflag:s11] =	ssyncadd.s32 $0xFFFFE000  }
0x61b: {  	[hbm4b:s29+s2] =	stream.linear.scatter [tilespmem:s12], [sflag:$0x2], $0x2000, $0x38;
	[tilespmem:$0xC060] =	vst v63  }
0x61c: {  	_ =	swait.ge [sflag:s7], $0x2000  }
0x61d: {  	s30 =	sld [smem:$0x7D3]  }
0x61e: {  	[sflag:s7] =	ssyncset.done $0x0  }
0x61f: {  	[sflag:s7] =	ssyncadd.s32 $0xFFFFE000  }
0x620: {  	[tilespmem:s12], [sflag:$0x1] =	stream.indirect.gather [hbm4b:s6+s16], $0x40, s30, s16, $0xb8;
	[tilespmem:$0xC060] =	vst v63  }
0x621: {  	_ =	swait.ge [sflag:s11], $0x2000  }
0x622: {  	[sflag:s11] =	ssyncset.done $0x0  }
0x623: {  	s31 =	rddreg [dreg:$0x17];
	[sflag:s11] =	ssyncadd.s32 $0xFFFFE000  }
0x624: {  	[hbm4b:s31+s2] =	stream.linear.scatter [tilespmem:s9], [sflag:$0x2], $0x2000, $0x38;
	[tilespmem:$0xC060] =	vst v63  }
0x625: {  	_ =	swait.ge [sflag:s7], $0x2000  }
0x626: {  	s1 =	sld [smem:$0x7D4]  }
0x627: {  	[sflag:s7] =	ssyncset.done $0x0  }
0x628: {  	[sflag:s7] =	ssyncadd.s32 $0xFFFFE000  }
0x629: {  	[tilespmem:s9], [sflag:$0x1] =	stream.indirect.gather [hbm4b:s6+s16], $0x40, s1, s16, $0xb8;
	[tilespmem:$0xC060] =	vst v63  }
0x62a: {  	_ =	swait.ge [sflag:s11], $0x2000  }
0x62b: {  	[sflag:s11] =	ssyncset.done $0x0  }
0x62c: {  	s29 =	rddreg [dreg:$0x18];
	[sflag:s11] =	ssyncadd.s32 $0xFFFFE000  }
0x62d: {  	[hbm4b:s29+s2] =	stream.linear.scatter [tilespmem:s14], [sflag:$0x2], $0x2000, $0x38;
	[tilespmem:$0xC060] =	vst v63  }
0x62e: {  	_ =	swait.ge [sflag:s7], $0x2000  }
0x62f: {  	s30 =	sld [smem:$0x7D5]  }
0x630: {  	[sflag:s7] =	ssyncset.done $0x0  }
0x631: {  	[sflag:s7] =	ssyncadd.s32 $0xFFFFE000  }
0x632: {  	[tilespmem:s14], [sflag:$0x1] =	stream.indirect.gather [hbm4b:s6+s16], $0x40, s30, s16, $0xb8;
	[tilespmem:$0xC060] =	vst v63  }
0x633: {  	_ =	swait.ge [sflag:s11], $0x2000  }
0x634: {  	[sflag:s11] =	ssyncset.done $0x0  }
0x635: {  	s31 =	rddreg [dreg:$0x19];
	[sflag:s11] =	ssyncadd.s32 $0xFFFFE000  }
0x636: {  	[hbm4b:s31+s2] =	stream.linear.scatter [tilespmem:s13], [sflag:$0x2], $0x2000, $0x38;
	[tilespmem:$0xC060] =	vst v63  }
0x637: {  	_ =	swait.ge [sflag:s7], $0x2000  }
0x638: {  	s1 =	sld [smem:$0x7D6]  }
0x639: {  	[sflag:s7] =	ssyncset.done $0x0  }
0x63a: {  	[sflag:s7] =	ssyncadd.s32 $0xFFFFE000  }
0x63b: {  	[tilespmem:s13], [sflag:$0x1] =	stream.indirect.gather [hbm4b:s6+s16], $0x40, s1, s16, $0xb8;
	[tilespmem:$0xC060] =	vst v63  }
0x63c: {  	_ =	swait.ge [sflag:s11], $0x2000  }
0x63d: {  	[sflag:s11] =	ssyncset.done $0x0  }
0x63e: {  	s29 =	rddreg [dreg:$0x1a];
	[sflag:s11] =	ssyncadd.s32 $0xFFFFE000  }
0x63f: {  	[hbm4b:s29+s2] =	stream.linear.scatter [tilespmem:s12], [sflag:$0x2], $0x2000, $0x38;
	[tilespmem:$0xC060] =	vst v63  }
0x640: {  	_ =	swait.ge [sflag:s7], $0x2000  }
0x641: {  	s30 =	sld [smem:$0x7D7]  }
0x642: {  	[sflag:s7] =	ssyncset.done $0x0  }
0x643: {  	[sflag:s7] =	ssyncadd.s32 $0xFFFFE000  }
0x644: {  	[tilespmem:s12], [sflag:$0x1] =	stream.indirect.gather [hbm4b:s6+s16], $0x40, s30, s16, $0xb8;
	[tilespmem:$0xC060] =	vst v63  }
0x645: {  	_ =	swait.ge [sflag:s11], $0x2000  }
0x646: {  	[sflag:s11] =	ssyncset.done $0x0  }
0x647: {  	s31 =	rddreg [dreg:$0x1b];
	[sflag:s11] =	ssyncadd.s32 $0xFFFFE000  }
0x648: {  	[hbm4b:s31+s2] =	stream.linear.scatter [tilespmem:s9], [sflag:$0x2], $0x2000, $0x38;
	[tilespmem:$0xC060] =	vst v63  }
0x649: {  	_ =	swait.ge [sflag:s7], $0x2000  }
0x64a: {  	s1 =	sld [smem:$0x7D8]  }
0x64b: {  	[sflag:s7] =	ssyncset.done $0x0  }
0x64c: {  	[sflag:s7] =	ssyncadd.s32 $0xFFFFE000  }
0x64d: {  	[tilespmem:s9], [sflag:$0x1] =	stream.indirect.gather [hbm4b:s6+s16], $0x40, s1, s16, $0xb8;
	[tilespmem:$0xC060] =	vst v63  }
0x64e: {  	_ =	swait.ge [sflag:s11], $0x2000  }
0x64f: {  	[sflag:s11] =	ssyncset.done $0x0  }
0x650: {  	s29 =	rddreg [dreg:$0x1c];
	[sflag:s11] =	ssyncadd.s32 $0xFFFFE000  }
0x651: {  	[hbm4b:s29+s2] =	stream.linear.scatter [tilespmem:s14], [sflag:$0x2], $0x2000, $0x38;
	[tilespmem:$0xC060] =	vst v63  }
0x652: {  	_ =	swait.ge [sflag:s7], $0x2000  }
0x653: {  	s30 =	sld [smem:$0x7D9]  }
0x654: {  	[sflag:s7] =	ssyncset.done $0x0  }
0x655: {  	[sflag:s7] =	ssyncadd.s32 $0xFFFFE000  }
0x656: {  	[tilespmem:s14], [sflag:$0x1] =	stream.indirect.gather [hbm4b:s6+s16], $0x40, s30, s16, $0xb8;
	[tilespmem:$0xC060] =	vst v63  }
0x657: {  	_ =	swait.ge [sflag:s11], $0x2000  }
0x658: {  	[sflag:s11] =	ssyncset.done $0x0  }
0x659: {  	s31 =	rddreg [dreg:$0x1d];
	[sflag:s11] =	ssyncadd.s32 $0xFFFFE000  }
0x65a: {  	[hbm4b:s31+s2] =	stream.linear.scatter [tilespmem:s13], [sflag:$0x2], $0x2000, $0x38;
	[tilespmem:$0xC060] =	vst v63  }
0x65b: {  	_ =	swait.ge [sflag:s7], $0x2000  }
0x65c: {  	s1 =	sld [smem:$0x7DA]  }
0x65d: {  	[sflag:s7] =	ssyncset.done $0x0  }
0x65e: {  	[sflag:s7] =	ssyncadd.s32 $0xFFFFE000  }
0x65f: {  	[tilespmem:s13], [sflag:$0x1] =	stream.indirect.gather [hbm4b:s6+s16], $0x40, s1, s16, $0xb8;
	[tilespmem:$0xC060] =	vst v63  }
0x660: {  	_ =	swait.ge [sflag:s11], $0x2000  }
0x661: {  	[sflag:s11] =	ssyncset.done $0x0  }
0x662: {  	s29 =	rddreg [dreg:$0x1e];
	[sflag:s11] =	ssyncadd.s32 $0xFFFFE000  }
0x663: {  	[hbm4b:s29+s2] =	stream.linear.scatter [tilespmem:s12], [sflag:$0x2], $0x2000, $0x38;
	[tilespmem:$0xC060] =	vst v63  }
0x664: {  	_ =	swait.ge [sflag:s7], $0x2000  }
0x665: {  	s30 =	sld [smem:$0x7DB]  }
0x666: {  	[sflag:s7] =	ssyncset.done $0x0  }
0x667: {  	[sflag:s7] =	ssyncadd.s32 $0xFFFFE000  }
0x668: {  	[tilespmem:s12], [sflag:$0x1] =	stream.indirect.gather [hbm4b:s6+s16], $0x40, s30, s16, $0xb8;
	[tilespmem:$0xC060] =	vst v63  }
0x669: {  	_ =	swait.ge [sflag:s11], $0x2000  }
0x66a: {  	[sflag:s11] =	ssyncset.done $0x0  }
0x66b: {  	s31 =	rddreg [dreg:$0x1f];
	[sflag:s11] =	ssyncadd.s32 $0xFFFFE000  }
0x66c: {  	[hbm4b:s31+s2] =	stream.linear.scatter [tilespmem:s9], [sflag:$0x2], $0x2000, $0x38;
	[tilespmem:$0xC060] =	vst v63  }
0x66d: {  	_ =	swait.ge [sflag:s7], $0x2000  }
0x66e: {  	s1 =	sld [smem:$0x7DC]  }
0x66f: {  	[sflag:s7] =	ssyncset.done $0x0  }
0x670: {  	[sflag:s7] =	ssyncadd.s32 $0xFFFFE000  }
0x671: {  	[tilespmem:s9], [sflag:$0x1] =	stream.indirect.gather [hbm4b:s6+s16], $0x40, s1, s16, $0xb8;
	[tilespmem:$0xC060] =	vst v63  }
0x672: {  	_ =	swait.ge [sflag:s11], $0x2000  }
0x673: {  	s29 =	sld [smem:$0x797]  }
0x674: {  	[sflag:s11] =	ssyncset.done $0x0  }
0x675: {  	[sflag:s11] =	ssyncadd.s32 $0xFFFFE000  }
0x676: {  	[hbm4b:s29+s2] =	stream.linear.scatter [tilespmem:s14], [sflag:$0x2], $0x2000, $0x38;
	[tilespmem:$0xC060] =	vst v63  }
0x677: {  	_ =	swait.ge [sflag:s7], $0x2000  }
0x678: {  	s30 =	sld [smem:$0x7DD]  }
0x679: {  	[sflag:s7] =	ssyncset.done $0x0  }
0x67a: {  	[sflag:s7] =	ssyncadd.s32 $0xFFFFE000  }
0x67b: {  	[tilespmem:s14], [sflag:$0x1] =	stream.indirect.gather [hbm4b:s6+s16], $0x40, s30, s16, $0xb8;
	[tilespmem:$0xC060] =	vst v63  }
0x67c: {  	_ =	swait.ge [sflag:s11], $0x2000  }
0x67d: {  	s31 =	sld [smem:$0x798]  }
0x67e: {  	[sflag:s11] =	ssyncset.done $0x0  }
0x67f: {  	[sflag:s11] =	ssyncadd.s32 $0xFFFFE000  }
0x680: {  	[hbm4b:s31+s2] =	stream.linear.scatter [tilespmem:s13], [sflag:$0x2], $0x2000, $0x38;
	[tilespmem:$0xC060] =	vst v63  }
0x681: {  	_ =	swait.ge [sflag:s7], $0x2000  }
0x682: {  	s1 =	sld [smem:$0x7DE]  }
0x683: {  	[sflag:s7] =	ssyncset.done $0x0  }
0x684: {  	[sflag:s7] =	ssyncadd.s32 $0xFFFFE000  }
0x685: {  	[tilespmem:s13], [sflag:$0x1] =	stream.indirect.gather [hbm4b:s6+s16], $0x40, s1, s16, $0xb8;
	[tilespmem:$0xC060] =	vst v63  }
0x686: {  	_ =	swait.ge [sflag:s11], $0x2000  }
0x687: {  	s29 =	sld [smem:$0x799]  }
0x688: {  	[sflag:s11] =	ssyncset.done $0x0  }
0x689: {  	[sflag:s11] =	ssyncadd.s32 $0xFFFFE000  }
0x68a: {  	[hbm4b:s29+s2] =	stream.linear.scatter [tilespmem:s12], [sflag:$0x2], $0x2000, $0x38;
	[tilespmem:$0xC060] =	vst v63  }
0x68b: {  	_ =	swait.ge [sflag:s7], $0x2000  }
0x68c: {  	s30 =	sld [smem:$0x7DF]  }
0x68d: {  	[sflag:s7] =	ssyncset.done $0x0  }
0x68e: {  	[sflag:s7] =	ssyncadd.s32 $0xFFFFE000  }
0x68f: {  	[tilespmem:s12], [sflag:$0x1] =	stream.indirect.gather [hbm4b:s6+s16], $0x40, s30, s16, $0xb8;
	[tilespmem:$0xC060] =	vst v63  }
0x690: {  	_ =	swait.ge [sflag:s11], $0x2000  }
0x691: {  	s31 =	sld [smem:$0x79A]  }
0x692: {  	[sflag:s11] =	ssyncset.done $0x0  }
0x693: {  	[sflag:s11] =	ssyncadd.s32 $0xFFFFE000  }
0x694: {  	[hbm4b:s31+s2] =	stream.linear.scatter [tilespmem:s9], [sflag:$0x2], $0x2000, $0x38;
	[tilespmem:$0xC060] =	vst v63  }
0x695: {  	_ =	swait.ge [sflag:s7], $0x2000  }
0x696: {  	s1 =	sld [smem:$0x7E0]  }
0x697: {  	[sflag:s7] =	ssyncset.done $0x0  }
0x698: {  	[sflag:s7] =	ssyncadd.s32 $0xFFFFE000  }
0x699: {  	[tilespmem:s9], [sflag:$0x1] =	stream.indirect.gather [hbm4b:s6+s16], $0x40, s1, s16, $0xb8;
	[tilespmem:$0xC060] =	vst v63  }
0x69a: {  	_ =	swait.ge [sflag:s11], $0x2000  }
0x69b: {  	s29 =	sld [smem:$0x79B]  }
0x69c: {  	[sflag:s11] =	ssyncset.done $0x0  }
0x69d: {  	[sflag:s11] =	ssyncadd.s32 $0xFFFFE000  }
0x69e: {  	[hbm4b:s29+s2] =	stream.linear.scatter [tilespmem:s14], [sflag:$0x2], $0x2000, $0x38;
	[tilespmem:$0xC060] =	vst v63  }
0x69f: {  	_ =	swait.ge [sflag:s7], $0x2000  }
0x6a0: {  	s30 =	sld [smem:$0x7E1]  }
0x6a1: {  	[sflag:s7] =	ssyncset.done $0x0  }
0x6a2: {  	[sflag:s7] =	ssyncadd.s32 $0xFFFFE000  }
0x6a3: {  	[tilespmem:s14], [sflag:$0x1] =	stream.indirect.gather [hbm4b:s6+s16], $0x40, s30, s16, $0xb8;
	[tilespmem:$0xC060] =	vst v63  }
0x6a4: {  	_ =	swait.ge [sflag:s11], $0x2000  }
0x6a5: {  	s31 =	sld [smem:$0x79C]  }
0x6a6: {  	[sflag:s11] =	ssyncset.done $0x0  }
0x6a7: {  	[sflag:s11] =	ssyncadd.s32 $0xFFFFE000  }
0x6a8: {  	[hbm4b:s31+s2] =	stream.linear.scatter [tilespmem:s13], [sflag:$0x2], $0x2000, $0x38;
	[tilespmem:$0xC060] =	vst v63  }
0x6a9: {  	_ =	swait.ge [sflag:s7], $0x2000  }
0x6aa: {  	s1 =	sld [smem:$0x7E2]  }
0x6ab: {  	[sflag:s7] =	ssyncset.done $0x0  }
0x6ac: {  	[sflag:s7] =	ssyncadd.s32 $0xFFFFE000  }
0x6ad: {  	[tilespmem:s13], [sflag:$0x1] =	stream.indirect.gather [hbm4b:s6+s16], $0x40, s1, s16, $0xb8;
	[tilespmem:$0xC060] =	vst v63  }
0x6ae: {  	_ =	swait.ge [sflag:s11], $0x2000  }
0x6af: {  	s29 =	sld [smem:$0x79D]  }
0x6b0: {  	[sflag:s11] =	ssyncset.done $0x0  }
0x6b1: {  	[sflag:s11] =	ssyncadd.s32 $0xFFFFE000  }
0x6b2: {  	[hbm4b:s29+s2] =	stream.linear.scatter [tilespmem:s12], [sflag:$0x2], $0x2000, $0x38;
	[tilespmem:$0xC060] =	vst v63  }
0x6b3: {  	_ =	swait.ge [sflag:s7], $0x2000  }
0x6b4: {  	s30 =	sld [smem:$0x7E3]  }
0x6b5: {  	[sflag:s7] =	ssyncset.done $0x0  }
0x6b6: {  	[sflag:s7] =	ssyncadd.s32 $0xFFFFE000  }
0x6b7: {  	[tilespmem:s12], [sflag:$0x1] =	stream.indirect.gather [hbm4b:s6+s16], $0x40, s30, s16, $0xb8;
	[tilespmem:$0xC060] =	vst v63  }
0x6b8: {  	_ =	swait.ge [sflag:s11], $0x2000  }
0x6b9: {  	s31 =	sld [smem:$0x79E]  }
0x6ba: {  	[sflag:s11] =	ssyncset.done $0x0  }
0x6bb: {  	[sflag:s11] =	ssyncadd.s32 $0xFFFFE000  }
0x6bc: {  	[hbm4b:s31+s2] =	stream.linear.scatter [tilespmem:s9], [sflag:$0x2], $0x2000, $0x38;
	[tilespmem:$0xC060] =	vst v63  }
0x6bd: {  	_ =	swait.ge [sflag:s7], $0x2000  }
0x6be: {  	s1 =	sld [smem:$0x7E4]  }
0x6bf: {  	[sflag:s7] =	ssyncset.done $0x0  }
0x6c0: {  	[sflag:s7] =	ssyncadd.s32 $0xFFFFE000  }
0x6c1: {  	[tilespmem:s9], [sflag:$0x1] =	stream.indirect.gather [hbm4b:s6+s16], $0x40, s1, s16, $0xb8;
	[tilespmem:$0xC060] =	vst v63  }
0x6c2: {  	_ =	swait.ge [sflag:s11], $0x2000  }
0x6c3: {  	s29 =	sld [smem:$0x79F]  }
0x6c4: {  	[sflag:s11] =	ssyncset.done $0x0  }
0x6c5: {  	[sflag:s11] =	ssyncadd.s32 $0xFFFFE000  }
0x6c6: {  	[hbm4b:s29+s2] =	stream.linear.scatter [tilespmem:s14], [sflag:$0x2], $0x2000, $0x38;
	[tilespmem:$0xC060] =	vst v63  }
0x6c7: {  	_ =	swait.ge [sflag:s7], $0x2000  }
0x6c8: {  	s30 =	sld [smem:$0x7E5]  }
0x6c9: {  	[sflag:s7] =	ssyncset.done $0x0  }
0x6ca: {  	[sflag:s7] =	ssyncadd.s32 $0xFFFFE000  }
0x6cb: {  	[tilespmem:s14], [sflag:$0x1] =	stream.indirect.gather [hbm4b:s6+s16], $0x40, s30, s16, $0xb8;
	[tilespmem:$0xC060] =	vst v63  }
0x6cc: {  	_ =	swait.ge [sflag:s11], $0x2000  }
0x6cd: {  	s31 =	sld [smem:$0x7A0]  }
0x6ce: {  	[sflag:s11] =	ssyncset.done $0x0  }
0x6cf: {  	[sflag:s11] =	ssyncadd.s32 $0xFFFFE000  }
0x6d0: {  	[hbm4b:s31+s2] =	stream.linear.scatter [tilespmem:s13], [sflag:$0x2], $0x2000, $0x38;
	[tilespmem:$0xC060] =	vst v63  }
0x6d1: {  	_ =	swait.ge [sflag:s7], $0x2000  }
0x6d2: {  	s1 =	sld [smem:$0x7E6]  }
0x6d3: {  	[sflag:s7] =	ssyncset.done $0x0  }
0x6d4: {  	[sflag:s7] =	ssyncadd.s32 $0xFFFFE000  }
0x6d5: {  	[tilespmem:s13], [sflag:$0x1] =	stream.indirect.gather [hbm4b:s6+s16], $0x40, s1, s16, $0xb8;
	[tilespmem:$0xC060] =	vst v63  }
0x6d6: {  	_ =	swait.ge [sflag:s11], $0x2000  }
0x6d7: {  	s29 =	sld [smem:$0x7A1]  }
0x6d8: {  	[sflag:s11] =	ssyncset.done $0x0  }
0x6d9: {  	[sflag:s11] =	ssyncadd.s32 $0xFFFFE000  }
0x6da: {  	[hbm4b:s29+s2] =	stream.linear.scatter [tilespmem:s12], [sflag:$0x2], $0x2000, $0x38;
	[tilespmem:$0xC060] =	vst v63  }
0x6db: {  	_ =	swait.ge [sflag:s7], $0x2000  }
0x6dc: {  	s30 =	sld [smem:$0x7E7]  }
0x6dd: {  	[sflag:s7] =	ssyncset.done $0x0  }
0x6de: {  	[sflag:s7] =	ssyncadd.s32 $0xFFFFE000  }
0x6df: {  	[tilespmem:s12], [sflag:$0x1] =	stream.indirect.gather [hbm4b:s6+s16], $0x40, s30, s16, $0xb8;
	[tilespmem:$0xC060] =	vst v63  }
0x6e0: {  	_ =	swait.ge [sflag:s11], $0x2000  }
0x6e1: {  	s31 =	sld [smem:$0x7A2]  }
0x6e2: {  	[sflag:s11] =	ssyncset.done $0x0  }
0x6e3: {  	[sflag:s11] =	ssyncadd.s32 $0xFFFFE000  }
0x6e4: {  	[hbm4b:s31+s2] =	stream.linear.scatter [tilespmem:s9], [sflag:$0x2], $0x2000, $0x38;
	[tilespmem:$0xC060] =	vst v63  }
0x6e5: {  	_ =	swait.ge [sflag:s7], $0x2000  }
0x6e6: {  	s1 =	sld [smem:$0x7E8]  }
0x6e7: {  	[sflag:s7] =	ssyncset.done $0x0  }
0x6e8: {  	[sflag:s7] =	ssyncadd.s32 $0xFFFFE000  }
0x6e9: {  	[tilespmem:s9], [sflag:$0x1] =	stream.indirect.gather [hbm4b:s6+s16], $0x40, s1, s16, $0xb8;
	[tilespmem:$0xC060] =	vst v63  }
0x6ea: {  	_ =	swait.ge [sflag:s11], $0x2000  }
0x6eb: {  	s29 =	sld [smem:$0x7A3]  }
0x6ec: {  	[sflag:s11] =	ssyncset.done $0x0  }
0x6ed: {  	[sflag:s11] =	ssyncadd.s32 $0xFFFFE000  }
0x6ee: {  	[hbm4b:s29+s2] =	stream.linear.scatter [tilespmem:s14], [sflag:$0x2], $0x2000, $0x38;
	[tilespmem:$0xC060] =	vst v63  }
0x6ef: {  	_ =	swait.ge [sflag:s7], $0x2000  }
0x6f0: {  	s30 =	sld [smem:$0x7E9]  }
0x6f1: {  	[sflag:s7] =	ssyncset.done $0x0  }
0x6f2: {  	[sflag:s7] =	ssyncadd.s32 $0xFFFFE000  }
0x6f3: {  	[tilespmem:s14], [sflag:$0x1] =	stream.indirect.gather [hbm4b:s6+s16], $0x40, s30, s16, $0xb8;
	[tilespmem:$0xC060] =	vst v63  }
0x6f4: {  	_ =	swait.ge [sflag:s11], $0x2000  }
0x6f5: {  	s31 =	sld [smem:$0x7A4]  }
0x6f6: {  	[sflag:s11] =	ssyncset.done $0x0  }
0x6f7: {  	[sflag:s11] =	ssyncadd.s32 $0xFFFFE000  }
0x6f8: {  	[hbm4b:s31+s2] =	stream.linear.scatter [tilespmem:s13], [sflag:$0x2], $0x2000, $0x38;
	[tilespmem:$0xC060] =	vst v63  }
0x6f9: {  	_ =	swait.ge [sflag:s7], $0x2000  }
0x6fa: {  	s1 =	sld [smem:$0x7EA]  }
0x6fb: {  	[sflag:s7] =	ssyncset.done $0x0  }
0x6fc: {  	[sflag:s7] =	ssyncadd.s32 $0xFFFFE000  }
0x6fd: {  	[tilespmem:s13], [sflag:$0x1] =	stream.indirect.gather [hbm4b:s6+s16], $0x40, s1, s16, $0xb8;
	[tilespmem:$0xC060] =	vst v63  }
0x6fe: {  	_ =	swait.ge [sflag:s11], $0x2000  }
0x6ff: {  	s29 =	sld [smem:$0x7A5]  }
0x700: {  	[sflag:s11] =	ssyncset.done $0x0  }
0x701: {  	[sflag:s11] =	ssyncadd.s32 $0xFFFFE000  }
0x702: {  	[hbm4b:s29+s2] =	stream.linear.scatter [tilespmem:s12], [sflag:$0x2], $0x2000, $0x38;
	[tilespmem:$0xC060] =	vst v63  }
0x703: {  	_ =	swait.ge [sflag:s7], $0x2000  }
0x704: {  	s30 =	sld [smem:$0x7EB]  }
0x705: {  	[sflag:s7] =	ssyncset.done $0x0  }
0x706: {  	[sflag:s7] =	ssyncadd.s32 $0xFFFFE000  }
0x707: {  	[tilespmem:s12], [sflag:$0x1] =	stream.indirect.gather [hbm4b:s6+s16], $0x40, s30, s16, $0xb8;
	[tilespmem:$0xC060] =	vst v63  }
0x708: {  	_ =	swait.ge [sflag:s11], $0x2000  }
0x709: {  	s31 =	sld [smem:$0x7A6]  }
0x70a: {  	[sflag:s11] =	ssyncset.done $0x0  }
0x70b: {  	[sflag:s11] =	ssyncadd.s32 $0xFFFFE000  }
0x70c: {  	[hbm4b:s31+s2] =	stream.linear.scatter [tilespmem:s9], [sflag:$0x2], $0x2000, $0x38;
	[tilespmem:$0xC060] =	vst v63  }
0x70d: {  	_ =	swait.ge [sflag:s7], $0x2000  }
0x70e: {  	s1 =	sld [smem:$0x7EC]  }
0x70f: {  	[sflag:s7] =	ssyncset.done $0x0  }
0x710: {  	[sflag:s7] =	ssyncadd.s32 $0xFFFFE000  }
0x711: {  	[tilespmem:s9], [sflag:$0x1] =	stream.indirect.gather [hbm4b:s6+s16], $0x40, s1, s16, $0xb8;
	[tilespmem:$0xC060] =	vst v63  }
0x712: {  	_ =	swait.ge [sflag:s11], $0x2000  }
0x713: {  	s29 =	sld [smem:$0x7A7]  }
0x714: {  	[sflag:s11] =	ssyncset.done $0x0  }
0x715: {  	[sflag:s11] =	ssyncadd.s32 $0xFFFFE000  }
0x716: {  	[hbm4b:s29+s2] =	stream.linear.scatter [tilespmem:s14], [sflag:$0x2], $0x2000, $0x38;
	[tilespmem:$0xC060] =	vst v63  }
0x717: {  	_ =	swait.ge [sflag:s7], $0x2000  }
0x718: {  	s30 =	sld [smem:$0x7ED]  }
0x719: {  	[sflag:s7] =	ssyncset.done $0x0  }
0x71a: {  	[sflag:s7] =	ssyncadd.s32 $0xFFFFE000  }
0x71b: {  	[tilespmem:s14], [sflag:$0x1] =	stream.indirect.gather [hbm4b:s6+s16], $0x40, s30, s16, $0xb8;
	[tilespmem:$0xC060] =	vst v63  }
0x71c: {  	_ =	swait.ge [sflag:s11], $0x2000  }
0x71d: {  	s31 =	sld [smem:$0x7A8]  }
0x71e: {  	[sflag:s11] =	ssyncset.done $0x0  }
0x71f: {  	[sflag:s11] =	ssyncadd.s32 $0xFFFFE000  }
0x720: {  	[hbm4b:s31+s2] =	stream.linear.scatter [tilespmem:s13], [sflag:$0x2], $0x2000, $0x38;
	[tilespmem:$0xC060] =	vst v63  }
0x721: {  	_ =	swait.ge [sflag:s7], $0x2000  }
0x722: {  	s1 =	sld [smem:$0x7EE]  }
0x723: {  	[sflag:s7] =	ssyncset.done $0x0  }
0x724: {  	[sflag:s7] =	ssyncadd.s32 $0xFFFFE000  }
0x725: {  	[tilespmem:s13], [sflag:$0x1] =	stream.indirect.gather [hbm4b:s6+s16], $0x40, s1, s16, $0xb8;
	[tilespmem:$0xC060] =	vst v63  }
0x726: {  	_ =	swait.ge [sflag:s11], $0x2000  }
0x727: {  	s29 =	sld [smem:$0x7A9]  }
0x728: {  	[sflag:s11] =	ssyncset.done $0x0  }
0x729: {  	[sflag:s11] =	ssyncadd.s32 $0xFFFFE000  }
0x72a: {  	[hbm4b:s29+s2] =	stream.linear.scatter [tilespmem:s12], [sflag:$0x2], $0x2000, $0x38;
	[tilespmem:$0xC060] =	vst v63  }
0x72b: {  	_ =	swait.ge [sflag:s7], $0x2000  }
0x72c: {  	s30 =	sld [smem:$0x7EF]  }
0x72d: {  	[sflag:s7] =	ssyncset.done $0x0  }
0x72e: {  	[sflag:s7] =	ssyncadd.s32 $0xFFFFE000  }
0x72f: {  	[tilespmem:s12], [sflag:$0x1] =	stream.indirect.gather [hbm4b:s6+s16], $0x40, s30, s16, $0xb8;
	[tilespmem:$0xC060] =	vst v63  }
0x730: {  	_ =	swait.ge [sflag:s11], $0x2000  }
0x731: {  	s31 =	sld [smem:$0x7AA]  }
0x732: {  	[sflag:s11] =	ssyncset.done $0x0  }
0x733: {  	[sflag:s11] =	ssyncadd.s32 $0xFFFFE000  }
0x734: {  	[hbm4b:s31+s2] =	stream.linear.scatter [tilespmem:s9], [sflag:$0x2], $0x2000, $0x38;
	[tilespmem:$0xC060] =	vst v63  }
0x735: {  	_ =	swait.ge [sflag:s7], $0x2000  }
0x736: {  	s1 =	sld [smem:$0x7F0]  }
0x737: {  	[sflag:s7] =	ssyncset.done $0x0  }
0x738: {  	[sflag:s7] =	ssyncadd.s32 $0xFFFFE000  }
0x739: {  	[tilespmem:s9], [sflag:$0x1] =	stream.indirect.gather [hbm4b:s6+s16], $0x40, s1, s16, $0xb8;
	[tilespmem:$0xC060] =	vst v63  }
0x73a: {  	_ =	swait.ge [sflag:s11], $0x2000  }
0x73b: {  	s29 =	sld [smem:$0x7AB]  }
0x73c: {  	[sflag:s11] =	ssyncset.done $0x0  }
0x73d: {  	[sflag:s11] =	ssyncadd.s32 $0xFFFFE000  }
0x73e: {  	[hbm4b:s29+s2] =	stream.linear.scatter [tilespmem:s14], [sflag:$0x2], $0x2000, $0x38;
	[tilespmem:$0xC060] =	vst v63  }
0x73f: {  	_ =	swait.ge [sflag:s7], $0x2000  }
0x740: {  	s30 =	sld [smem:$0x7F1]  }
0x741: {  	[sflag:s7] =	ssyncset.done $0x0  }
0x742: {  	[sflag:s7] =	ssyncadd.s32 $0xFFFFE000  }
0x743: {  	[tilespmem:s14], [sflag:$0x1] =	stream.indirect.gather [hbm4b:s6+s16], $0x40, s30, s16, $0xb8;
	[tilespmem:$0xC060] =	vst v63  }
0x744: {  	_ =	swait.ge [sflag:s11], $0x2000  }
0x745: {  	s31 =	sld [smem:$0x7AC]  }
0x746: {  	[sflag:s11] =	ssyncset.done $0x0  }
0x747: {  	[sflag:s11] =	ssyncadd.s32 $0xFFFFE000  }
0x748: {  	[hbm4b:s31+s2] =	stream.linear.scatter [tilespmem:s13], [sflag:$0x2], $0x2000, $0x38;
	[tilespmem:$0xC060] =	vst v63  }
0x749: {  	_ =	swait.ge [sflag:s7], $0x2000  }
0x74a: {  	s1 =	sld [smem:$0x7F2]  }
0x74b: {  	[sflag:s7] =	ssyncset.done $0x0  }
0x74c: {  	[sflag:s7] =	ssyncadd.s32 $0xFFFFE000  }
0x74d: {  	[tilespmem:s13], [sflag:$0x1] =	stream.indirect.gather [hbm4b:s6+s16], $0x40, s1, s16, $0xb8;
	[tilespmem:$0xC060] =	vst v63  }
0x74e: {  	_ =	swait.ge [sflag:s11], $0x2000  }
0x74f: {  	s29 =	sld [smem:$0x7AD]  }
0x750: {  	[sflag:s11] =	ssyncset.done $0x0  }
0x751: {  	[sflag:s11] =	ssyncadd.s32 $0xFFFFE000  }
0x752: {  	[hbm4b:s29+s2] =	stream.linear.scatter [tilespmem:s12], [sflag:$0x2], $0x2000, $0x38;
	[tilespmem:$0xC060] =	vst v63  }
0x753: {  	_ =	swait.ge [sflag:s7], $0x2000  }
0x754: {  	s30 =	sld [smem:$0x7F3]  }
0x755: {  	[sflag:s7] =	ssyncset.done $0x0  }
0x756: {  	[sflag:s7] =	ssyncadd.s32 $0xFFFFE000  }
0x757: {  	[tilespmem:s12], [sflag:$0x1] =	stream.indirect.gather [hbm4b:s6+s16], $0x40, s30, s16, $0xb8;
	[tilespmem:$0xC060] =	vst v63  }
0x758: {  	_ =	swait.ge [sflag:s11], $0x2000  }
0x759: {  	s31 =	sld [smem:$0x7AE]  }
0x75a: {  	[sflag:s11] =	ssyncset.done $0x0  }
0x75b: {  	[sflag:s11] =	ssyncadd.s32 $0xFFFFE000  }
0x75c: {  	[hbm4b:s31+s2] =	stream.linear.scatter [tilespmem:s9], [sflag:$0x2], $0x2000, $0x38;
	[tilespmem:$0xC060] =	vst v63  }
0x75d: {  	_ =	swait.ge [sflag:s7], $0x2000  }
0x75e: {  	s1 =	sld [smem:$0x7F4]  }
0x75f: {  	[sflag:s7] =	ssyncset.done $0x0  }
0x760: {  	[sflag:s7] =	ssyncadd.s32 $0xFFFFE000  }
0x761: {  	[tilespmem:s9], [sflag:$0x1] =	stream.indirect.gather [hbm4b:s6+s16], $0x40, s1, s16, $0xb8;
	[tilespmem:$0xC060] =	vst v63  }
0x762: {  	_ =	swait.ge [sflag:s11], $0x2000  }
0x763: {  	s29 =	sld [smem:$0x7AF]  }
0x764: {  	[sflag:s11] =	ssyncset.done $0x0  }
0x765: {  	[sflag:s11] =	ssyncadd.s32 $0xFFFFE000  }
0x766: {  	[hbm4b:s29+s2] =	stream.linear.scatter [tilespmem:s14], [sflag:$0x2], $0x2000, $0x38;
	[tilespmem:$0xC060] =	vst v63  }
0x767: {  	_ =	swait.ge [sflag:s7], $0x2000  }
0x768: {  	s30 =	sld [smem:$0x7F5]  }
0x769: {  	[sflag:s7] =	ssyncset.done $0x0  }
0x76a: {  	[sflag:s7] =	ssyncadd.s32 $0xFFFFE000  }
0x76b: {  	[tilespmem:s14], [sflag:$0x1] =	stream.indirect.gather [hbm4b:s6+s16], $0x40, s30, s16, $0xb8;
	[tilespmem:$0xC060] =	vst v63  }
0x76c: {  	_ =	swait.ge [sflag:s11], $0x2000  }
0x76d: {  	s31 =	sld [smem:$0x7B0]  }
0x76e: {  	[sflag:s11] =	ssyncset.done $0x0  }
0x76f: {  	[sflag:s11] =	ssyncadd.s32 $0xFFFFE000  }
0x770: {  	[hbm4b:s31+s2] =	stream.linear.scatter [tilespmem:s13], [sflag:$0x2], $0x2000, $0x38;
	[tilespmem:$0xC060] =	vst v63  }
0x771: {  	_ =	swait.ge [sflag:s7], $0x2000  }
0x772: {  	s1 =	sld [smem:$0x7F6]  }
0x773: {  	[sflag:s7] =	ssyncset.done $0x0  }
0x774: {  	[sflag:s7] =	ssyncadd.s32 $0xFFFFE000  }
0x775: {  	[tilespmem:s13], [sflag:$0x1] =	stream.indirect.gather [hbm4b:s6+s16], $0x40, s1, s16, $0xb8;
	[tilespmem:$0xC060] =	vst v63  }
0x776: {  	_ =	swait.ge [sflag:s11], $0x2000  }
0x777: {  	s29 =	sld [smem:$0x7B1]  }
0x778: {  	[sflag:s11] =	ssyncset.done $0x0  }
0x779: {  	[sflag:s11] =	ssyncadd.s32 $0xFFFFE000  }
0x77a: {  	[hbm4b:s29+s2] =	stream.linear.scatter [tilespmem:s12], [sflag:$0x2], $0x2000, $0x38;
	[tilespmem:$0xC060] =	vst v63  }
0x77b: {  	_ =	swait.ge [sflag:s7], $0x2000  }
0x77c: {  	s30 =	sld [smem:$0x7F7]  }
0x77d: {  	[sflag:s7] =	ssyncset.done $0x0  }
0x77e: {  	[sflag:s7] =	ssyncadd.s32 $0xFFFFE000  }
0x77f: {  	[tilespmem:s12], [sflag:$0x1] =	stream.indirect.gather [hbm4b:s6+s16], $0x40, s30, s16, $0xb8;
	[tilespmem:$0xC060] =	vst v63  }
0x780: {  	_ =	swait.ge [sflag:s11], $0x2000  }
0x781: {  	s31 =	sld [smem:$0x7B2]  }
0x782: {  	[sflag:s11] =	ssyncset.done $0x0  }
0x783: {  	[sflag:s11] =	ssyncadd.s32 $0xFFFFE000  }
0x784: {  	[hbm4b:s31+s2] =	stream.linear.scatter [tilespmem:s9], [sflag:$0x2], $0x2000, $0x38;
	[tilespmem:$0xC060] =	vst v63  }
0x785: {  	_ =	swait.ge [sflag:s7], $0x2000  }
0x786: {  	s1 =	sld [smem:$0x7F8]  }
0x787: {  	[sflag:s7] =	ssyncset.done $0x0  }
0x788: {  	[sflag:s7] =	ssyncadd.s32 $0xFFFFE000  }
0x789: {  	[tilespmem:s9], [sflag:$0x1] =	stream.indirect.gather [hbm4b:s6+s16], $0x40, s1, s16, $0xb8;
	[tilespmem:$0xC060] =	vst v63  }
0x78a: {  	_ =	swait.ge [sflag:s11], $0x2000  }
0x78b: {  	s29 =	sld [smem:$0x7B3]  }
0x78c: {  	[sflag:s11] =	ssyncset.done $0x0  }
0x78d: {  	[sflag:s11] =	ssyncadd.s32 $0xFFFFE000  }
0x78e: {  	[hbm4b:s29+s2] =	stream.linear.scatter [tilespmem:s14], [sflag:$0x2], $0x2000, $0x38;
	[tilespmem:$0xC060] =	vst v63  }
0x78f: {  	_ =	swait.ge [sflag:s7], $0x2000  }
0x790: {  	s30 =	sld [smem:$0x7F9]  }
0x791: {  	[sflag:s7] =	ssyncset.done $0x0  }
0x792: {  	[sflag:s7] =	ssyncadd.s32 $0xFFFFE000  }
0x793: {  	[tilespmem:s14], [sflag:$0x1] =	stream.indirect.gather [hbm4b:s6+s16], $0x40, s30, s16, $0xb8;
	[tilespmem:$0xC060] =	vst v63  }
0x794: {  	_ =	swait.ge [sflag:s11], $0x2000  }
0x795: {  	s31 =	sld [smem:$0x7B4]  }
0x796: {  	[sflag:s11] =	ssyncset.done $0x0  }
0x797: {  	[sflag:s11] =	ssyncadd.s32 $0xFFFFE000  }
0x798: {  	[hbm4b:s31+s2] =	stream.linear.scatter [tilespmem:s13], [sflag:$0x2], $0x2000, $0x38;
	[tilespmem:$0xC060] =	vst v63  }
0x799: {  	_ =	swait.ge [sflag:s7], $0x2000  }
0x79a: {  	s1 =	sld [smem:$0x7FA]  }
0x79b: {  	[sflag:s7] =	ssyncset.done $0x0  }
0x79c: {  	[sflag:s7] =	ssyncadd.s32 $0xFFFFE000  }
0x79d: {  	[tilespmem:s13], [sflag:$0x1] =	stream.indirect.gather [hbm4b:s6+s16], $0x40, s1, s16, $0xb8;
	[tilespmem:$0xC060] =	vst v63  }
0x79e: {  	_ =	swait.ge [sflag:s11], $0x2000  }
0x79f: {  	s29 =	sld [smem:$0x7B5]  }
0x7a0: {  	[sflag:s11] =	ssyncset.done $0x0  }
0x7a1: {  	[sflag:s11] =	ssyncadd.s32 $0xFFFFE000  }
0x7a2: {  	[hbm4b:s29+s2] =	stream.linear.scatter [tilespmem:s12], [sflag:$0x2], $0x2000, $0x38;
	[tilespmem:$0xC060] =	vst v63  }
0x7a3: {  	_ =	swait.ge [sflag:s7], $0x2000  }
0x7a4: {  	s30 =	sld [smem:$0x7FB]  }
0x7a5: {  	[sflag:s7] =	ssyncset.done $0x0  }
0x7a6: {  	[sflag:s7] =	ssyncadd.s32 $0xFFFFE000  }
0x7a7: {  	[tilespmem:s12], [sflag:$0x1] =	stream.indirect.gather [hbm4b:s6+s16], $0x40, s30, s16, $0xb8;
	[tilespmem:$0xC060] =	vst v63  }
0x7a8: {  	_ =	swait.ge [sflag:s11], $0x2000  }
0x7a9: {  	s31 =	sld [smem:$0x7B6]  }
0x7aa: {  	[sflag:s11] =	ssyncset.done $0x0  }
0x7ab: {  	[sflag:s11] =	ssyncadd.s32 $0xFFFFE000  }
0x7ac: {  	[hbm4b:s31+s2] =	stream.linear.scatter [tilespmem:s9], [sflag:$0x2], $0x2000, $0x38;
	[tilespmem:$0xC060] =	vst v63  }
0x7ad: {  	_ =	swait.ge [sflag:s7], $0x2000  }
0x7ae: {  	s1 =	sld [smem:$0x7FC]  }
0x7af: {  	[sflag:s7] =	ssyncset.done $0x0  }
0x7b0: {  	[sflag:s7] =	ssyncadd.s32 $0xFFFFE000  }
0x7b1: {  	[tilespmem:s9], [sflag:$0x1] =	stream.indirect.gather [hbm4b:s6+s16], $0x40, s1, s16, $0xb8;
	[tilespmem:$0xC060] =	vst v63  }
0x7b2: {  	_ =	swait.ge [sflag:s11], $0x2000  }
0x7b3: {  	s29 =	sld [smem:$0x7B7]  }
0x7b4: {  	[sflag:s11] =	ssyncset.done $0x0  }
0x7b5: {  	[sflag:s11] =	ssyncadd.s32 $0xFFFFE000  }
0x7b6: {  	[hbm4b:s29+s2] =	stream.linear.scatter [tilespmem:s14], [sflag:$0x2], $0x2000, $0x38;
	[tilespmem:$0xC060] =	vst v63  }
0x7b7: {  	_ =	swait.ge [sflag:s7], $0x2000  }
0x7b8: {  	s30 =	sld [smem:$0x7FD]  }
0x7b9: {  	[sflag:s7] =	ssyncset.done $0x0  }
0x7ba: {  	[sflag:s7] =	ssyncadd.s32 $0xFFFFE000  }
0x7bb: {  	[tilespmem:s14], [sflag:$0x1] =	stream.indirect.gather [hbm4b:s6+s16], $0x40, s30, s16, $0xb8;
	[tilespmem:$0xC060] =	vst v63  }
0x7bc: {  	_ =	swait.ge [sflag:s11], $0x2000  }
0x7bd: {  	s31 =	sld [smem:$0x7B8]  }
0x7be: {  	[sflag:s11] =	ssyncset.done $0x0  }
0x7bf: {  	[sflag:s11] =	ssyncadd.s32 $0xFFFFE000  }
0x7c0: {  	[hbm4b:s31+s2] =	stream.linear.scatter [tilespmem:s13], [sflag:$0x2], $0x2000, $0x38;
	[tilespmem:$0xC060] =	vst v63  }
0x7c1: {  	_ =	swait.ge [sflag:s7], $0x2000  }
0x7c2: {  	[sflag:s7] =	ssyncset.done $0x0  }
0x7c3: {  	[sflag:s7] =	ssyncadd.s32 $0xFFFFE000  }
0x7c4: {  	[tilespmem:s13], [sflag:$0x1] =	stream.indirect.gather [hbm4b:s6+s16], $0x40, s18, s16, $0xb8;
	[tilespmem:$0xC060] =	vst v63  }
0x7c5: {  	_ =	swait.ge [sflag:s11], $0x2000  }
0x7c6: {  	s1 =	sld [smem:$0x7B9]  }
0x7c7: {  	[sflag:s11] =	ssyncset.done $0x0  }
0x7c8: {  	[sflag:s11] =	ssyncadd.s32 $0xFFFFE000  }
0x7c9: {  	[hbm4b:s1+s2] =	stream.linear.scatter [tilespmem:s12], [sflag:$0x2], $0x2000, $0x38;
	[tilespmem:$0xC060] =	vst v63  }
0x7ca: {  	_ =	swait.ge [sflag:s7], $0x2000  }
0x7cb: {  	[sflag:s7] =	ssyncset.done $0x0  }
0x7cc: {  	[sflag:s7] =	ssyncadd.s32 $0xFFFFE000  }
0x7cd: {  	[tilespmem:s12], [sflag:$0x1] =	stream.indirect.gather [hbm4b:s6+s16], $0x40, s28, s16, $0xb8;
	[tilespmem:$0xC060] =	vst v63  }
0x7ce: {  	_ =	swait.ge [sflag:s11], $0x2000  }
0x7cf: {  	s18 =	sld [smem:$0x7BA]  }
0x7d0: {  	[sflag:s11] =	ssyncset.done $0x0  }
0x7d1: {  	[sflag:s11] =	ssyncadd.s32 $0xFFFFE000  }
0x7d2: {  	[hbm4b:s18+s2] =	stream.linear.scatter [tilespmem:s9], [sflag:$0x2], $0x2000, $0x38;
	[tilespmem:$0xC060] =	vst v63  }
0x7d3: {  	_ =	swait.ge [sflag:s7], $0x2000  }
0x7d4: {  	[sflag:s7] =	ssyncset.done $0x0  }
0x7d5: {  	[sflag:s7] =	ssyncadd.s32 $0xFFFFE000  }
0x7d6: {  	[tilespmem:s9], [sflag:$0x1] =	stream.indirect.gather [hbm4b:s6+s16], $0x40, s26, s16, $0xb8;
	[tilespmem:$0xC060] =	vst v63  }
0x7d7: {  	_ =	swait.ge [sflag:s11], $0x2000  }
0x7d8: {  	s28 =	sld [smem:$0x7BB]  }
0x7d9: {  	[sflag:s11] =	ssyncset.done $0x0  }
0x7da: {  	[sflag:s11] =	ssyncadd.s32 $0xFFFFE000  }
0x7db: {  	[hbm4b:s28+s2] =	stream.linear.scatter [tilespmem:s14], [sflag:$0x2], $0x2000, $0x38;
	[tilespmem:$0xC060] =	vst v63  }
0x7dc: {  	_ =	swait.ge [sflag:s7], $0x2000  }
0x7dd: {  	[sflag:s7] =	ssyncset.done $0x0  }
0x7de: {  	[sflag:s7] =	ssyncadd.s32 $0xFFFFE000  }
0x7df: {  	[tilespmem:s14], [sflag:$0x1] =	stream.indirect.gather [hbm4b:s6+s16], $0x40, s25, s16, $0xb8;
	[tilespmem:$0xC060] =	vst v63  }
0x7e0: {  	_ =	swait.ge [sflag:s11], $0x2000  }
0x7e1: {  	s29 =	sld [smem:$0x7BC]  }
0x7e2: {  	[sflag:s11] =	ssyncset.done $0x0  }
0x7e3: {  	[sflag:s11] =	ssyncadd.s32 $0xFFFFE000  }
0x7e4: {  	[hbm4b:s29+s2] =	stream.linear.scatter [tilespmem:s13], [sflag:$0x2], $0x2000, $0x38;
	[tilespmem:$0xC060] =	vst v63  }
0x7e5: {  	_ =	swait.ge [sflag:s7], $0x2000  }
0x7e6: {  	[sflag:s7] =	ssyncset.done $0x0  }
0x7e7: {  	[sflag:s7] =	ssyncadd.s32 $0xFFFFE000  }
0x7e8: {  	[tilespmem:s13], [sflag:$0x1] =	stream.indirect.gather [hbm4b:s6+s16], $0x40, s24, s16, $0xb8;
	[tilespmem:$0xC060] =	vst v63  }
0x7e9: {  	_ =	swait.ge [sflag:s11], $0x2000  }
0x7ea: {  	s30 =	sld [smem:$0x7BD]  }
0x7eb: {  	[sflag:s11] =	ssyncset.done $0x0  }
0x7ec: {  	[sflag:s11] =	ssyncadd.s32 $0xFFFFE000  }
0x7ed: {  	[hbm4b:s30+s2] =	stream.linear.scatter [tilespmem:s12], [sflag:$0x2], $0x2000, $0x38;
	[tilespmem:$0xC060] =	vst v63  }
0x7ee: {  	_ =	swait.ge [sflag:s7], $0x2000  }
0x7ef: {  	[sflag:s7] =	ssyncset.done $0x0  }
0x7f0: {  	[sflag:s7] =	ssyncadd.s32 $0xFFFFE000  }
0x7f1: {  	[tilespmem:s12], [sflag:$0x1] =	stream.indirect.gather [hbm4b:s6+s16], $0x40, s23, s16, $0xb8;
	[tilespmem:$0xC060] =	vst v63  }
0x7f2: {  	_ =	swait.ge [sflag:s11], $0x2000  }
0x7f3: {  	s31 =	sld [smem:$0x7BE]  }
0x7f4: {  	[sflag:s11] =	ssyncset.done $0x0  }
0x7f5: {  	[sflag:s11] =	ssyncadd.s32 $0xFFFFE000  }
0x7f6: {  	[hbm4b:s31+s2] =	stream.linear.scatter [tilespmem:s9], [sflag:$0x2], $0x2000, $0x38;
	[tilespmem:$0xC060] =	vst v63  }
0x7f7: {  	_ =	swait.ge [sflag:s7], $0x2000  }
0x7f8: {  	[sflag:s7] =	ssyncset.done $0x0  }
0x7f9: {  	[sflag:s7] =	ssyncadd.s32 $0xFFFFE000  }
0x7fa: {  	[tilespmem:s9], [sflag:$0x1] =	stream.indirect.gather [hbm4b:s6+s16], $0x40, s22, s16, $0xb8;
	[tilespmem:$0xC060] =	vst v63  }
0x7fb: {  	_ =	swait.ge [sflag:s11], $0x2000  }
0x7fc: {  	s1 =	sld [smem:$0x7BF]  }
0x7fd: {  	[sflag:s11] =	ssyncset.done $0x0  }
0x7fe: {  	[sflag:s11] =	ssyncadd.s32 $0xFFFFE000  }
0x7ff: {  	[hbm4b:s1+s2] =	stream.linear.scatter [tilespmem:s14], [sflag:$0x2], $0x2000, $0x38;
	[tilespmem:$0xC060] =	vst v63  }
0x800: {  	_ =	swait.ge [sflag:s7], $0x2000  }
0x801: {  	[sflag:s7] =	ssyncset.done $0x0  }
0x802: {  	[sflag:s7] =	ssyncadd.s32 $0xFFFFE000  }
0x803: {  	[tilespmem:s14], [sflag:$0x1] =	stream.indirect.gather [hbm4b:s6+s16], $0x40, s21, s16, $0xb8;
	[tilespmem:$0xC060] =	vst v63  }
0x804: {  	_ =	swait.ge [sflag:s11], $0x2000  }
0x805: {  	s18 =	sld [smem:$0x7C0]  }
0x806: {  	[sflag:s11] =	ssyncset.done $0x0  }
0x807: {  	[sflag:s11] =	ssyncadd.s32 $0xFFFFE000  }
0x808: {  	[hbm4b:s18+s2] =	stream.linear.scatter [tilespmem:s13], [sflag:$0x2], $0x2000, $0x38;
	[tilespmem:$0xC060] =	vst v63  }
0x809: {  	_ =	swait.ge [sflag:s7], $0x2000  }
0x80a: {  	[sflag:s7] =	ssyncset.done $0x0  }
0x80b: {  	[sflag:s7] =	ssyncadd.s32 $0xFFFFE000  }
0x80c: {  	[tilespmem:s13], [sflag:$0x1] =	stream.indirect.gather [hbm4b:s6+s16], $0x40, s20, s16, $0xb8;
	[tilespmem:$0xC060] =	vst v63  }
0x80d: {  	_ =	swait.ge [sflag:s11], $0x2000  }
0x80e: {  	s21 =	sld [smem:$0x7C1]  }
0x80f: {  	[sflag:s11] =	ssyncset.done $0x0  }
0x810: {  	[sflag:s11] =	ssyncadd.s32 $0xFFFFE000  }
0x811: {  	[hbm4b:s21+s2] =	stream.linear.scatter [tilespmem:s12], [sflag:$0x2], $0x2000, $0x38;
	[tilespmem:$0xC060] =	vst v63  }
0x812: {  	_ =	swait.ge [sflag:s7], $0x2000  }
0x813: {  	[sflag:s7] =	ssyncset.done $0x0  }
0x814: {  	[sflag:s7] =	ssyncadd.s32 $0xFFFFE000  }
0x815: {  	[tilespmem:s12], [sflag:$0x1] =	stream.indirect.gather [hbm4b:s6+s16], $0x40, s19, s16, $0xb8;
	[tilespmem:$0xC060] =	vst v63  }
0x816: {  	_ =	swait.ge [sflag:s11], $0x2000  }
0x817: {  	s22 =	sld [smem:$0x7C2]  }
0x818: {  	[sflag:s11] =	ssyncset.done $0x0  }
0x819: {  	[sflag:s11] =	ssyncadd.s32 $0xFFFFE000  }
0x81a: {  	[hbm4b:s22+s2] =	stream.linear.scatter [tilespmem:s9], [sflag:$0x2], $0x2000, $0x38;
	[tilespmem:$0xC060] =	vst v63  }
0x81b: {  	_ =	swait.ge [sflag:s7], $0x2000  }
0x81c: {  	[sflag:s7] =	ssyncset.done $0x0  }
0x81d: {  	s23 =	simm.s32 $0x2000;
	[sflag:s7] =	ssyncadd.s32 $0xFFFFE000  }
0x81e: {  	[tilespmem:s9], [sflag:$0x1] =	stream.indirect.gather [hbm4b:s6+s10], $0x40, s23, s10, $0xb8;
	[tilespmem:$0xC060] =	vst v63  }
0x81f: {  	_ =	swait.ge [sflag:s11], $0x2000  }
0x820: {  	s24 =	sld [smem:$0x7C3]  }
0x821: {  	[sflag:s11] =	ssyncset.done $0x0  }
0x822: {  	[sflag:s11] =	ssyncadd.s32 $0xFFFFE000  }
0x823: {  	[hbm4b:s24+s2] =	stream.linear.scatter [tilespmem:s14], [sflag:$0x2], $0x2000, $0x38;
	[tilespmem:$0xC060] =	vst v63  }
0x824: {  	_ =	swait.ge [sflag:s11], $0x2000  }
0x825: {  	s25 =	sld [smem:$0x7C4]  }
0x826: {  	[sflag:s11] =	ssyncset.done $0x0  }
0x827: {  	[sflag:s11] =	ssyncadd.s32 $0xFFFFE000  }
0x828: {  	[hbm4b:s25+s2] =	stream.linear.scatter [tilespmem:s13], [sflag:$0x2], $0x2000, $0x38;
	[tilespmem:$0xC060] =	vst v63  }
0x829: {  	_ =	swait.ge [sflag:s11], $0x2000  }
0x82a: {  	s26 =	sld [smem:$0x7C5]  }
0x82b: {  	[sflag:s11] =	ssyncset.done $0x0  }
0x82c: {  	[sflag:s11] =	ssyncadd.s32 $0xFFFFE000  }
0x82d: {  	[hbm4b:s26+s2] =	stream.linear.scatter [tilespmem:s12], [sflag:$0x2], $0x2000, $0x38;
	[tilespmem:$0xC060] =	vst v63  }
0x82e: {  	_ =	swait.ge [sflag:s11], $0x800  }
0x82f: {  	s28 =	sld [smem:$0x7C6]  }
0x830: {  	[sflag:s11] =	ssyncset.done $0x0  }
0x831: {  	[sflag:s11] =	ssyncadd.s32 $0xFFFFF800  }
0x832: {  	[hbm4b:s28+s2] =	stream.linear.scatter [tilespmem:s9], [sflag:$0x2], $0x800, $0x38;
	[tilespmem:$0xC060] =	vst v63  }
0x833: {  	_ =	swait.ge [sflag:s15], $0x800  }
0x834: {  	[sflag:s15] =	ssyncset.done $0x0  }
0x835: {  	[sflag:s15] =	ssyncadd.s32 $0xFFFFF800  }
0x836: {  	_ =	swait.ge [sflag:s15], $0x1000  }
0x837: {  	[sflag:s15] =	ssyncset.done $0x0  }
0x838: {  	[sflag:s15] =	ssyncadd.s32 $0xFFFFF000  }
0x839: {  	_ =	swait.ge [sflag:s15], $0x800  }
0x83a: {  	s29 =	sld [smem:$0x7C7]  }
0x83b: {  	[sflag:s15] =	ssyncset.done $0x0  }
0x83c: {  	s30 =	sld [smem:$0x7C8];
	[sflag:s15] =	ssyncadd.s32 $0xFFFFF800  }
0x83d: {  	[hbm4b:s29+s2] =	stream.linear.scatter [tilespmem:s3], [sflag:$0x4], $0x800, $0x38;
	[tilespmem:$0xC060] =	vst v63  }
0x83e: {  	s31 =	sld [smem:$0x7C9]  }
0x83f: {  	[hbm4b:s30+s2] =	stream.linear.scatter [tilespmem:s4], [sflag:$0x4], $0x1000, $0x38;
	[tilespmem:$0xC060] =	vst v63  }
0x840: {  	_ = 	snop  }
0x841: {  	[hbm4b:s31+s2] =	stream.linear.scatter [tilespmem:s5], [sflag:$0x4], $0x800, $0x38;
	[tilespmem:$0xC060] =	vst v63  }
0x842: {  	_ =	swait.ge [sflag:s7], $0x2000  }
0x843: {  	[sflag:s7] =	ssyncset.done $0x0  }
0x844: {  	[sflag:s7] =	ssyncadd.s32 $0xFFFFE000  }
0x845: {  	_ =	swait.ge [sflag:s7], $0x2000  }
0x846: {  	[sflag:s7] =	ssyncset.done $0x0  }
0x847: {  	[sflag:s7] =	ssyncadd.s32 $0xFFFFE000  }
0x848: {  	_ =	swait.ge [sflag:s7], $0x2000  }
0x849: {  	[sflag:s7] =	ssyncset.done $0x0  }
0x84a: {  	[sflag:s7] =	ssyncadd.s32 $0xFFFFE000  }
0x84b: {  	_ =	swait.ge [sflag:s7], $0x800  }
0x84c: {  	[sflag:s7] =	ssyncset.done $0x0  }
0x84d: {  	[sflag:s7] =	ssyncadd.s32 $0xFFFFF800  }
0x84e: {  	_ =	swait.ge [sflag:s8], $0x800  }
0x84f: {  	[sflag:s8] =	ssyncset.done $0x0  }
0x850: {  	[sflag:s8] =	ssyncadd.s32 $0xFFFFF800  }
0x851: {  	_ =	swait.ge [sflag:s8], $0x1000  }
0x852: {  	[sflag:s8] =	ssyncset.done $0x0  }
0x853: {  	[sflag:s8] =	ssyncadd.s32 $0xFFFFF000  }
0x854: {  	_ =	swait.ge [sflag:s8], $0x800  }
0x855: {  	[sflag:s8] =	ssyncset.done $0x0  }
0x856: {  	[sflag:s8] =	ssyncadd.s32 $0xFFFFF800  }
0x857: {  	_ =	sfence.sel $0x180000  }
0x858: {  	[bflag:$0x0] =	sbarrier.arrive $0xFFFF  }
0x859: {  	_ =	strace $0x90000047  }
0x85a: {  	[bflag:$0x2] =	sbarrier.arrive $0xFFFF  }
0x85b: {  	p0 =	sne.s32 s17, $0x0;
	s0 =	rddreg [dreg:$0x9]  }
0x85c: {  	s0 =	sadd.s32 @!p0 $0x100000, s0  }
0x85d: {  	[sflag:s0] =	ssyncadd.tile.s32 @!p0 $0x1;
	_ =	shalt  }
.LBB2_1:
.Ltmp3:
0x85e: {  	(pc) =	sbr.rel .LBB2_6-.Ltmp3, $4  }
0x85f: {  	s18 =	simm.s32 $0x1B00  }
0x860: {  	s28 =	simm.s32 $0x1B80;
	s26 =	simm.s32 $0x1C00;
	s25 =	simm.s32 $0x1C80  }
0x861: {  	s24 =	simm.s32 $0x1D00;
	s23 =	simm.s32 $0x1D80;
	s22 =	simm.s32 $0x1E00  }
0x862: {  	s21 =	simm.s32 $0x1E80;
	s20 =	simm.s32 $0x1F00;
	s19 =	simm.s32 $0x1F80  }
.LBB2_3:
.Ltmp4:
0x863: {  	(pc) =	sbr.rel .LBB2_6-.Ltmp4, $4  }
0x864: {  	s18 =	simm.s32 $0x1B00;
	s28 =	simm.s32 $0x1B80  }
0x865: {  	s26 =	simm.s32 $0x1C00;
	s25 =	simm.s32 $0x1C80;
	s24 =	simm.s32 $0x1D00  }
0x866: {  	s23 =	simm.s32 $0x1D80;
	s22 =	simm.s32 $0x1E00;
	s21 =	simm.s32 $0x1E80  }
0x867: {  	s20 =	simm.s32 $0x1F00;
	s19 =	simm.s32 $0x1F80;
	s17 =	stileid.u32  }
.Lfunc_end2:
_tile_overlayer_lowered:
.L_overlay_start_2:
0x868: {  	(tag) =	ssettag $0x2  }
0x869: {  	s0 =	rddreg [dreg:$0x0];
	s2 =	stileid.u32  }
0x86a: {  	s1 =	rddreg [dreg:$0x1];
	p0 =	sne.s32 s2, $0x0  }
0x86b: {  	s3 =	rddreg [dreg:$0x2];
	[bflag:$0x3] =	sbarrier.arrive $0xFFFF;
	s2 =	simm.s32 @!p0 $0x1C05  }
0x86c: {  	[timem:s3], [sflag:s2] =	dma.local @!p0 [hbm:s0], s1  }
0x86d: {  	s0 =	simm.s32 @!p0 $0x5  }
0x86e: {  	_ =	swait.ge @!p0 [sflag:s0], s1  }
0x86f: {  	s1 =	ssub.s32 @!p0 $0x0, s1;
	[sflag:s0] =	ssyncset.done @!p0 $0x0  }
0x870: {  	[sflag:s0] =	ssyncadd.s32 @!p0 s1  }
0x871: {  	[bflag:$0x3] =	sbarrier.arrive $0xFFFF  }
0x872: {  	_ =	shalt  }

// kernel: sparse-core-data-format-call.cloned.1.call-start
scs
called_computation_lowered:
.L_overlay_start_0:
0x0: {  	s2 =	sld [smem:$0x3FD9]  }
0x1: {  	s3 =	sld [smem:$0x3FFE];
	_ =	sdelay $0x1  }
0x2: {  	s1 =	srdreg.scid  }
0x3: {  	s0 =	sand.u32 $0x1, s1  }
0x4: {  	s15 =	sshll.u32 s0, $0xA;
	s2 =	sadd.s32 s3, s2  }
0x5: {  	s2 =	sadd.s32 s2, s15  }
0x6: {  	[smem:$0x3FC2] =	sst s2  }
0x7: {  	_ = 	snop  }
0x8: {  	s2 =	sld [smem:$0x3FD0];
	_ =	sdelay $0x2  }
0x9: {  	s16 =	simm.s32 $0xA;
	s4 =	simm.s32 $0x10  }
0xa: {  	[smem:s4], [sflag:s16] =	dma.local [hbm:s2], $0x1  }
0xb: {  	_ =	swait.eq [sflag:s16], $0x1  }
0xc: {  	[sflag:s16] =	ssyncset.done $0x0  }
0xd: {  	[sflag:s16] =	ssyncadd.s32 $0xFFFFFFFF  }
0xe: {  	s17 =	sld [smem:$0x10];
	(tm) =	ssettm $0x1  }
0xf: {  	s18 =	sld [smem:$0x3FFB];
	_ =	sdelay $0x3  }
0x10: {  	_ =	strace s18  }
0x11: {  	s3 =	sld [smem:$0x3FFC];
	_ =	sdelay $0x3  }
0x12: {  	_ =	strace s3  }
0x13: {  	s3 =	sld [smem:$0x3FFD];
	_ =	sdelay $0x3  }
0x14: {  	_ =	strace s3  }
0x15: {  	_ =	strace $0x8FFFFFFF  }
0x16: {  	s19 =	sld [smem:$0x3FDB];
	_ =	sdelay $0x1  }
0x17: {  	s20 =	simm.s32 $_scs_section_size  }
0x18: {  	s5 =	simm.s32 $_size__tile_overlayer_lowered;
	s6 =	simm.s32 $_tile_overlayer_lowered  }
0x19: {  	s23 =	simm.s32 $0x1BFF;
	s22 =	sshll.u32 s6, $0x1;
	s3 =	sadd.s32 s20, s19  }
0x1a: {  	s7 =	simm.s32 $0x0;
	s21 =	sshll.u32 s5, $0x1;
	s5 =	sadd.s32 s22, s3  }
0x1b: {  	[timem:s7], [sflag:s23] =	dma.local [hbm:s5], s21  }
0x1c: {  	_ =	swait.ge [sflag:s23], s21  }
0x1d: {  	s4 =	ssub.s32 $0x0, s21;
	[sflag:s23] =	ssyncset.done $0x0  }
0x1e: {  	[sflag:s23] =	ssyncadd.s32 s4;
	_ =	sdelay $0x1  }
0x1f: {  	s24 =	simm.s32 $0x1B8B  }
0x20: {  	_ =	swait.ge [sflag:s24], $0x1  }
0x21: {  	[sflag:s24] =	ssyncset.done $0x0  }
0x22: {  	s26 =	simm.s32 $0x1B8E;
	s25 =	sld [smem:$0x3FFE];
	[sflag:s24] =	ssyncadd.s32 $0xFFFFFFFF  }
0x23: {  	s27 =	simm.s32 $execute0_lowered;
	[smem:$0x3FD2] =	sst s26  }
0x24: {  	s5 =	sshll.u32 s27, $0x1;
	_ =	strace $0x80000049;
	[dreg:$0x1] =	wrdreg $0xFFFFFFFF  }
0x25: {  	s28 =	simm.s32 $_size_execute0_lowered;
	s3 =	sadd.s32 s3, s5;
	[dreg:$0x0] =	wrdreg $0x0  }
0x26: {  	s5 =	sshll.u32 s28, $0x1;
	[dreg:$0x2] =	wrdreg s3  }
0x27: {  	[dreg:$0x3] =	wrdreg s5  }
0x28: {  	[dreg:$0x4] =	wrdreg $0xC0  }
0x29: {  	_ =	task [dreg:s7], $0x5FFFF  }
0x2a: {  	[dreg:$0x1] =	wrdreg $0xFFFFFFFF  }
0x2b: {  	[dreg:$0x0] =	wrdreg $0x60  }
0x2c: {  	[dreg:$0x2] =	wrdreg s25  }
0x2d: {  	[dreg:$0x3] =	wrdreg s17  }
0x2e: {  	[dreg:$0x4] =	wrdreg $0x9  }
0x2f: {  	_ =	task.clear_ibuf [dreg:s7], $0x5FFFF;
	_ =	strace $0x90000049  }
0x30: {  	s29 =	simm.s32 $0x9;
	_ =	strace $0x8000004B  }
0x31: {  	_ =	swait.ge [sflag:s29], $0x1  }
0x32: {  	[sflag:s29] =	ssyncadd.s32 $0xFFFFFFFF  }
0x33: {  	_ =	strace $0x9000004B  }
0x34: {  	_ =	sfence  }
0x35: {  	s30 =	sld [smem:$0x0];
	_ =	sdelay $0x2  }
0x36: {  	s31 =	sshll.u32 s1, $0xD;
	s1 =	sshrl.u32 s1, $0x2  }
0x37: {  	s3 =	sand.u32 $0x4000, s31;
	s1 =	sadd.s32 s1, s30  }
0x38: {  	s0 =	sor.u32 s3, s0;
	s1 =	sshll.u32 s1, $0x11  }
0x39: {  	s0 =	sor.u32 s1, s0  }
0x3a: {  	s0 =	sadd.s32 $0x8F2B, s0  }
0x3b: {  	[sflag:s0] =	ssyncadd.remote.s32 $0x1  }
0x3c: {  	_ =	sfence.sel $0xFFFF  }
0x3d: {  	[dreg:$0x0] =	wrdreg $0xFFFFFFFF;
	(pc) =	sbr.abs _section_cstart, $3  }
0x3e: {  	[dreg:$0x1] =	wrdreg $0xFFFFFFFF  }
0x3f: {  	_ =	task.clear_ibuf [dreg:s7], $0x2FFFF;
	_ =	strace $0x9FFFFFFF  }
0x40: {  	(tm) =	ssettm $0x7FFFFFFF  }
0x41: {  	_ =	shalt  }
tec
execute0_lowered:
.L_overlay_start_1:
0x0: {  	(tag) =	ssettag $0x1  }
0x1: {  	s0 =	srdreg.scid  }
0x2: {  	s1 =	sshll.u32 s0, $0x4  }
0x3: {  	s4 =	rddreg [dreg:$0x0];
	s0 =	stileid.u32;
	s1 =	sand.u32 $0x10, s1  }
0x4: {  	s2 =	rddreg [dreg:$0x1];
	s7 =	simm.s32 $0x1;
	s1 =	sor.u32 s0, s1  }
0x5: {  	s8 =	simm.s32 $0x2;
	s11 =	simm.s32 $0x0;
	s3 =	sshll.u32 s1, $0x7  }
0x6: {  	s10 =	simm.s32 $0x0;
	s4 =	sadd.s32 $0x3200, s4;
	s6 =	ssub.s32 $0x40400, s3  }
.Ltmp0:
0x7: {  	s1 =	rddreg [dreg:$0x2];
	s5 =	sand.u32 $0xF80, s6;
	(pc) =	sbr.rel .LBB1_1-.Ltmp0, $4  }
0x8: {  	_ =	strace $0x8000004A;
	s9 =	smov.u32 s3;
	p0 =	sne.s32 s5, $0x0  }
0x9: {  	s6 =	sshrl.u32 s6, $0xC;
	s5 =	simm.s32 $0x1;
	s7 =	simm.s32 @!p0 $0x0  }
0xa: {  	[sflag:s5] =	ssyncpa.u1 $0x0;
	p0 =	por $0x0, $0x0;
	s6 =	sadd.s32 s7, s6  }
0xb: {  	[sflag:s8] =	ssyncpa.u1 $0x0;
	s8 =	simm.s32 $0x202000;
	s7 =	sadd.s32 $0x1, s6  }
.LBB1_4:
0xc: {  	s14 =	sshll.u32 s11, $0x3  }
0xd: {  	s30 =	sand.u32 $0x7F, s11;
	s15 =	sand.u32 $0xFFFFFC00, s14  }
0xe: {  	s11 =	sor.u32 s30, s15  }
0xf: {  	s15 =	smulhi.u32 $0xFF00FF01, s11  }
0x10: {  	s14 =	smulhi.u32 $0xFF00FF01, s14  }
0x11: {  	s15 =	sshrl.u32 s15, $0x12  }
0x12: {  	s14 =	sshrl.u32 s14, $0x12;
	s15 =	smul.u32 $0x40400, s15  }
0x13: {  	s14 =	sand.u32 $0x3F, s14  }
0x14: {  	s14 =	smul.u32 $0x8080, s14;
	s11 =	ssub.s32 s11, s15  }
0x15: {  	[tilespmem:s13+$0x810 ss:$0x81] =	vst.msk $0xffff, v2;
	s15 =	sand.u32 $0x7, s11  }
0x16: {  	[tilespmem:s13+$0x1020 ss:$0x81] =	vst.msk $0xffff, v0;
	s14 =	sadd.s32 s2, s14;
	s11 =	sshrl.u32 s11, $0x3;
	s15 =	sshll.u32 s15, $0x12  }
0x17: {  	[tilespmem:s13+$0x0 ss:$0x81] =	vst.msk $0xffff, v1;
	s11 =	sadd.s32 s11, s14;
	s31 =	sor.u32 $0x400, s15  }
0x18: {  	[hbm4b:s11+s31] =	stream.strided.scatter [tilespmem:s12], [sflag:$0x2], $0x2000, s8, s31, $0x20;
	[tilespmem:$0x8080] =	vst v63  }
.LBB1_5:
0x19: {  	s13 =	sadd.s32 $0x1000, s9  }
0x1a: {  	p2 =	sgt.s32 s13, $0x403FF  }
0x1b: {  	s13 =	smov.u32 @p2 s3;
	p2 =	sne.s32 s10, s7  }
.Ltmp1:
0x1c: {  	p1 =	slt.u32 s10, $0x2;
	(pc) =	sbr.rel @!p2 .LBB1_6-.Ltmp1, $4  }
0x1d: {  	s12 =	simm.s32 @!p1 $0x2  }
0x1e: {  	s14 =	sadd.s32 $0x1, s10;
	_ =	swait.ge @!p1 [sflag:s12], $0x2000  }
0x1f: {  	s11 =	smov.u32 s9;
	p0 =	por !p0, !p0;
	[sflag:s12] =	ssyncset.done @!p1 $0x0  }
0x20: {  	s10 =	smov.u32 s14;
	s9 =	smov.u32 s13;
	[sflag:s12] =	ssyncadd.s32 @!p1 $0xFFFFE000  }
.LBB1_1:
0x21: {  	p1 =	sge.u32 s10, s6  }
0x22: {  	s12 =	sand.u32 @!p1 $0x1FFFFFF, s9  }
0x23: {  	s13 =	smulhi.u32 @!p1 $0x1FE01FF, s12;
	_ =	sdelay $0x1  }
0x24: {  	s13 =	sshrl.u32 @!p1 s13, $0xB  }
0x25: {  	s13 =	smul.u32 @!p1 $0x40400, s13;
	_ =	sdelay $0x1  }
0x26: {  	s31 =	sadd.s32 $0xFFFFFFFF, s10;
	s14 =	sxor.u32 @!p1 $0xFFFFFFFF, s10;
	s12 =	ssub.s32 @!p1 s12, s13  }
0x27: {  	s15 =	simm.s32 @!p1 $0x80;
	s14 =	sshll.u32 @!p1 s14, $0xD;
	s12 =	sshll.u32 @!p1 s12, $0x4  }
0x28: {  	s13 =	sand.u32 @!p1 $0x2000, s14;
	s14 =	simm.s32 @!p1 $0x40;
	s12 =	sadd.s32 @!p1 s4, s12  }
0x29: {  	[tilespmem:s13], [sflag:$0x1] =	stream.strided.gather @!p1 [hbm4b:s12+s14], $0x2000, s15, s14, $0x38;
	[tilespmem:$0x8080] =	vst v63  }
0x2a: {  	p1 =	sge.u32 s31, s6  }
.Ltmp2:
0x2b: {  	_ = 	snop;
	(pc) =	sbr.rel @p1 .LBB1_5-.Ltmp2, $1  }
0x2c: {  	_ =	sdelay $0x3  }
0x2d: {  	s12 =	simm.s32 $0x1  }
0x2e: {  	_ =	swait.ge [sflag:s5], $0x2000;
	s12 =	simm.s32 @!p0 $0x0  }
0x2f: {  	[sflag:s5] =	ssyncset.done $0x0;
	s13 =	sshll.u32 s12, $0xD  }
0x30: {  	[sflag:s5] =	ssyncadd.s32 $0xFFFFE000;
	s16 =	sor.u32 $0x20, s13  }
0x31: {  	s12 =	smul.u32 $0x8100, s12;
	v3 =	vld [tilespmem:s16+$0x10]  }
0x32: {  	s30 =	sand.u32 $0x1, s10;
	v2 =	vld [tilespmem:s16+$0xFFFFFFF0]  }
0x33: {  	s13 =	smul.u32 $0x8100, s30;
	s12 =	sshrl.u32 s12, $0x2;
	v0 =	vld [tilespmem:s16+$0x0]  }
0x34: {  	v1 =	vld [tilespmem:s16+$0xFFFFFFE0];
	s14 =	sor.u32 $0x4000, s12  }
0x35: {  	s31 =	sshrl.u32 s13, $0x2;
	s13 =	sadd.s32 $0x0, s14  }
0x36: {  	s15 =	simm.s32 $0x4;
	s16 =	sadd.s32 $0x40, s16;
	s12 =	sor.u32 $0x4000, s31;
	[tilespmem:s13+$0x1830 ss:$0x81] =	vst.msk $0xffff, v3  }
.LBB1_3:
0x37: {  	v3 =	vld [tilespmem:s16+$0x10];
	p1 =	sne.s32 s15, $0x1FC;
	[tilespmem:s13+$0x810 ss:$0x81] =	vst.msk $0xffff, v2;
	s17 =	smov.u32 s15;
	s15 =	sadd.s32 $0x4, s15  }
.Ltmp3:
0x38: {  	v2 =	vld [tilespmem:s16+$0xFFFFFFF0];
	[tilespmem:s13+$0x1020 ss:$0x81] =	vst.msk $0xffff, v0;
	(pc) =	sbr.rel @p1 .LBB1_3-.Ltmp3, $4  }
0x39: {  	v0 =	vld [tilespmem:s16+$0x0];
	[tilespmem:s13+$0x0 ss:$0x81] =	vst.msk $0xffff, v1  }
0x3a: {  	s13 =	sshra.s32 s17, $0x2;
	v1 =	vld [tilespmem:s16+$0xFFFFFFE0]  }
0x3b: {  	s13 =	sadd.s32 s13, s14  }
0x3c: {  	s16 =	sadd.s32 $0x40, s16;
	[tilespmem:s13+$0x1830 ss:$0x81] =	vst.msk $0xffff, v3  }
.Ltmp4:
0x3d: {  	_ = 	snop;
	(pc) =	sbr.rel .LBB1_4-.Ltmp4, $1  }
0x3e: {  	_ =	sdelay $0x3  }
.LBB1_6:
0x3f: {  	_ =	sfence.sel $0x180000  }
0x40: {  	s2 =	simm.s32 $0x1;
	[bflag:$0x0] =	sbarrier.arrive $0xFFFF  }
0x41: {  	s31 =	simm.s32 $0x2;
	[sflag:s2] =	ssyncpa.u1 $0x1  }
0x42: {  	[sflag:s31] =	ssyncpa.u1 $0x1  }
0x43: {  	p0 =	sne.s32 s0, $0x0;
	_ =	strace $0x9000004A  }
0x44: {  	s0 =	sadd.s32 @!p0 $0x100000, s1;
	[bflag:$0x2] =	sbarrier.arrive $0xFFFF  }
0x45: {  	[sflag:s0] =	ssyncadd.tile.s32 @!p0 $0x1;
	_ =	shalt  }
.Lfunc_end1:
_tile_overlayer_lowered:
.L_overlay_start_2:
0x46: {  	(tag) =	ssettag $0x2  }
0x47: {  	s0 =	rddreg [dreg:$0x0];
	s2 =	stileid.u32  }
0x48: {  	s1 =	rddreg [dreg:$0x1];
	p0 =	sne.s32 s2, $0x0  }
0x49: {  	s3 =	rddreg [dreg:$0x2];
	[bflag:$0x3] =	sbarrier.arrive $0xFFFF;
	s2 =	simm.s32 @!p0 $0x1C01  }
0x4a: {  	[timem:s3], [sflag:s2] =	dma.local @!p0 [hbm:s0], s1  }
0x4b: {  	s0 =	simm.s32 @!p0 $0x1  }
0x4c: {  	_ =	swait.ge @!p0 [sflag:s0], s1  }
0x4d: {  	s1 =	ssub.s32 @!p0 $0x0, s1;
	[sflag:s0] =	ssyncset.done @!p0 $0x0  }
0x4e: {  	[sflag:s0] =	ssyncadd.s32 @!p0 s1  }
0x4f: {  	[bflag:$0x3] =	sbarrier.arrive $0xFFFF  }
0x50: {  	_ =	shalt  }

</sc_bundles>
